<compile_context>
chip_gen: v7x
topology: tpu7x:2x2x1
jax: 0.10.2.dev20260603
libtpu: 0.0.44.dev20260713+nightly
codegen_flags: <defaults>
</compile_context>

<pallas_src>
import functools

import jax
import jax.numpy as jnp
from jax import lax
from jax.experimental import pallas as pl
from jax.experimental.pallas import tpu as pltpu
from jax.experimental.pallas import tpu_sc as plsc

N = 10000
E = 320000
H = 128

NB = 1000
EB = 2000

NC = 2
NS = 16
NW = NC * NS
CB = 80

EW = E // NW
BCH = EW // CB
ET = E // NS
DCH = ET // CB
NP = 10240
NR = NP // NS

_f32 = jnp.float32
_bf16 = jnp.bfloat16
_mesh = plsc.VectorSubcoreMesh(
    core_axis_name="c", subcore_axis_name="s", num_cores=NC, num_subcores=NS)



def _node_pre_body(x_ref, pe_ref, wmab_ref, wpcd_ref, wuab_ref, wqa_ref,
                   bm_ref, bp_ref, bxu_ref, bpq_ref,
                   src_ref, dst_ref, xu_ref, pq_ref):
    x = x_ref[...]
    pe = pe_ref[...]
    xpe = jnp.concatenate([x, pe], axis=1)
    ab = jnp.dot(xpe, wmab_ref[...], preferred_element_type=_f32)
    cd = jnp.dot(pe, wpcd_ref[...], preferred_element_type=_f32)
    def _b16(v):
        u = lax.bitcast_convert_type(v, jnp.int32)
        return ((u + 0x7FFF + ((u >> 16) & 1)) >> 16) & 0xFFFF

    def _pack(lo, hi):
        return (_b16(hi) << 16) | _b16(lo)

    src_ref[...] = _pack(ab[:, :H] + bm_ref[...], cd[:, :H] + bp_ref[...])
    dst_ref[...] = _pack(ab[:, H:], cd[:, H:])
    xu_ref[...] = jnp.dot(xpe, wuab_ref[...], preferred_element_type=_f32) + bxu_ref[...]
    pq_ref[...] = jnp.dot(pe, wqa_ref[...], preferred_element_type=_f32) + bpq_ref[...]


def _node_pre(x, pe, wmab, wpcd, wuab, wqa, bm, bp, bxu, bpq):
    w = lambda s: pl.BlockSpec(s, lambda i: (0, 0))
    return pl.pallas_call(
        _node_pre_body,
        grid=(N // NB,),
        in_specs=[
            pl.BlockSpec((NB, H), lambda i: (i, 0)),
            pl.BlockSpec((NB, H), lambda i: (i, 0)),
            w((2 * H, 2 * H)), w((H, 2 * H)), w((2 * H, H)), w((H, H)),
            w((1, H)), w((1, H)), w((1, H)), w((1, H)),
        ],
        out_specs=[
            pl.BlockSpec((NB, H), lambda i: (i, 0)),
            pl.BlockSpec((NB, H), lambda i: (i, 0)),
            pl.BlockSpec((NB, H), lambda i: (i, 0)),
            pl.BlockSpec((NB, H), lambda i: (i, 0)),
        ],
        out_shape=[
            jax.ShapeDtypeStruct((N, H), jnp.int32),
            jax.ShapeDtypeStruct((N, H), jnp.int32),
            jax.ShapeDtypeStruct((N, H), _f32),
            jax.ShapeDtypeStruct((N, H), _f32),
        ],
    )(x, pe, wmab, wpcd, wuab, wqa, bm, bp, bxu, bpq)



@functools.partial(
    pl.kernel,
    out_type=jax.ShapeDtypeStruct((E,), _f32),
    mesh=_mesh,
    compiler_params=pltpu.CompilerParams(needs_layout_passes=False),
    scratch_types=[
        pltpu.VMEM((EW,), jnp.int32),
        pltpu.VMEM((EW,), jnp.int32),
        pltpu.VMEM((EW,), _f32),
        pltpu.VMEM((N,), _f32),
        pltpu.VMEM((N,), _f32),
        pltpu.VMEM((N,), _f32),
    ],
)
def _edge_dist2(send_hbm, rec_hbm, px_hbm, py_hbm, pz_hbm, d2_hbm,
                sidx, ridx, d2b, px, py, pz):
    cid = lax.axis_index("c")
    sid = lax.axis_index("s")
    wid = sid * NC + cid
    pltpu.sync_copy(px_hbm, px)
    pltpu.sync_copy(py_hbm, py)
    pltpu.sync_copy(pz_hbm, pz)
    pltpu.sync_copy(send_hbm.at[pl.ds(wid * EW, EW)], sidx)
    pltpu.sync_copy(rec_hbm.at[pl.ds(wid * EW, EW)], ridx)

    def step(i, carry):
        sl = pl.ds(i * 16, 16)
        si = sidx[sl]
        ri = ridx[sl]
        dx = plsc.load_gather(px, [si]) - plsc.load_gather(px, [ri])
        dy = plsc.load_gather(py, [si]) - plsc.load_gather(py, [ri])
        dz = plsc.load_gather(pz, [si]) - plsc.load_gather(pz, [ri])
        d2b[sl] = dx * dx + dy * dy + dz * dz
        return carry

    lax.fori_loop(0, EW // 16, step, 0)
    pltpu.sync_copy(d2b, d2_hbm.at[pl.ds(wid * EW, EW)])



def _make_edge_gather(e0, ne, cb):
    ew = ne // NW
    bch = ew // cb
    assert ew % cb == 0 and cb % 8 == 0 and cb <= 128

    @functools.partial(
        pl.kernel,
        out_type=jax.ShapeDtypeStruct((ne, H), jnp.int32),
        mesh=_mesh,
        compiler_params=pltpu.CompilerParams(needs_layout_passes=False),
        scratch_types=[
            pltpu.VMEM((cb, H), jnp.int32),
            pltpu.VMEM((cb, H), jnp.int32),
            pltpu.VMEM((cb, H), jnp.int32),
            pltpu.VMEM((cb, H), jnp.int32),
            pltpu.VMEM((cb, H), jnp.int32),
            pltpu.VMEM((cb, H), jnp.int32),
            pltpu.VMEM((cb,), jnp.int32),
            pltpu.VMEM((cb,), jnp.int32),
            pltpu.VMEM((cb,), jnp.int32),
            pltpu.VMEM((cb,), jnp.int32),
            pltpu.SemaphoreType.DMA,
            pltpu.SemaphoreType.DMA,
            pltpu.SemaphoreType.DMA,
            pltpu.SemaphoreType.DMA,
        ],
    )
    def gather(src_hbm, dst_hbm, send_hbm, rec_hbm, pre_hbm,
               sb0, sb1, rb0, rb1, ob0, ob1, si0, si1, ri0, ri1,
               gs0, gs1, ws0, ws1):
        cid = lax.axis_index("c")
        sid = lax.axis_index("s")
        wid = sid * NC + cid
        sets = ((sb0, rb0, ob0, si0, ri0, gs0, ws0),
                (sb1, rb1, ob1, si1, ri1, gs1, ws1))

        def issue(c, sb, rb, si, ri, gs):
            base = wid * ew + c * cb
            pltpu.sync_copy(send_hbm.at[pl.ds(e0 + base, cb)], si)
            pltpu.sync_copy(rec_hbm.at[pl.ds(e0 + base, cb)], ri)
            pltpu.async_copy(src_hbm.at[si], sb, gs)
            pltpu.async_copy(dst_hbm.at[ri], rb, gs)

        def visit(c, sb, rb, ob, si, ri, gs, ws):
            pltpu.make_async_copy(src_hbm.at[pl.ds(0, cb)], sb, gs).wait()
            pltpu.make_async_copy(src_hbm.at[pl.ds(0, cb)], rb, gs).wait()

            @pl.when(c >= 2)
            def _():
                pltpu.make_async_copy(ob, pre_hbm.at[pl.ds(0, cb)], ws).wait()

            @plsc.parallel_loop(0, cb, unroll=2)
            def _addrow(r):
                for j in range(H // 16):
                    sl = pl.ds(j * 16, 16)
                    a = plsc.bitcast(sb[r, sl], _bf16)
                    b = plsc.bitcast(rb[r, sl], _bf16)
                    ob[r, sl] = plsc.bitcast(a + b, jnp.int32)
            base = wid * ew + c * cb
            pltpu.async_copy(ob, pre_hbm.at[pl.ds(base, cb)], ws)

            @pl.when(c + 2 < bch)
            def _():
                issue(c + 2, sb, rb, si, ri, gs)

        issue(0, *sets[0][:2], *sets[0][3:6])
        issue(1, *sets[1][:2], *sets[1][3:6])

        def pair(g, carry):
            visit(2 * g, *sets[0])
            visit(2 * g + 1, *sets[1])
            return carry

        lax.fori_loop(0, bch // 2, pair, 0)
        if bch % 2:
            visit(jnp.int32(bch - 1), *sets[0])
        pltpu.make_async_copy(ob0, pre_hbm.at[pl.ds(0, cb)], ws0).wait()
        pltpu.make_async_copy(ob1, pre_hbm.at[pl.ds(0, cb)], ws1).wait()

    return gather



def _edge_mlp_body(pre_ref, d2_ref, w5m_ref, w5p_ref, bd2_ref, b2_ref, out_ref):
    dist = jnp.sqrt(d2_ref[...] + 1e-12)
    w = pre_ref[...]
    pm = lax.bitcast_convert_type(w << 16, _f32) + dist * w5m_ref[...]
    pp = lax.bitcast_convert_type(w & jnp.int32(-65536), _f32) + dist * w5p_ref[...]
    h = jnp.concatenate([pm * jax.nn.sigmoid(pm), jnp.tanh(pp)], axis=1)
    q = jnp.dot(h, bd2_ref[...], preferred_element_type=_f32) + b2_ref[...]
    qm = q[:, :H]
    out_ref[...] = jnp.stack([qm * jax.nn.sigmoid(qm), jnp.tanh(q[:, H:])])


def _make_edge_mlp(e0, ne, eb):
    nblk = ne // eb
    ob = e0 // eb
    assert ne % eb == 0 and e0 % eb == 0

    def mlp(pre, d2, w5m, w5p, bd2, b2):
        w = lambda s: pl.BlockSpec(s, lambda i: (0, 0))
        return pl.pallas_call(
            _edge_mlp_body,
            grid=(nblk,),
            in_specs=[
                pl.BlockSpec((eb, H), lambda i: (i, 0)),
                pl.BlockSpec((eb, 1), lambda i: (i + ob, 0)),
                w((1, H)), w((1, H)), w((2 * H, 2 * H)), w((1, 2 * H)),
            ],
            out_specs=pl.BlockSpec((2, eb, H), lambda i: (0, i, 0)),
            out_shape=jax.ShapeDtypeStruct((2, ne, H), _f32),
        )(pre, d2, w5m, w5p, bd2, b2)

    return mlp



def _make_seg_sum(e0, ne, cb):
    et = ne // NS
    dch = et // cb
    assert et % cb == 0

    @functools.partial(
        pl.kernel,
        out_type=jax.ShapeDtypeStruct((2, NP, H), _f32),
        mesh=_mesh,
        compiler_params=pltpu.CompilerParams(needs_layout_passes=False),
        scratch_types=[
            pltpu.VMEM_SHARED((NP, H), _f32),
            pltpu.VMEM((cb, H), _f32),
            pltpu.VMEM((cb, H), _f32),
            pltpu.VMEM((cb,), jnp.int32),
            pltpu.VMEM((cb,), jnp.int32),
            pltpu.SemaphoreType.DMA,
            pltpu.SemaphoreType.DMA,
        ],
    )
    def seg(msgs_hbm, rec_hbm, zeros_hbm, agg_hbm,
            shared, tb0, tb1, ib0, ib1, ls0, ls1):
        cid = lax.axis_index("c")
        sid = lax.axis_index("s")
        pltpu.sync_copy(zeros_hbm.at[pl.ds(sid * NR, NR)],
                        shared.at[pl.ds(sid * NR, NR)])
        plsc.subcore_barrier()
        sets = ((tb0, ib0, ls0), (tb1, ib1, ls1))

        def issue(c, tb, ib, ls):
            base = sid * et + c * cb
            pltpu.async_copy(rec_hbm.at[pl.ds(e0 + base, cb)], ib, ls)
            pltpu.async_copy(msgs_hbm.at[cid, pl.ds(base, cb)], tb, ls)

        def visit(c, tb, ib, ls):
            pltpu.make_async_copy(rec_hbm.at[pl.ds(0, cb)], ib, ls).wait()
            pltpu.make_async_copy(zeros_hbm.at[pl.ds(0, cb)], tb, ls).wait()
            pltpu.sync_copy(tb, shared.at[ib], add=True)

            @pl.when(c + 2 < dch)
            def _():
                issue(c + 2, tb, ib, ls)

        issue(0, *sets[0])
        issue(1, *sets[1])

        def pair(g, carry):
            visit(2 * g, *sets[0])
            visit(2 * g + 1, *sets[1])
            return carry

        lax.fori_loop(0, dch // 2, pair, 0)
        if dch % 2:
            visit(jnp.int32(dch - 1), *sets[0])
        plsc.subcore_barrier()
        pltpu.sync_copy(shared.at[pl.ds(sid * NR, NR)],
                        agg_hbm.at[cid, pl.ds(sid * NR, NR)])

    return seg



def _node_out_body(xu_ref, pq_ref, agg_ref, agg2_ref, bdn_ref, bdo_ref,
                   bu2_ref, bq2_ref, upd_ref, updpe_ref):
    ap = jnp.concatenate([agg_ref[0] + agg2_ref[0],
                          agg_ref[1] + agg2_ref[1]], axis=1)
    t = jnp.dot(ap, bdn_ref[...], preferred_element_type=_f32)
    tm = xu_ref[...] + t[:, :H]
    h = jnp.concatenate(
        [tm * jax.nn.sigmoid(tm), jnp.tanh(pq_ref[...] + t[:, H:])], axis=1)
    o = jnp.dot(h, bdo_ref[...], preferred_element_type=_f32)
    upd_ref[...] = o[:, :H] + bu2_ref[...]
    updpe_ref[...] = jnp.tanh(o[:, H:] + bq2_ref[...])


def _node_out(xu, pq, agg, agg2, bdn, bdo, bu2, bq2):
    w = lambda s: pl.BlockSpec(s, lambda i: (0, 0))
    return pl.pallas_call(
        _node_out_body,
        grid=(N // NB,),
        in_specs=[
            pl.BlockSpec((NB, H), lambda i: (i, 0)),
            pl.BlockSpec((NB, H), lambda i: (i, 0)),
            pl.BlockSpec((2, NB, H), lambda i: (0, i, 0)),
            pl.BlockSpec((2, NB, H), lambda i: (0, i, 0)),
            w((2 * H, 2 * H)), w((2 * H, 2 * H)), w((1, H)), w((1, H)),
        ],
        out_specs=[
            pl.BlockSpec((NB, H), lambda i: (i, 0)),
            pl.BlockSpec((NB, H), lambda i: (i, 0)),
        ],
        out_shape=[
            jax.ShapeDtypeStruct((N, H), _f32),
            jax.ShapeDtypeStruct((N, H), _f32),
        ],
    )(xu, pq, agg, agg2, bdn, bdo, bu2, bq2)



E0 = 153600
E1 = E - E0
_gather_h0 = _make_edge_gather(0, E0, 80)
_gather_h1 = _make_edge_gather(E0, E1, 80)
_mlp_h0 = _make_edge_mlp(0, E0, 1600)
_mlp_h1 = _make_edge_mlp(E0, E1, 1600)
_seg_h0 = _make_seg_sum(0, E0, 80)
_seg_h1 = _make_seg_sum(E0, E1, 80)



def kernel(x, pos, edge_index, pe, Wm1, bm1, Wm2, bm2, Wp1, bp1, Wp2, bp2,
           Wu1, bu1, Wu2, bu2, Wq1, bq1, Wq2, bq2):
    Z = jnp.zeros((H, H), _f32)
    wmab = jnp.concatenate([Wm1[:2 * H], Wm1[2 * H:4 * H]], axis=1)
    wpcd = jnp.concatenate([Wp1[:H], Wp1[H:2 * H]], axis=1)
    wuab = Wu1[:2 * H]
    wqa = Wq1[:H]
    w5m = Wm1[4 * H].reshape(1, H)
    w5p = Wp1[2 * H].reshape(1, H)
    bd2 = jnp.block([[Wm2, Z], [Z, Wp2]])
    b2 = jnp.concatenate([bm2, bp2]).reshape(1, 2 * H)
    bdn = jnp.block([[Wu1[2 * H:3 * H], Z], [Z, Wq1[H:2 * H]]])
    bdo = jnp.block([[Wu2, Z], [Z, Wq2]])

    send = edge_index[0]
    rec = edge_index[1]
    post = pos.T
    px_in, py_in, pz_in = post[0], post[1], post[2]
    zeros = jnp.zeros((NP, H), _f32)

    d2 = _edge_dist2(send, rec, px_in, py_in, pz_in).reshape(E, 1)
    src, dst, xu, pq = _node_pre(x, pe, wmab, wpcd, wuab, wqa,
                                 bm1.reshape(1, H), bp1.reshape(1, H),
                                 bu1.reshape(1, H), bq1.reshape(1, H))
    pre0 = _gather_h0(src, dst, send, rec)
    pre1 = _gather_h1(src, dst, send, rec)
    msgs0 = _mlp_h0(pre0, d2, w5m, w5p, bd2, b2)
    msgs1 = _mlp_h1(pre1, d2, w5m, w5p, bd2, b2)
    agg0 = _seg_h0(msgs0, rec, zeros)
    agg1 = _seg_h1(msgs1, rec, zeros)
    upd, updpe = _node_out(xu, pq, agg0, agg1, bdn, bdo,
                           bu2.reshape(1, H), bq2.reshape(1, H))
    return (upd, updpe)

# --- scband reference (transcript-rebuilt; emitter-appended) ---
"""Pipeline reference for scband-egnnlspelayer-62088047231707 (READ-ONLY COPY).

The authoritative reference and input builder live on the scoring server;
editing this copy changes nothing except your own understanding.
"""

import jax, jax.numpy as jnp
import numpy as np

N = 10000
E = 320000
H = 128

def setup_inputs(seed: int = 0):
    key = jax.random.key(seed)
    ks = jax.random.split(key, 12)
    inp = {}
    inp['x'] = jax.random.normal(ks[0], (N, H), dtype=jnp.float32)
    inp['pos'] = jax.random.normal(ks[1], (N, 3), dtype=jnp.float32)
    inp['edge_index'] = jax.random.randint(ks[2], (2, E), 0, N, dtype=jnp.int32)
    inp['pe'] = jax.random.normal(ks[3], (N, H), dtype=jnp.float32)
    def lin(k, fin, fout):
        k1, k2 = jax.random.split(k)
        s = 1.0 / np.sqrt(fin)
        W = jax.random.uniform(k1, (fin, fout), jnp.float32, -s, s)
        b = jax.random.uniform(k2, (fout,), jnp.float32, -s, s)
        return W, b
    inp['Wm1'], inp['bm1'] = lin(ks[4], 4 * H + 1, H)
    inp['Wm2'], inp['bm2'] = lin(ks[5], H, H)
    inp['Wp1'], inp['bp1'] = lin(ks[6], 2 * H + 1, H)
    inp['Wp2'], inp['bp2'] = lin(ks[7], H, H)
    inp['Wu1'], inp['bu1'] = lin(ks[8], 3 * H, H)
    inp['Wu2'], inp['bu2'] = lin(ks[9], H, H)
    inp['Wq1'], inp['bq1'] = lin(ks[10], 2 * H, H)
    inp['Wq2'], inp['bq2'] = lin(ks[11], H, H)
    return inp

def reference(x, pos, edge_index, pe, Wm1, bm1, Wm2, bm2, Wp1, bp1, Wp2, bp2, Wu1, bu1, Wu2, bu2, Wq1, bq1, Wq2, bq2):
    send = edge_index[0]
    rec = edge_index[1]
    state = jnp.concatenate([x[send], pe[send], x[rec], pe[rec]], axis=1)
    state_pe = jnp.concatenate([pe[send], pe[rec]], axis=1)
    dist = jnp.sqrt(jnp.sum((pos[send] - pos[rec]) ** 2, axis=1, keepdims=True) + 1e-12)
    state = jnp.concatenate([state, dist], axis=1)
    state_pe = jnp.concatenate([state_pe, dist], axis=1)
    message = jax.nn.silu(jax.nn.silu(state @ Wm1 + bm1) @ Wm2 + bm2)
    pos_msg = jnp.tanh(jnp.tanh(state_pe @ Wp1 + bp1) @ Wp2 + bp2)
    aggr = jax.ops.segment_sum(message, rec, num_segments=N)
    update = jax.nn.silu(jnp.concatenate([x, pe, aggr], axis=1) @ Wu1 + bu1) @ Wu2 + bu2
    pos_aggr = jax.ops.segment_sum(pos_msg, rec, num_segments=N)
    update_pe = jnp.tanh(jnp.tanh(jnp.concatenate([pe, pos_aggr], axis=1) @ Wq1 + bq1) @ Wq2 + bq2)
    return (update, update_pe)

if __name__ == "__main__":
    import jax
    _d = setup_inputs()
    print(jax.jit(kernel)(*tuple(_d.values())))

</pallas_src>

<mosaic_0001>
#map = affine_map<(d0, d1) -> (0)>
module attributes {stable_mosaic.version = 14 : i64} {
  func.func @_edge_dist2(%arg0: i32, %arg1: i32, %arg2: memref<320000xi32, #tpu.memory_space<hbm>>, %arg3: memref<320000xi32, #tpu.memory_space<hbm>>, %arg4: memref<10000xf32, #tpu.memory_space<hbm>>, %arg5: memref<10000xf32, #tpu.memory_space<hbm>>, %arg6: memref<10000xf32, #tpu.memory_space<hbm>>, %arg7: memref<320000xf32, #tpu.memory_space<hbm>>, %arg8: memref<10000xi32, #tpu.memory_space<vmem>>, %arg9: memref<10000xi32, #tpu.memory_space<vmem>>, %arg10: memref<10000xf32, #tpu.memory_space<vmem>>, %arg11: memref<10000xf32, #tpu.memory_space<vmem>>, %arg12: memref<10000xf32, #tpu.memory_space<vmem>>, %arg13: memref<10000xf32, #tpu.memory_space<vmem>>) attributes {dimension_semantics = [#tpu.dimension_semantics<core_parallel>, #tpu.dimension_semantics<subcore_parallel>], iteration_bounds = array<i64: 2, 16>, scalar_prefetch = 0 : i64, scratch_operands = 6 : i64, tpu.core_type = #tpu.core_type<sc_vector_subcore>, window_params = [{transform_indices = #map}, {transform_indices = #map}, {transform_indices = #map}, {transform_indices = #map}, {transform_indices = #map}, {transform_indices = #map}]} {
    %mul3A = arith.constant 2 : i32
    %mul3A_0 = arith.muli %arg1, %mul3A : i32
    %add3A = arith.addi %mul3A_0, %arg0 : i32
    "tpu.region"() ({
      %run_scoped3A = tpu.sem_alloc : memref<!tpu.dma_semaphore, #tpu.memory_space<semaphore_mem>>
      tpu.enqueue_dma source(%arg4 : memref<10000xf32, #tpu.memory_space<hbm>>) target(%arg11 : memref<10000xf32, #tpu.memory_space<vmem>>) target_semaphore(%run_scoped3A : memref<!tpu.dma_semaphore, #tpu.memory_space<semaphore_mem>>)
      tpu.wait_dma2 semaphore(%run_scoped3A : memref<!tpu.dma_semaphore, #tpu.memory_space<semaphore_mem>>) src(%arg4 : memref<10000xf32, #tpu.memory_space<hbm>>) dst(%arg11 : memref<10000xf32, #tpu.memory_space<vmem>>)
      tpu.yield
    }) : () -> ()
    "tpu.region"() ({
      %run_scoped3A = tpu.sem_alloc : memref<!tpu.dma_semaphore, #tpu.memory_space<semaphore_mem>>
      tpu.enqueue_dma source(%arg5 : memref<10000xf32, #tpu.memory_space<hbm>>) target(%arg12 : memref<10000xf32, #tpu.memory_space<vmem>>) target_semaphore(%run_scoped3A : memref<!tpu.dma_semaphore, #tpu.memory_space<semaphore_mem>>)
      tpu.wait_dma2 semaphore(%run_scoped3A : memref<!tpu.dma_semaphore, #tpu.memory_space<semaphore_mem>>) src(%arg5 : memref<10000xf32, #tpu.memory_space<hbm>>) dst(%arg12 : memref<10000xf32, #tpu.memory_space<vmem>>)
      tpu.yield
    }) : () -> ()
    "tpu.region"() ({
      %run_scoped3A = tpu.sem_alloc : memref<!tpu.dma_semaphore, #tpu.memory_space<semaphore_mem>>
      tpu.enqueue_dma source(%arg6 : memref<10000xf32, #tpu.memory_space<hbm>>) target(%arg13 : memref<10000xf32, #tpu.memory_space<vmem>>) target_semaphore(%run_scoped3A : memref<!tpu.dma_semaphore, #tpu.memory_space<semaphore_mem>>)
      tpu.wait_dma2 semaphore(%run_scoped3A : memref<!tpu.dma_semaphore, #tpu.memory_space<semaphore_mem>>) src(%arg6 : memref<10000xf32, #tpu.memory_space<hbm>>) dst(%arg13 : memref<10000xf32, #tpu.memory_space<vmem>>)
      tpu.yield
    }) : () -> ()
    %mul3A_1 = arith.constant 10000 : i32
    %mul3A_2 = arith.muli %add3A, %mul3A_1 : i32
    "tpu.region"() ({
      %run_scoped3A = tpu.sem_alloc : memref<!tpu.dma_semaphore, #tpu.memory_space<semaphore_mem>>
      %dma_start3A = tpu.memref_slice %arg2[%mul3A_2] : memref<320000xi32, #tpu.memory_space<hbm>> -> memref<10000xi32, #tpu.memory_space<hbm>>
      %dma_start3A_12 = tpu.memref_slice %arg2[%mul3A_2] : memref<320000xi32, #tpu.memory_space<hbm>> -> memref<10000xi32, #tpu.memory_space<hbm>>
      tpu.enqueue_dma source(%dma_start3A_12 : memref<10000xi32, #tpu.memory_space<hbm>>) target(%arg8 : memref<10000xi32, #tpu.memory_space<vmem>>) target_semaphore(%run_scoped3A : memref<!tpu.dma_semaphore, #tpu.memory_space<semaphore_mem>>)
      %dma_wait3A = tpu.memref_slice %arg2[%mul3A_2] : memref<320000xi32, #tpu.memory_space<hbm>> -> memref<10000xi32, #tpu.memory_space<hbm>>
      %dma_wait3A_13 = tpu.memref_slice %arg2[%mul3A_2] : memref<320000xi32, #tpu.memory_space<hbm>> -> memref<10000xi32, #tpu.memory_space<hbm>>
      tpu.wait_dma2 semaphore(%run_scoped3A : memref<!tpu.dma_semaphore, #tpu.memory_space<semaphore_mem>>) src(%dma_wait3A_13 : memref<10000xi32, #tpu.memory_space<hbm>>) dst(%arg8 : memref<10000xi32, #tpu.memory_space<vmem>>)
      tpu.yield
    }) : () -> ()
    %mul3A_3 = arith.constant 10000 : i32
    %mul3A_4 = arith.muli %add3A, %mul3A_3 : i32
    "tpu.region"() ({
      %run_scoped3A = tpu.sem_alloc : memref<!tpu.dma_semaphore, #tpu.memory_space<semaphore_mem>>
      %dma_start3A = tpu.memref_slice %arg3[%mul3A_4] : memref<320000xi32, #tpu.memory_space<hbm>> -> memref<10000xi32, #tpu.memory_space<hbm>>
      %dma_start3A_12 = tpu.memref_slice %arg3[%mul3A_4] : memref<320000xi32, #tpu.memory_space<hbm>> -> memref<10000xi32, #tpu.memory_space<hbm>>
      tpu.enqueue_dma source(%dma_start3A_12 : memref<10000xi32, #tpu.memory_space<hbm>>) target(%arg9 : memref<10000xi32, #tpu.memory_space<vmem>>) target_semaphore(%run_scoped3A : memref<!tpu.dma_semaphore, #tpu.memory_space<semaphore_mem>>)
      %dma_wait3A = tpu.memref_slice %arg3[%mul3A_4] : memref<320000xi32, #tpu.memory_space<hbm>> -> memref<10000xi32, #tpu.memory_space<hbm>>
      %dma_wait3A_13 = tpu.memref_slice %arg3[%mul3A_4] : memref<320000xi32, #tpu.memory_space<hbm>> -> memref<10000xi32, #tpu.memory_space<hbm>>
      tpu.wait_dma2 semaphore(%run_scoped3A : memref<!tpu.dma_semaphore, #tpu.memory_space<semaphore_mem>>) src(%dma_wait3A_13 : memref<10000xi32, #tpu.memory_space<hbm>>) dst(%arg9 : memref<10000xi32, #tpu.memory_space<vmem>>)
      tpu.yield
    }) : () -> ()
    %scan3A = arith.constant 0 : i32
    %scan3A_5 = arith.constant 0 : i32
    %scan3A_6 = arith.constant 625 : i32
    %scan3A_7 = arith.addi %scan3A_5, %scan3A_6 : i32
    %scan3A_8 = arith.constant 1 : i32
    scf.for %scan3A_12 = %scan3A_5 to %scan3A_7 step %scan3A_8  : i32 {
      %mul3A_13 = arith.constant 16 : i32
      %mul3A_14 = arith.muli %scan3A_12, %mul3A_13 : i32
      %get3A = arith.index_cast %mul3A_14 : i32 to index
      %get3A_15 = tpu.vector_load %arg8[%get3A] {strides = array<i32>} : memref<10000xi32, #tpu.memory_space<vmem>>, vector<16xi32>,
      %get3A_16 = arith.index_cast %mul3A_14 : i32 to index
      %get3A_17 = tpu.vector_load %arg9[%get3A_16] {strides = array<i32>} : memref<10000xi32, #tpu.memory_space<vmem>>, vector<16xi32>,
      %gather3A = tpu.vector_load_idx %arg11[%get3A_15] : memref<10000xf32, #tpu.memory_space<vmem>>[vector<16xi32>], vector<16xf32>,
      %gather3A_18 = tpu.vector_load_idx %arg11[%get3A_17] : memref<10000xf32, #tpu.memory_space<vmem>>[vector<16xi32>], vector<16xf32>,
      %sub3A = arith.subf %gather3A, %gather3A_18 : vector<16xf32>
      %gather3A_19 = tpu.vector_load_idx %arg12[%get3A_15] : memref<10000xf32, #tpu.memory_space<vmem>>[vector<16xi32>], vector<16xf32>,
      %gather3A_20 = tpu.vector_load_idx %arg12[%get3A_17] : memref<10000xf32, #tpu.memory_space<vmem>>[vector<16xi32>], vector<16xf32>,
      %sub3A_21 = arith.subf %gather3A_19, %gather3A_20 : vector<16xf32>
      %gather3A_22 = tpu.vector_load_idx %arg13[%get3A_15] : memref<10000xf32, #tpu.memory_space<vmem>>[vector<16xi32>], vector<16xf32>,
      %gather3A_23 = tpu.vector_load_idx %arg13[%get3A_17] : memref<10000xf32, #tpu.memory_space<vmem>>[vector<16xi32>], vector<16xf32>,
      %sub3A_24 = arith.subf %gather3A_22, %gather3A_23 : vector<16xf32>
      %mul3A_25 = arith.mulf %sub3A, %sub3A : vector<16xf32>
      %mul3A_26 = arith.mulf %sub3A_21, %sub3A_21 : vector<16xf32>
      %add3A_27 = arith.addf %mul3A_25, %mul3A_26 : vector<16xf32>
      %mul3A_28 = arith.mulf %sub3A_24, %sub3A_24 : vector<16xf32>
      %add3A_29 = arith.addf %add3A_27, %mul3A_28 : vector<16xf32>
      %swap3A = arith.index_cast %mul3A_14 : i32 to index
      %swap3A_30 = tpu.vector_load %arg10[%swap3A] {strides = array<i32>} : memref<10000xf32, #tpu.memory_space<vmem>>, vector<16xf32>,
      tpu.vector_store %arg10[%swap3A], %add3A_29 {strides = array<i32>} : memref<10000xf32, #tpu.memory_space<vmem>>, vector<16xf32>,
    }
    %scan3A_9 = arith.constant 625 : i32
    %mul3A_10 = arith.constant 10000 : i32
    %mul3A_11 = arith.muli %add3A, %mul3A_10 : i32
    "tpu.region"() ({
      %run_scoped3A = tpu.sem_alloc : memref<!tpu.dma_semaphore, #tpu.memory_space<semaphore_mem>>
      %dma_start3A = tpu.memref_slice %arg7[%mul3A_11] : memref<320000xf32, #tpu.memory_space<hbm>> -> memref<10000xf32, #tpu.memory_space<hbm>>
      %dma_start3A_12 = tpu.memref_slice %arg7[%mul3A_11] : memref<320000xf32, #tpu.memory_space<hbm>> -> memref<10000xf32, #tpu.memory_space<hbm>>
      tpu.enqueue_dma source(%arg10 : memref<10000xf32, #tpu.memory_space<vmem>>) target(%dma_start3A_12 : memref<10000xf32, #tpu.memory_space<hbm>>) target_semaphore(%run_scoped3A : memref<!tpu.dma_semaphore, #tpu.memory_space<semaphore_mem>>)
      %dma_wait3A = tpu.memref_slice %arg7[%mul3A_11] : memref<320000xf32, #tpu.memory_space<hbm>> -> memref<10000xf32, #tpu.memory_space<hbm>>
      %dma_wait3A_13 = tpu.memref_slice %arg7[%mul3A_11] : memref<320000xf32, #tpu.memory_space<hbm>> -> memref<10000xf32, #tpu.memory_space<hbm>>
      tpu.wait_dma2 semaphore(%run_scoped3A : memref<!tpu.dma_semaphore, #tpu.memory_space<semaphore_mem>>) src(%arg10 : memref<10000xf32, #tpu.memory_space<vmem>>) dst(%dma_wait3A_13 : memref<10000xf32, #tpu.memory_space<hbm>>)
      tpu.yield
    }) : () -> ()
    return
  }
}

#map = affine_map<(d0, d1) -> (0, 0)>
#map1 = affine_map<(d0, d1) -> (0)>
module attributes {stable_mosaic.version = 14 : i64} {
  func.func @gather(%arg0: i32, %arg1: i32, %arg2: memref<10000x128xi32, #tpu.memory_space<hbm>>, %arg3: memref<10000x128xi32, #tpu.memory_space<hbm>>, %arg4: memref<320000xi32, #tpu.memory_space<hbm>>, %arg5: memref<320000xi32, #tpu.memory_space<hbm>>, %arg6: memref<166400x128xi32, #tpu.memory_space<hbm>>, %arg7: memref<80x128xi32, #tpu.memory_space<vmem>>, %arg8: memref<80x128xi32, #tpu.memory_space<vmem>>, %arg9: memref<80x128xi32, #tpu.memory_space<vmem>>, %arg10: memref<80x128xi32, #tpu.memory_space<vmem>>, %arg11: memref<80x128xi32, #tpu.memory_space<vmem>>, %arg12: memref<80x128xi32, #tpu.memory_space<vmem>>, %arg13: memref<80xi32, #tpu.memory_space<vmem>>, %arg14: memref<80xi32, #tpu.memory_space<vmem>>, %arg15: memref<80xi32, #tpu.memory_space<vmem>>, %arg16: memref<80xi32, #tpu.memory_space<vmem>>, %arg17: memref<!tpu.dma_semaphore, #tpu.memory_space<semaphore_mem>>, %arg18: memref<!tpu.dma_semaphore, #tpu.memory_space<semaphore_mem>>, %arg19: memref<!tpu.dma_semaphore, #tpu.memory_space<semaphore_mem>>, %arg20: memref<!tpu.dma_semaphore, #tpu.memory_space<semaphore_mem>>) attributes {dimension_semantics = [#tpu.dimension_semantics<core_parallel>, #tpu.dimension_semantics<subcore_parallel>], iteration_bounds = array<i64: 2, 16>, scalar_prefetch = 0 : i64, scratch_operands = 14 : i64, tpu.core_type = #tpu.core_type<sc_vector_subcore>, window_params = [{transform_indices = #map}, {transform_indices = #map}, {transform_indices = #map1}, {transform_indices = #map1}, {transform_indices = #map}]} {
    %mul3A = arith.constant 2 : i32
    %mul3A_0 = arith.muli %arg1, %mul3A : i32
    %add3A = arith.addi %mul3A_0, %arg0 : i32
    %mul3A_1 = arith.constant 5200 : i32
    %mul3A_2 = arith.muli %add3A, %mul3A_1 : i32
    %add3A_3 = arith.constant 0 : i32
    %add3A_4 = arith.addi %mul3A_2, %add3A_3 : i32
    %add3A_5 = arith.constant 153600 : i32
    %add3A_6 = arith.addi %add3A_5, %add3A_4 : i32
    "tpu.region"() ({
      %run_scoped3A = tpu.sem_alloc : memref<!tpu.dma_semaphore, #tpu.memory_space<semaphore_mem>>
      %dma_start3A_79 = tpu.memref_slice %arg4[%add3A_6] : memref<320000xi32, #tpu.memory_space<hbm>> -> memref<80xi32, #tpu.memory_space<hbm>>
      %dma_start3A_80 = tpu.memref_slice %arg4[%add3A_6] : memref<320000xi32, #tpu.memory_space<hbm>> -> memref<80xi32, #tpu.memory_space<hbm>>
      tpu.enqueue_dma source(%dma_start3A_80 : memref<80xi32, #tpu.memory_space<hbm>>) target(%arg13 : memref<80xi32, #tpu.memory_space<vmem>>) target_semaphore(%run_scoped3A : memref<!tpu.dma_semaphore, #tpu.memory_space<semaphore_mem>>)
      %dma_wait3A_81 = tpu.memref_slice %arg4[%add3A_6] : memref<320000xi32, #tpu.memory_space<hbm>> -> memref<80xi32, #tpu.memory_space<hbm>>
      %dma_wait3A_82 = tpu.memref_slice %arg4[%add3A_6] : memref<320000xi32, #tpu.memory_space<hbm>> -> memref<80xi32, #tpu.memory_space<hbm>>
      tpu.wait_dma2 semaphore(%run_scoped3A : memref<!tpu.dma_semaphore, #tpu.memory_space<semaphore_mem>>) src(%dma_wait3A_82 : memref<80xi32, #tpu.memory_space<hbm>>) dst(%arg13 : memref<80xi32, #tpu.memory_space<vmem>>)
      tpu.yield
    }) : () -> ()
    %add3A_7 = arith.constant 153600 : i32
    %add3A_8 = arith.addi %add3A_7, %add3A_4 : i32
    "tpu.region"() ({
      %run_scoped3A = tpu.sem_alloc : memref<!tpu.dma_semaphore, #tpu.memory_space<semaphore_mem>>
      %dma_start3A_79 = tpu.memref_slice %arg5[%add3A_8] : memref<320000xi32, #tpu.memory_space<hbm>> -> memref<80xi32, #tpu.memory_space<hbm>>
      %dma_start3A_80 = tpu.memref_slice %arg5[%add3A_8] : memref<320000xi32, #tpu.memory_space<hbm>> -> memref<80xi32, #tpu.memory_space<hbm>>
      tpu.enqueue_dma source(%dma_start3A_80 : memref<80xi32, #tpu.memory_space<hbm>>) target(%arg15 : memref<80xi32, #tpu.memory_space<vmem>>) target_semaphore(%run_scoped3A : memref<!tpu.dma_semaphore, #tpu.memory_space<semaphore_mem>>)
      %dma_wait3A_81 = tpu.memref_slice %arg5[%add3A_8] : memref<320000xi32, #tpu.memory_space<hbm>> -> memref<80xi32, #tpu.memory_space<hbm>>
      %dma_wait3A_82 = tpu.memref_slice %arg5[%add3A_8] : memref<320000xi32, #tpu.memory_space<hbm>> -> memref<80xi32, #tpu.memory_space<hbm>>
      tpu.wait_dma2 semaphore(%run_scoped3A : memref<!tpu.dma_semaphore, #tpu.memory_space<semaphore_mem>>) src(%dma_wait3A_82 : memref<80xi32, #tpu.memory_space<hbm>>) dst(%arg15 : memref<80xi32, #tpu.memory_space<vmem>>)
      tpu.yield
    }) : () -> ()
    %dma_start3A = arith.constant 0 : i32
    %dma_start3A_9 = arith.constant 0 : i32
    %dma_start3A_10 = tpu.memref_slice %arg2[%dma_start3A, %dma_start3A_9] : memref<10000x128xi32, #tpu.memory_space<hbm>> -> memref<10000x128xi32, #tpu.memory_space<hbm>>
    tpu.enqueue_indirect_dma source(%dma_start3A_10 : memref<10000x128xi32, #tpu.memory_space<hbm>>) target(%arg7 : memref<80x128xi32, #tpu.memory_space<vmem>>) offsets(%arg13 : memref<80xi32, #tpu.memory_space<vmem>>) semaphore(%arg17 : memref<!tpu.dma_semaphore, #tpu.memory_space<semaphore_mem>>)
    %dma_start3A_11 = arith.constant 0 : i32
    %dma_start3A_12 = arith.constant 0 : i32
    %dma_start3A_13 = tpu.memref_slice %arg3[%dma_start3A_11, %dma_start3A_12] : memref<10000x128xi32, #tpu.memory_space<hbm>> -> memref<10000x128xi32, #tpu.memory_space<hbm>>
    tpu.enqueue_indirect_dma source(%dma_start3A_13 : memref<10000x128xi32, #tpu.memory_space<hbm>>) target(%arg9 : memref<80x128xi32, #tpu.memory_space<vmem>>) offsets(%arg15 : memref<80xi32, #tpu.memory_space<vmem>>) semaphore(%arg17 : memref<!tpu.dma_semaphore, #tpu.memory_space<semaphore_mem>>)
    %mul3A_14 = arith.constant 5200 : i32
    %mul3A_15 = arith.muli %add3A, %mul3A_14 : i32
    %add3A_16 = arith.constant 80 : i32
    %add3A_17 = arith.addi %mul3A_15, %add3A_16 : i32
    %add3A_18 = arith.constant 153600 : i32
    %add3A_19 = arith.addi %add3A_18, %add3A_17 : i32
    "tpu.region"() ({
      %run_scoped3A = tpu.sem_alloc : memref<!tpu.dma_semaphore, #tpu.memory_space<semaphore_mem>>
      %dma_start3A_79 = tpu.memref_slice %arg4[%add3A_19] : memref<320000xi32, #tpu.memory_space<hbm>> -> memref<80xi32, #tpu.memory_space<hbm>>
      %dma_start3A_80 = tpu.memref_slice %arg4[%add3A_19] : memref<320000xi32, #tpu.memory_space<hbm>> -> memref<80xi32, #tpu.memory_space<hbm>>
      tpu.enqueue_dma source(%dma_start3A_80 : memref<80xi32, #tpu.memory_space<hbm>>) target(%arg14 : memref<80xi32, #tpu.memory_space<vmem>>) target_semaphore(%run_scoped3A : memref<!tpu.dma_semaphore, #tpu.memory_space<semaphore_mem>>)
      %dma_wait3A_81 = tpu.memref_slice %arg4[%add3A_19] : memref<320000xi32, #tpu.memory_space<hbm>> -> memref<80xi32, #tpu.memory_space<hbm>>
      %dma_wait3A_82 = tpu.memref_slice %arg4[%add3A_19] : memref<320000xi32, #tpu.memory_space<hbm>> -> memref<80xi32, #tpu.memory_space<hbm>>
      tpu.wait_dma2 semaphore(%run_scoped3A : memref<!tpu.dma_semaphore, #tpu.memory_space<semaphore_mem>>) src(%dma_wait3A_82 : memref<80xi32, #tpu.memory_space<hbm>>) dst(%arg14 : memref<80xi32, #tpu.memory_space<vmem>>)
      tpu.yield
    }) : () -> ()
    %add3A_20 = arith.constant 153600 : i32
    %add3A_21 = arith.addi %add3A_20, %add3A_17 : i32
    "tpu.region"() ({
      %run_scoped3A = tpu.sem_alloc : memref<!tpu.dma_semaphore, #tpu.memory_space<semaphore_mem>>
      %dma_start3A_79 = tpu.memref_slice %arg5[%add3A_21] : memref<320000xi32, #tpu.memory_space<hbm>> -> memref<80xi32, #tpu.memory_space<hbm>>
      %dma_start3A_80 = tpu.memref_slice %arg5[%add3A_21] : memref<320000xi32, #tpu.memory_space<hbm>> -> memref<80xi32, #tpu.memory_space<hbm>>
      tpu.enqueue_dma source(%dma_start3A_80 : memref<80xi32, #tpu.memory_space<hbm>>) target(%arg16 : memref<80xi32, #tpu.memory_space<vmem>>) target_semaphore(%run_scoped3A : memref<!tpu.dma_semaphore, #tpu.memory_space<semaphore_mem>>)
      %dma_wait3A_81 = tpu.memref_slice %arg5[%add3A_21] : memref<320000xi32, #tpu.memory_space<hbm>> -> memref<80xi32, #tpu.memory_space<hbm>>
      %dma_wait3A_82 = tpu.memref_slice %arg5[%add3A_21] : memref<320000xi32, #tpu.memory_space<hbm>> -> memref<80xi32, #tpu.memory_space<hbm>>
      tpu.wait_dma2 semaphore(%run_scoped3A : memref<!tpu.dma_semaphore, #tpu.memory_space<semaphore_mem>>) src(%dma_wait3A_82 : memref<80xi32, #tpu.memory_space<hbm>>) dst(%arg16 : memref<80xi32, #tpu.memory_space<vmem>>)
      tpu.yield
    }) : () -> ()
    %dma_start3A_22 = arith.constant 0 : i32
    %dma_start3A_23 = arith.constant 0 : i32
    %dma_start3A_24 = tpu.memref_slice %arg2[%dma_start3A_22, %dma_start3A_23] : memref<10000x128xi32, #tpu.memory_space<hbm>> -> memref<10000x128xi32, #tpu.memory_space<hbm>>
    tpu.enqueue_indirect_dma source(%dma_start3A_24 : memref<10000x128xi32, #tpu.memory_space<hbm>>) target(%arg8 : memref<80x128xi32, #tpu.memory_space<vmem>>) offsets(%arg14 : memref<80xi32, #tpu.memory_space<vmem>>) semaphore(%arg18 : memref<!tpu.dma_semaphore, #tpu.memory_space<semaphore_mem>>)
    %dma_start3A_25 = arith.constant 0 : i32
    %dma_start3A_26 = arith.constant 0 : i32
    %dma_start3A_27 = tpu.memref_slice %arg3[%dma_start3A_25, %dma_start3A_26] : memref<10000x128xi32, #tpu.memory_space<hbm>> -> memref<10000x128xi32, #tpu.memory_space<hbm>>
    tpu.enqueue_indirect_dma source(%dma_start3A_27 : memref<10000x128xi32, #tpu.memory_space<hbm>>) target(%arg10 : memref<80x128xi32, #tpu.memory_space<vmem>>) offsets(%arg16 : memref<80xi32, #tpu.memory_space<vmem>>) semaphore(%arg18 : memref<!tpu.dma_semaphore, #tpu.memory_space<semaphore_mem>>)
    %scan3A = arith.constant 0 : i32
    %scan3A_28 = arith.constant 0 : i32
    %scan3A_29 = arith.constant 32 : i32
    %scan3A_30 = arith.addi %scan3A_28, %scan3A_29 : i32
    %scan3A_31 = arith.constant 1 : i32
    scf.for %scan3A_79 = %scan3A_28 to %scan3A_30 step %scan3A_31  : i32 {
      %mul3A_80 = arith.constant 2 : i32
      %mul3A_81 = arith.muli %mul3A_80, %scan3A_79 : i32
      %dma_wait3A_82 = arith.constant 0 : i32
      %dma_wait3A_83 = arith.constant 0 : i32
      %dma_wait3A_84 = tpu.memref_slice %arg2[%dma_wait3A_82, %dma_wait3A_83] : memref<10000x128xi32, #tpu.memory_space<hbm>> -> memref<80x128xi32, #tpu.memory_space<hbm>>
      %dma_wait3A_85 = arith.constant 0 : i32
      %dma_wait3A_86 = arith.constant 0 : i32
      %dma_wait3A_87 = tpu.memref_slice %arg2[%dma_wait3A_85, %dma_wait3A_86] : memref<10000x128xi32, #tpu.memory_space<hbm>> -> memref<80x128xi32, #tpu.memory_space<hbm>>
      tpu.wait_dma2 semaphore(%arg17 : memref<!tpu.dma_semaphore, #tpu.memory_space<semaphore_mem>>) src(%dma_wait3A_87 : memref<80x128xi32, #tpu.memory_space<hbm>>) dst(%arg7 : memref<80x128xi32, #tpu.memory_space<vmem>>)
      %dma_wait3A_88 = arith.constant 0 : i32
      %dma_wait3A_89 = arith.constant 0 : i32
      %dma_wait3A_90 = tpu.memref_slice %arg2[%dma_wait3A_88, %dma_wait3A_89] : memref<10000x128xi32, #tpu.memory_space<hbm>> -> memref<80x128xi32, #tpu.memory_space<hbm>>
      %dma_wait3A_91 = arith.constant 0 : i32
      %dma_wait3A_92 = arith.constant 0 : i32
      %dma_wait3A_93 = tpu.memref_slice %arg2[%dma_wait3A_91, %dma_wait3A_92] : memref<10000x128xi32, #tpu.memory_space<hbm>> -> memref<80x128xi32, #tpu.memory_space<hbm>>
      tpu.wait_dma2 semaphore(%arg17 : memref<!tpu.dma_semaphore, #tpu.memory_space<semaphore_mem>>) src(%dma_wait3A_93 : memref<80x128xi32, #tpu.memory_space<hbm>>) dst(%arg9 : memref<80x128xi32, #tpu.memory_space<vmem>>)
      %ge3A_94 = arith.constant 2 : i32
      %ge3A_95 = arith.cmpi sge, %mul3A_81, %ge3A_94 : i32
      %convert_element_type3A_96 = arith.extui %ge3A_95 : i1 to i32
      %cond3A_97 = arith.constant 0 : i32
      %cond3A_98 = arith.cmpi ne, %convert_element_type3A_96, %cond3A_97 : i32
      scf.if %cond3A_98 {
        %dma_wait3A_158 = arith.constant 0 : i32
        %dma_wait3A_159 = arith.constant 0 : i32
        %dma_wait3A_160 = tpu.memref_slice %arg6[%dma_wait3A_158, %dma_wait3A_159] : memref<166400x128xi32, #tpu.memory_space<hbm>> -> memref<80x128xi32, #tpu.memory_space<hbm>>
        %dma_wait3A_161 = arith.constant 0 : i32
        %dma_wait3A_162 = arith.constant 0 : i32
        %dma_wait3A_163 = tpu.memref_slice %arg6[%dma_wait3A_161, %dma_wait3A_162] : memref<166400x128xi32, #tpu.memory_space<hbm>> -> memref<80x128xi32, #tpu.memory_space<hbm>>
        tpu.wait_dma2 semaphore(%arg19 : memref<!tpu.dma_semaphore, #tpu.memory_space<semaphore_mem>>) src(%arg11 : memref<80x128xi32, #tpu.memory_space<vmem>>) dst(%dma_wait3A_163 : memref<80x128xi32, #tpu.memory_space<hbm>>)
      } else {
      }
      %parallel_loop3A_99 = arith.constant 0 : i32
      %parallel_loop3A_100 = arith.constant 80 : i32
      %parallel_loop3A_101 = arith.constant 1 : i32
      scf.for %parallel_loop3A_158 = %parallel_loop3A_99 to %parallel_loop3A_100 step %parallel_loop3A_101  : i32 {
        %parallel_loop3A_159 = arith.index_cast %parallel_loop3A_158 : i32 to index
        %parallel_loop3A_160 = arith.constant 0 : index
        %parallel_loop3A_161 = tpu.vector_load %arg7[%parallel_loop3A_159, %parallel_loop3A_160] {strides = array<i32>} : memref<80x128xi32, #tpu.memory_space<vmem>>, vector<16xi32>,
        %parallel_loop3A_162 = vector.bitcast %parallel_loop3A_161 : vector<16xi32> to vector<32xbf16>
        %parallel_loop3A_163 = arith.index_cast %parallel_loop3A_158 : i32 to index
        %parallel_loop3A_164 = arith.constant 0 : index
        %parallel_loop3A_165 = tpu.vector_load %arg9[%parallel_loop3A_163, %parallel_loop3A_164] {strides = array<i32>} : memref<80x128xi32, #tpu.memory_space<vmem>>, vector<16xi32>,
        %parallel_loop3A_166 = vector.bitcast %parallel_loop3A_165 : vector<16xi32> to vector<32xbf16>
        %parallel_loop3A_167 = arith.addf %parallel_loop3A_162, %parallel_loop3A_166 : vector<32xbf16>
        %parallel_loop3A_168 = vector.bitcast %parallel_loop3A_167 : vector<32xbf16> to vector<16xi32>
        %parallel_loop3A_169 = arith.index_cast %parallel_loop3A_158 : i32 to index
        %parallel_loop3A_170 = arith.constant 0 : index
        %parallel_loop3A_171 = tpu.vector_load %arg11[%parallel_loop3A_169, %parallel_loop3A_170] {strides = array<i32>} : memref<80x128xi32, #tpu.memory_space<vmem>>, vector<16xi32>,
        tpu.vector_store %arg11[%parallel_loop3A_169, %parallel_loop3A_170], %parallel_loop3A_168 {strides = array<i32>} : memref<80x128xi32, #tpu.memory_space<vmem>>, vector<16xi32>,
        %parallel_loop3A_172 = arith.index_cast %parallel_loop3A_158 : i32 to index
        %parallel_loop3A_173 = arith.constant 16 : index
        %parallel_loop3A_174 = tpu.vector_load %arg7[%parallel_loop3A_172, %parallel_loop3A_173] {strides = array<i32>} : memref<80x128xi32, #tpu.memory_space<vmem>>, vector<16xi32>,
        %parallel_loop3A_175 = vector.bitcast %parallel_loop3A_174 : vector<16xi32> to vector<32xbf16>
        %parallel_loop3A_176 = arith.index_cast %parallel_loop3A_158 : i32 to index
        %parallel_loop3A_177 = arith.constant 16 : index
        %parallel_loop3A_178 = tpu.vector_load %arg9[%parallel_loop3A_176, %parallel_loop3A_177] {strides = array<i32>} : memref<80x128xi32, #tpu.memory_space<vmem>>, vector<16xi32>,
        %parallel_loop3A_179 = vector.bitcast %parallel_loop3A_178 : vector<16xi32> to vector<32xbf16>
        %parallel_loop3A_180 = arith.addf %parallel_loop3A_175, %parallel_loop3A_179 : vector<32xbf16>
        %parallel_loop3A_181 = vector.bitcast %parallel_loop3A_180 : vector<32xbf16> to vector<16xi32>
        %parallel_loop3A_182 = arith.index_cast %parallel_loop3A_158 : i32 to index
        %parallel_loop3A_183 = arith.constant 16 : index
        %parallel_loop3A_184 = tpu.vector_load %arg11[%parallel_loop3A_182, %parallel_loop3A_183] {strides = array<i32>} : memref<80x128xi32, #tpu.memory_space<vmem>>, vector<16xi32>,
        tpu.vector_store %arg11[%parallel_loop3A_182, %parallel_loop3A_183], %parallel_loop3A_181 {strides = array<i32>} : memref<80x128xi32, #tpu.memory_space<vmem>>, vector<16xi32>,
        %parallel_loop3A_185 = arith.index_cast %parallel_loop3A_158 : i32 to index
        %parallel_loop3A_186 = arith.constant 32 : index
        %parallel_loop3A_187 = tpu.vector_load %arg7[%parallel_loop3A_185, %parallel_loop3A_186] {strides = array<i32>} : memref<80x128xi32, #tpu.memory_space<vmem>>, vector<16xi32>,
        %parallel_loop3A_188 = vector.bitcast %parallel_loop3A_187 : vector<16xi32> to vector<32xbf16>
        %parallel_loop3A_189 = arith.index_cast %parallel_loop3A_158 : i32 to index
        %parallel_loop3A_190 = arith.constant 32 : index
        %parallel_loop3A_191 = tpu.vector_load %arg9[%parallel_loop3A_189, %parallel_loop3A_190] {strides = array<i32>} : memref<80x128xi32, #tpu.memory_space<vmem>>, vector<16xi32>,
        %parallel_loop3A_192 = vector.bitcast %parallel_loop3A_191 : vector<16xi32> to vector<32xbf16>
        %parallel_loop3A_193 = arith.addf %parallel_loop3A_188, %parallel_loop3A_192 : vector<32xbf16>
        %parallel_loop3A_194 = vector.bitcast %parallel_loop3A_193 : vector<32xbf16> to vector<16xi32>
        %parallel_loop3A_195 = arith.index_cast %parallel_loop3A_158 : i32 to index
        %parallel_loop3A_196 = arith.constant 32 : index
        %parallel_loop3A_197 = tpu.vector_load %arg11[%parallel_loop3A_195, %parallel_loop3A_196] {strides = array<i32>} : memref<80x128xi32, #tpu.memory_space<vmem>>, vector<16xi32>,
        tpu.vector_store %arg11[%parallel_loop3A_195, %parallel_loop3A_196], %parallel_loop3A_194 {strides = array<i32>} : memref<80x128xi32, #tpu.memory_space<vmem>>, vector<16xi32>,
        %parallel_loop3A_198 = arith.index_cast %parallel_loop3A_158 : i32 to index
        %parallel_loop3A_199 = arith.constant 48 : index
        %parallel_loop3A_200 = tpu.vector_load %arg7[%parallel_loop3A_198, %parallel_loop3A_199] {strides = array<i32>} : memref<80x128xi32, #tpu.memory_space<vmem>>, vector<16xi32>,
        %parallel_loop3A_201 = vector.bitcast %parallel_loop3A_200 : vector<16xi32> to vector<32xbf16>
        %parallel_loop3A_202 = arith.index_cast %parallel_loop3A_158 : i32 to index
        %parallel_loop3A_203 = arith.constant 48 : index
        %parallel_loop3A_204 = tpu.vector_load %arg9[%parallel_loop3A_202, %parallel_loop3A_203] {strides = array<i32>} : memref<80x128xi32, #tpu.memory_space<vmem>>, vector<16xi32>,
        %parallel_loop3A_205 = vector.bitcast %parallel_loop3A_204 : vector<16xi32> to vector<32xbf16>
        %parallel_loop3A_206 = arith.addf %parallel_loop3A_201, %parallel_loop3A_205 : vector<32xbf16>
        %parallel_loop3A_207 = vector.bitcast %parallel_loop3A_206 : vector<32xbf16> to vector<16xi32>
        %parallel_loop3A_208 = arith.index_cast %parallel_loop3A_158 : i32 to index
        %parallel_loop3A_209 = arith.constant 48 : index
        %parallel_loop3A_210 = tpu.vector_load %arg11[%parallel_loop3A_208, %parallel_loop3A_209] {strides = array<i32>} : memref<80x128xi32, #tpu.memory_space<vmem>>, vector<16xi32>,
        tpu.vector_store %arg11[%parallel_loop3A_208, %parallel_loop3A_209], %parallel_loop3A_207 {strides = array<i32>} : memref<80x128xi32, #tpu.memory_space<vmem>>, vector<16xi32>,
        %parallel_loop3A_211 = arith.index_cast %parallel_loop3A_158 : i32 to index
        %parallel_loop3A_212 = arith.constant 64 : index
        %parallel_loop3A_213 = tpu.vector_load %arg7[%parallel_loop3A_211, %parallel_loop3A_212] {strides = array<i32>} : memref<80x128xi32, #tpu.memory_space<vmem>>, vector<16xi32>,
        %parallel_loop3A_214 = vector.bitcast %parallel_loop3A_213 : vector<16xi32> to vector<32xbf16>
        %parallel_loop3A_215 = arith.index_cast %parallel_loop3A_158 : i32 to index
        %parallel_loop3A_216 = arith.constant 64 : index
        %parallel_loop3A_217 = tpu.vector_load %arg9[%parallel_loop3A_215, %parallel_loop3A_216] {strides = array<i32>} : memref<80x128xi32, #tpu.memory_space<vmem>>, vector<16xi32>,
        %parallel_loop3A_218 = vector.bitcast %parallel_loop3A_217 : vector<16xi32> to vector<32xbf16>
        %parallel_loop3A_219 = arith.addf %parallel_loop3A_214, %parallel_loop3A_218 : vector<32xbf16>
        %parallel_loop3A_220 = vector.bitcast %parallel_loop3A_219 : vector<32xbf16> to vector<16xi32>
        %parallel_loop3A_221 = arith.index_cast %parallel_loop3A_158 : i32 to index
        %parallel_loop3A_222 = arith.constant 64 : index
        %parallel_loop3A_223 = tpu.vector_load %arg11[%parallel_loop3A_221, %parallel_loop3A_222] {strides = array<i32>} : memref<80x128xi32, #tpu.memory_space<vmem>>, vector<16xi32>,
        tpu.vector_store %arg11[%parallel_loop3A_221, %parallel_loop3A_222], %parallel_loop3A_220 {strides = array<i32>} : memref<80x128xi32, #tpu.memory_space<vmem>>, vector<16xi32>,
        %parallel_loop3A_224 = arith.index_cast %parallel_loop3A_158 : i32 to index
        %parallel_loop3A_225 = arith.constant 80 : index
        %parallel_loop3A_226 = tpu.vector_load %arg7[%parallel_loop3A_224, %parallel_loop3A_225] {strides = array<i32>} : memref<80x128xi32, #tpu.memory_space<vmem>>, vector<16xi32>,
        %parallel_loop3A_227 = vector.bitcast %parallel_loop3A_226 : vector<16xi32> to vector<32xbf16>
        %parallel_loop3A_228 = arith.index_cast %parallel_loop3A_158 : i32 to index
        %parallel_loop3A_229 = arith.constant 80 : index
        %parallel_loop3A_230 = tpu.vector_load %arg9[%parallel_loop3A_228, %parallel_loop3A_229] {strides = array<i32>} : memref<80x128xi32, #tpu.memory_space<vmem>>, vector<16xi32>,
        %parallel_loop3A_231 = vector.bitcast %parallel_loop3A_230 : vector<16xi32> to vector<32xbf16>
        %parallel_loop3A_232 = arith.addf %parallel_loop3A_227, %parallel_loop3A_231 : vector<32xbf16>
        %parallel_loop3A_233 = vector.bitcast %parallel_loop3A_232 : vector<32xbf16> to vector<16xi32>
        %parallel_loop3A_234 = arith.index_cast %parallel_loop3A_158 : i32 to index
        %parallel_loop3A_235 = arith.constant 80 : index
        %parallel_loop3A_236 = tpu.vector_load %arg11[%parallel_loop3A_234, %parallel_loop3A_235] {strides = array<i32>} : memref<80x128xi32, #tpu.memory_space<vmem>>, vector<16xi32>,
        tpu.vector_store %arg11[%parallel_loop3A_234, %parallel_loop3A_235], %parallel_loop3A_233 {strides = array<i32>} : memref<80x128xi32, #tpu.memory_space<vmem>>, vector<16xi32>,
        %parallel_loop3A_237 = arith.index_cast %parallel_loop3A_158 : i32 to index
        %parallel_loop3A_238 = arith.constant 96 : index
        %parallel_loop3A_239 = tpu.vector_load %arg7[%parallel_loop3A_237, %parallel_loop3A_238] {strides = array<i32>} : memref<80x128xi32, #tpu.memory_space<vmem>>, vector<16xi32>,
        %parallel_loop3A_240 = vector.bitcast %parallel_loop3A_239 : vector<16xi32> to vector<32xbf16>
        %parallel_loop3A_241 = arith.index_cast %parallel_loop3A_158 : i32 to index
        %parallel_loop3A_242 = arith.constant 96 : index
        %parallel_loop3A_243 = tpu.vector_load %arg9[%parallel_loop3A_241, %parallel_loop3A_242] {strides = array<i32>} : memref<80x128xi32, #tpu.memory_space<vmem>>, vector<16xi32>,
        %parallel_loop3A_244 = vector.bitcast %parallel_loop3A_243 : vector<16xi32> to vector<32xbf16>
        %parallel_loop3A_245 = arith.addf %parallel_loop3A_240, %parallel_loop3A_244 : vector<32xbf16>
        %parallel_loop3A_246 = vector.bitcast %parallel_loop3A_245 : vector<32xbf16> to vector<16xi32>
        %parallel_loop3A_247 = arith.index_cast %parallel_loop3A_158 : i32 to index
        %parallel_loop3A_248 = arith.constant 96 : index
        %parallel_loop3A_249 = tpu.vector_load %arg11[%parallel_loop3A_247, %parallel_loop3A_248] {strides = array<i32>} : memref<80x128xi32, #tpu.memory_space<vmem>>, vector<16xi32>,
        tpu.vector_store %arg11[%parallel_loop3A_247, %parallel_loop3A_248], %parallel_loop3A_246 {strides = array<i32>} : memref<80x128xi32, #tpu.memory_space<vmem>>, vector<16xi32>,
        %parallel_loop3A_250 = arith.index_cast %parallel_loop3A_158 : i32 to index
        %parallel_loop3A_251 = arith.constant 112 : index
        %parallel_loop3A_252 = tpu.vector_load %arg7[%parallel_loop3A_250, %parallel_loop3A_251] {strides = array<i32>} : memref<80x128xi32, #tpu.memory_space<vmem>>, vector<16xi32>,
        %parallel_loop3A_253 = vector.bitcast %parallel_loop3A_252 : vector<16xi32> to vector<32xbf16>
        %parallel_loop3A_254 = arith.index_cast %parallel_loop3A_158 : i32 to index
        %parallel_loop3A_255 = arith.constant 112 : index
        %parallel_loop3A_256 = tpu.vector_load %arg9[%parallel_loop3A_254, %parallel_loop3A_255] {strides = array<i32>} : memref<80x128xi32, #tpu.memory_space<vmem>>, vector<16xi32>,
        %parallel_loop3A_257 = vector.bitcast %parallel_loop3A_256 : vector<16xi32> to vector<32xbf16>
        %parallel_loop3A_258 = arith.addf %parallel_loop3A_253, %parallel_loop3A_257 : vector<32xbf16>
        %parallel_loop3A_259 = vector.bitcast %parallel_loop3A_258 : vector<32xbf16> to vector<16xi32>
        %parallel_loop3A_260 = arith.index_cast %parallel_loop3A_158 : i32 to index
        %parallel_loop3A_261 = arith.constant 112 : index
        %parallel_loop3A_262 = tpu.vector_load %arg11[%parallel_loop3A_260, %parallel_loop3A_261] {strides = array<i32>} : memref<80x128xi32, #tpu.memory_space<vmem>>, vector<16xi32>,
        tpu.vector_store %arg11[%parallel_loop3A_260, %parallel_loop3A_261], %parallel_loop3A_259 {strides = array<i32>} : memref<80x128xi32, #tpu.memory_space<vmem>>, vector<16xi32>,
      } {sc.loop_unroll_factor = 2 : i64, sc.parallel_access}
      %mul3A_102 = arith.constant 5200 : i32
      %mul3A_103 = arith.muli %add3A, %mul3A_102 : i32
      %mul3A_104 = arith.constant 80 : i32
      %mul3A_105 = arith.muli %mul3A_81, %mul3A_104 : i32
      %add3A_106 = arith.addi %mul3A_103, %mul3A_105 : i32
      %dma_start3A_107 = arith.constant 0 : i32
      %dma_start3A_108 = tpu.memref_slice %arg6[%add3A_106, %dma_start3A_107] : memref<166400x128xi32, #tpu.memory_space<hbm>> -> memref<80x128xi32, #tpu.memory_space<hbm>>
      %dma_start3A_109 = arith.constant 0 : i32
      %dma_start3A_110 = tpu.memref_slice %arg6[%add3A_106, %dma_start3A_109] : memref<166400x128xi32, #tpu.memory_space<hbm>> -> memref<80x128xi32, #tpu.memory_space<hbm>>
      tpu.enqueue_dma source(%arg11 : memref<80x128xi32, #tpu.memory_space<vmem>>) target(%dma_start3A_110 : memref<80x128xi32, #tpu.memory_space<hbm>>) target_semaphore(%arg19 : memref<!tpu.dma_semaphore, #tpu.memory_space<semaphore_mem>>)
      %add3A_111 = arith.constant 2 : i32
      %add3A_112 = arith.addi %mul3A_81, %add3A_111 : i32
      %lt3A_113 = arith.constant 65 : i32
      %lt3A_114 = arith.cmpi slt, %add3A_112, %lt3A_113 : i32
      %convert_element_type3A_115 = arith.extui %lt3A_114 : i1 to i32
      %cond3A_116 = arith.constant 0 : i32
      %cond3A_117 = arith.cmpi ne, %convert_element_type3A_115, %cond3A_116 : i32
      scf.if %cond3A_117 {
        %add3A_158 = arith.constant 2 : i32
        %add3A_159 = arith.addi %mul3A_81, %add3A_158 : i32
        %mul3A_160 = arith.constant 5200 : i32
        %mul3A_161 = arith.muli %add3A, %mul3A_160 : i32
        %mul3A_162 = arith.constant 80 : i32
        %mul3A_163 = arith.muli %add3A_159, %mul3A_162 : i32
        %add3A_164 = arith.addi %mul3A_161, %mul3A_163 : i32
        %add3A_165 = arith.constant 153600 : i32
        %add3A_166 = arith.addi %add3A_165, %add3A_164 : i32
        "tpu.region"() ({
          %run_scoped3A = tpu.sem_alloc : memref<!tpu.dma_semaphore, #tpu.memory_space<semaphore_mem>>
          %dma_start3A_175 = tpu.memref_slice %arg4[%add3A_166] : memref<320000xi32, #tpu.memory_space<hbm>> -> memref<80xi32, #tpu.memory_space<hbm>>
          %dma_start3A_176 = tpu.memref_slice %arg4[%add3A_166] : memref<320000xi32, #tpu.memory_space<hbm>> -> memref<80xi32, #tpu.memory_space<hbm>>
          tpu.enqueue_dma source(%dma_start3A_176 : memref<80xi32, #tpu.memory_space<hbm>>) target(%arg13 : memref<80xi32, #tpu.memory_space<vmem>>) target_semaphore(%run_scoped3A : memref<!tpu.dma_semaphore, #tpu.memory_space<semaphore_mem>>)
          %dma_wait3A_177 = tpu.memref_slice %arg4[%add3A_166] : memref<320000xi32, #tpu.memory_space<hbm>> -> memref<80xi32, #tpu.memory_space<hbm>>
          %dma_wait3A_178 = tpu.memref_slice %arg4[%add3A_166] : memref<320000xi32, #tpu.memory_space<hbm>> -> memref<80xi32, #tpu.memory_space<hbm>>
          tpu.wait_dma2 semaphore(%run_scoped3A : memref<!tpu.dma_semaphore, #tpu.memory_space<semaphore_mem>>) src(%dma_wait3A_178 : memref<80xi32, #tpu.memory_space<hbm>>) dst(%arg13 : memref<80xi32, #tpu.memory_space<vmem>>)
          tpu.yield
        }) : () -> ()
        %add3A_167 = arith.constant 153600 : i32
        %add3A_168 = arith.addi %add3A_167, %add3A_164 : i32
        "tpu.region"() ({
          %run_scoped3A = tpu.sem_alloc : memref<!tpu.dma_semaphore, #tpu.memory_space<semaphore_mem>>
          %dma_start3A_175 = tpu.memref_slice %arg5[%add3A_168] : memref<320000xi32, #tpu.memory_space<hbm>> -> memref<80xi32, #tpu.memory_space<hbm>>
          %dma_start3A_176 = tpu.memref_slice %arg5[%add3A_168] : memref<320000xi32, #tpu.memory_space<hbm>> -> memref<80xi32, #tpu.memory_space<hbm>>
          tpu.enqueue_dma source(%dma_start3A_176 : memref<80xi32, #tpu.memory_space<hbm>>) target(%arg15 : memref<80xi32, #tpu.memory_space<vmem>>) target_semaphore(%run_scoped3A : memref<!tpu.dma_semaphore, #tpu.memory_space<semaphore_mem>>)
          %dma_wait3A_177 = tpu.memref_slice %arg5[%add3A_168] : memref<320000xi32, #tpu.memory_space<hbm>> -> memref<80xi32, #tpu.memory_space<hbm>>
          %dma_wait3A_178 = tpu.memref_slice %arg5[%add3A_168] : memref<320000xi32, #tpu.memory_space<hbm>> -> memref<80xi32, #tpu.memory_space<hbm>>
          tpu.wait_dma2 semaphore(%run_scoped3A : memref<!tpu.dma_semaphore, #tpu.memory_space<semaphore_mem>>) src(%dma_wait3A_178 : memref<80xi32, #tpu.memory_space<hbm>>) dst(%arg15 : memref<80xi32, #tpu.memory_space<vmem>>)
          tpu.yield
        }) : () -> ()
        %dma_start3A_169 = arith.constant 0 : i32
        %dma_start3A_170 = arith.constant 0 : i32
        %dma_start3A_171 = tpu.memref_slice %arg2[%dma_start3A_169, %dma_start3A_170] : memref<10000x128xi32, #tpu.memory_space<hbm>> -> memref<10000x128xi32, #tpu.memory_space<hbm>>
        tpu.enqueue_indirect_dma source(%dma_start3A_171 : memref<10000x128xi32, #tpu.memory_space<hbm>>) target(%arg7 : memref<80x128xi32, #tpu.memory_space<vmem>>) offsets(%arg13 : memref<80xi32, #tpu.memory_space<vmem>>) semaphore(%arg17 : memref<!tpu.dma_semaphore, #tpu.memory_space<semaphore_mem>>)
        %dma_start3A_172 = arith.constant 0 : i32
        %dma_start3A_173 = arith.constant 0 : i32
        %dma_start3A_174 = tpu.memref_slice %arg3[%dma_start3A_172, %dma_start3A_173] : memref<10000x128xi32, #tpu.memory_space<hbm>> -> memref<10000x128xi32, #tpu.memory_space<hbm>>
        tpu.enqueue_indirect_dma source(%dma_start3A_174 : memref<10000x128xi32, #tpu.memory_space<hbm>>) target(%arg9 : memref<80x128xi32, #tpu.memory_space<vmem>>) offsets(%arg15 : memref<80xi32, #tpu.memory_space<vmem>>) semaphore(%arg17 : memref<!tpu.dma_semaphore, #tpu.memory_space<semaphore_mem>>)
      } else {
      }
      %mul3A_118 = arith.constant 2 : i32
      %mul3A_119 = arith.muli %mul3A_118, %scan3A_79 : i32
      %add3A_120 = arith.constant 1 : i32
      %add3A_121 = arith.addi %mul3A_119, %add3A_120 : i32
      %dma_wait3A_122 = arith.constant 0 : i32
      %dma_wait3A_123 = arith.constant 0 : i32
      %dma_wait3A_124 = tpu.memref_slice %arg2[%dma_wait3A_122, %dma_wait3A_123] : memref<10000x128xi32, #tpu.memory_space<hbm>> -> memref<80x128xi32, #tpu.memory_space<hbm>>
      %dma_wait3A_125 = arith.constant 0 : i32
      %dma_wait3A_126 = arith.constant 0 : i32
      %dma_wait3A_127 = tpu.memref_slice %arg2[%dma_wait3A_125, %dma_wait3A_126] : memref<10000x128xi32, #tpu.memory_space<hbm>> -> memref<80x128xi32, #tpu.memory_space<hbm>>
      tpu.wait_dma2 semaphore(%arg18 : memref<!tpu.dma_semaphore, #tpu.memory_space<semaphore_mem>>) src(%dma_wait3A_127 : memref<80x128xi32, #tpu.memory_space<hbm>>) dst(%arg8 : memref<80x128xi32, #tpu.memory_space<vmem>>)
      %dma_wait3A_128 = arith.constant 0 : i32
      %dma_wait3A_129 = arith.constant 0 : i32
      %dma_wait3A_130 = tpu.memref_slice %arg2[%dma_wait3A_128, %dma_wait3A_129] : memref<10000x128xi32, #tpu.memory_space<hbm>> -> memref<80x128xi32, #tpu.memory_space<hbm>>
      %dma_wait3A_131 = arith.constant 0 : i32
      %dma_wait3A_132 = arith.constant 0 : i32
      %dma_wait3A_133 = tpu.memref_slice %arg2[%dma_wait3A_131, %dma_wait3A_132] : memref<10000x128xi32, #tpu.memory_space<hbm>> -> memref<80x128xi32, #tpu.memory_space<hbm>>
      tpu.wait_dma2 semaphore(%arg18 : memref<!tpu.dma_semaphore, #tpu.memory_space<semaphore_mem>>) src(%dma_wait3A_133 : memref<80x128xi32, #tpu.memory_space<hbm>>) dst(%arg10 : memref<80x128xi32, #tpu.memory_space<vmem>>)
      %ge3A_134 = arith.constant 2 : i32
      %ge3A_135 = arith.cmpi sge, %add3A_121, %ge3A_134 : i32
      %convert_element_type3A_136 = arith.extui %ge3A_135 : i1 to i32
      %cond3A_137 = arith.constant 0 : i32
      %cond3A_138 = arith.cmpi ne, %convert_element_type3A_136, %cond3A_137 : i32
      scf.if %cond3A_138 {
        %dma_wait3A_158 = arith.constant 0 : i32
        %dma_wait3A_159 = arith.constant 0 : i32
        %dma_wait3A_160 = tpu.memref_slice %arg6[%dma_wait3A_158, %dma_wait3A_159] : memref<166400x128xi32, #tpu.memory_space<hbm>> -> memref<80x128xi32, #tpu.memory_space<hbm>>
        %dma_wait3A_161 = arith.constant 0 : i32
        %dma_wait3A_162 = arith.constant 0 : i32
        %dma_wait3A_163 = tpu.memref_slice %arg6[%dma_wait3A_161, %dma_wait3A_162] : memref<166400x128xi32, #tpu.memory_space<hbm>> -> memref<80x128xi32, #tpu.memory_space<hbm>>
        tpu.wait_dma2 semaphore(%arg20 : memref<!tpu.dma_semaphore, #tpu.memory_space<semaphore_mem>>) src(%arg12 : memref<80x128xi32, #tpu.memory_space<vmem>>) dst(%dma_wait3A_163 : memref<80x128xi32, #tpu.memory_space<hbm>>)
      } else {
      }
      %parallel_loop3A_139 = arith.constant 0 : i32
      %parallel_loop3A_140 = arith.constant 80 : i32
      %parallel_loop3A_141 = arith.constant 1 : i32
      scf.for %parallel_loop3A_158 = %parallel_loop3A_139 to %parallel_loop3A_140 step %parallel_loop3A_141  : i32 {
        %parallel_loop3A_159 = arith.index_cast %parallel_loop3A_158 : i32 to index
        %parallel_loop3A_160 = arith.constant 0 : index
        %parallel_loop3A_161 = tpu.vector_load %arg8[%parallel_loop3A_159, %parallel_loop3A_160] {strides = array<i32>} : memref<80x128xi32, #tpu.memory_space<vmem>>, vector<16xi32>,
        %parallel_loop3A_162 = vector.bitcast %parallel_loop3A_161 : vector<16xi32> to vector<32xbf16>
        %parallel_loop3A_163 = arith.index_cast %parallel_loop3A_158 : i32 to index
        %parallel_loop3A_164 = arith.constant 0 : index
        %parallel_loop3A_165 = tpu.vector_load %arg10[%parallel_loop3A_163, %parallel_loop3A_164] {strides = array<i32>} : memref<80x128xi32, #tpu.memory_space<vmem>>, vector<16xi32>,
        %parallel_loop3A_166 = vector.bitcast %parallel_loop3A_165 : vector<16xi32> to vector<32xbf16>
        %parallel_loop3A_167 = arith.addf %parallel_loop3A_162, %parallel_loop3A_166 : vector<32xbf16>
        %parallel_loop3A_168 = vector.bitcast %parallel_loop3A_167 : vector<32xbf16> to vector<16xi32>
        %parallel_loop3A_169 = arith.index_cast %parallel_loop3A_158 : i32 to index
        %parallel_loop3A_170 = arith.constant 0 : index
        %parallel_loop3A_171 = tpu.vector_load %arg12[%parallel_loop3A_169, %parallel_loop3A_170] {strides = array<i32>} : memref<80x128xi32, #tpu.memory_space<vmem>>, vector<16xi32>,
        tpu.vector_store %arg12[%parallel_loop3A_169, %parallel_loop3A_170], %parallel_loop3A_168 {strides = array<i32>} : memref<80x128xi32, #tpu.memory_space<vmem>>, vector<16xi32>,
        %parallel_loop3A_172 = arith.index_cast %parallel_loop3A_158 : i32 to index
        %parallel_loop3A_173 = arith.constant 16 : index
        %parallel_loop3A_174 = tpu.vector_load %arg8[%parallel_loop3A_172, %parallel_loop3A_173] {strides = array<i32>} : memref<80x128xi32, #tpu.memory_space<vmem>>, vector<16xi32>,
        %parallel_loop3A_175 = vector.bitcast %parallel_loop3A_174 : vector<16xi32> to vector<32xbf16>
        %parallel_loop3A_176 = arith.index_cast %parallel_loop3A_158 : i32 to index
        %parallel_loop3A_177 = arith.constant 16 : index
        %parallel_loop3A_178 = tpu.vector_load %arg10[%parallel_loop3A_176, %parallel_loop3A_177] {strides = array<i32>} : memref<80x128xi32, #tpu.memory_space<vmem>>, vector<16xi32>,
        %parallel_loop3A_179 = vector.bitcast %parallel_loop3A_178 : vector<16xi32> to vector<32xbf16>
        %parallel_loop3A_180 = arith.addf %parallel_loop3A_175, %parallel_loop3A_179 : vector<32xbf16>
        %parallel_loop3A_181 = vector.bitcast %parallel_loop3A_180 : vector<32xbf16> to vector<16xi32>
        %parallel_loop3A_182 = arith.index_cast %parallel_loop3A_158 : i32 to index
        %parallel_loop3A_183 = arith.constant 16 : index
        %parallel_loop3A_184 = tpu.vector_load %arg12[%parallel_loop3A_182, %parallel_loop3A_183] {strides = array<i32>} : memref<80x128xi32, #tpu.memory_space<vmem>>, vector<16xi32>,
        tpu.vector_store %arg12[%parallel_loop3A_182, %parallel_loop3A_183], %parallel_loop3A_181 {strides = array<i32>} : memref<80x128xi32, #tpu.memory_space<vmem>>, vector<16xi32>,
        %parallel_loop3A_185 = arith.index_cast %parallel_loop3A_158 : i32 to index
        %parallel_loop3A_186 = arith.constant 32 : index
        %parallel_loop3A_187 = tpu.vector_load %arg8[%parallel_loop3A_185, %parallel_loop3A_186] {strides = array<i32>} : memref<80x128xi32, #tpu.memory_space<vmem>>, vector<16xi32>,
        %parallel_loop3A_188 = vector.bitcast %parallel_loop3A_187 : vector<16xi32> to vector<32xbf16>
        %parallel_loop3A_189 = arith.index_cast %parallel_loop3A_158 : i32 to index
        %parallel_loop3A_190 = arith.constant 32 : index
        %parallel_loop3A_191 = tpu.vector_load %arg10[%parallel_loop3A_189, %parallel_loop3A_190] {strides = array<i32>} : memref<80x128xi32, #tpu.memory_space<vmem>>, vector<16xi32>,
        %parallel_loop3A_192 = vector.bitcast %parallel_loop3A_191 : vector<16xi32> to vector<32xbf16>
        %parallel_loop3A_193 = arith.addf %parallel_loop3A_188, %parallel_loop3A_192 : vector<32xbf16>
        %parallel_loop3A_194 = vector.bitcast %parallel_loop3A_193 : vector<32xbf16> to vector<16xi32>
        %parallel_loop3A_195 = arith.index_cast %parallel_loop3A_158 : i32 to index
        %parallel_loop3A_196 = arith.constant 32 : index
        %parallel_loop3A_197 = tpu.vector_load %arg12[%parallel_loop3A_195, %parallel_loop3A_196] {strides = array<i32>} : memref<80x128xi32, #tpu.memory_space<vmem>>, vector<16xi32>,
        tpu.vector_store %arg12[%parallel_loop3A_195, %parallel_loop3A_196], %parallel_loop3A_194 {strides = array<i32>} : memref<80x128xi32, #tpu.memory_space<vmem>>, vector<16xi32>,
        %parallel_loop3A_198 = arith.index_cast %parallel_loop3A_158 : i32 to index
        %parallel_loop3A_199 = arith.constant 48 : index
        %parallel_loop3A_200 = tpu.vector_load %arg8[%parallel_loop3A_198, %parallel_loop3A_199] {strides = array<i32>} : memref<80x128xi32, #tpu.memory_space<vmem>>, vector<16xi32>,
        %parallel_loop3A_201 = vector.bitcast %parallel_loop3A_200 : vector<16xi32> to vector<32xbf16>
        %parallel_loop3A_202 = arith.index_cast %parallel_loop3A_158 : i32 to index
        %parallel_loop3A_203 = arith.constant 48 : index
        %parallel_loop3A_204 = tpu.vector_load %arg10[%parallel_loop3A_202, %parallel_loop3A_203] {strides = array<i32>} : memref<80x128xi32, #tpu.memory_space<vmem>>, vector<16xi32>,
        %parallel_loop3A_205 = vector.bitcast %parallel_loop3A_204 : vector<16xi32> to vector<32xbf16>
        %parallel_loop3A_206 = arith.addf %parallel_loop3A_201, %parallel_loop3A_205 : vector<32xbf16>
        %parallel_loop3A_207 = vector.bitcast %parallel_loop3A_206 : vector<32xbf16> to vector<16xi32>
        %parallel_loop3A_208 = arith.index_cast %parallel_loop3A_158 : i32 to index
        %parallel_loop3A_209 = arith.constant 48 : index
        %parallel_loop3A_210 = tpu.vector_load %arg12[%parallel_loop3A_208, %parallel_loop3A_209] {strides = array<i32>} : memref<80x128xi32, #tpu.memory_space<vmem>>, vector<16xi32>,
        tpu.vector_store %arg12[%parallel_loop3A_208, %parallel_loop3A_209], %parallel_loop3A_207 {strides = array<i32>} : memref<80x128xi32, #tpu.memory_space<vmem>>, vector<16xi32>,
        %parallel_loop3A_211 = arith.index_cast %parallel_loop3A_158 : i32 to index
        %parallel_loop3A_212 = arith.constant 64 : index
        %parallel_loop3A_213 = tpu.vector_load %arg8[%parallel_loop3A_211, %parallel_loop3A_212] {strides = array<i32>} : memref<80x128xi32, #tpu.memory_space<vmem>>, vector<16xi32>,
        %parallel_loop3A_214 = vector.bitcast %parallel_loop3A_213 : vector<16xi32> to vector<32xbf16>
        %parallel_loop3A_215 = arith.index_cast %parallel_loop3A_158 : i32 to index
        %parallel_loop3A_216 = arith.constant 64 : index
        %parallel_loop3A_217 = tpu.vector_load %arg10[%parallel_loop3A_215, %parallel_loop3A_216] {strides = array<i32>} : memref<80x128xi32, #tpu.memory_space<vmem>>, vector<16xi32>,
        %parallel_loop3A_218 = vector.bitcast %parallel_loop3A_217 : vector<16xi32> to vector<32xbf16>
        %parallel_loop3A_219 = arith.addf %parallel_loop3A_214, %parallel_loop3A_218 : vector<32xbf16>
        %parallel_loop3A_220 = vector.bitcast %parallel_loop3A_219 : vector<32xbf16> to vector<16xi32>
        %parallel_loop3A_221 = arith.index_cast %parallel_loop3A_158 : i32 to index
        %parallel_loop3A_222 = arith.constant 64 : index
        %parallel_loop3A_223 = tpu.vector_load %arg12[%parallel_loop3A_221, %parallel_loop3A_222] {strides = array<i32>} : memref<80x128xi32, #tpu.memory_space<vmem>>, vector<16xi32>,
        tpu.vector_store %arg12[%parallel_loop3A_221, %parallel_loop3A_222], %parallel_loop3A_220 {strides = array<i32>} : memref<80x128xi32, #tpu.memory_space<vmem>>, vector<16xi32>,
        %parallel_loop3A_224 = arith.index_cast %parallel_loop3A_158 : i32 to index
        %parallel_loop3A_225 = arith.constant 80 : index
        %parallel_loop3A_226 = tpu.vector_load %arg8[%parallel_loop3A_224, %parallel_loop3A_225] {strides = array<i32>} : memref<80x128xi32, #tpu.memory_space<vmem>>, vector<16xi32>,
        %parallel_loop3A_227 = vector.bitcast %parallel_loop3A_226 : vector<16xi32> to vector<32xbf16>
        %parallel_loop3A_228 = arith.index_cast %parallel_loop3A_158 : i32 to index
        %parallel_loop3A_229 = arith.constant 80 : index
        %parallel_loop3A_230 = tpu.vector_load %arg10[%parallel_loop3A_228, %parallel_loop3A_229] {strides = array<i32>} : memref<80x128xi32, #tpu.memory_space<vmem>>, vector<16xi32>,
        %parallel_loop3A_231 = vector.bitcast %parallel_loop3A_230 : vector<16xi32> to vector<32xbf16>
        %parallel_loop3A_232 = arith.addf %parallel_loop3A_227, %parallel_loop3A_231 : vector<32xbf16>
        %parallel_loop3A_233 = vector.bitcast %parallel_loop3A_232 : vector<32xbf16> to vector<16xi32>
        %parallel_loop3A_234 = arith.index_cast %parallel_loop3A_158 : i32 to index
        %parallel_loop3A_235 = arith.constant 80 : index
        %parallel_loop3A_236 = tpu.vector_load %arg12[%parallel_loop3A_234, %parallel_loop3A_235] {strides = array<i32>} : memref<80x128xi32, #tpu.memory_space<vmem>>, vector<16xi32>,
        tpu.vector_store %arg12[%parallel_loop3A_234, %parallel_loop3A_235], %parallel_loop3A_233 {strides = array<i32>} : memref<80x128xi32, #tpu.memory_space<vmem>>, vector<16xi32>,
        %parallel_loop3A_237 = arith.index_cast %parallel_loop3A_158 : i32 to index
        %parallel_loop3A_238 = arith.constant 96 : index
        %parallel_loop3A_239 = tpu.vector_load %arg8[%parallel_loop3A_237, %parallel_loop3A_238] {strides = array<i32>} : memref<80x128xi32, #tpu.memory_space<vmem>>, vector<16xi32>,
        %parallel_loop3A_240 = vector.bitcast %parallel_loop3A_239 : vector<16xi32> to vector<32xbf16>
        %parallel_loop3A_241 = arith.index_cast %parallel_loop3A_158 : i32 to index
        %parallel_loop3A_242 = arith.constant 96 : index
        %parallel_loop3A_243 = tpu.vector_load %arg10[%parallel_loop3A_241, %parallel_loop3A_242] {strides = array<i32>} : memref<80x128xi32, #tpu.memory_space<vmem>>, vector<16xi32>,
        %parallel_loop3A_244 = vector.bitcast %parallel_loop3A_243 : vector<16xi32> to vector<32xbf16>
        %parallel_loop3A_245 = arith.addf %parallel_loop3A_240, %parallel_loop3A_244 : vector<32xbf16>
        %parallel_loop3A_246 = vector.bitcast %parallel_loop3A_245 : vector<32xbf16> to vector<16xi32>
        %parallel_loop3A_247 = arith.index_cast %parallel_loop3A_158 : i32 to index
        %parallel_loop3A_248 = arith.constant 96 : index
        %parallel_loop3A_249 = tpu.vector_load %arg12[%parallel_loop3A_247, %parallel_loop3A_248] {strides = array<i32>} : memref<80x128xi32, #tpu.memory_space<vmem>>, vector<16xi32>,
        tpu.vector_store %arg12[%parallel_loop3A_247, %parallel_loop3A_248], %parallel_loop3A_246 {strides = array<i32>} : memref<80x128xi32, #tpu.memory_space<vmem>>, vector<16xi32>,
        %parallel_loop3A_250 = arith.index_cast %parallel_loop3A_158 : i32 to index
        %parallel_loop3A_251 = arith.constant 112 : index
        %parallel_loop3A_252 = tpu.vector_load %arg8[%parallel_loop3A_250, %parallel_loop3A_251] {strides = array<i32>} : memref<80x128xi32, #tpu.memory_space<vmem>>, vector<16xi32>,
        %parallel_loop3A_253 = vector.bitcast %parallel_loop3A_252 : vector<16xi32> to vector<32xbf16>
        %parallel_loop3A_254 = arith.index_cast %parallel_loop3A_158 : i32 to index
        %parallel_loop3A_255 = arith.constant 112 : index
        %parallel_loop3A_256 = tpu.vector_load %arg10[%parallel_loop3A_254, %parallel_loop3A_255] {strides = array<i32>} : memref<80x128xi32, #tpu.memory_space<vmem>>, vector<16xi32>,
        %parallel_loop3A_257 = vector.bitcast %parallel_loop3A_256 : vector<16xi32> to vector<32xbf16>
        %parallel_loop3A_258 = arith.addf %parallel_loop3A_253, %parallel_loop3A_257 : vector<32xbf16>
        %parallel_loop3A_259 = vector.bitcast %parallel_loop3A_258 : vector<32xbf16> to vector<16xi32>
        %parallel_loop3A_260 = arith.index_cast %parallel_loop3A_158 : i32 to index
        %parallel_loop3A_261 = arith.constant 112 : index
        %parallel_loop3A_262 = tpu.vector_load %arg12[%parallel_loop3A_260, %parallel_loop3A_261] {strides = array<i32>} : memref<80x128xi32, #tpu.memory_space<vmem>>, vector<16xi32>,
        tpu.vector_store %arg12[%parallel_loop3A_260, %parallel_loop3A_261], %parallel_loop3A_259 {strides = array<i32>} : memref<80x128xi32, #tpu.memory_space<vmem>>, vector<16xi32>,
      } {sc.loop_unroll_factor = 2 : i64, sc.parallel_access}
      %mul3A_142 = arith.constant 5200 : i32
      %mul3A_143 = arith.muli %add3A, %mul3A_142 : i32
      %mul3A_144 = arith.constant 80 : i32
      %mul3A_145 = arith.muli %add3A_121, %mul3A_144 : i32
      %add3A_146 = arith.addi %mul3A_143, %mul3A_145 : i32
      %dma_start3A_147 = arith.constant 0 : i32
      %dma_start3A_148 = tpu.memref_slice %arg6[%add3A_146, %dma_start3A_147] : memref<166400x128xi32, #tpu.memory_space<hbm>> -> memref<80x128xi32, #tpu.memory_space<hbm>>
      %dma_start3A_149 = arith.constant 0 : i32
      %dma_start3A_150 = tpu.memref_slice %arg6[%add3A_146, %dma_start3A_149] : memref<166400x128xi32, #tpu.memory_space<hbm>> -> memref<80x128xi32, #tpu.memory_space<hbm>>
      tpu.enqueue_dma source(%arg12 : memref<80x128xi32, #tpu.memory_space<vmem>>) target(%dma_start3A_150 : memref<80x128xi32, #tpu.memory_space<hbm>>) target_semaphore(%arg20 : memref<!tpu.dma_semaphore, #tpu.memory_space<semaphore_mem>>)
      %add3A_151 = arith.constant 2 : i32
      %add3A_152 = arith.addi %add3A_121, %add3A_151 : i32
      %lt3A_153 = arith.constant 65 : i32
      %lt3A_154 = arith.cmpi slt, %add3A_152, %lt3A_153 : i32
      %convert_element_type3A_155 = arith.extui %lt3A_154 : i1 to i32
      %cond3A_156 = arith.constant 0 : i32
      %cond3A_157 = arith.cmpi ne, %convert_element_type3A_155, %cond3A_156 : i32
      scf.if %cond3A_157 {
        %add3A_158 = arith.constant 2 : i32
        %add3A_159 = arith.addi %add3A_121, %add3A_158 : i32
        %mul3A_160 = arith.constant 5200 : i32
        %mul3A_161 = arith.muli %add3A, %mul3A_160 : i32
        %mul3A_162 = arith.constant 80 : i32
        %mul3A_163 = arith.muli %add3A_159, %mul3A_162 : i32
        %add3A_164 = arith.addi %mul3A_161, %mul3A_163 : i32
        %add3A_165 = arith.constant 153600 : i32
        %add3A_166 = arith.addi %add3A_165, %add3A_164 : i32
        "tpu.region"() ({
          %run_scoped3A = tpu.sem_alloc : memref<!tpu.dma_semaphore, #tpu.memory_space<semaphore_mem>>
          %dma_start3A_175 = tpu.memref_slice %arg4[%add3A_166] : memref<320000xi32, #tpu.memory_space<hbm>> -> memref<80xi32, #tpu.memory_space<hbm>>
          %dma_start3A_176 = tpu.memref_slice %arg4[%add3A_166] : memref<320000xi32, #tpu.memory_space<hbm>> -> memref<80xi32, #tpu.memory_space<hbm>>
          tpu.enqueue_dma source(%dma_start3A_176 : memref<80xi32, #tpu.memory_space<hbm>>) target(%arg14 : memref<80xi32, #tpu.memory_space<vmem>>) target_semaphore(%run_scoped3A : memref<!tpu.dma_semaphore, #tpu.memory_space<semaphore_mem>>)
          %dma_wait3A_177 = tpu.memref_slice %arg4[%add3A_166] : memref<320000xi32, #tpu.memory_space<hbm>> -> memref<80xi32, #tpu.memory_space<hbm>>
          %dma_wait3A_178 = tpu.memref_slice %arg4[%add3A_166] : memref<320000xi32, #tpu.memory_space<hbm>> -> memref<80xi32, #tpu.memory_space<hbm>>
          tpu.wait_dma2 semaphore(%run_scoped3A : memref<!tpu.dma_semaphore, #tpu.memory_space<semaphore_mem>>) src(%dma_wait3A_178 : memref<80xi32, #tpu.memory_space<hbm>>) dst(%arg14 : memref<80xi32, #tpu.memory_space<vmem>>)
          tpu.yield
        }) : () -> ()
        %add3A_167 = arith.constant 153600 : i32
        %add3A_168 = arith.addi %add3A_167, %add3A_164 : i32
        "tpu.region"() ({
          %run_scoped3A = tpu.sem_alloc : memref<!tpu.dma_semaphore, #tpu.memory_space<semaphore_mem>>
          %dma_start3A_175 = tpu.memref_slice %arg5[%add3A_168] : memref<320000xi32, #tpu.memory_space<hbm>> -> memref<80xi32, #tpu.memory_space<hbm>>
          %dma_start3A_176 = tpu.memref_slice %arg5[%add3A_168] : memref<320000xi32, #tpu.memory_space<hbm>> -> memref<80xi32, #tpu.memory_space<hbm>>
          tpu.enqueue_dma source(%dma_start3A_176 : memref<80xi32, #tpu.memory_space<hbm>>) target(%arg16 : memref<80xi32, #tpu.memory_space<vmem>>) target_semaphore(%run_scoped3A : memref<!tpu.dma_semaphore, #tpu.memory_space<semaphore_mem>>)
          %dma_wait3A_177 = tpu.memref_slice %arg5[%add3A_168] : memref<320000xi32, #tpu.memory_space<hbm>> -> memref<80xi32, #tpu.memory_space<hbm>>
          %dma_wait3A_178 = tpu.memref_slice %arg5[%add3A_168] : memref<320000xi32, #tpu.memory_space<hbm>> -> memref<80xi32, #tpu.memory_space<hbm>>
          tpu.wait_dma2 semaphore(%run_scoped3A : memref<!tpu.dma_semaphore, #tpu.memory_space<semaphore_mem>>) src(%dma_wait3A_178 : memref<80xi32, #tpu.memory_space<hbm>>) dst(%arg16 : memref<80xi32, #tpu.memory_space<vmem>>)
          tpu.yield
        }) : () -> ()
        %dma_start3A_169 = arith.constant 0 : i32
        %dma_start3A_170 = arith.constant 0 : i32
        %dma_start3A_171 = tpu.memref_slice %arg2[%dma_start3A_169, %dma_start3A_170] : memref<10000x128xi32, #tpu.memory_space<hbm>> -> memref<10000x128xi32, #tpu.memory_space<hbm>>
        tpu.enqueue_indirect_dma source(%dma_start3A_171 : memref<10000x128xi32, #tpu.memory_space<hbm>>) target(%arg8 : memref<80x128xi32, #tpu.memory_space<vmem>>) offsets(%arg14 : memref<80xi32, #tpu.memory_space<vmem>>) semaphore(%arg18 : memref<!tpu.dma_semaphore, #tpu.memory_space<semaphore_mem>>)
        %dma_start3A_172 = arith.constant 0 : i32
        %dma_start3A_173 = arith.constant 0 : i32
        %dma_start3A_174 = tpu.memref_slice %arg3[%dma_start3A_172, %dma_start3A_173] : memref<10000x128xi32, #tpu.memory_space<hbm>> -> memref<10000x128xi32, #tpu.memory_space<hbm>>
        tpu.enqueue_indirect_dma source(%dma_start3A_174 : memref<10000x128xi32, #tpu.memory_space<hbm>>) target(%arg10 : memref<80x128xi32, #tpu.memory_space<vmem>>) offsets(%arg16 : memref<80xi32, #tpu.memory_space<vmem>>) semaphore(%arg18 : memref<!tpu.dma_semaphore, #tpu.memory_space<semaphore_mem>>)
      } else {
      }
    }
    %scan3A_32 = arith.constant 32 : i32
    %dma_wait3A = arith.constant 0 : i32
    %dma_wait3A_33 = arith.constant 0 : i32
    %dma_wait3A_34 = tpu.memref_slice %arg2[%dma_wait3A, %dma_wait3A_33] : memref<10000x128xi32, #tpu.memory_space<hbm>> -> memref<80x128xi32, #tpu.memory_space<hbm>>
    %dma_wait3A_35 = arith.constant 0 : i32
    %dma_wait3A_36 = arith.constant 0 : i32
    %dma_wait3A_37 = tpu.memref_slice %arg2[%dma_wait3A_35, %dma_wait3A_36] : memref<10000x128xi32, #tpu.memory_space<hbm>> -> memref<80x128xi32, #tpu.memory_space<hbm>>
    tpu.wait_dma2 semaphore(%arg17 : memref<!tpu.dma_semaphore, #tpu.memory_space<semaphore_mem>>) src(%dma_wait3A_37 : memref<80x128xi32, #tpu.memory_space<hbm>>) dst(%arg7 : memref<80x128xi32, #tpu.memory_space<vmem>>)
    %dma_wait3A_38 = arith.constant 0 : i32
    %dma_wait3A_39 = arith.constant 0 : i32
    %dma_wait3A_40 = tpu.memref_slice %arg2[%dma_wait3A_38, %dma_wait3A_39] : memref<10000x128xi32, #tpu.memory_space<hbm>> -> memref<80x128xi32, #tpu.memory_space<hbm>>
    %dma_wait3A_41 = arith.constant 0 : i32
    %dma_wait3A_42 = arith.constant 0 : i32
    %dma_wait3A_43 = tpu.memref_slice %arg2[%dma_wait3A_41, %dma_wait3A_42] : memref<10000x128xi32, #tpu.memory_space<hbm>> -> memref<80x128xi32, #tpu.memory_space<hbm>>
    tpu.wait_dma2 semaphore(%arg17 : memref<!tpu.dma_semaphore, #tpu.memory_space<semaphore_mem>>) src(%dma_wait3A_43 : memref<80x128xi32, #tpu.memory_space<hbm>>) dst(%arg9 : memref<80x128xi32, #tpu.memory_space<vmem>>)
    %ge3A = arith.constant 64 : i32
    %ge3A_44 = arith.constant 2 : i32
    %ge3A_45 = arith.cmpi sge, %ge3A, %ge3A_44 : i32
    %convert_element_type3A = arith.extui %ge3A_45 : i1 to i32
    %cond3A = arith.constant 0 : i32
    %cond3A_46 = arith.cmpi ne, %convert_element_type3A, %cond3A : i32
    scf.if %cond3A_46 {
      %dma_wait3A_79 = arith.constant 0 : i32
      %dma_wait3A_80 = arith.constant 0 : i32
      %dma_wait3A_81 = tpu.memref_slice %arg6[%dma_wait3A_79, %dma_wait3A_80] : memref<166400x128xi32, #tpu.memory_space<hbm>> -> memref<80x128xi32, #tpu.memory_space<hbm>>
      %dma_wait3A_82 = arith.constant 0 : i32
      %dma_wait3A_83 = arith.constant 0 : i32
      %dma_wait3A_84 = tpu.memref_slice %arg6[%dma_wait3A_82, %dma_wait3A_83] : memref<166400x128xi32, #tpu.memory_space<hbm>> -> memref<80x128xi32, #tpu.memory_space<hbm>>
      tpu.wait_dma2 semaphore(%arg19 : memref<!tpu.dma_semaphore, #tpu.memory_space<semaphore_mem>>) src(%arg11 : memref<80x128xi32, #tpu.memory_space<vmem>>) dst(%dma_wait3A_84 : memref<80x128xi32, #tpu.memory_space<hbm>>)
    } else {
    }
    %parallel_loop3A = arith.constant 0 : i32
    %parallel_loop3A_47 = arith.constant 80 : i32
    %parallel_loop3A_48 = arith.constant 1 : i32
    scf.for %parallel_loop3A_79 = %parallel_loop3A to %parallel_loop3A_47 step %parallel_loop3A_48  : i32 {
      %parallel_loop3A_80 = arith.index_cast %parallel_loop3A_79 : i32 to index
      %parallel_loop3A_81 = arith.constant 0 : index
      %parallel_loop3A_82 = tpu.vector_load %arg7[%parallel_loop3A_80, %parallel_loop3A_81] {strides = array<i32>} : memref<80x128xi32, #tpu.memory_space<vmem>>, vector<16xi32>,
      %parallel_loop3A_83 = vector.bitcast %parallel_loop3A_82 : vector<16xi32> to vector<32xbf16>
      %parallel_loop3A_84 = arith.index_cast %parallel_loop3A_79 : i32 to index
      %parallel_loop3A_85 = arith.constant 0 : index
      %parallel_loop3A_86 = tpu.vector_load %arg9[%parallel_loop3A_84, %parallel_loop3A_85] {strides = array<i32>} : memref<80x128xi32, #tpu.memory_space<vmem>>, vector<16xi32>,
      %parallel_loop3A_87 = vector.bitcast %parallel_loop3A_86 : vector<16xi32> to vector<32xbf16>
      %parallel_loop3A_88 = arith.addf %parallel_loop3A_83, %parallel_loop3A_87 : vector<32xbf16>
      %parallel_loop3A_89 = vector.bitcast %parallel_loop3A_88 : vector<32xbf16> to vector<16xi32>
      %parallel_loop3A_90 = arith.index_cast %parallel_loop3A_79 : i32 to index
      %parallel_loop3A_91 = arith.constant 0 : index
      %parallel_loop3A_92 = tpu.vector_load %arg11[%parallel_loop3A_90, %parallel_loop3A_91] {strides = array<i32>} : memref<80x128xi32, #tpu.memory_space<vmem>>, vector<16xi32>,
      tpu.vector_store %arg11[%parallel_loop3A_90, %parallel_loop3A_91], %parallel_loop3A_89 {strides = array<i32>} : memref<80x128xi32, #tpu.memory_space<vmem>>, vector<16xi32>,
      %parallel_loop3A_93 = arith.index_cast %parallel_loop3A_79 : i32 to index
      %parallel_loop3A_94 = arith.constant 16 : index
      %parallel_loop3A_95 = tpu.vector_load %arg7[%parallel_loop3A_93, %parallel_loop3A_94] {strides = array<i32>} : memref<80x128xi32, #tpu.memory_space<vmem>>, vector<16xi32>,
      %parallel_loop3A_96 = vector.bitcast %parallel_loop3A_95 : vector<16xi32> to vector<32xbf16>
      %parallel_loop3A_97 = arith.index_cast %parallel_loop3A_79 : i32 to index
      %parallel_loop3A_98 = arith.constant 16 : index
      %parallel_loop3A_99 = tpu.vector_load %arg9[%parallel_loop3A_97, %parallel_loop3A_98] {strides = array<i32>} : memref<80x128xi32, #tpu.memory_space<vmem>>, vector<16xi32>,
      %parallel_loop3A_100 = vector.bitcast %parallel_loop3A_99 : vector<16xi32> to vector<32xbf16>
      %parallel_loop3A_101 = arith.addf %parallel_loop3A_96, %parallel_loop3A_100 : vector<32xbf16>
      %parallel_loop3A_102 = vector.bitcast %parallel_loop3A_101 : vector<32xbf16> to vector<16xi32>
      %parallel_loop3A_103 = arith.index_cast %parallel_loop3A_79 : i32 to index
      %parallel_loop3A_104 = arith.constant 16 : index
      %parallel_loop3A_105 = tpu.vector_load %arg11[%parallel_loop3A_103, %parallel_loop3A_104] {strides = array<i32>} : memref<80x128xi32, #tpu.memory_space<vmem>>, vector<16xi32>,
      tpu.vector_store %arg11[%parallel_loop3A_103, %parallel_loop3A_104], %parallel_loop3A_102 {strides = array<i32>} : memref<80x128xi32, #tpu.memory_space<vmem>>, vector<16xi32>,
      %parallel_loop3A_106 = arith.index_cast %parallel_loop3A_79 : i32 to index
      %parallel_loop3A_107 = arith.constant 32 : index
      %parallel_loop3A_108 = tpu.vector_load %arg7[%parallel_loop3A_106, %parallel_loop3A_107] {strides = array<i32>} : memref<80x128xi32, #tpu.memory_space<vmem>>, vector<16xi32>,
      %parallel_loop3A_109 = vector.bitcast %parallel_loop3A_108 : vector<16xi32> to vector<32xbf16>
      %parallel_loop3A_110 = arith.index_cast %parallel_loop3A_79 : i32 to index
      %parallel_loop3A_111 = arith.constant 32 : index
      %parallel_loop3A_112 = tpu.vector_load %arg9[%parallel_loop3A_110, %parallel_loop3A_111] {strides = array<i32>} : memref<80x128xi32, #tpu.memory_space<vmem>>, vector<16xi32>,
      %parallel_loop3A_113 = vector.bitcast %parallel_loop3A_112 : vector<16xi32> to vector<32xbf16>
      %parallel_loop3A_114 = arith.addf %parallel_loop3A_109, %parallel_loop3A_113 : vector<32xbf16>
      %parallel_loop3A_115 = vector.bitcast %parallel_loop3A_114 : vector<32xbf16> to vector<16xi32>
      %parallel_loop3A_116 = arith.index_cast %parallel_loop3A_79 : i32 to index
      %parallel_loop3A_117 = arith.constant 32 : index
      %parallel_loop3A_118 = tpu.vector_load %arg11[%parallel_loop3A_116, %parallel_loop3A_117] {strides = array<i32>} : memref<80x128xi32, #tpu.memory_space<vmem>>, vector<16xi32>,
      tpu.vector_store %arg11[%parallel_loop3A_116, %parallel_loop3A_117], %parallel_loop3A_115 {strides = array<i32>} : memref<80x128xi32, #tpu.memory_space<vmem>>, vector<16xi32>,
      %parallel_loop3A_119 = arith.index_cast %parallel_loop3A_79 : i32 to index
      %parallel_loop3A_120 = arith.constant 48 : index
      %parallel_loop3A_121 = tpu.vector_load %arg7[%parallel_loop3A_119, %parallel_loop3A_120] {strides = array<i32>} : memref<80x128xi32, #tpu.memory_space<vmem>>, vector<16xi32>,
      %parallel_loop3A_122 = vector.bitcast %parallel_loop3A_121 : vector<16xi32> to vector<32xbf16>
      %parallel_loop3A_123 = arith.index_cast %parallel_loop3A_79 : i32 to index
      %parallel_loop3A_124 = arith.constant 48 : index
      %parallel_loop3A_125 = tpu.vector_load %arg9[%parallel_loop3A_123, %parallel_loop3A_124] {strides = array<i32>} : memref<80x128xi32, #tpu.memory_space<vmem>>, vector<16xi32>,
      %parallel_loop3A_126 = vector.bitcast %parallel_loop3A_125 : vector<16xi32> to vector<32xbf16>
      %parallel_loop3A_127 = arith.addf %parallel_loop3A_122, %parallel_loop3A_126 : vector<32xbf16>
      %parallel_loop3A_128 = vector.bitcast %parallel_loop3A_127 : vector<32xbf16> to vector<16xi32>
      %parallel_loop3A_129 = arith.index_cast %parallel_loop3A_79 : i32 to index
      %parallel_loop3A_130 = arith.constant 48 : index
      %parallel_loop3A_131 = tpu.vector_load %arg11[%parallel_loop3A_129, %parallel_loop3A_130] {strides = array<i32>} : memref<80x128xi32, #tpu.memory_space<vmem>>, vector<16xi32>,
      tpu.vector_store %arg11[%parallel_loop3A_129, %parallel_loop3A_130], %parallel_loop3A_128 {strides = array<i32>} : memref<80x128xi32, #tpu.memory_space<vmem>>, vector<16xi32>,
      %parallel_loop3A_132 = arith.index_cast %parallel_loop3A_79 : i32 to index
      %parallel_loop3A_133 = arith.constant 64 : index
      %parallel_loop3A_134 = tpu.vector_load %arg7[%parallel_loop3A_132, %parallel_loop3A_133] {strides = array<i32>} : memref<80x128xi32, #tpu.memory_space<vmem>>, vector<16xi32>,
      %parallel_loop3A_135 = vector.bitcast %parallel_loop3A_134 : vector<16xi32> to vector<32xbf16>
      %parallel_loop3A_136 = arith.index_cast %parallel_loop3A_79 : i32 to index
      %parallel_loop3A_137 = arith.constant 64 : index
      %parallel_loop3A_138 = tpu.vector_load %arg9[%parallel_loop3A_136, %parallel_loop3A_137] {strides = array<i32>} : memref<80x128xi32, #tpu.memory_space<vmem>>, vector<16xi32>,
      %parallel_loop3A_139 = vector.bitcast %parallel_loop3A_138 : vector<16xi32> to vector<32xbf16>
      %parallel_loop3A_140 = arith.addf %parallel_loop3A_135, %parallel_loop3A_139 : vector<32xbf16>
      %parallel_loop3A_141 = vector.bitcast %parallel_loop3A_140 : vector<32xbf16> to vector<16xi32>
      %parallel_loop3A_142 = arith.index_cast %parallel_loop3A_79 : i32 to index
      %parallel_loop3A_143 = arith.constant 64 : index
      %parallel_loop3A_144 = tpu.vector_load %arg11[%parallel_loop3A_142, %parallel_loop3A_143] {strides = array<i32>} : memref<80x128xi32, #tpu.memory_space<vmem>>, vector<16xi32>,
      tpu.vector_store %arg11[%parallel_loop3A_142, %parallel_loop3A_143], %parallel_loop3A_141 {strides = array<i32>} : memref<80x128xi32, #tpu.memory_space<vmem>>, vector<16xi32>,
      %parallel_loop3A_145 = arith.index_cast %parallel_loop3A_79 : i32 to index
      %parallel_loop3A_146 = arith.constant 80 : index
      %parallel_loop3A_147 = tpu.vector_load %arg7[%parallel_loop3A_145, %parallel_loop3A_146] {strides = array<i32>} : memref<80x128xi32, #tpu.memory_space<vmem>>, vector<16xi32>,
      %parallel_loop3A_148 = vector.bitcast %parallel_loop3A_147 : vector<16xi32> to vector<32xbf16>
      %parallel_loop3A_149 = arith.index_cast %parallel_loop3A_79 : i32 to index
      %parallel_loop3A_150 = arith.constant 80 : index
      %parallel_loop3A_151 = tpu.vector_load %arg9[%parallel_loop3A_149, %parallel_loop3A_150] {strides = array<i32>} : memref<80x128xi32, #tpu.memory_space<vmem>>, vector<16xi32>,
      %parallel_loop3A_152 = vector.bitcast %parallel_loop3A_151 : vector<16xi32> to vector<32xbf16>
      %parallel_loop3A_153 = arith.addf %parallel_loop3A_148, %parallel_loop3A_152 : vector<32xbf16>
      %parallel_loop3A_154 = vector.bitcast %parallel_loop3A_153 : vector<32xbf16> to vector<16xi32>
      %parallel_loop3A_155 = arith.index_cast %parallel_loop3A_79 : i32 to index
      %parallel_loop3A_156 = arith.constant 80 : index
      %parallel_loop3A_157 = tpu.vector_load %arg11[%parallel_loop3A_155, %parallel_loop3A_156] {strides = array<i32>} : memref<80x128xi32, #tpu.memory_space<vmem>>, vector<16xi32>,
      tpu.vector_store %arg11[%parallel_loop3A_155, %parallel_loop3A_156], %parallel_loop3A_154 {strides = array<i32>} : memref<80x128xi32, #tpu.memory_space<vmem>>, vector<16xi32>,
      %parallel_loop3A_158 = arith.index_cast %parallel_loop3A_79 : i32 to index
      %parallel_loop3A_159 = arith.constant 96 : index
      %parallel_loop3A_160 = tpu.vector_load %arg7[%parallel_loop3A_158, %parallel_loop3A_159] {strides = array<i32>} : memref<80x128xi32, #tpu.memory_space<vmem>>, vector<16xi32>,
      %parallel_loop3A_161 = vector.bitcast %parallel_loop3A_160 : vector<16xi32> to vector<32xbf16>
      %parallel_loop3A_162 = arith.index_cast %parallel_loop3A_79 : i32 to index
      %parallel_loop3A_163 = arith.constant 96 : index
      %parallel_loop3A_164 = tpu.vector_load %arg9[%parallel_loop3A_162, %parallel_loop3A_163] {strides = array<i32>} : memref<80x128xi32, #tpu.memory_space<vmem>>, vector<16xi32>,
      %parallel_loop3A_165 = vector.bitcast %parallel_loop3A_164 : vector<16xi32> to vector<32xbf16>
      %parallel_loop3A_166 = arith.addf %parallel_loop3A_161, %parallel_loop3A_165 : vector<32xbf16>
      %parallel_loop3A_167 = vector.bitcast %parallel_loop3A_166 : vector<32xbf16> to vector<16xi32>
      %parallel_loop3A_168 = arith.index_cast %parallel_loop3A_79 : i32 to index
      %parallel_loop3A_169 = arith.constant 96 : index
      %parallel_loop3A_170 = tpu.vector_load %arg11[%parallel_loop3A_168, %parallel_loop3A_169] {strides = array<i32>} : memref<80x128xi32, #tpu.memory_space<vmem>>, vector<16xi32>,
      tpu.vector_store %arg11[%parallel_loop3A_168, %parallel_loop3A_169], %parallel_loop3A_167 {strides = array<i32>} : memref<80x128xi32, #tpu.memory_space<vmem>>, vector<16xi32>,
      %parallel_loop3A_171 = arith.index_cast %parallel_loop3A_79 : i32 to index
      %parallel_loop3A_172 = arith.constant 112 : index
      %parallel_loop3A_173 = tpu.vector_load %arg7[%parallel_loop3A_171, %parallel_loop3A_172] {strides = array<i32>} : memref<80x128xi32, #tpu.memory_space<vmem>>, vector<16xi32>,
      %parallel_loop3A_174 = vector.bitcast %parallel_loop3A_173 : vector<16xi32> to vector<32xbf16>
      %parallel_loop3A_175 = arith.index_cast %parallel_loop3A_79 : i32 to index
      %parallel_loop3A_176 = arith.constant 112 : index
      %parallel_loop3A_177 = tpu.vector_load %arg9[%parallel_loop3A_175, %parallel_loop3A_176] {strides = array<i32>} : memref<80x128xi32, #tpu.memory_space<vmem>>, vector<16xi32>,
      %parallel_loop3A_178 = vector.bitcast %parallel_loop3A_177 : vector<16xi32> to vector<32xbf16>
      %parallel_loop3A_179 = arith.addf %parallel_loop3A_174, %parallel_loop3A_178 : vector<32xbf16>
      %parallel_loop3A_180 = vector.bitcast %parallel_loop3A_179 : vector<32xbf16> to vector<16xi32>
      %parallel_loop3A_181 = arith.index_cast %parallel_loop3A_79 : i32 to index
      %parallel_loop3A_182 = arith.constant 112 : index
      %parallel_loop3A_183 = tpu.vector_load %arg11[%parallel_loop3A_181, %parallel_loop3A_182] {strides = array<i32>} : memref<80x128xi32, #tpu.memory_space<vmem>>, vector<16xi32>,
      tpu.vector_store %arg11[%parallel_loop3A_181, %parallel_loop3A_182], %parallel_loop3A_180 {strides = array<i32>} : memref<80x128xi32, #tpu.memory_space<vmem>>, vector<16xi32>,
    } {sc.loop_unroll_factor = 2 : i64, sc.parallel_access}
    %mul3A_49 = arith.constant 5200 : i32
    %mul3A_50 = arith.muli %add3A, %mul3A_49 : i32
    %mul3A_51 = arith.constant 64 : i32
    %mul3A_52 = arith.constant 80 : i32
    %mul3A_53 = arith.muli %mul3A_51, %mul3A_52 : i32
    %add3A_54 = arith.addi %mul3A_50, %mul3A_53 : i32
    %dma_start3A_55 = arith.constant 0 : i32
    %dma_start3A_56 = tpu.memref_slice %arg6[%add3A_54, %dma_start3A_55] : memref<166400x128xi32, #tpu.memory_space<hbm>> -> memref<80x128xi32, #tpu.memory_space<hbm>>
    %dma_start3A_57 = arith.constant 0 : i32
    %dma_start3A_58 = tpu.memref_slice %arg6[%add3A_54, %dma_start3A_57] : memref<166400x128xi32, #tpu.memory_space<hbm>> -> memref<80x128xi32, #tpu.memory_space<hbm>>
    tpu.enqueue_dma source(%arg11 : memref<80x128xi32, #tpu.memory_space<vmem>>) target(%dma_start3A_58 : memref<80x128xi32, #tpu.memory_space<hbm>>) target_semaphore(%arg19 : memref<!tpu.dma_semaphore, #tpu.memory_space<semaphore_mem>>)
    %add3A_59 = arith.constant 64 : i32
    %add3A_60 = arith.constant 2 : i32
    %add3A_61 = arith.addi %add3A_59, %add3A_60 : i32
    %lt3A = arith.constant 65 : i32
    %lt3A_62 = arith.cmpi slt, %add3A_61, %lt3A : i32
    %convert_element_type3A_63 = arith.extui %lt3A_62 : i1 to i32
    %cond3A_64 = arith.constant 64 : i32
    %cond3A_65 = arith.constant 0 : i32
    %cond3A_66 = arith.cmpi ne, %convert_element_type3A_63, %cond3A_65 : i32
    scf.if %cond3A_66 {
      %add3A_79 = arith.constant 2 : i32
      %add3A_80 = arith.addi %cond3A_64, %add3A_79 : i32
      %mul3A_81 = arith.constant 5200 : i32
      %mul3A_82 = arith.muli %add3A, %mul3A_81 : i32
      %mul3A_83 = arith.constant 80 : i32
      %mul3A_84 = arith.muli %add3A_80, %mul3A_83 : i32
      %add3A_85 = arith.addi %mul3A_82, %mul3A_84 : i32
      %add3A_86 = arith.constant 153600 : i32
      %add3A_87 = arith.addi %add3A_86, %add3A_85 : i32
      "tpu.region"() ({
        %run_scoped3A = tpu.sem_alloc : memref<!tpu.dma_semaphore, #tpu.memory_space<semaphore_mem>>
        %dma_start3A_96 = tpu.memref_slice %arg4[%add3A_87] : memref<320000xi32, #tpu.memory_space<hbm>> -> memref<80xi32, #tpu.memory_space<hbm>>
        %dma_start3A_97 = tpu.memref_slice %arg4[%add3A_87] : memref<320000xi32, #tpu.memory_space<hbm>> -> memref<80xi32, #tpu.memory_space<hbm>>
        tpu.enqueue_dma source(%dma_start3A_97 : memref<80xi32, #tpu.memory_space<hbm>>) target(%arg13 : memref<80xi32, #tpu.memory_space<vmem>>) target_semaphore(%run_scoped3A : memref<!tpu.dma_semaphore, #tpu.memory_space<semaphore_mem>>)
        %dma_wait3A_98 = tpu.memref_slice %arg4[%add3A_87] : memref<320000xi32, #tpu.memory_space<hbm>> -> memref<80xi32, #tpu.memory_space<hbm>>
        %dma_wait3A_99 = tpu.memref_slice %arg4[%add3A_87] : memref<320000xi32, #tpu.memory_space<hbm>> -> memref<80xi32, #tpu.memory_space<hbm>>
        tpu.wait_dma2 semaphore(%run_scoped3A : memref<!tpu.dma_semaphore, #tpu.memory_space<semaphore_mem>>) src(%dma_wait3A_99 : memref<80xi32, #tpu.memory_space<hbm>>) dst(%arg13 : memref<80xi32, #tpu.memory_space<vmem>>)
        tpu.yield
      }) : () -> ()
      %add3A_88 = arith.constant 153600 : i32
      %add3A_89 = arith.addi %add3A_88, %add3A_85 : i32
      "tpu.region"() ({
        %run_scoped3A = tpu.sem_alloc : memref<!tpu.dma_semaphore, #tpu.memory_space<semaphore_mem>>
        %dma_start3A_96 = tpu.memref_slice %arg5[%add3A_89] : memref<320000xi32, #tpu.memory_space<hbm>> -> memref<80xi32, #tpu.memory_space<hbm>>
        %dma_start3A_97 = tpu.memref_slice %arg5[%add3A_89] : memref<320000xi32, #tpu.memory_space<hbm>> -> memref<80xi32, #tpu.memory_space<hbm>>
        tpu.enqueue_dma source(%dma_start3A_97 : memref<80xi32, #tpu.memory_space<hbm>>) target(%arg15 : memref<80xi32, #tpu.memory_space<vmem>>) target_semaphore(%run_scoped3A : memref<!tpu.dma_semaphore, #tpu.memory_space<semaphore_mem>>)
        %dma_wait3A_98 = tpu.memref_slice %arg5[%add3A_89] : memref<320000xi32, #tpu.memory_space<hbm>> -> memref<80xi32, #tpu.memory_space<hbm>>
        %dma_wait3A_99 = tpu.memref_slice %arg5[%add3A_89] : memref<320000xi32, #tpu.memory_space<hbm>> -> memref<80xi32, #tpu.memory_space<hbm>>
        tpu.wait_dma2 semaphore(%run_scoped3A : memref<!tpu.dma_semaphore, #tpu.memory_space<semaphore_mem>>) src(%dma_wait3A_99 : memref<80xi32, #tpu.memory_space<hbm>>) dst(%arg15 : memref<80xi32, #tpu.memory_space<vmem>>)
        tpu.yield
      }) : () -> ()
      %dma_start3A_90 = arith.constant 0 : i32
      %dma_start3A_91 = arith.constant 0 : i32
      %dma_start3A_92 = tpu.memref_slice %arg2[%dma_start3A_90, %dma_start3A_91] : memref<10000x128xi32, #tpu.memory_space<hbm>> -> memref<10000x128xi32, #tpu.memory_space<hbm>>
      tpu.enqueue_indirect_dma source(%dma_start3A_92 : memref<10000x128xi32, #tpu.memory_space<hbm>>) target(%arg7 : memref<80x128xi32, #tpu.memory_space<vmem>>) offsets(%arg13 : memref<80xi32, #tpu.memory_space<vmem>>) semaphore(%arg17 : memref<!tpu.dma_semaphore, #tpu.memory_space<semaphore_mem>>)
      %dma_start3A_93 = arith.constant 0 : i32
      %dma_start3A_94 = arith.constant 0 : i32
      %dma_start3A_95 = tpu.memref_slice %arg3[%dma_start3A_93, %dma_start3A_94] : memref<10000x128xi32, #tpu.memory_space<hbm>> -> memref<10000x128xi32, #tpu.memory_space<hbm>>
      tpu.enqueue_indirect_dma source(%dma_start3A_95 : memref<10000x128xi32, #tpu.memory_space<hbm>>) target(%arg9 : memref<80x128xi32, #tpu.memory_space<vmem>>) offsets(%arg15 : memref<80xi32, #tpu.memory_space<vmem>>) semaphore(%arg17 : memref<!tpu.dma_semaphore, #tpu.memory_space<semaphore_mem>>)
    } else {
    }
    %dma_wait3A_67 = arith.constant 0 : i32
    %dma_wait3A_68 = arith.constant 0 : i32
    %dma_wait3A_69 = tpu.memref_slice %arg6[%dma_wait3A_67, %dma_wait3A_68] : memref<166400x128xi32, #tpu.memory_space<hbm>> -> memref<80x128xi32, #tpu.memory_space<hbm>>
    %dma_wait3A_70 = arith.constant 0 : i32
    %dma_wait3A_71 = arith.constant 0 : i32
    %dma_wait3A_72 = tpu.memref_slice %arg6[%dma_wait3A_70, %dma_wait3A_71] : memref<166400x128xi32, #tpu.memory_space<hbm>> -> memref<80x128xi32, #tpu.memory_space<hbm>>
    tpu.wait_dma2 semaphore(%arg19 : memref<!tpu.dma_semaphore, #tpu.memory_space<semaphore_mem>>) src(%arg11 : memref<80x128xi32, #tpu.memory_space<vmem>>) dst(%dma_wait3A_72 : memref<80x128xi32, #tpu.memory_space<hbm>>)
    %dma_wait3A_73 = arith.constant 0 : i32
    %dma_wait3A_74 = arith.constant 0 : i32
    %dma_wait3A_75 = tpu.memref_slice %arg6[%dma_wait3A_73, %dma_wait3A_74] : memref<166400x128xi32, #tpu.memory_space<hbm>> -> memref<80x128xi32, #tpu.memory_space<hbm>>
    %dma_wait3A_76 = arith.constant 0 : i32
    %dma_wait3A_77 = arith.constant 0 : i32
    %dma_wait3A_78 = tpu.memref_slice %arg6[%dma_wait3A_76, %dma_wait3A_77] : memref<166400x128xi32, #tpu.memory_space<hbm>> -> memref<80x128xi32, #tpu.memory_space<hbm>>
    tpu.wait_dma2 semaphore(%arg20 : memref<!tpu.dma_semaphore, #tpu.memory_space<semaphore_mem>>) src(%arg12 : memref<80x128xi32, #tpu.memory_space<vmem>>) dst(%dma_wait3A_78 : memref<80x128xi32, #tpu.memory_space<hbm>>)
    return
  }
}

#map = affine_map<(d0, d1) -> (0, 0)>
#map1 = affine_map<(d0, d1) -> (0)>
module attributes {stable_mosaic.version = 14 : i64} {
  func.func @gather(%arg0: i32, %arg1: i32, %arg2: memref<10000x128xi32, #tpu.memory_space<hbm>>, %arg3: memref<10000x128xi32, #tpu.memory_space<hbm>>, %arg4: memref<320000xi32, #tpu.memory_space<hbm>>, %arg5: memref<320000xi32, #tpu.memory_space<hbm>>, %arg6: memref<153600x128xi32, #tpu.memory_space<hbm>>, %arg7: memref<80x128xi32, #tpu.memory_space<vmem>>, %arg8: memref<80x128xi32, #tpu.memory_space<vmem>>, %arg9: memref<80x128xi32, #tpu.memory_space<vmem>>, %arg10: memref<80x128xi32, #tpu.memory_space<vmem>>, %arg11: memref<80x128xi32, #tpu.memory_space<vmem>>, %arg12: memref<80x128xi32, #tpu.memory_space<vmem>>, %arg13: memref<80xi32, #tpu.memory_space<vmem>>, %arg14: memref<80xi32, #tpu.memory_space<vmem>>, %arg15: memref<80xi32, #tpu.memory_space<vmem>>, %arg16: memref<80xi32, #tpu.memory_space<vmem>>, %arg17: memref<!tpu.dma_semaphore, #tpu.memory_space<semaphore_mem>>, %arg18: memref<!tpu.dma_semaphore, #tpu.memory_space<semaphore_mem>>, %arg19: memref<!tpu.dma_semaphore, #tpu.memory_space<semaphore_mem>>, %arg20: memref<!tpu.dma_semaphore, #tpu.memory_space<semaphore_mem>>) attributes {dimension_semantics = [#tpu.dimension_semantics<core_parallel>, #tpu.dimension_semantics<subcore_parallel>], iteration_bounds = array<i64: 2, 16>, scalar_prefetch = 0 : i64, scratch_operands = 14 : i64, tpu.core_type = #tpu.core_type<sc_vector_subcore>, window_params = [{transform_indices = #map}, {transform_indices = #map}, {transform_indices = #map1}, {transform_indices = #map1}, {transform_indices = #map}]} {
    %mul3A = arith.constant 2 : i32
    %mul3A_0 = arith.muli %arg1, %mul3A : i32
    %add3A = arith.addi %mul3A_0, %arg0 : i32
    %mul3A_1 = arith.constant 4800 : i32
    %mul3A_2 = arith.muli %add3A, %mul3A_1 : i32
    %add3A_3 = arith.constant 0 : i32
    %add3A_4 = arith.addi %mul3A_2, %add3A_3 : i32
    %add3A_5 = arith.constant 0 : i32
    %add3A_6 = arith.addi %add3A_5, %add3A_4 : i32
    "tpu.region"() ({
      %run_scoped3A = tpu.sem_alloc : memref<!tpu.dma_semaphore, #tpu.memory_space<semaphore_mem>>
      %dma_start3A_44 = tpu.memref_slice %arg4[%add3A_6] : memref<320000xi32, #tpu.memory_space<hbm>> -> memref<80xi32, #tpu.memory_space<hbm>>
      %dma_start3A_45 = tpu.memref_slice %arg4[%add3A_6] : memref<320000xi32, #tpu.memory_space<hbm>> -> memref<80xi32, #tpu.memory_space<hbm>>
      tpu.enqueue_dma source(%dma_start3A_45 : memref<80xi32, #tpu.memory_space<hbm>>) target(%arg13 : memref<80xi32, #tpu.memory_space<vmem>>) target_semaphore(%run_scoped3A : memref<!tpu.dma_semaphore, #tpu.memory_space<semaphore_mem>>)
      %dma_wait3A_46 = tpu.memref_slice %arg4[%add3A_6] : memref<320000xi32, #tpu.memory_space<hbm>> -> memref<80xi32, #tpu.memory_space<hbm>>
      %dma_wait3A_47 = tpu.memref_slice %arg4[%add3A_6] : memref<320000xi32, #tpu.memory_space<hbm>> -> memref<80xi32, #tpu.memory_space<hbm>>
      tpu.wait_dma2 semaphore(%run_scoped3A : memref<!tpu.dma_semaphore, #tpu.memory_space<semaphore_mem>>) src(%dma_wait3A_47 : memref<80xi32, #tpu.memory_space<hbm>>) dst(%arg13 : memref<80xi32, #tpu.memory_space<vmem>>)
      tpu.yield
    }) : () -> ()
    %add3A_7 = arith.constant 0 : i32
    %add3A_8 = arith.addi %add3A_7, %add3A_4 : i32
    "tpu.region"() ({
      %run_scoped3A = tpu.sem_alloc : memref<!tpu.dma_semaphore, #tpu.memory_space<semaphore_mem>>
      %dma_start3A_44 = tpu.memref_slice %arg5[%add3A_8] : memref<320000xi32, #tpu.memory_space<hbm>> -> memref<80xi32, #tpu.memory_space<hbm>>
      %dma_start3A_45 = tpu.memref_slice %arg5[%add3A_8] : memref<320000xi32, #tpu.memory_space<hbm>> -> memref<80xi32, #tpu.memory_space<hbm>>
      tpu.enqueue_dma source(%dma_start3A_45 : memref<80xi32, #tpu.memory_space<hbm>>) target(%arg15 : memref<80xi32, #tpu.memory_space<vmem>>) target_semaphore(%run_scoped3A : memref<!tpu.dma_semaphore, #tpu.memory_space<semaphore_mem>>)
      %dma_wait3A_46 = tpu.memref_slice %arg5[%add3A_8] : memref<320000xi32, #tpu.memory_space<hbm>> -> memref<80xi32, #tpu.memory_space<hbm>>
      %dma_wait3A_47 = tpu.memref_slice %arg5[%add3A_8] : memref<320000xi32, #tpu.memory_space<hbm>> -> memref<80xi32, #tpu.memory_space<hbm>>
      tpu.wait_dma2 semaphore(%run_scoped3A : memref<!tpu.dma_semaphore, #tpu.memory_space<semaphore_mem>>) src(%dma_wait3A_47 : memref<80xi32, #tpu.memory_space<hbm>>) dst(%arg15 : memref<80xi32, #tpu.memory_space<vmem>>)
      tpu.yield
    }) : () -> ()
    %dma_start3A = arith.constant 0 : i32
    %dma_start3A_9 = arith.constant 0 : i32
    %dma_start3A_10 = tpu.memref_slice %arg2[%dma_start3A, %dma_start3A_9] : memref<10000x128xi32, #tpu.memory_space<hbm>> -> memref<10000x128xi32, #tpu.memory_space<hbm>>
    tpu.enqueue_indirect_dma source(%dma_start3A_10 : memref<10000x128xi32, #tpu.memory_space<hbm>>) target(%arg7 : memref<80x128xi32, #tpu.memory_space<vmem>>) offsets(%arg13 : memref<80xi32, #tpu.memory_space<vmem>>) semaphore(%arg17 : memref<!tpu.dma_semaphore, #tpu.memory_space<semaphore_mem>>)
    %dma_start3A_11 = arith.constant 0 : i32
    %dma_start3A_12 = arith.constant 0 : i32
    %dma_start3A_13 = tpu.memref_slice %arg3[%dma_start3A_11, %dma_start3A_12] : memref<10000x128xi32, #tpu.memory_space<hbm>> -> memref<10000x128xi32, #tpu.memory_space<hbm>>
    tpu.enqueue_indirect_dma source(%dma_start3A_13 : memref<10000x128xi32, #tpu.memory_space<hbm>>) target(%arg9 : memref<80x128xi32, #tpu.memory_space<vmem>>) offsets(%arg15 : memref<80xi32, #tpu.memory_space<vmem>>) semaphore(%arg17 : memref<!tpu.dma_semaphore, #tpu.memory_space<semaphore_mem>>)
    %mul3A_14 = arith.constant 4800 : i32
    %mul3A_15 = arith.muli %add3A, %mul3A_14 : i32
    %add3A_16 = arith.constant 80 : i32
    %add3A_17 = arith.addi %mul3A_15, %add3A_16 : i32
    %add3A_18 = arith.constant 0 : i32
    %add3A_19 = arith.addi %add3A_18, %add3A_17 : i32
    "tpu.region"() ({
      %run_scoped3A = tpu.sem_alloc : memref<!tpu.dma_semaphore, #tpu.memory_space<semaphore_mem>>
      %dma_start3A_44 = tpu.memref_slice %arg4[%add3A_19] : memref<320000xi32, #tpu.memory_space<hbm>> -> memref<80xi32, #tpu.memory_space<hbm>>
      %dma_start3A_45 = tpu.memref_slice %arg4[%add3A_19] : memref<320000xi32, #tpu.memory_space<hbm>> -> memref<80xi32, #tpu.memory_space<hbm>>
      tpu.enqueue_dma source(%dma_start3A_45 : memref<80xi32, #tpu.memory_space<hbm>>) target(%arg14 : memref<80xi32, #tpu.memory_space<vmem>>) target_semaphore(%run_scoped3A : memref<!tpu.dma_semaphore, #tpu.memory_space<semaphore_mem>>)
      %dma_wait3A_46 = tpu.memref_slice %arg4[%add3A_19] : memref<320000xi32, #tpu.memory_space<hbm>> -> memref<80xi32, #tpu.memory_space<hbm>>
      %dma_wait3A_47 = tpu.memref_slice %arg4[%add3A_19] : memref<320000xi32, #tpu.memory_space<hbm>> -> memref<80xi32, #tpu.memory_space<hbm>>
      tpu.wait_dma2 semaphore(%run_scoped3A : memref<!tpu.dma_semaphore, #tpu.memory_space<semaphore_mem>>) src(%dma_wait3A_47 : memref<80xi32, #tpu.memory_space<hbm>>) dst(%arg14 : memref<80xi32, #tpu.memory_space<vmem>>)
      tpu.yield
    }) : () -> ()
    %add3A_20 = arith.constant 0 : i32
    %add3A_21 = arith.addi %add3A_20, %add3A_17 : i32
    "tpu.region"() ({
      %run_scoped3A = tpu.sem_alloc : memref<!tpu.dma_semaphore, #tpu.memory_space<semaphore_mem>>
      %dma_start3A_44 = tpu.memref_slice %arg5[%add3A_21] : memref<320000xi32, #tpu.memory_space<hbm>> -> memref<80xi32, #tpu.memory_space<hbm>>
      %dma_start3A_45 = tpu.memref_slice %arg5[%add3A_21] : memref<320000xi32, #tpu.memory_space<hbm>> -> memref<80xi32, #tpu.memory_space<hbm>>
      tpu.enqueue_dma source(%dma_start3A_45 : memref<80xi32, #tpu.memory_space<hbm>>) target(%arg16 : memref<80xi32, #tpu.memory_space<vmem>>) target_semaphore(%run_scoped3A : memref<!tpu.dma_semaphore, #tpu.memory_space<semaphore_mem>>)
      %dma_wait3A_46 = tpu.memref_slice %arg5[%add3A_21] : memref<320000xi32, #tpu.memory_space<hbm>> -> memref<80xi32, #tpu.memory_space<hbm>>
      %dma_wait3A_47 = tpu.memref_slice %arg5[%add3A_21] : memref<320000xi32, #tpu.memory_space<hbm>> -> memref<80xi32, #tpu.memory_space<hbm>>
      tpu.wait_dma2 semaphore(%run_scoped3A : memref<!tpu.dma_semaphore, #tpu.memory_space<semaphore_mem>>) src(%dma_wait3A_47 : memref<80xi32, #tpu.memory_space<hbm>>) dst(%arg16 : memref<80xi32, #tpu.memory_space<vmem>>)
      tpu.yield
    }) : () -> ()
    %dma_start3A_22 = arith.constant 0 : i32
    %dma_start3A_23 = arith.constant 0 : i32
    %dma_start3A_24 = tpu.memref_slice %arg2[%dma_start3A_22, %dma_start3A_23] : memref<10000x128xi32, #tpu.memory_space<hbm>> -> memref<10000x128xi32, #tpu.memory_space<hbm>>
    tpu.enqueue_indirect_dma source(%dma_start3A_24 : memref<10000x128xi32, #tpu.memory_space<hbm>>) target(%arg8 : memref<80x128xi32, #tpu.memory_space<vmem>>) offsets(%arg14 : memref<80xi32, #tpu.memory_space<vmem>>) semaphore(%arg18 : memref<!tpu.dma_semaphore, #tpu.memory_space<semaphore_mem>>)
    %dma_start3A_25 = arith.constant 0 : i32
    %dma_start3A_26 = arith.constant 0 : i32
    %dma_start3A_27 = tpu.memref_slice %arg3[%dma_start3A_25, %dma_start3A_26] : memref<10000x128xi32, #tpu.memory_space<hbm>> -> memref<10000x128xi32, #tpu.memory_space<hbm>>
    tpu.enqueue_indirect_dma source(%dma_start3A_27 : memref<10000x128xi32, #tpu.memory_space<hbm>>) target(%arg10 : memref<80x128xi32, #tpu.memory_space<vmem>>) offsets(%arg16 : memref<80xi32, #tpu.memory_space<vmem>>) semaphore(%arg18 : memref<!tpu.dma_semaphore, #tpu.memory_space<semaphore_mem>>)
    %scan3A = arith.constant 0 : i32
    %scan3A_28 = arith.constant 0 : i32
    %scan3A_29 = arith.constant 30 : i32
    %scan3A_30 = arith.addi %scan3A_28, %scan3A_29 : i32
    %scan3A_31 = arith.constant 1 : i32
    scf.for %scan3A_44 = %scan3A_28 to %scan3A_30 step %scan3A_31  : i32 {
      %mul3A_45 = arith.constant 2 : i32
      %mul3A_46 = arith.muli %mul3A_45, %scan3A_44 : i32
      %dma_wait3A_47 = arith.constant 0 : i32
      %dma_wait3A_48 = arith.constant 0 : i32
      %dma_wait3A_49 = tpu.memref_slice %arg2[%dma_wait3A_47, %dma_wait3A_48] : memref<10000x128xi32, #tpu.memory_space<hbm>> -> memref<80x128xi32, #tpu.memory_space<hbm>>
      %dma_wait3A_50 = arith.constant 0 : i32
      %dma_wait3A_51 = arith.constant 0 : i32
      %dma_wait3A_52 = tpu.memref_slice %arg2[%dma_wait3A_50, %dma_wait3A_51] : memref<10000x128xi32, #tpu.memory_space<hbm>> -> memref<80x128xi32, #tpu.memory_space<hbm>>
      tpu.wait_dma2 semaphore(%arg17 : memref<!tpu.dma_semaphore, #tpu.memory_space<semaphore_mem>>) src(%dma_wait3A_52 : memref<80x128xi32, #tpu.memory_space<hbm>>) dst(%arg7 : memref<80x128xi32, #tpu.memory_space<vmem>>)
      %dma_wait3A_53 = arith.constant 0 : i32
      %dma_wait3A_54 = arith.constant 0 : i32
      %dma_wait3A_55 = tpu.memref_slice %arg2[%dma_wait3A_53, %dma_wait3A_54] : memref<10000x128xi32, #tpu.memory_space<hbm>> -> memref<80x128xi32, #tpu.memory_space<hbm>>
      %dma_wait3A_56 = arith.constant 0 : i32
      %dma_wait3A_57 = arith.constant 0 : i32
      %dma_wait3A_58 = tpu.memref_slice %arg2[%dma_wait3A_56, %dma_wait3A_57] : memref<10000x128xi32, #tpu.memory_space<hbm>> -> memref<80x128xi32, #tpu.memory_space<hbm>>
      tpu.wait_dma2 semaphore(%arg17 : memref<!tpu.dma_semaphore, #tpu.memory_space<semaphore_mem>>) src(%dma_wait3A_58 : memref<80x128xi32, #tpu.memory_space<hbm>>) dst(%arg9 : memref<80x128xi32, #tpu.memory_space<vmem>>)
      %ge3A = arith.constant 2 : i32
      %ge3A_59 = arith.cmpi sge, %mul3A_46, %ge3A : i32
      %convert_element_type3A = arith.extui %ge3A_59 : i1 to i32
      %cond3A = arith.constant 0 : i32
      %cond3A_60 = arith.cmpi ne, %convert_element_type3A, %cond3A : i32
      scf.if %cond3A_60 {
        %dma_wait3A_118 = arith.constant 0 : i32
        %dma_wait3A_119 = arith.constant 0 : i32
        %dma_wait3A_120 = tpu.memref_slice %arg6[%dma_wait3A_118, %dma_wait3A_119] : memref<153600x128xi32, #tpu.memory_space<hbm>> -> memref<80x128xi32, #tpu.memory_space<hbm>>
        %dma_wait3A_121 = arith.constant 0 : i32
        %dma_wait3A_122 = arith.constant 0 : i32
        %dma_wait3A_123 = tpu.memref_slice %arg6[%dma_wait3A_121, %dma_wait3A_122] : memref<153600x128xi32, #tpu.memory_space<hbm>> -> memref<80x128xi32, #tpu.memory_space<hbm>>
        tpu.wait_dma2 semaphore(%arg19 : memref<!tpu.dma_semaphore, #tpu.memory_space<semaphore_mem>>) src(%arg11 : memref<80x128xi32, #tpu.memory_space<vmem>>) dst(%dma_wait3A_123 : memref<80x128xi32, #tpu.memory_space<hbm>>)
      } else {
      }
      %parallel_loop3A = arith.constant 0 : i32
      %parallel_loop3A_61 = arith.constant 80 : i32
      %parallel_loop3A_62 = arith.constant 1 : i32
      scf.for %parallel_loop3A_118 = %parallel_loop3A to %parallel_loop3A_61 step %parallel_loop3A_62  : i32 {
        %parallel_loop3A_119 = arith.index_cast %parallel_loop3A_118 : i32 to index
        %parallel_loop3A_120 = arith.constant 0 : index
        %parallel_loop3A_121 = tpu.vector_load %arg7[%parallel_loop3A_119, %parallel_loop3A_120] {strides = array<i32>} : memref<80x128xi32, #tpu.memory_space<vmem>>, vector<16xi32>,
        %parallel_loop3A_122 = vector.bitcast %parallel_loop3A_121 : vector<16xi32> to vector<32xbf16>
        %parallel_loop3A_123 = arith.index_cast %parallel_loop3A_118 : i32 to index
        %parallel_loop3A_124 = arith.constant 0 : index
        %parallel_loop3A_125 = tpu.vector_load %arg9[%parallel_loop3A_123, %parallel_loop3A_124] {strides = array<i32>} : memref<80x128xi32, #tpu.memory_space<vmem>>, vector<16xi32>,
        %parallel_loop3A_126 = vector.bitcast %parallel_loop3A_125 : vector<16xi32> to vector<32xbf16>
        %parallel_loop3A_127 = arith.addf %parallel_loop3A_122, %parallel_loop3A_126 : vector<32xbf16>
        %parallel_loop3A_128 = vector.bitcast %parallel_loop3A_127 : vector<32xbf16> to vector<16xi32>
        %parallel_loop3A_129 = arith.index_cast %parallel_loop3A_118 : i32 to index
        %parallel_loop3A_130 = arith.constant 0 : index
        %parallel_loop3A_131 = tpu.vector_load %arg11[%parallel_loop3A_129, %parallel_loop3A_130] {strides = array<i32>} : memref<80x128xi32, #tpu.memory_space<vmem>>, vector<16xi32>,
        tpu.vector_store %arg11[%parallel_loop3A_129, %parallel_loop3A_130], %parallel_loop3A_128 {strides = array<i32>} : memref<80x128xi32, #tpu.memory_space<vmem>>, vector<16xi32>,
        %parallel_loop3A_132 = arith.index_cast %parallel_loop3A_118 : i32 to index
        %parallel_loop3A_133 = arith.constant 16 : index
        %parallel_loop3A_134 = tpu.vector_load %arg7[%parallel_loop3A_132, %parallel_loop3A_133] {strides = array<i32>} : memref<80x128xi32, #tpu.memory_space<vmem>>, vector<16xi32>,
        %parallel_loop3A_135 = vector.bitcast %parallel_loop3A_134 : vector<16xi32> to vector<32xbf16>
        %parallel_loop3A_136 = arith.index_cast %parallel_loop3A_118 : i32 to index
        %parallel_loop3A_137 = arith.constant 16 : index
        %parallel_loop3A_138 = tpu.vector_load %arg9[%parallel_loop3A_136, %parallel_loop3A_137] {strides = array<i32>} : memref<80x128xi32, #tpu.memory_space<vmem>>, vector<16xi32>,
        %parallel_loop3A_139 = vector.bitcast %parallel_loop3A_138 : vector<16xi32> to vector<32xbf16>
        %parallel_loop3A_140 = arith.addf %parallel_loop3A_135, %parallel_loop3A_139 : vector<32xbf16>
        %parallel_loop3A_141 = vector.bitcast %parallel_loop3A_140 : vector<32xbf16> to vector<16xi32>
        %parallel_loop3A_142 = arith.index_cast %parallel_loop3A_118 : i32 to index
        %parallel_loop3A_143 = arith.constant 16 : index
        %parallel_loop3A_144 = tpu.vector_load %arg11[%parallel_loop3A_142, %parallel_loop3A_143] {strides = array<i32>} : memref<80x128xi32, #tpu.memory_space<vmem>>, vector<16xi32>,
        tpu.vector_store %arg11[%parallel_loop3A_142, %parallel_loop3A_143], %parallel_loop3A_141 {strides = array<i32>} : memref<80x128xi32, #tpu.memory_space<vmem>>, vector<16xi32>,
        %parallel_loop3A_145 = arith.index_cast %parallel_loop3A_118 : i32 to index
        %parallel_loop3A_146 = arith.constant 32 : index
        %parallel_loop3A_147 = tpu.vector_load %arg7[%parallel_loop3A_145, %parallel_loop3A_146] {strides = array<i32>} : memref<80x128xi32, #tpu.memory_space<vmem>>, vector<16xi32>,
        %parallel_loop3A_148 = vector.bitcast %parallel_loop3A_147 : vector<16xi32> to vector<32xbf16>
        %parallel_loop3A_149 = arith.index_cast %parallel_loop3A_118 : i32 to index
        %parallel_loop3A_150 = arith.constant 32 : index
        %parallel_loop3A_151 = tpu.vector_load %arg9[%parallel_loop3A_149, %parallel_loop3A_150] {strides = array<i32>} : memref<80x128xi32, #tpu.memory_space<vmem>>, vector<16xi32>,
        %parallel_loop3A_152 = vector.bitcast %parallel_loop3A_151 : vector<16xi32> to vector<32xbf16>
        %parallel_loop3A_153 = arith.addf %parallel_loop3A_148, %parallel_loop3A_152 : vector<32xbf16>
        %parallel_loop3A_154 = vector.bitcast %parallel_loop3A_153 : vector<32xbf16> to vector<16xi32>
        %parallel_loop3A_155 = arith.index_cast %parallel_loop3A_118 : i32 to index
        %parallel_loop3A_156 = arith.constant 32 : index
        %parallel_loop3A_157 = tpu.vector_load %arg11[%parallel_loop3A_155, %parallel_loop3A_156] {strides = array<i32>} : memref<80x128xi32, #tpu.memory_space<vmem>>, vector<16xi32>,
        tpu.vector_store %arg11[%parallel_loop3A_155, %parallel_loop3A_156], %parallel_loop3A_154 {strides = array<i32>} : memref<80x128xi32, #tpu.memory_space<vmem>>, vector<16xi32>,
        %parallel_loop3A_158 = arith.index_cast %parallel_loop3A_118 : i32 to index
        %parallel_loop3A_159 = arith.constant 48 : index
        %parallel_loop3A_160 = tpu.vector_load %arg7[%parallel_loop3A_158, %parallel_loop3A_159] {strides = array<i32>} : memref<80x128xi32, #tpu.memory_space<vmem>>, vector<16xi32>,
        %parallel_loop3A_161 = vector.bitcast %parallel_loop3A_160 : vector<16xi32> to vector<32xbf16>
        %parallel_loop3A_162 = arith.index_cast %parallel_loop3A_118 : i32 to index
        %parallel_loop3A_163 = arith.constant 48 : index
        %parallel_loop3A_164 = tpu.vector_load %arg9[%parallel_loop3A_162, %parallel_loop3A_163] {strides = array<i32>} : memref<80x128xi32, #tpu.memory_space<vmem>>, vector<16xi32>,
        %parallel_loop3A_165 = vector.bitcast %parallel_loop3A_164 : vector<16xi32> to vector<32xbf16>
        %parallel_loop3A_166 = arith.addf %parallel_loop3A_161, %parallel_loop3A_165 : vector<32xbf16>
        %parallel_loop3A_167 = vector.bitcast %parallel_loop3A_166 : vector<32xbf16> to vector<16xi32>
        %parallel_loop3A_168 = arith.index_cast %parallel_loop3A_118 : i32 to index
        %parallel_loop3A_169 = arith.constant 48 : index
        %parallel_loop3A_170 = tpu.vector_load %arg11[%parallel_loop3A_168, %parallel_loop3A_169] {strides = array<i32>} : memref<80x128xi32, #tpu.memory_space<vmem>>, vector<16xi32>,
        tpu.vector_store %arg11[%parallel_loop3A_168, %parallel_loop3A_169], %parallel_loop3A_167 {strides = array<i32>} : memref<80x128xi32, #tpu.memory_space<vmem>>, vector<16xi32>,
        %parallel_loop3A_171 = arith.index_cast %parallel_loop3A_118 : i32 to index
        %parallel_loop3A_172 = arith.constant 64 : index
        %parallel_loop3A_173 = tpu.vector_load %arg7[%parallel_loop3A_171, %parallel_loop3A_172] {strides = array<i32>} : memref<80x128xi32, #tpu.memory_space<vmem>>, vector<16xi32>,
        %parallel_loop3A_174 = vector.bitcast %parallel_loop3A_173 : vector<16xi32> to vector<32xbf16>
        %parallel_loop3A_175 = arith.index_cast %parallel_loop3A_118 : i32 to index
        %parallel_loop3A_176 = arith.constant 64 : index
        %parallel_loop3A_177 = tpu.vector_load %arg9[%parallel_loop3A_175, %parallel_loop3A_176] {strides = array<i32>} : memref<80x128xi32, #tpu.memory_space<vmem>>, vector<16xi32>,
        %parallel_loop3A_178 = vector.bitcast %parallel_loop3A_177 : vector<16xi32> to vector<32xbf16>
        %parallel_loop3A_179 = arith.addf %parallel_loop3A_174, %parallel_loop3A_178 : vector<32xbf16>
        %parallel_loop3A_180 = vector.bitcast %parallel_loop3A_179 : vector<32xbf16> to vector<16xi32>
        %parallel_loop3A_181 = arith.index_cast %parallel_loop3A_118 : i32 to index
        %parallel_loop3A_182 = arith.constant 64 : index
        %parallel_loop3A_183 = tpu.vector_load %arg11[%parallel_loop3A_181, %parallel_loop3A_182] {strides = array<i32>} : memref<80x128xi32, #tpu.memory_space<vmem>>, vector<16xi32>,
        tpu.vector_store %arg11[%parallel_loop3A_181, %parallel_loop3A_182], %parallel_loop3A_180 {strides = array<i32>} : memref<80x128xi32, #tpu.memory_space<vmem>>, vector<16xi32>,
        %parallel_loop3A_184 = arith.index_cast %parallel_loop3A_118 : i32 to index
        %parallel_loop3A_185 = arith.constant 80 : index
        %parallel_loop3A_186 = tpu.vector_load %arg7[%parallel_loop3A_184, %parallel_loop3A_185] {strides = array<i32>} : memref<80x128xi32, #tpu.memory_space<vmem>>, vector<16xi32>,
        %parallel_loop3A_187 = vector.bitcast %parallel_loop3A_186 : vector<16xi32> to vector<32xbf16>
        %parallel_loop3A_188 = arith.index_cast %parallel_loop3A_118 : i32 to index
        %parallel_loop3A_189 = arith.constant 80 : index
        %parallel_loop3A_190 = tpu.vector_load %arg9[%parallel_loop3A_188, %parallel_loop3A_189] {strides = array<i32>} : memref<80x128xi32, #tpu.memory_space<vmem>>, vector<16xi32>,
        %parallel_loop3A_191 = vector.bitcast %parallel_loop3A_190 : vector<16xi32> to vector<32xbf16>
        %parallel_loop3A_192 = arith.addf %parallel_loop3A_187, %parallel_loop3A_191 : vector<32xbf16>
        %parallel_loop3A_193 = vector.bitcast %parallel_loop3A_192 : vector<32xbf16> to vector<16xi32>
        %parallel_loop3A_194 = arith.index_cast %parallel_loop3A_118 : i32 to index
        %parallel_loop3A_195 = arith.constant 80 : index
        %parallel_loop3A_196 = tpu.vector_load %arg11[%parallel_loop3A_194, %parallel_loop3A_195] {strides = array<i32>} : memref<80x128xi32, #tpu.memory_space<vmem>>, vector<16xi32>,
        tpu.vector_store %arg11[%parallel_loop3A_194, %parallel_loop3A_195], %parallel_loop3A_193 {strides = array<i32>} : memref<80x128xi32, #tpu.memory_space<vmem>>, vector<16xi32>,
        %parallel_loop3A_197 = arith.index_cast %parallel_loop3A_118 : i32 to index
        %parallel_loop3A_198 = arith.constant 96 : index
        %parallel_loop3A_199 = tpu.vector_load %arg7[%parallel_loop3A_197, %parallel_loop3A_198] {strides = array<i32>} : memref<80x128xi32, #tpu.memory_space<vmem>>, vector<16xi32>,
        %parallel_loop3A_200 = vector.bitcast %parallel_loop3A_199 : vector<16xi32> to vector<32xbf16>
        %parallel_loop3A_201 = arith.index_cast %parallel_loop3A_118 : i32 to index
        %parallel_loop3A_202 = arith.constant 96 : index
        %parallel_loop3A_203 = tpu.vector_load %arg9[%parallel_loop3A_201, %parallel_loop3A_202] {strides = array<i32>} : memref<80x128xi32, #tpu.memory_space<vmem>>, vector<16xi32>,
        %parallel_loop3A_204 = vector.bitcast %parallel_loop3A_203 : vector<16xi32> to vector<32xbf16>
        %parallel_loop3A_205 = arith.addf %parallel_loop3A_200, %parallel_loop3A_204 : vector<32xbf16>
        %parallel_loop3A_206 = vector.bitcast %parallel_loop3A_205 : vector<32xbf16> to vector<16xi32>
        %parallel_loop3A_207 = arith.index_cast %parallel_loop3A_118 : i32 to index
        %parallel_loop3A_208 = arith.constant 96 : index
        %parallel_loop3A_209 = tpu.vector_load %arg11[%parallel_loop3A_207, %parallel_loop3A_208] {strides = array<i32>} : memref<80x128xi32, #tpu.memory_space<vmem>>, vector<16xi32>,
        tpu.vector_store %arg11[%parallel_loop3A_207, %parallel_loop3A_208], %parallel_loop3A_206 {strides = array<i32>} : memref<80x128xi32, #tpu.memory_space<vmem>>, vector<16xi32>,
        %parallel_loop3A_210 = arith.index_cast %parallel_loop3A_118 : i32 to index
        %parallel_loop3A_211 = arith.constant 112 : index
        %parallel_loop3A_212 = tpu.vector_load %arg7[%parallel_loop3A_210, %parallel_loop3A_211] {strides = array<i32>} : memref<80x128xi32, #tpu.memory_space<vmem>>, vector<16xi32>,
        %parallel_loop3A_213 = vector.bitcast %parallel_loop3A_212 : vector<16xi32> to vector<32xbf16>
        %parallel_loop3A_214 = arith.index_cast %parallel_loop3A_118 : i32 to index
        %parallel_loop3A_215 = arith.constant 112 : index
        %parallel_loop3A_216 = tpu.vector_load %arg9[%parallel_loop3A_214, %parallel_loop3A_215] {strides = array<i32>} : memref<80x128xi32, #tpu.memory_space<vmem>>, vector<16xi32>,
        %parallel_loop3A_217 = vector.bitcast %parallel_loop3A_216 : vector<16xi32> to vector<32xbf16>
        %parallel_loop3A_218 = arith.addf %parallel_loop3A_213, %parallel_loop3A_217 : vector<32xbf16>
        %parallel_loop3A_219 = vector.bitcast %parallel_loop3A_218 : vector<32xbf16> to vector<16xi32>
        %parallel_loop3A_220 = arith.index_cast %parallel_loop3A_118 : i32 to index
        %parallel_loop3A_221 = arith.constant 112 : index
        %parallel_loop3A_222 = tpu.vector_load %arg11[%parallel_loop3A_220, %parallel_loop3A_221] {strides = array<i32>} : memref<80x128xi32, #tpu.memory_space<vmem>>, vector<16xi32>,
        tpu.vector_store %arg11[%parallel_loop3A_220, %parallel_loop3A_221], %parallel_loop3A_219 {strides = array<i32>} : memref<80x128xi32, #tpu.memory_space<vmem>>, vector<16xi32>,
      } {sc.loop_unroll_factor = 2 : i64, sc.parallel_access}
      %mul3A_63 = arith.constant 4800 : i32
      %mul3A_64 = arith.muli %add3A, %mul3A_63 : i32
      %mul3A_65 = arith.constant 80 : i32
      %mul3A_66 = arith.muli %mul3A_46, %mul3A_65 : i32
      %add3A_67 = arith.addi %mul3A_64, %mul3A_66 : i32
      %dma_start3A_68 = arith.constant 0 : i32
      %dma_start3A_69 = tpu.memref_slice %arg6[%add3A_67, %dma_start3A_68] : memref<153600x128xi32, #tpu.memory_space<hbm>> -> memref<80x128xi32, #tpu.memory_space<hbm>>
      %dma_start3A_70 = arith.constant 0 : i32
      %dma_start3A_71 = tpu.memref_slice %arg6[%add3A_67, %dma_start3A_70] : memref<153600x128xi32, #tpu.memory_space<hbm>> -> memref<80x128xi32, #tpu.memory_space<hbm>>
      tpu.enqueue_dma source(%arg11 : memref<80x128xi32, #tpu.memory_space<vmem>>) target(%dma_start3A_71 : memref<80x128xi32, #tpu.memory_space<hbm>>) target_semaphore(%arg19 : memref<!tpu.dma_semaphore, #tpu.memory_space<semaphore_mem>>)
      %add3A_72 = arith.constant 2 : i32
      %add3A_73 = arith.addi %mul3A_46, %add3A_72 : i32
      %lt3A = arith.constant 60 : i32
      %lt3A_74 = arith.cmpi slt, %add3A_73, %lt3A : i32
      %convert_element_type3A_75 = arith.extui %lt3A_74 : i1 to i32
      %cond3A_76 = arith.constant 0 : i32
      %cond3A_77 = arith.cmpi ne, %convert_element_type3A_75, %cond3A_76 : i32
      scf.if %cond3A_77 {
        %add3A_118 = arith.constant 2 : i32
        %add3A_119 = arith.addi %mul3A_46, %add3A_118 : i32
        %mul3A_120 = arith.constant 4800 : i32
        %mul3A_121 = arith.muli %add3A, %mul3A_120 : i32
        %mul3A_122 = arith.constant 80 : i32
        %mul3A_123 = arith.muli %add3A_119, %mul3A_122 : i32
        %add3A_124 = arith.addi %mul3A_121, %mul3A_123 : i32
        %add3A_125 = arith.constant 0 : i32
        %add3A_126 = arith.addi %add3A_125, %add3A_124 : i32
        "tpu.region"() ({
          %run_scoped3A = tpu.sem_alloc : memref<!tpu.dma_semaphore, #tpu.memory_space<semaphore_mem>>
          %dma_start3A_135 = tpu.memref_slice %arg4[%add3A_126] : memref<320000xi32, #tpu.memory_space<hbm>> -> memref<80xi32, #tpu.memory_space<hbm>>
          %dma_start3A_136 = tpu.memref_slice %arg4[%add3A_126] : memref<320000xi32, #tpu.memory_space<hbm>> -> memref<80xi32, #tpu.memory_space<hbm>>
          tpu.enqueue_dma source(%dma_start3A_136 : memref<80xi32, #tpu.memory_space<hbm>>) target(%arg13 : memref<80xi32, #tpu.memory_space<vmem>>) target_semaphore(%run_scoped3A : memref<!tpu.dma_semaphore, #tpu.memory_space<semaphore_mem>>)
          %dma_wait3A_137 = tpu.memref_slice %arg4[%add3A_126] : memref<320000xi32, #tpu.memory_space<hbm>> -> memref<80xi32, #tpu.memory_space<hbm>>
          %dma_wait3A_138 = tpu.memref_slice %arg4[%add3A_126] : memref<320000xi32, #tpu.memory_space<hbm>> -> memref<80xi32, #tpu.memory_space<hbm>>
          tpu.wait_dma2 semaphore(%run_scoped3A : memref<!tpu.dma_semaphore, #tpu.memory_space<semaphore_mem>>) src(%dma_wait3A_138 : memref<80xi32, #tpu.memory_space<hbm>>) dst(%arg13 : memref<80xi32, #tpu.memory_space<vmem>>)
          tpu.yield
        }) : () -> ()
        %add3A_127 = arith.constant 0 : i32
        %add3A_128 = arith.addi %add3A_127, %add3A_124 : i32
        "tpu.region"() ({
          %run_scoped3A = tpu.sem_alloc : memref<!tpu.dma_semaphore, #tpu.memory_space<semaphore_mem>>
          %dma_start3A_135 = tpu.memref_slice %arg5[%add3A_128] : memref<320000xi32, #tpu.memory_space<hbm>> -> memref<80xi32, #tpu.memory_space<hbm>>
          %dma_start3A_136 = tpu.memref_slice %arg5[%add3A_128] : memref<320000xi32, #tpu.memory_space<hbm>> -> memref<80xi32, #tpu.memory_space<hbm>>
          tpu.enqueue_dma source(%dma_start3A_136 : memref<80xi32, #tpu.memory_space<hbm>>) target(%arg15 : memref<80xi32, #tpu.memory_space<vmem>>) target_semaphore(%run_scoped3A : memref<!tpu.dma_semaphore, #tpu.memory_space<semaphore_mem>>)
          %dma_wait3A_137 = tpu.memref_slice %arg5[%add3A_128] : memref<320000xi32, #tpu.memory_space<hbm>> -> memref<80xi32, #tpu.memory_space<hbm>>
          %dma_wait3A_138 = tpu.memref_slice %arg5[%add3A_128] : memref<320000xi32, #tpu.memory_space<hbm>> -> memref<80xi32, #tpu.memory_space<hbm>>
          tpu.wait_dma2 semaphore(%run_scoped3A : memref<!tpu.dma_semaphore, #tpu.memory_space<semaphore_mem>>) src(%dma_wait3A_138 : memref<80xi32, #tpu.memory_space<hbm>>) dst(%arg15 : memref<80xi32, #tpu.memory_space<vmem>>)
          tpu.yield
        }) : () -> ()
        %dma_start3A_129 = arith.constant 0 : i32
        %dma_start3A_130 = arith.constant 0 : i32
        %dma_start3A_131 = tpu.memref_slice %arg2[%dma_start3A_129, %dma_start3A_130] : memref<10000x128xi32, #tpu.memory_space<hbm>> -> memref<10000x128xi32, #tpu.memory_space<hbm>>
        tpu.enqueue_indirect_dma source(%dma_start3A_131 : memref<10000x128xi32, #tpu.memory_space<hbm>>) target(%arg7 : memref<80x128xi32, #tpu.memory_space<vmem>>) offsets(%arg13 : memref<80xi32, #tpu.memory_space<vmem>>) semaphore(%arg17 : memref<!tpu.dma_semaphore, #tpu.memory_space<semaphore_mem>>)
        %dma_start3A_132 = arith.constant 0 : i32
        %dma_start3A_133 = arith.constant 0 : i32
        %dma_start3A_134 = tpu.memref_slice %arg3[%dma_start3A_132, %dma_start3A_133] : memref<10000x128xi32, #tpu.memory_space<hbm>> -> memref<10000x128xi32, #tpu.memory_space<hbm>>
        tpu.enqueue_indirect_dma source(%dma_start3A_134 : memref<10000x128xi32, #tpu.memory_space<hbm>>) target(%arg9 : memref<80x128xi32, #tpu.memory_space<vmem>>) offsets(%arg15 : memref<80xi32, #tpu.memory_space<vmem>>) semaphore(%arg17 : memref<!tpu.dma_semaphore, #tpu.memory_space<semaphore_mem>>)
      } else {
      }
      %mul3A_78 = arith.constant 2 : i32
      %mul3A_79 = arith.muli %mul3A_78, %scan3A_44 : i32
      %add3A_80 = arith.constant 1 : i32
      %add3A_81 = arith.addi %mul3A_79, %add3A_80 : i32
      %dma_wait3A_82 = arith.constant 0 : i32
      %dma_wait3A_83 = arith.constant 0 : i32
      %dma_wait3A_84 = tpu.memref_slice %arg2[%dma_wait3A_82, %dma_wait3A_83] : memref<10000x128xi32, #tpu.memory_space<hbm>> -> memref<80x128xi32, #tpu.memory_space<hbm>>
      %dma_wait3A_85 = arith.constant 0 : i32
      %dma_wait3A_86 = arith.constant 0 : i32
      %dma_wait3A_87 = tpu.memref_slice %arg2[%dma_wait3A_85, %dma_wait3A_86] : memref<10000x128xi32, #tpu.memory_space<hbm>> -> memref<80x128xi32, #tpu.memory_space<hbm>>
      tpu.wait_dma2 semaphore(%arg18 : memref<!tpu.dma_semaphore, #tpu.memory_space<semaphore_mem>>) src(%dma_wait3A_87 : memref<80x128xi32, #tpu.memory_space<hbm>>) dst(%arg8 : memref<80x128xi32, #tpu.memory_space<vmem>>)
      %dma_wait3A_88 = arith.constant 0 : i32
      %dma_wait3A_89 = arith.constant 0 : i32
      %dma_wait3A_90 = tpu.memref_slice %arg2[%dma_wait3A_88, %dma_wait3A_89] : memref<10000x128xi32, #tpu.memory_space<hbm>> -> memref<80x128xi32, #tpu.memory_space<hbm>>
      %dma_wait3A_91 = arith.constant 0 : i32
      %dma_wait3A_92 = arith.constant 0 : i32
      %dma_wait3A_93 = tpu.memref_slice %arg2[%dma_wait3A_91, %dma_wait3A_92] : memref<10000x128xi32, #tpu.memory_space<hbm>> -> memref<80x128xi32, #tpu.memory_space<hbm>>
      tpu.wait_dma2 semaphore(%arg18 : memref<!tpu.dma_semaphore, #tpu.memory_space<semaphore_mem>>) src(%dma_wait3A_93 : memref<80x128xi32, #tpu.memory_space<hbm>>) dst(%arg10 : memref<80x128xi32, #tpu.memory_space<vmem>>)
      %ge3A_94 = arith.constant 2 : i32
      %ge3A_95 = arith.cmpi sge, %add3A_81, %ge3A_94 : i32
      %convert_element_type3A_96 = arith.extui %ge3A_95 : i1 to i32
      %cond3A_97 = arith.constant 0 : i32
      %cond3A_98 = arith.cmpi ne, %convert_element_type3A_96, %cond3A_97 : i32
      scf.if %cond3A_98 {
        %dma_wait3A_118 = arith.constant 0 : i32
        %dma_wait3A_119 = arith.constant 0 : i32
        %dma_wait3A_120 = tpu.memref_slice %arg6[%dma_wait3A_118, %dma_wait3A_119] : memref<153600x128xi32, #tpu.memory_space<hbm>> -> memref<80x128xi32, #tpu.memory_space<hbm>>
        %dma_wait3A_121 = arith.constant 0 : i32
        %dma_wait3A_122 = arith.constant 0 : i32
        %dma_wait3A_123 = tpu.memref_slice %arg6[%dma_wait3A_121, %dma_wait3A_122] : memref<153600x128xi32, #tpu.memory_space<hbm>> -> memref<80x128xi32, #tpu.memory_space<hbm>>
        tpu.wait_dma2 semaphore(%arg20 : memref<!tpu.dma_semaphore, #tpu.memory_space<semaphore_mem>>) src(%arg12 : memref<80x128xi32, #tpu.memory_space<vmem>>) dst(%dma_wait3A_123 : memref<80x128xi32, #tpu.memory_space<hbm>>)
      } else {
      }
      %parallel_loop3A_99 = arith.constant 0 : i32
      %parallel_loop3A_100 = arith.constant 80 : i32
      %parallel_loop3A_101 = arith.constant 1 : i32
      scf.for %parallel_loop3A_118 = %parallel_loop3A_99 to %parallel_loop3A_100 step %parallel_loop3A_101  : i32 {
        %parallel_loop3A_119 = arith.index_cast %parallel_loop3A_118 : i32 to index
        %parallel_loop3A_120 = arith.constant 0 : index
        %parallel_loop3A_121 = tpu.vector_load %arg8[%parallel_loop3A_119, %parallel_loop3A_120] {strides = array<i32>} : memref<80x128xi32, #tpu.memory_space<vmem>>, vector<16xi32>,
        %parallel_loop3A_122 = vector.bitcast %parallel_loop3A_121 : vector<16xi32> to vector<32xbf16>
        %parallel_loop3A_123 = arith.index_cast %parallel_loop3A_118 : i32 to index
        %parallel_loop3A_124 = arith.constant 0 : index
        %parallel_loop3A_125 = tpu.vector_load %arg10[%parallel_loop3A_123, %parallel_loop3A_124] {strides = array<i32>} : memref<80x128xi32, #tpu.memory_space<vmem>>, vector<16xi32>,
        %parallel_loop3A_126 = vector.bitcast %parallel_loop3A_125 : vector<16xi32> to vector<32xbf16>
        %parallel_loop3A_127 = arith.addf %parallel_loop3A_122, %parallel_loop3A_126 : vector<32xbf16>
        %parallel_loop3A_128 = vector.bitcast %parallel_loop3A_127 : vector<32xbf16> to vector<16xi32>
        %parallel_loop3A_129 = arith.index_cast %parallel_loop3A_118 : i32 to index
        %parallel_loop3A_130 = arith.constant 0 : index
        %parallel_loop3A_131 = tpu.vector_load %arg12[%parallel_loop3A_129, %parallel_loop3A_130] {strides = array<i32>} : memref<80x128xi32, #tpu.memory_space<vmem>>, vector<16xi32>,
        tpu.vector_store %arg12[%parallel_loop3A_129, %parallel_loop3A_130], %parallel_loop3A_128 {strides = array<i32>} : memref<80x128xi32, #tpu.memory_space<vmem>>, vector<16xi32>,
        %parallel_loop3A_132 = arith.index_cast %parallel_loop3A_118 : i32 to index
        %parallel_loop3A_133 = arith.constant 16 : index
        %parallel_loop3A_134 = tpu.vector_load %arg8[%parallel_loop3A_132, %parallel_loop3A_133] {strides = array<i32>} : memref<80x128xi32, #tpu.memory_space<vmem>>, vector<16xi32>,
        %parallel_loop3A_135 = vector.bitcast %parallel_loop3A_134 : vector<16xi32> to vector<32xbf16>
        %parallel_loop3A_136 = arith.index_cast %parallel_loop3A_118 : i32 to index
        %parallel_loop3A_137 = arith.constant 16 : index
        %parallel_loop3A_138 = tpu.vector_load %arg10[%parallel_loop3A_136, %parallel_loop3A_137] {strides = array<i32>} : memref<80x128xi32, #tpu.memory_space<vmem>>, vector<16xi32>,
        %parallel_loop3A_139 = vector.bitcast %parallel_loop3A_138 : vector<16xi32> to vector<32xbf16>
        %parallel_loop3A_140 = arith.addf %parallel_loop3A_135, %parallel_loop3A_139 : vector<32xbf16>
        %parallel_loop3A_141 = vector.bitcast %parallel_loop3A_140 : vector<32xbf16> to vector<16xi32>
        %parallel_loop3A_142 = arith.index_cast %parallel_loop3A_118 : i32 to index
        %parallel_loop3A_143 = arith.constant 16 : index
        %parallel_loop3A_144 = tpu.vector_load %arg12[%parallel_loop3A_142, %parallel_loop3A_143] {strides = array<i32>} : memref<80x128xi32, #tpu.memory_space<vmem>>, vector<16xi32>,
        tpu.vector_store %arg12[%parallel_loop3A_142, %parallel_loop3A_143], %parallel_loop3A_141 {strides = array<i32>} : memref<80x128xi32, #tpu.memory_space<vmem>>, vector<16xi32>,
        %parallel_loop3A_145 = arith.index_cast %parallel_loop3A_118 : i32 to index
        %parallel_loop3A_146 = arith.constant 32 : index
        %parallel_loop3A_147 = tpu.vector_load %arg8[%parallel_loop3A_145, %parallel_loop3A_146] {strides = array<i32>} : memref<80x128xi32, #tpu.memory_space<vmem>>, vector<16xi32>,
        %parallel_loop3A_148 = vector.bitcast %parallel_loop3A_147 : vector<16xi32> to vector<32xbf16>
        %parallel_loop3A_149 = arith.index_cast %parallel_loop3A_118 : i32 to index
        %parallel_loop3A_150 = arith.constant 32 : index
        %parallel_loop3A_151 = tpu.vector_load %arg10[%parallel_loop3A_149, %parallel_loop3A_150] {strides = array<i32>} : memref<80x128xi32, #tpu.memory_space<vmem>>, vector<16xi32>,
        %parallel_loop3A_152 = vector.bitcast %parallel_loop3A_151 : vector<16xi32> to vector<32xbf16>
        %parallel_loop3A_153 = arith.addf %parallel_loop3A_148, %parallel_loop3A_152 : vector<32xbf16>
        %parallel_loop3A_154 = vector.bitcast %parallel_loop3A_153 : vector<32xbf16> to vector<16xi32>
        %parallel_loop3A_155 = arith.index_cast %parallel_loop3A_118 : i32 to index
        %parallel_loop3A_156 = arith.constant 32 : index
        %parallel_loop3A_157 = tpu.vector_load %arg12[%parallel_loop3A_155, %parallel_loop3A_156] {strides = array<i32>} : memref<80x128xi32, #tpu.memory_space<vmem>>, vector<16xi32>,
        tpu.vector_store %arg12[%parallel_loop3A_155, %parallel_loop3A_156], %parallel_loop3A_154 {strides = array<i32>} : memref<80x128xi32, #tpu.memory_space<vmem>>, vector<16xi32>,
        %parallel_loop3A_158 = arith.index_cast %parallel_loop3A_118 : i32 to index
        %parallel_loop3A_159 = arith.constant 48 : index
        %parallel_loop3A_160 = tpu.vector_load %arg8[%parallel_loop3A_158, %parallel_loop3A_159] {strides = array<i32>} : memref<80x128xi32, #tpu.memory_space<vmem>>, vector<16xi32>,
        %parallel_loop3A_161 = vector.bitcast %parallel_loop3A_160 : vector<16xi32> to vector<32xbf16>
        %parallel_loop3A_162 = arith.index_cast %parallel_loop3A_118 : i32 to index
        %parallel_loop3A_163 = arith.constant 48 : index
        %parallel_loop3A_164 = tpu.vector_load %arg10[%parallel_loop3A_162, %parallel_loop3A_163] {strides = array<i32>} : memref<80x128xi32, #tpu.memory_space<vmem>>, vector<16xi32>,
        %parallel_loop3A_165 = vector.bitcast %parallel_loop3A_164 : vector<16xi32> to vector<32xbf16>
        %parallel_loop3A_166 = arith.addf %parallel_loop3A_161, %parallel_loop3A_165 : vector<32xbf16>
        %parallel_loop3A_167 = vector.bitcast %parallel_loop3A_166 : vector<32xbf16> to vector<16xi32>
        %parallel_loop3A_168 = arith.index_cast %parallel_loop3A_118 : i32 to index
        %parallel_loop3A_169 = arith.constant 48 : index
        %parallel_loop3A_170 = tpu.vector_load %arg12[%parallel_loop3A_168, %parallel_loop3A_169] {strides = array<i32>} : memref<80x128xi32, #tpu.memory_space<vmem>>, vector<16xi32>,
        tpu.vector_store %arg12[%parallel_loop3A_168, %parallel_loop3A_169], %parallel_loop3A_167 {strides = array<i32>} : memref<80x128xi32, #tpu.memory_space<vmem>>, vector<16xi32>,
        %parallel_loop3A_171 = arith.index_cast %parallel_loop3A_118 : i32 to index
        %parallel_loop3A_172 = arith.constant 64 : index
        %parallel_loop3A_173 = tpu.vector_load %arg8[%parallel_loop3A_171, %parallel_loop3A_172] {strides = array<i32>} : memref<80x128xi32, #tpu.memory_space<vmem>>, vector<16xi32>,
        %parallel_loop3A_174 = vector.bitcast %parallel_loop3A_173 : vector<16xi32> to vector<32xbf16>
        %parallel_loop3A_175 = arith.index_cast %parallel_loop3A_118 : i32 to index
        %parallel_loop3A_176 = arith.constant 64 : index
        %parallel_loop3A_177 = tpu.vector_load %arg10[%parallel_loop3A_175, %parallel_loop3A_176] {strides = array<i32>} : memref<80x128xi32, #tpu.memory_space<vmem>>, vector<16xi32>,
        %parallel_loop3A_178 = vector.bitcast %parallel_loop3A_177 : vector<16xi32> to vector<32xbf16>
        %parallel_loop3A_179 = arith.addf %parallel_loop3A_174, %parallel_loop3A_178 : vector<32xbf16>
        %parallel_loop3A_180 = vector.bitcast %parallel_loop3A_179 : vector<32xbf16> to vector<16xi32>
        %parallel_loop3A_181 = arith.index_cast %parallel_loop3A_118 : i32 to index
        %parallel_loop3A_182 = arith.constant 64 : index
        %parallel_loop3A_183 = tpu.vector_load %arg12[%parallel_loop3A_181, %parallel_loop3A_182] {strides = array<i32>} : memref<80x128xi32, #tpu.memory_space<vmem>>, vector<16xi32>,
        tpu.vector_store %arg12[%parallel_loop3A_181, %parallel_loop3A_182], %parallel_loop3A_180 {strides = array<i32>} : memref<80x128xi32, #tpu.memory_space<vmem>>, vector<16xi32>,
        %parallel_loop3A_184 = arith.index_cast %parallel_loop3A_118 : i32 to index
        %parallel_loop3A_185 = arith.constant 80 : index
        %parallel_loop3A_186 = tpu.vector_load %arg8[%parallel_loop3A_184, %parallel_loop3A_185] {strides = array<i32>} : memref<80x128xi32, #tpu.memory_space<vmem>>, vector<16xi32>,
        %parallel_loop3A_187 = vector.bitcast %parallel_loop3A_186 : vector<16xi32> to vector<32xbf16>
        %parallel_loop3A_188 = arith.index_cast %parallel_loop3A_118 : i32 to index
        %parallel_loop3A_189 = arith.constant 80 : index
        %parallel_loop3A_190 = tpu.vector_load %arg10[%parallel_loop3A_188, %parallel_loop3A_189] {strides = array<i32>} : memref<80x128xi32, #tpu.memory_space<vmem>>, vector<16xi32>,
        %parallel_loop3A_191 = vector.bitcast %parallel_loop3A_190 : vector<16xi32> to vector<32xbf16>
        %parallel_loop3A_192 = arith.addf %parallel_loop3A_187, %parallel_loop3A_191 : vector<32xbf16>
        %parallel_loop3A_193 = vector.bitcast %parallel_loop3A_192 : vector<32xbf16> to vector<16xi32>
        %parallel_loop3A_194 = arith.index_cast %parallel_loop3A_118 : i32 to index
        %parallel_loop3A_195 = arith.constant 80 : index
        %parallel_loop3A_196 = tpu.vector_load %arg12[%parallel_loop3A_194, %parallel_loop3A_195] {strides = array<i32>} : memref<80x128xi32, #tpu.memory_space<vmem>>, vector<16xi32>,
        tpu.vector_store %arg12[%parallel_loop3A_194, %parallel_loop3A_195], %parallel_loop3A_193 {strides = array<i32>} : memref<80x128xi32, #tpu.memory_space<vmem>>, vector<16xi32>,
        %parallel_loop3A_197 = arith.index_cast %parallel_loop3A_118 : i32 to index
        %parallel_loop3A_198 = arith.constant 96 : index
        %parallel_loop3A_199 = tpu.vector_load %arg8[%parallel_loop3A_197, %parallel_loop3A_198] {strides = array<i32>} : memref<80x128xi32, #tpu.memory_space<vmem>>, vector<16xi32>,
        %parallel_loop3A_200 = vector.bitcast %parallel_loop3A_199 : vector<16xi32> to vector<32xbf16>
        %parallel_loop3A_201 = arith.index_cast %parallel_loop3A_118 : i32 to index
        %parallel_loop3A_202 = arith.constant 96 : index
        %parallel_loop3A_203 = tpu.vector_load %arg10[%parallel_loop3A_201, %parallel_loop3A_202] {strides = array<i32>} : memref<80x128xi32, #tpu.memory_space<vmem>>, vector<16xi32>,
        %parallel_loop3A_204 = vector.bitcast %parallel_loop3A_203 : vector<16xi32> to vector<32xbf16>
        %parallel_loop3A_205 = arith.addf %parallel_loop3A_200, %parallel_loop3A_204 : vector<32xbf16>
        %parallel_loop3A_206 = vector.bitcast %parallel_loop3A_205 : vector<32xbf16> to vector<16xi32>
        %parallel_loop3A_207 = arith.index_cast %parallel_loop3A_118 : i32 to index
        %parallel_loop3A_208 = arith.constant 96 : index
        %parallel_loop3A_209 = tpu.vector_load %arg12[%parallel_loop3A_207, %parallel_loop3A_208] {strides = array<i32>} : memref<80x128xi32, #tpu.memory_space<vmem>>, vector<16xi32>,
        tpu.vector_store %arg12[%parallel_loop3A_207, %parallel_loop3A_208], %parallel_loop3A_206 {strides = array<i32>} : memref<80x128xi32, #tpu.memory_space<vmem>>, vector<16xi32>,
        %parallel_loop3A_210 = arith.index_cast %parallel_loop3A_118 : i32 to index
        %parallel_loop3A_211 = arith.constant 112 : index
        %parallel_loop3A_212 = tpu.vector_load %arg8[%parallel_loop3A_210, %parallel_loop3A_211] {strides = array<i32>} : memref<80x128xi32, #tpu.memory_space<vmem>>, vector<16xi32>,
        %parallel_loop3A_213 = vector.bitcast %parallel_loop3A_212 : vector<16xi32> to vector<32xbf16>
        %parallel_loop3A_214 = arith.index_cast %parallel_loop3A_118 : i32 to index
        %parallel_loop3A_215 = arith.constant 112 : index
        %parallel_loop3A_216 = tpu.vector_load %arg10[%parallel_loop3A_214, %parallel_loop3A_215] {strides = array<i32>} : memref<80x128xi32, #tpu.memory_space<vmem>>, vector<16xi32>,
        %parallel_loop3A_217 = vector.bitcast %parallel_loop3A_216 : vector<16xi32> to vector<32xbf16>
        %parallel_loop3A_218 = arith.addf %parallel_loop3A_213, %parallel_loop3A_217 : vector<32xbf16>
        %parallel_loop3A_219 = vector.bitcast %parallel_loop3A_218 : vector<32xbf16> to vector<16xi32>
        %parallel_loop3A_220 = arith.index_cast %parallel_loop3A_118 : i32 to index
        %parallel_loop3A_221 = arith.constant 112 : index
        %parallel_loop3A_222 = tpu.vector_load %arg12[%parallel_loop3A_220, %parallel_loop3A_221] {strides = array<i32>} : memref<80x128xi32, #tpu.memory_space<vmem>>, vector<16xi32>,
        tpu.vector_store %arg12[%parallel_loop3A_220, %parallel_loop3A_221], %parallel_loop3A_219 {strides = array<i32>} : memref<80x128xi32, #tpu.memory_space<vmem>>, vector<16xi32>,
      } {sc.loop_unroll_factor = 2 : i64, sc.parallel_access}
      %mul3A_102 = arith.constant 4800 : i32
      %mul3A_103 = arith.muli %add3A, %mul3A_102 : i32
      %mul3A_104 = arith.constant 80 : i32
      %mul3A_105 = arith.muli %add3A_81, %mul3A_104 : i32
      %add3A_106 = arith.addi %mul3A_103, %mul3A_105 : i32
      %dma_start3A_107 = arith.constant 0 : i32
      %dma_start3A_108 = tpu.memref_slice %arg6[%add3A_106, %dma_start3A_107] : memref<153600x128xi32, #tpu.memory_space<hbm>> -> memref<80x128xi32, #tpu.memory_space<hbm>>
      %dma_start3A_109 = arith.constant 0 : i32
      %dma_start3A_110 = tpu.memref_slice %arg6[%add3A_106, %dma_start3A_109] : memref<153600x128xi32, #tpu.memory_space<hbm>> -> memref<80x128xi32, #tpu.memory_space<hbm>>
      tpu.enqueue_dma source(%arg12 : memref<80x128xi32, #tpu.memory_space<vmem>>) target(%dma_start3A_110 : memref<80x128xi32, #tpu.memory_space<hbm>>) target_semaphore(%arg20 : memref<!tpu.dma_semaphore, #tpu.memory_space<semaphore_mem>>)
      %add3A_111 = arith.constant 2 : i32
      %add3A_112 = arith.addi %add3A_81, %add3A_111 : i32
      %lt3A_113 = arith.constant 60 : i32
      %lt3A_114 = arith.cmpi slt, %add3A_112, %lt3A_113 : i32
      %convert_element_type3A_115 = arith.extui %lt3A_114 : i1 to i32
      %cond3A_116 = arith.constant 0 : i32
      %cond3A_117 = arith.cmpi ne, %convert_element_type3A_115, %cond3A_116 : i32
      scf.if %cond3A_117 {
        %add3A_118 = arith.constant 2 : i32
        %add3A_119 = arith.addi %add3A_81, %add3A_118 : i32
        %mul3A_120 = arith.constant 4800 : i32
        %mul3A_121 = arith.muli %add3A, %mul3A_120 : i32
        %mul3A_122 = arith.constant 80 : i32
        %mul3A_123 = arith.muli %add3A_119, %mul3A_122 : i32
        %add3A_124 = arith.addi %mul3A_121, %mul3A_123 : i32
        %add3A_125 = arith.constant 0 : i32
        %add3A_126 = arith.addi %add3A_125, %add3A_124 : i32
        "tpu.region"() ({
          %run_scoped3A = tpu.sem_alloc : memref<!tpu.dma_semaphore, #tpu.memory_space<semaphore_mem>>
          %dma_start3A_135 = tpu.memref_slice %arg4[%add3A_126] : memref<320000xi32, #tpu.memory_space<hbm>> -> memref<80xi32, #tpu.memory_space<hbm>>
          %dma_start3A_136 = tpu.memref_slice %arg4[%add3A_126] : memref<320000xi32, #tpu.memory_space<hbm>> -> memref<80xi32, #tpu.memory_space<hbm>>
          tpu.enqueue_dma source(%dma_start3A_136 : memref<80xi32, #tpu.memory_space<hbm>>) target(%arg14 : memref<80xi32, #tpu.memory_space<vmem>>) target_semaphore(%run_scoped3A : memref<!tpu.dma_semaphore, #tpu.memory_space<semaphore_mem>>)
          %dma_wait3A_137 = tpu.memref_slice %arg4[%add3A_126] : memref<320000xi32, #tpu.memory_space<hbm>> -> memref<80xi32, #tpu.memory_space<hbm>>
          %dma_wait3A_138 = tpu.memref_slice %arg4[%add3A_126] : memref<320000xi32, #tpu.memory_space<hbm>> -> memref<80xi32, #tpu.memory_space<hbm>>
          tpu.wait_dma2 semaphore(%run_scoped3A : memref<!tpu.dma_semaphore, #tpu.memory_space<semaphore_mem>>) src(%dma_wait3A_138 : memref<80xi32, #tpu.memory_space<hbm>>) dst(%arg14 : memref<80xi32, #tpu.memory_space<vmem>>)
          tpu.yield
        }) : () -> ()
        %add3A_127 = arith.constant 0 : i32
        %add3A_128 = arith.addi %add3A_127, %add3A_124 : i32
        "tpu.region"() ({
          %run_scoped3A = tpu.sem_alloc : memref<!tpu.dma_semaphore, #tpu.memory_space<semaphore_mem>>
          %dma_start3A_135 = tpu.memref_slice %arg5[%add3A_128] : memref<320000xi32, #tpu.memory_space<hbm>> -> memref<80xi32, #tpu.memory_space<hbm>>
          %dma_start3A_136 = tpu.memref_slice %arg5[%add3A_128] : memref<320000xi32, #tpu.memory_space<hbm>> -> memref<80xi32, #tpu.memory_space<hbm>>
          tpu.enqueue_dma source(%dma_start3A_136 : memref<80xi32, #tpu.memory_space<hbm>>) target(%arg16 : memref<80xi32, #tpu.memory_space<vmem>>) target_semaphore(%run_scoped3A : memref<!tpu.dma_semaphore, #tpu.memory_space<semaphore_mem>>)
          %dma_wait3A_137 = tpu.memref_slice %arg5[%add3A_128] : memref<320000xi32, #tpu.memory_space<hbm>> -> memref<80xi32, #tpu.memory_space<hbm>>
          %dma_wait3A_138 = tpu.memref_slice %arg5[%add3A_128] : memref<320000xi32, #tpu.memory_space<hbm>> -> memref<80xi32, #tpu.memory_space<hbm>>
          tpu.wait_dma2 semaphore(%run_scoped3A : memref<!tpu.dma_semaphore, #tpu.memory_space<semaphore_mem>>) src(%dma_wait3A_138 : memref<80xi32, #tpu.memory_space<hbm>>) dst(%arg16 : memref<80xi32, #tpu.memory_space<vmem>>)
          tpu.yield
        }) : () -> ()
        %dma_start3A_129 = arith.constant 0 : i32
        %dma_start3A_130 = arith.constant 0 : i32
        %dma_start3A_131 = tpu.memref_slice %arg2[%dma_start3A_129, %dma_start3A_130] : memref<10000x128xi32, #tpu.memory_space<hbm>> -> memref<10000x128xi32, #tpu.memory_space<hbm>>
        tpu.enqueue_indirect_dma source(%dma_start3A_131 : memref<10000x128xi32, #tpu.memory_space<hbm>>) target(%arg8 : memref<80x128xi32, #tpu.memory_space<vmem>>) offsets(%arg14 : memref<80xi32, #tpu.memory_space<vmem>>) semaphore(%arg18 : memref<!tpu.dma_semaphore, #tpu.memory_space<semaphore_mem>>)
        %dma_start3A_132 = arith.constant 0 : i32
        %dma_start3A_133 = arith.constant 0 : i32
        %dma_start3A_134 = tpu.memref_slice %arg3[%dma_start3A_132, %dma_start3A_133] : memref<10000x128xi32, #tpu.memory_space<hbm>> -> memref<10000x128xi32, #tpu.memory_space<hbm>>
        tpu.enqueue_indirect_dma source(%dma_start3A_134 : memref<10000x128xi32, #tpu.memory_space<hbm>>) target(%arg10 : memref<80x128xi32, #tpu.memory_space<vmem>>) offsets(%arg16 : memref<80xi32, #tpu.memory_space<vmem>>) semaphore(%arg18 : memref<!tpu.dma_semaphore, #tpu.memory_space<semaphore_mem>>)
      } else {
      }
    }
    %scan3A_32 = arith.constant 30 : i32
    %dma_wait3A = arith.constant 0 : i32
    %dma_wait3A_33 = arith.constant 0 : i32
    %dma_wait3A_34 = tpu.memref_slice %arg6[%dma_wait3A, %dma_wait3A_33] : memref<153600x128xi32, #tpu.memory_space<hbm>> -> memref<80x128xi32, #tpu.memory_space<hbm>>
    %dma_wait3A_35 = arith.constant 0 : i32
    %dma_wait3A_36 = arith.constant 0 : i32
    %dma_wait3A_37 = tpu.memref_slice %arg6[%dma_wait3A_35, %dma_wait3A_36] : memref<153600x128xi32, #tpu.memory_space<hbm>> -> memref<80x128xi32, #tpu.memory_space<hbm>>
    tpu.wait_dma2 semaphore(%arg19 : memref<!tpu.dma_semaphore, #tpu.memory_space<semaphore_mem>>) src(%arg11 : memref<80x128xi32, #tpu.memory_space<vmem>>) dst(%dma_wait3A_37 : memref<80x128xi32, #tpu.memory_space<hbm>>)
    %dma_wait3A_38 = arith.constant 0 : i32
    %dma_wait3A_39 = arith.constant 0 : i32
    %dma_wait3A_40 = tpu.memref_slice %arg6[%dma_wait3A_38, %dma_wait3A_39] : memref<153600x128xi32, #tpu.memory_space<hbm>> -> memref<80x128xi32, #tpu.memory_space<hbm>>
    %dma_wait3A_41 = arith.constant 0 : i32
    %dma_wait3A_42 = arith.constant 0 : i32
    %dma_wait3A_43 = tpu.memref_slice %arg6[%dma_wait3A_41, %dma_wait3A_42] : memref<153600x128xi32, #tpu.memory_space<hbm>> -> memref<80x128xi32, #tpu.memory_space<hbm>>
    tpu.wait_dma2 semaphore(%arg20 : memref<!tpu.dma_semaphore, #tpu.memory_space<semaphore_mem>>) src(%arg12 : memref<80x128xi32, #tpu.memory_space<vmem>>) dst(%dma_wait3A_43 : memref<80x128xi32, #tpu.memory_space<hbm>>)
    return
  }
}

#map = affine_map<(d0, d1) -> (0, 0, 0)>
#map1 = affine_map<(d0, d1) -> (0)>
#map2 = affine_map<(d0, d1) -> (0, 0)>
module attributes {stable_mosaic.version = 14 : i64} {
  func.func @seg(%arg0: i32, %arg1: i32, %arg2: memref<2x166400x128xf32, #tpu.memory_space<hbm>>, %arg3: memref<320000xi32, #tpu.memory_space<hbm>>, %arg4: memref<10240x128xf32, #tpu.memory_space<hbm>>, %arg5: memref<2x10240x128xf32, #tpu.memory_space<hbm>>, %arg6: memref<10240x128xf32, #tpu.memory_space<vmem_shared>>, %arg7: memref<80x128xf32, #tpu.memory_space<vmem>>, %arg8: memref<80x128xf32, #tpu.memory_space<vmem>>, %arg9: memref<80xi32, #tpu.memory_space<vmem>>, %arg10: memref<80xi32, #tpu.memory_space<vmem>>, %arg11: memref<!tpu.dma_semaphore, #tpu.memory_space<semaphore_mem>>, %arg12: memref<!tpu.dma_semaphore, #tpu.memory_space<semaphore_mem>>) attributes {dimension_semantics = [#tpu.dimension_semantics<core_parallel>, #tpu.dimension_semantics<subcore_parallel>], iteration_bounds = array<i64: 2, 16>, scalar_prefetch = 0 : i64, scratch_operands = 7 : i64, tpu.core_type = #tpu.core_type<sc_vector_subcore>, window_params = [{transform_indices = #map}, {transform_indices = #map1}, {transform_indices = #map2}, {transform_indices = #map}]} {
    %mul3A = arith.constant 640 : i32
    %mul3A_0 = arith.muli %arg1, %mul3A : i32
    %mul3A_1 = arith.constant 640 : i32
    %mul3A_2 = arith.muli %arg1, %mul3A_1 : i32
    "tpu.region"() ({
      %run_scoped3A = tpu.sem_alloc : memref<!tpu.dma_semaphore, #tpu.memory_space<semaphore_mem>>
      %dma_start3A_39 = arith.constant 0 : i32
      %dma_start3A_40 = tpu.memref_slice %arg6[%mul3A_2, %dma_start3A_39] : memref<10240x128xf32, #tpu.memory_space<vmem_shared>> -> memref<640x128xf32, #tpu.memory_space<vmem_shared>>
      %dma_start3A_41 = arith.constant 0 : i32
      %dma_start3A_42 = tpu.memref_slice %arg4[%mul3A_0, %dma_start3A_41] : memref<10240x128xf32, #tpu.memory_space<hbm>> -> memref<640x128xf32, #tpu.memory_space<hbm>>
      tpu.enqueue_dma source(%dma_start3A_42 : memref<640x128xf32, #tpu.memory_space<hbm>>) target(%dma_start3A_40 : memref<640x128xf32, #tpu.memory_space<vmem_shared>>) target_semaphore(%run_scoped3A : memref<!tpu.dma_semaphore, #tpu.memory_space<semaphore_mem>>)
      %dma_wait3A = arith.constant 0 : i32
      %dma_wait3A_43 = tpu.memref_slice %arg6[%mul3A_2, %dma_wait3A] : memref<10240x128xf32, #tpu.memory_space<vmem_shared>> -> memref<640x128xf32, #tpu.memory_space<vmem_shared>>
      %dma_wait3A_44 = arith.constant 0 : i32
      %dma_wait3A_45 = tpu.memref_slice %arg4[%mul3A_0, %dma_wait3A_44] : memref<10240x128xf32, #tpu.memory_space<hbm>> -> memref<640x128xf32, #tpu.memory_space<hbm>>
      tpu.wait_dma2 semaphore(%run_scoped3A : memref<!tpu.dma_semaphore, #tpu.memory_space<semaphore_mem>>) src(%dma_wait3A_45 : memref<640x128xf32, #tpu.memory_space<hbm>>) dst(%dma_wait3A_43 : memref<640x128xf32, #tpu.memory_space<vmem_shared>>)
      tpu.yield
    }) : () -> ()
    %barrier3A = arith.constant 0 : index
    tpu.barrier barrier_id(%barrier3A)
    %mul3A_3 = arith.constant 10400 : i32
    %mul3A_4 = arith.muli %arg1, %mul3A_3 : i32
    %add3A = arith.constant 0 : i32
    %add3A_5 = arith.addi %mul3A_4, %add3A : i32
    %add3A_6 = arith.constant 153600 : i32
    %add3A_7 = arith.addi %add3A_6, %add3A_5 : i32
    %dma_start3A = tpu.memref_slice %arg3[%add3A_7] : memref<320000xi32, #tpu.memory_space<hbm>> -> memref<80xi32, #tpu.memory_space<hbm>>
    %dma_start3A_8 = tpu.memref_slice %arg3[%add3A_7] : memref<320000xi32, #tpu.memory_space<hbm>> -> memref<80xi32, #tpu.memory_space<hbm>>
    tpu.enqueue_dma source(%dma_start3A_8 : memref<80xi32, #tpu.memory_space<hbm>>) target(%arg9 : memref<80xi32, #tpu.memory_space<vmem>>) target_semaphore(%arg11 : memref<!tpu.dma_semaphore, #tpu.memory_space<semaphore_mem>>)
    %dma_start3A_9 = arith.constant 0 : i32
    %dma_start3A_10 = tpu.memref_slice %arg2[%arg0, %add3A_5, %dma_start3A_9] : memref<2x166400x128xf32, #tpu.memory_space<hbm>> -> memref<1x80x128xf32, #tpu.memory_space<hbm>>
    %dma_start3A_11 = tpu.memref_squeeze %dma_start3A_10 : memref<1x80x128xf32, #tpu.memory_space<hbm>> -> memref<80x128xf32, #tpu.memory_space<hbm>>
    %dma_start3A_12 = arith.constant 0 : i32
    %dma_start3A_13 = tpu.memref_slice %arg2[%arg0, %add3A_5, %dma_start3A_12] : memref<2x166400x128xf32, #tpu.memory_space<hbm>> -> memref<1x80x128xf32, #tpu.memory_space<hbm>>
    %dma_start3A_14 = tpu.memref_squeeze %dma_start3A_13 : memref<1x80x128xf32, #tpu.memory_space<hbm>> -> memref<80x128xf32, #tpu.memory_space<hbm>>
    tpu.enqueue_dma source(%dma_start3A_14 : memref<80x128xf32, #tpu.memory_space<hbm>>) target(%arg7 : memref<80x128xf32, #tpu.memory_space<vmem>>) target_semaphore(%arg11 : memref<!tpu.dma_semaphore, #tpu.memory_space<semaphore_mem>>)
    %mul3A_15 = arith.constant 10400 : i32
    %mul3A_16 = arith.muli %arg1, %mul3A_15 : i32
    %add3A_17 = arith.constant 80 : i32
    %add3A_18 = arith.addi %mul3A_16, %add3A_17 : i32
    %add3A_19 = arith.constant 153600 : i32
    %add3A_20 = arith.addi %add3A_19, %add3A_18 : i32
    %dma_start3A_21 = tpu.memref_slice %arg3[%add3A_20] : memref<320000xi32, #tpu.memory_space<hbm>> -> memref<80xi32, #tpu.memory_space<hbm>>
    %dma_start3A_22 = tpu.memref_slice %arg3[%add3A_20] : memref<320000xi32, #tpu.memory_space<hbm>> -> memref<80xi32, #tpu.memory_space<hbm>>
    tpu.enqueue_dma source(%dma_start3A_22 : memref<80xi32, #tpu.memory_space<hbm>>) target(%arg10 : memref<80xi32, #tpu.memory_space<vmem>>) target_semaphore(%arg12 : memref<!tpu.dma_semaphore, #tpu.memory_space<semaphore_mem>>)
    %dma_start3A_23 = arith.constant 0 : i32
    %dma_start3A_24 = tpu.memref_slice %arg2[%arg0, %add3A_18, %dma_start3A_23] : memref<2x166400x128xf32, #tpu.memory_space<hbm>> -> memref<1x80x128xf32, #tpu.memory_space<hbm>>
    %dma_start3A_25 = tpu.memref_squeeze %dma_start3A_24 : memref<1x80x128xf32, #tpu.memory_space<hbm>> -> memref<80x128xf32, #tpu.memory_space<hbm>>
    %dma_start3A_26 = arith.constant 0 : i32
    %dma_start3A_27 = tpu.memref_slice %arg2[%arg0, %add3A_18, %dma_start3A_26] : memref<2x166400x128xf32, #tpu.memory_space<hbm>> -> memref<1x80x128xf32, #tpu.memory_space<hbm>>
    %dma_start3A_28 = tpu.memref_squeeze %dma_start3A_27 : memref<1x80x128xf32, #tpu.memory_space<hbm>> -> memref<80x128xf32, #tpu.memory_space<hbm>>
    tpu.enqueue_dma source(%dma_start3A_28 : memref<80x128xf32, #tpu.memory_space<hbm>>) target(%arg8 : memref<80x128xf32, #tpu.memory_space<vmem>>) target_semaphore(%arg12 : memref<!tpu.dma_semaphore, #tpu.memory_space<semaphore_mem>>)
    %scan3A = arith.constant 0 : i32
    %scan3A_29 = arith.constant 0 : i32
    %scan3A_30 = arith.constant 65 : i32
    %scan3A_31 = arith.addi %scan3A_29, %scan3A_30 : i32
    %scan3A_32 = arith.constant 1 : i32
    scf.for %scan3A_39 = %scan3A_29 to %scan3A_31 step %scan3A_32  : i32 {
      %mul3A_40 = arith.constant 2 : i32
      %mul3A_41 = arith.muli %mul3A_40, %scan3A_39 : i32
      %dma_wait3A = arith.constant 0 : i32
      %dma_wait3A_42 = tpu.memref_slice %arg3[%dma_wait3A] : memref<320000xi32, #tpu.memory_space<hbm>> -> memref<80xi32, #tpu.memory_space<hbm>>
      %dma_wait3A_43 = arith.constant 0 : i32
      %dma_wait3A_44 = tpu.memref_slice %arg3[%dma_wait3A_43] : memref<320000xi32, #tpu.memory_space<hbm>> -> memref<80xi32, #tpu.memory_space<hbm>>
      tpu.wait_dma2 semaphore(%arg11 : memref<!tpu.dma_semaphore, #tpu.memory_space<semaphore_mem>>) src(%dma_wait3A_44 : memref<80xi32, #tpu.memory_space<hbm>>) dst(%arg9 : memref<80xi32, #tpu.memory_space<vmem>>)
      %dma_wait3A_45 = arith.constant 0 : i32
      %dma_wait3A_46 = arith.constant 0 : i32
      %dma_wait3A_47 = tpu.memref_slice %arg4[%dma_wait3A_45, %dma_wait3A_46] : memref<10240x128xf32, #tpu.memory_space<hbm>> -> memref<80x128xf32, #tpu.memory_space<hbm>>
      %dma_wait3A_48 = arith.constant 0 : i32
      %dma_wait3A_49 = arith.constant 0 : i32
      %dma_wait3A_50 = tpu.memref_slice %arg4[%dma_wait3A_48, %dma_wait3A_49] : memref<10240x128xf32, #tpu.memory_space<hbm>> -> memref<80x128xf32, #tpu.memory_space<hbm>>
      tpu.wait_dma2 semaphore(%arg11 : memref<!tpu.dma_semaphore, #tpu.memory_space<semaphore_mem>>) src(%dma_wait3A_50 : memref<80x128xf32, #tpu.memory_space<hbm>>) dst(%arg7 : memref<80x128xf32, #tpu.memory_space<vmem>>)
      "tpu.region"() ({
        %run_scoped3A = tpu.sem_alloc : memref<!tpu.dma_semaphore, #tpu.memory_space<semaphore_mem>>
        %dma_start3A_76 = arith.constant 0 : i32
        %dma_start3A_77 = arith.constant 0 : i32
        %dma_start3A_78 = tpu.memref_slice %arg6[%dma_start3A_76, %dma_start3A_77] : memref<10240x128xf32, #tpu.memory_space<vmem_shared>> -> memref<10240x128xf32, #tpu.memory_space<vmem_shared>>
        tpu.enqueue_indirect_dma source(%arg7 : memref<80x128xf32, #tpu.memory_space<vmem>>) target(%dma_start3A_78 : memref<10240x128xf32, #tpu.memory_space<vmem_shared>>) offsets(%arg9 : memref<80xi32, #tpu.memory_space<vmem>>) semaphore(%run_scoped3A : memref<!tpu.dma_semaphore, #tpu.memory_space<semaphore_mem>>) {add = true}
        %dma_wait3A_79 = arith.constant 0 : i32
        %dma_wait3A_80 = arith.constant 0 : i32
        %dma_wait3A_81 = tpu.memref_slice %arg6[%dma_wait3A_79, %dma_wait3A_80] : memref<10240x128xf32, #tpu.memory_space<vmem_shared>> -> memref<10240x128xf32, #tpu.memory_space<vmem_shared>>
        tpu.wait_indirect_dma semaphore(%run_scoped3A : memref<!tpu.dma_semaphore, #tpu.memory_space<semaphore_mem>>) src(%arg7 : memref<80x128xf32, #tpu.memory_space<vmem>>) dst(%dma_wait3A_81 : memref<10240x128xf32, #tpu.memory_space<vmem_shared>>)
        tpu.yield
      }) : () -> ()
      %add3A_51 = arith.constant 2 : i32
      %add3A_52 = arith.addi %mul3A_41, %add3A_51 : i32
      %lt3A = arith.constant 130 : i32
      %lt3A_53 = arith.cmpi slt, %add3A_52, %lt3A : i32
      %convert_element_type3A = arith.extui %lt3A_53 : i1 to i32
      %cond3A = arith.constant 0 : i32
      %cond3A_54 = arith.cmpi ne, %convert_element_type3A, %cond3A : i32
      scf.if %cond3A_54 {
        %add3A_76 = arith.constant 2 : i32
        %add3A_77 = arith.addi %mul3A_41, %add3A_76 : i32
        %mul3A_78 = arith.constant 10400 : i32
        %mul3A_79 = arith.muli %arg1, %mul3A_78 : i32
        %mul3A_80 = arith.constant 80 : i32
        %mul3A_81 = arith.muli %add3A_77, %mul3A_80 : i32
        %add3A_82 = arith.addi %mul3A_79, %mul3A_81 : i32
        %add3A_83 = arith.constant 153600 : i32
        %add3A_84 = arith.addi %add3A_83, %add3A_82 : i32
        %dma_start3A_85 = tpu.memref_slice %arg3[%add3A_84] : memref<320000xi32, #tpu.memory_space<hbm>> -> memref<80xi32, #tpu.memory_space<hbm>>
        %dma_start3A_86 = tpu.memref_slice %arg3[%add3A_84] : memref<320000xi32, #tpu.memory_space<hbm>> -> memref<80xi32, #tpu.memory_space<hbm>>
        tpu.enqueue_dma source(%dma_start3A_86 : memref<80xi32, #tpu.memory_space<hbm>>) target(%arg9 : memref<80xi32, #tpu.memory_space<vmem>>) target_semaphore(%arg11 : memref<!tpu.dma_semaphore, #tpu.memory_space<semaphore_mem>>)
        %dma_start3A_87 = arith.constant 0 : i32
        %dma_start3A_88 = tpu.memref_slice %arg2[%arg0, %add3A_82, %dma_start3A_87] : memref<2x166400x128xf32, #tpu.memory_space<hbm>> -> memref<1x80x128xf32, #tpu.memory_space<hbm>>
        %dma_start3A_89 = tpu.memref_squeeze %dma_start3A_88 : memref<1x80x128xf32, #tpu.memory_space<hbm>> -> memref<80x128xf32, #tpu.memory_space<hbm>>
        %dma_start3A_90 = arith.constant 0 : i32
        %dma_start3A_91 = tpu.memref_slice %arg2[%arg0, %add3A_82, %dma_start3A_90] : memref<2x166400x128xf32, #tpu.memory_space<hbm>> -> memref<1x80x128xf32, #tpu.memory_space<hbm>>
        %dma_start3A_92 = tpu.memref_squeeze %dma_start3A_91 : memref<1x80x128xf32, #tpu.memory_space<hbm>> -> memref<80x128xf32, #tpu.memory_space<hbm>>
        tpu.enqueue_dma source(%dma_start3A_92 : memref<80x128xf32, #tpu.memory_space<hbm>>) target(%arg7 : memref<80x128xf32, #tpu.memory_space<vmem>>) target_semaphore(%arg11 : memref<!tpu.dma_semaphore, #tpu.memory_space<semaphore_mem>>)
      } else {
      }
      %mul3A_55 = arith.constant 2 : i32
      %mul3A_56 = arith.muli %mul3A_55, %scan3A_39 : i32
      %add3A_57 = arith.constant 1 : i32
      %add3A_58 = arith.addi %mul3A_56, %add3A_57 : i32
      %dma_wait3A_59 = arith.constant 0 : i32
      %dma_wait3A_60 = tpu.memref_slice %arg3[%dma_wait3A_59] : memref<320000xi32, #tpu.memory_space<hbm>> -> memref<80xi32, #tpu.memory_space<hbm>>
      %dma_wait3A_61 = arith.constant 0 : i32
      %dma_wait3A_62 = tpu.memref_slice %arg3[%dma_wait3A_61] : memref<320000xi32, #tpu.memory_space<hbm>> -> memref<80xi32, #tpu.memory_space<hbm>>
      tpu.wait_dma2 semaphore(%arg12 : memref<!tpu.dma_semaphore, #tpu.memory_space<semaphore_mem>>) src(%dma_wait3A_62 : memref<80xi32, #tpu.memory_space<hbm>>) dst(%arg10 : memref<80xi32, #tpu.memory_space<vmem>>)
      %dma_wait3A_63 = arith.constant 0 : i32
      %dma_wait3A_64 = arith.constant 0 : i32
      %dma_wait3A_65 = tpu.memref_slice %arg4[%dma_wait3A_63, %dma_wait3A_64] : memref<10240x128xf32, #tpu.memory_space<hbm>> -> memref<80x128xf32, #tpu.memory_space<hbm>>
      %dma_wait3A_66 = arith.constant 0 : i32
      %dma_wait3A_67 = arith.constant 0 : i32
      %dma_wait3A_68 = tpu.memref_slice %arg4[%dma_wait3A_66, %dma_wait3A_67] : memref<10240x128xf32, #tpu.memory_space<hbm>> -> memref<80x128xf32, #tpu.memory_space<hbm>>
      tpu.wait_dma2 semaphore(%arg12 : memref<!tpu.dma_semaphore, #tpu.memory_space<semaphore_mem>>) src(%dma_wait3A_68 : memref<80x128xf32, #tpu.memory_space<hbm>>) dst(%arg8 : memref<80x128xf32, #tpu.memory_space<vmem>>)
      "tpu.region"() ({
        %run_scoped3A = tpu.sem_alloc : memref<!tpu.dma_semaphore, #tpu.memory_space<semaphore_mem>>
        %dma_start3A_76 = arith.constant 0 : i32
        %dma_start3A_77 = arith.constant 0 : i32
        %dma_start3A_78 = tpu.memref_slice %arg6[%dma_start3A_76, %dma_start3A_77] : memref<10240x128xf32, #tpu.memory_space<vmem_shared>> -> memref<10240x128xf32, #tpu.memory_space<vmem_shared>>
        tpu.enqueue_indirect_dma source(%arg8 : memref<80x128xf32, #tpu.memory_space<vmem>>) target(%dma_start3A_78 : memref<10240x128xf32, #tpu.memory_space<vmem_shared>>) offsets(%arg10 : memref<80xi32, #tpu.memory_space<vmem>>) semaphore(%run_scoped3A : memref<!tpu.dma_semaphore, #tpu.memory_space<semaphore_mem>>) {add = true}
        %dma_wait3A_79 = arith.constant 0 : i32
        %dma_wait3A_80 = arith.constant 0 : i32
        %dma_wait3A_81 = tpu.memref_slice %arg6[%dma_wait3A_79, %dma_wait3A_80] : memref<10240x128xf32, #tpu.memory_space<vmem_shared>> -> memref<10240x128xf32, #tpu.memory_space<vmem_shared>>
        tpu.wait_indirect_dma semaphore(%run_scoped3A : memref<!tpu.dma_semaphore, #tpu.memory_space<semaphore_mem>>) src(%arg8 : memref<80x128xf32, #tpu.memory_space<vmem>>) dst(%dma_wait3A_81 : memref<10240x128xf32, #tpu.memory_space<vmem_shared>>)
        tpu.yield
      }) : () -> ()
      %add3A_69 = arith.constant 2 : i32
      %add3A_70 = arith.addi %add3A_58, %add3A_69 : i32
      %lt3A_71 = arith.constant 130 : i32
      %lt3A_72 = arith.cmpi slt, %add3A_70, %lt3A_71 : i32
      %convert_element_type3A_73 = arith.extui %lt3A_72 : i1 to i32
      %cond3A_74 = arith.constant 0 : i32
      %cond3A_75 = arith.cmpi ne, %convert_element_type3A_73, %cond3A_74 : i32
      scf.if %cond3A_75 {
        %add3A_76 = arith.constant 2 : i32
        %add3A_77 = arith.addi %add3A_58, %add3A_76 : i32
        %mul3A_78 = arith.constant 10400 : i32
        %mul3A_79 = arith.muli %arg1, %mul3A_78 : i32
        %mul3A_80 = arith.constant 80 : i32
        %mul3A_81 = arith.muli %add3A_77, %mul3A_80 : i32
        %add3A_82 = arith.addi %mul3A_79, %mul3A_81 : i32
        %add3A_83 = arith.constant 153600 : i32
        %add3A_84 = arith.addi %add3A_83, %add3A_82 : i32
        %dma_start3A_85 = tpu.memref_slice %arg3[%add3A_84] : memref<320000xi32, #tpu.memory_space<hbm>> -> memref<80xi32, #tpu.memory_space<hbm>>
        %dma_start3A_86 = tpu.memref_slice %arg3[%add3A_84] : memref<320000xi32, #tpu.memory_space<hbm>> -> memref<80xi32, #tpu.memory_space<hbm>>
        tpu.enqueue_dma source(%dma_start3A_86 : memref<80xi32, #tpu.memory_space<hbm>>) target(%arg10 : memref<80xi32, #tpu.memory_space<vmem>>) target_semaphore(%arg12 : memref<!tpu.dma_semaphore, #tpu.memory_space<semaphore_mem>>)
        %dma_start3A_87 = arith.constant 0 : i32
        %dma_start3A_88 = tpu.memref_slice %arg2[%arg0, %add3A_82, %dma_start3A_87] : memref<2x166400x128xf32, #tpu.memory_space<hbm>> -> memref<1x80x128xf32, #tpu.memory_space<hbm>>
        %dma_start3A_89 = tpu.memref_squeeze %dma_start3A_88 : memref<1x80x128xf32, #tpu.memory_space<hbm>> -> memref<80x128xf32, #tpu.memory_space<hbm>>
        %dma_start3A_90 = arith.constant 0 : i32
        %dma_start3A_91 = tpu.memref_slice %arg2[%arg0, %add3A_82, %dma_start3A_90] : memref<2x166400x128xf32, #tpu.memory_space<hbm>> -> memref<1x80x128xf32, #tpu.memory_space<hbm>>
        %dma_start3A_92 = tpu.memref_squeeze %dma_start3A_91 : memref<1x80x128xf32, #tpu.memory_space<hbm>> -> memref<80x128xf32, #tpu.memory_space<hbm>>
        tpu.enqueue_dma source(%dma_start3A_92 : memref<80x128xf32, #tpu.memory_space<hbm>>) target(%arg8 : memref<80x128xf32, #tpu.memory_space<vmem>>) target_semaphore(%arg12 : memref<!tpu.dma_semaphore, #tpu.memory_space<semaphore_mem>>)
      } else {
      }
    }
    %scan3A_33 = arith.constant 65 : i32
    %barrier3A_34 = arith.constant 0 : index
    tpu.barrier barrier_id(%barrier3A_34)
    %mul3A_35 = arith.constant 640 : i32
    %mul3A_36 = arith.muli %arg1, %mul3A_35 : i32
    %mul3A_37 = arith.constant 640 : i32
    %mul3A_38 = arith.muli %arg1, %mul3A_37 : i32
    "tpu.region"() ({
      %run_scoped3A = tpu.sem_alloc : memref<!tpu.dma_semaphore, #tpu.memory_space<semaphore_mem>>
      %dma_start3A_39 = arith.constant 0 : i32
      %dma_start3A_40 = tpu.memref_slice %arg5[%arg0, %mul3A_38, %dma_start3A_39] : memref<2x10240x128xf32, #tpu.memory_space<hbm>> -> memref<1x640x128xf32, #tpu.memory_space<hbm>>
      %dma_start3A_41 = tpu.memref_squeeze %dma_start3A_40 : memref<1x640x128xf32, #tpu.memory_space<hbm>> -> memref<640x128xf32, #tpu.memory_space<hbm>>
      %dma_start3A_42 = arith.constant 0 : i32
      %dma_start3A_43 = tpu.memref_slice %arg6[%mul3A_36, %dma_start3A_42] : memref<10240x128xf32, #tpu.memory_space<vmem_shared>> -> memref<640x128xf32, #tpu.memory_space<vmem_shared>>
      tpu.enqueue_dma source(%dma_start3A_43 : memref<640x128xf32, #tpu.memory_space<vmem_shared>>) target(%dma_start3A_41 : memref<640x128xf32, #tpu.memory_space<hbm>>) target_semaphore(%run_scoped3A : memref<!tpu.dma_semaphore, #tpu.memory_space<semaphore_mem>>)
      %dma_wait3A = arith.constant 0 : i32
      %dma_wait3A_44 = tpu.memref_slice %arg5[%arg0, %mul3A_38, %dma_wait3A] : memref<2x10240x128xf32, #tpu.memory_space<hbm>> -> memref<1x640x128xf32, #tpu.memory_space<hbm>>
      %dma_wait3A_45 = tpu.memref_squeeze %dma_wait3A_44 : memref<1x640x128xf32, #tpu.memory_space<hbm>> -> memref<640x128xf32, #tpu.memory_space<hbm>>
      %dma_wait3A_46 = arith.constant 0 : i32
      %dma_wait3A_47 = tpu.memref_slice %arg6[%mul3A_36, %dma_wait3A_46] : memref<10240x128xf32, #tpu.memory_space<vmem_shared>> -> memref<640x128xf32, #tpu.memory_space<vmem_shared>>
      tpu.wait_dma2 semaphore(%run_scoped3A : memref<!tpu.dma_semaphore, #tpu.memory_space<semaphore_mem>>) src(%dma_wait3A_47 : memref<640x128xf32, #tpu.memory_space<vmem_shared>>) dst(%dma_wait3A_45 : memref<640x128xf32, #tpu.memory_space<hbm>>)
      tpu.yield
    }) : () -> ()
    return
  }
}

#map = affine_map<(d0, d1) -> (0, 0, 0)>
#map1 = affine_map<(d0, d1) -> (0)>
#map2 = affine_map<(d0, d1) -> (0, 0)>
module attributes {stable_mosaic.version = 14 : i64} {
  func.func @seg(%arg0: i32, %arg1: i32, %arg2: memref<2x153600x128xf32, #tpu.memory_space<hbm>>, %arg3: memref<320000xi32, #tpu.memory_space<hbm>>, %arg4: memref<10240x128xf32, #tpu.memory_space<hbm>>, %arg5: memref<2x10240x128xf32, #tpu.memory_space<hbm>>, %arg6: memref<10240x128xf32, #tpu.memory_space<vmem_shared>>, %arg7: memref<80x128xf32, #tpu.memory_space<vmem>>, %arg8: memref<80x128xf32, #tpu.memory_space<vmem>>, %arg9: memref<80xi32, #tpu.memory_space<vmem>>, %arg10: memref<80xi32, #tpu.memory_space<vmem>>, %arg11: memref<!tpu.dma_semaphore, #tpu.memory_space<semaphore_mem>>, %arg12: memref<!tpu.dma_semaphore, #tpu.memory_space<semaphore_mem>>) attributes {dimension_semantics = [#tpu.dimension_semantics<core_parallel>, #tpu.dimension_semantics<subcore_parallel>], iteration_bounds = array<i64: 2, 16>, scalar_prefetch = 0 : i64, scratch_operands = 7 : i64, tpu.core_type = #tpu.core_type<sc_vector_subcore>, window_params = [{transform_indices = #map}, {transform_indices = #map1}, {transform_indices = #map2}, {transform_indices = #map}]} {
    %mul3A = arith.constant 640 : i32
    %mul3A_0 = arith.muli %arg1, %mul3A : i32
    %mul3A_1 = arith.constant 640 : i32
    %mul3A_2 = arith.muli %arg1, %mul3A_1 : i32
    "tpu.region"() ({
      %run_scoped3A = tpu.sem_alloc : memref<!tpu.dma_semaphore, #tpu.memory_space<semaphore_mem>>
      %dma_start3A_39 = arith.constant 0 : i32
      %dma_start3A_40 = tpu.memref_slice %arg6[%mul3A_2, %dma_start3A_39] : memref<10240x128xf32, #tpu.memory_space<vmem_shared>> -> memref<640x128xf32, #tpu.memory_space<vmem_shared>>
      %dma_start3A_41 = arith.constant 0 : i32
      %dma_start3A_42 = tpu.memref_slice %arg4[%mul3A_0, %dma_start3A_41] : memref<10240x128xf32, #tpu.memory_space<hbm>> -> memref<640x128xf32, #tpu.memory_space<hbm>>
      tpu.enqueue_dma source(%dma_start3A_42 : memref<640x128xf32, #tpu.memory_space<hbm>>) target(%dma_start3A_40 : memref<640x128xf32, #tpu.memory_space<vmem_shared>>) target_semaphore(%run_scoped3A : memref<!tpu.dma_semaphore, #tpu.memory_space<semaphore_mem>>)
      %dma_wait3A = arith.constant 0 : i32
      %dma_wait3A_43 = tpu.memref_slice %arg6[%mul3A_2, %dma_wait3A] : memref<10240x128xf32, #tpu.memory_space<vmem_shared>> -> memref<640x128xf32, #tpu.memory_space<vmem_shared>>
      %dma_wait3A_44 = arith.constant 0 : i32
      %dma_wait3A_45 = tpu.memref_slice %arg4[%mul3A_0, %dma_wait3A_44] : memref<10240x128xf32, #tpu.memory_space<hbm>> -> memref<640x128xf32, #tpu.memory_space<hbm>>
      tpu.wait_dma2 semaphore(%run_scoped3A : memref<!tpu.dma_semaphore, #tpu.memory_space<semaphore_mem>>) src(%dma_wait3A_45 : memref<640x128xf32, #tpu.memory_space<hbm>>) dst(%dma_wait3A_43 : memref<640x128xf32, #tpu.memory_space<vmem_shared>>)
      tpu.yield
    }) : () -> ()
    %barrier3A = arith.constant 0 : index
    tpu.barrier barrier_id(%barrier3A)
    %mul3A_3 = arith.constant 9600 : i32
    %mul3A_4 = arith.muli %arg1, %mul3A_3 : i32
    %add3A = arith.constant 0 : i32
    %add3A_5 = arith.addi %mul3A_4, %add3A : i32
    %add3A_6 = arith.constant 0 : i32
    %add3A_7 = arith.addi %add3A_6, %add3A_5 : i32
    %dma_start3A = tpu.memref_slice %arg3[%add3A_7] : memref<320000xi32, #tpu.memory_space<hbm>> -> memref<80xi32, #tpu.memory_space<hbm>>
    %dma_start3A_8 = tpu.memref_slice %arg3[%add3A_7] : memref<320000xi32, #tpu.memory_space<hbm>> -> memref<80xi32, #tpu.memory_space<hbm>>
    tpu.enqueue_dma source(%dma_start3A_8 : memref<80xi32, #tpu.memory_space<hbm>>) target(%arg9 : memref<80xi32, #tpu.memory_space<vmem>>) target_semaphore(%arg11 : memref<!tpu.dma_semaphore, #tpu.memory_space<semaphore_mem>>)
    %dma_start3A_9 = arith.constant 0 : i32
    %dma_start3A_10 = tpu.memref_slice %arg2[%arg0, %add3A_5, %dma_start3A_9] : memref<2x153600x128xf32, #tpu.memory_space<hbm>> -> memref<1x80x128xf32, #tpu.memory_space<hbm>>
    %dma_start3A_11 = tpu.memref_squeeze %dma_start3A_10 : memref<1x80x128xf32, #tpu.memory_space<hbm>> -> memref<80x128xf32, #tpu.memory_space<hbm>>
    %dma_start3A_12 = arith.constant 0 : i32
    %dma_start3A_13 = tpu.memref_slice %arg2[%arg0, %add3A_5, %dma_start3A_12] : memref<2x153600x128xf32, #tpu.memory_space<hbm>> -> memref<1x80x128xf32, #tpu.memory_space<hbm>>
    %dma_start3A_14 = tpu.memref_squeeze %dma_start3A_13 : memref<1x80x128xf32, #tpu.memory_space<hbm>> -> memref<80x128xf32, #tpu.memory_space<hbm>>
    tpu.enqueue_dma source(%dma_start3A_14 : memref<80x128xf32, #tpu.memory_space<hbm>>) target(%arg7 : memref<80x128xf32, #tpu.memory_space<vmem>>) target_semaphore(%arg11 : memref<!tpu.dma_semaphore, #tpu.memory_space<semaphore_mem>>)
    %mul3A_15 = arith.constant 9600 : i32
    %mul3A_16 = arith.muli %arg1, %mul3A_15 : i32
    %add3A_17 = arith.constant 80 : i32
    %add3A_18 = arith.addi %mul3A_16, %add3A_17 : i32
    %add3A_19 = arith.constant 0 : i32
    %add3A_20 = arith.addi %add3A_19, %add3A_18 : i32
    %dma_start3A_21 = tpu.memref_slice %arg3[%add3A_20] : memref<320000xi32, #tpu.memory_space<hbm>> -> memref<80xi32, #tpu.memory_space<hbm>>
    %dma_start3A_22 = tpu.memref_slice %arg3[%add3A_20] : memref<320000xi32, #tpu.memory_space<hbm>> -> memref<80xi32, #tpu.memory_space<hbm>>
    tpu.enqueue_dma source(%dma_start3A_22 : memref<80xi32, #tpu.memory_space<hbm>>) target(%arg10 : memref<80xi32, #tpu.memory_space<vmem>>) target_semaphore(%arg12 : memref<!tpu.dma_semaphore, #tpu.memory_space<semaphore_mem>>)
    %dma_start3A_23 = arith.constant 0 : i32
    %dma_start3A_24 = tpu.memref_slice %arg2[%arg0, %add3A_18, %dma_start3A_23] : memref<2x153600x128xf32, #tpu.memory_space<hbm>> -> memref<1x80x128xf32, #tpu.memory_space<hbm>>
    %dma_start3A_25 = tpu.memref_squeeze %dma_start3A_24 : memref<1x80x128xf32, #tpu.memory_space<hbm>> -> memref<80x128xf32, #tpu.memory_space<hbm>>
    %dma_start3A_26 = arith.constant 0 : i32
    %dma_start3A_27 = tpu.memref_slice %arg2[%arg0, %add3A_18, %dma_start3A_26] : memref<2x153600x128xf32, #tpu.memory_space<hbm>> -> memref<1x80x128xf32, #tpu.memory_space<hbm>>
    %dma_start3A_28 = tpu.memref_squeeze %dma_start3A_27 : memref<1x80x128xf32, #tpu.memory_space<hbm>> -> memref<80x128xf32, #tpu.memory_space<hbm>>
    tpu.enqueue_dma source(%dma_start3A_28 : memref<80x128xf32, #tpu.memory_space<hbm>>) target(%arg8 : memref<80x128xf32, #tpu.memory_space<vmem>>) target_semaphore(%arg12 : memref<!tpu.dma_semaphore, #tpu.memory_space<semaphore_mem>>)
    %scan3A = arith.constant 0 : i32
    %scan3A_29 = arith.constant 0 : i32
    %scan3A_30 = arith.constant 60 : i32
    %scan3A_31 = arith.addi %scan3A_29, %scan3A_30 : i32
    %scan3A_32 = arith.constant 1 : i32
    scf.for %scan3A_39 = %scan3A_29 to %scan3A_31 step %scan3A_32  : i32 {
      %mul3A_40 = arith.constant 2 : i32
      %mul3A_41 = arith.muli %mul3A_40, %scan3A_39 : i32
      %dma_wait3A = arith.constant 0 : i32
      %dma_wait3A_42 = tpu.memref_slice %arg3[%dma_wait3A] : memref<320000xi32, #tpu.memory_space<hbm>> -> memref<80xi32, #tpu.memory_space<hbm>>
      %dma_wait3A_43 = arith.constant 0 : i32
      %dma_wait3A_44 = tpu.memref_slice %arg3[%dma_wait3A_43] : memref<320000xi32, #tpu.memory_space<hbm>> -> memref<80xi32, #tpu.memory_space<hbm>>
      tpu.wait_dma2 semaphore(%arg11 : memref<!tpu.dma_semaphore, #tpu.memory_space<semaphore_mem>>) src(%dma_wait3A_44 : memref<80xi32, #tpu.memory_space<hbm>>) dst(%arg9 : memref<80xi32, #tpu.memory_space<vmem>>)
      %dma_wait3A_45 = arith.constant 0 : i32
      %dma_wait3A_46 = arith.constant 0 : i32
      %dma_wait3A_47 = tpu.memref_slice %arg4[%dma_wait3A_45, %dma_wait3A_46] : memref<10240x128xf32, #tpu.memory_space<hbm>> -> memref<80x128xf32, #tpu.memory_space<hbm>>
      %dma_wait3A_48 = arith.constant 0 : i32
      %dma_wait3A_49 = arith.constant 0 : i32
      %dma_wait3A_50 = tpu.memref_slice %arg4[%dma_wait3A_48, %dma_wait3A_49] : memref<10240x128xf32, #tpu.memory_space<hbm>> -> memref<80x128xf32, #tpu.memory_space<hbm>>
      tpu.wait_dma2 semaphore(%arg11 : memref<!tpu.dma_semaphore, #tpu.memory_space<semaphore_mem>>) src(%dma_wait3A_50 : memref<80x128xf32, #tpu.memory_space<hbm>>) dst(%arg7 : memref<80x128xf32, #tpu.memory_space<vmem>>)
      "tpu.region"() ({
        %run_scoped3A = tpu.sem_alloc : memref<!tpu.dma_semaphore, #tpu.memory_space<semaphore_mem>>
        %dma_start3A_76 = arith.constant 0 : i32
        %dma_start3A_77 = arith.constant 0 : i32
        %dma_start3A_78 = tpu.memref_slice %arg6[%dma_start3A_76, %dma_start3A_77] : memref<10240x128xf32, #tpu.memory_space<vmem_shared>> -> memref<10240x128xf32, #tpu.memory_space<vmem_shared>>
        tpu.enqueue_indirect_dma source(%arg7 : memref<80x128xf32, #tpu.memory_space<vmem>>) target(%dma_start3A_78 : memref<10240x128xf32, #tpu.memory_space<vmem_shared>>) offsets(%arg9 : memref<80xi32, #tpu.memory_space<vmem>>) semaphore(%run_scoped3A : memref<!tpu.dma_semaphore, #tpu.memory_space<semaphore_mem>>) {add = true}
        %dma_wait3A_79 = arith.constant 0 : i32
        %dma_wait3A_80 = arith.constant 0 : i32
        %dma_wait3A_81 = tpu.memref_slice %arg6[%dma_wait3A_79, %dma_wait3A_80] : memref<10240x128xf32, #tpu.memory_space<vmem_shared>> -> memref<10240x128xf32, #tpu.memory_space<vmem_shared>>
        tpu.wait_indirect_dma semaphore(%run_scoped3A : memref<!tpu.dma_semaphore, #tpu.memory_space<semaphore_mem>>) src(%arg7 : memref<80x128xf32, #tpu.memory_space<vmem>>) dst(%dma_wait3A_81 : memref<10240x128xf32, #tpu.memory_space<vmem_shared>>)
        tpu.yield
      }) : () -> ()
      %add3A_51 = arith.constant 2 : i32
      %add3A_52 = arith.addi %mul3A_41, %add3A_51 : i32
      %lt3A = arith.constant 120 : i32
      %lt3A_53 = arith.cmpi slt, %add3A_52, %lt3A : i32
      %convert_element_type3A = arith.extui %lt3A_53 : i1 to i32
      %cond3A = arith.constant 0 : i32
      %cond3A_54 = arith.cmpi ne, %convert_element_type3A, %cond3A : i32
      scf.if %cond3A_54 {
        %add3A_76 = arith.constant 2 : i32
        %add3A_77 = arith.addi %mul3A_41, %add3A_76 : i32
        %mul3A_78 = arith.constant 9600 : i32
        %mul3A_79 = arith.muli %arg1, %mul3A_78 : i32
        %mul3A_80 = arith.constant 80 : i32
        %mul3A_81 = arith.muli %add3A_77, %mul3A_80 : i32
        %add3A_82 = arith.addi %mul3A_79, %mul3A_81 : i32
        %add3A_83 = arith.constant 0 : i32
        %add3A_84 = arith.addi %add3A_83, %add3A_82 : i32
        %dma_start3A_85 = tpu.memref_slice %arg3[%add3A_84] : memref<320000xi32, #tpu.memory_space<hbm>> -> memref<80xi32, #tpu.memory_space<hbm>>
        %dma_start3A_86 = tpu.memref_slice %arg3[%add3A_84] : memref<320000xi32, #tpu.memory_space<hbm>> -> memref<80xi32, #tpu.memory_space<hbm>>
        tpu.enqueue_dma source(%dma_start3A_86 : memref<80xi32, #tpu.memory_space<hbm>>) target(%arg9 : memref<80xi32, #tpu.memory_space<vmem>>) target_semaphore(%arg11 : memref<!tpu.dma_semaphore, #tpu.memory_space<semaphore_mem>>)
        %dma_start3A_87 = arith.constant 0 : i32
        %dma_start3A_88 = tpu.memref_slice %arg2[%arg0, %add3A_82, %dma_start3A_87] : memref<2x153600x128xf32, #tpu.memory_space<hbm>> -> memref<1x80x128xf32, #tpu.memory_space<hbm>>
        %dma_start3A_89 = tpu.memref_squeeze %dma_start3A_88 : memref<1x80x128xf32, #tpu.memory_space<hbm>> -> memref<80x128xf32, #tpu.memory_space<hbm>>
        %dma_start3A_90 = arith.constant 0 : i32
        %dma_start3A_91 = tpu.memref_slice %arg2[%arg0, %add3A_82, %dma_start3A_90] : memref<2x153600x128xf32, #tpu.memory_space<hbm>> -> memref<1x80x128xf32, #tpu.memory_space<hbm>>
        %dma_start3A_92 = tpu.memref_squeeze %dma_start3A_91 : memref<1x80x128xf32, #tpu.memory_space<hbm>> -> memref<80x128xf32, #tpu.memory_space<hbm>>
        tpu.enqueue_dma source(%dma_start3A_92 : memref<80x128xf32, #tpu.memory_space<hbm>>) target(%arg7 : memref<80x128xf32, #tpu.memory_space<vmem>>) target_semaphore(%arg11 : memref<!tpu.dma_semaphore, #tpu.memory_space<semaphore_mem>>)
      } else {
      }
      %mul3A_55 = arith.constant 2 : i32
      %mul3A_56 = arith.muli %mul3A_55, %scan3A_39 : i32
      %add3A_57 = arith.constant 1 : i32
      %add3A_58 = arith.addi %mul3A_56, %add3A_57 : i32
      %dma_wait3A_59 = arith.constant 0 : i32
      %dma_wait3A_60 = tpu.memref_slice %arg3[%dma_wait3A_59] : memref<320000xi32, #tpu.memory_space<hbm>> -> memref<80xi32, #tpu.memory_space<hbm>>
      %dma_wait3A_61 = arith.constant 0 : i32
      %dma_wait3A_62 = tpu.memref_slice %arg3[%dma_wait3A_61] : memref<320000xi32, #tpu.memory_space<hbm>> -> memref<80xi32, #tpu.memory_space<hbm>>
      tpu.wait_dma2 semaphore(%arg12 : memref<!tpu.dma_semaphore, #tpu.memory_space<semaphore_mem>>) src(%dma_wait3A_62 : memref<80xi32, #tpu.memory_space<hbm>>) dst(%arg10 : memref<80xi32, #tpu.memory_space<vmem>>)
      %dma_wait3A_63 = arith.constant 0 : i32
      %dma_wait3A_64 = arith.constant 0 : i32
      %dma_wait3A_65 = tpu.memref_slice %arg4[%dma_wait3A_63, %dma_wait3A_64] : memref<10240x128xf32, #tpu.memory_space<hbm>> -> memref<80x128xf32, #tpu.memory_space<hbm>>
      %dma_wait3A_66 = arith.constant 0 : i32
      %dma_wait3A_67 = arith.constant 0 : i32
      %dma_wait3A_68 = tpu.memref_slice %arg4[%dma_wait3A_66, %dma_wait3A_67] : memref<10240x128xf32, #tpu.memory_space<hbm>> -> memref<80x128xf32, #tpu.memory_space<hbm>>
      tpu.wait_dma2 semaphore(%arg12 : memref<!tpu.dma_semaphore, #tpu.memory_space<semaphore_mem>>) src(%dma_wait3A_68 : memref<80x128xf32, #tpu.memory_space<hbm>>) dst(%arg8 : memref<80x128xf32, #tpu.memory_space<vmem>>)
      "tpu.region"() ({
        %run_scoped3A = tpu.sem_alloc : memref<!tpu.dma_semaphore, #tpu.memory_space<semaphore_mem>>
        %dma_start3A_76 = arith.constant 0 : i32
        %dma_start3A_77 = arith.constant 0 : i32
        %dma_start3A_78 = tpu.memref_slice %arg6[%dma_start3A_76, %dma_start3A_77] : memref<10240x128xf32, #tpu.memory_space<vmem_shared>> -> memref<10240x128xf32, #tpu.memory_space<vmem_shared>>
        tpu.enqueue_indirect_dma source(%arg8 : memref<80x128xf32, #tpu.memory_space<vmem>>) target(%dma_start3A_78 : memref<10240x128xf32, #tpu.memory_space<vmem_shared>>) offsets(%arg10 : memref<80xi32, #tpu.memory_space<vmem>>) semaphore(%run_scoped3A : memref<!tpu.dma_semaphore, #tpu.memory_space<semaphore_mem>>) {add = true}
        %dma_wait3A_79 = arith.constant 0 : i32
        %dma_wait3A_80 = arith.constant 0 : i32
        %dma_wait3A_81 = tpu.memref_slice %arg6[%dma_wait3A_79, %dma_wait3A_80] : memref<10240x128xf32, #tpu.memory_space<vmem_shared>> -> memref<10240x128xf32, #tpu.memory_space<vmem_shared>>
        tpu.wait_indirect_dma semaphore(%run_scoped3A : memref<!tpu.dma_semaphore, #tpu.memory_space<semaphore_mem>>) src(%arg8 : memref<80x128xf32, #tpu.memory_space<vmem>>) dst(%dma_wait3A_81 : memref<10240x128xf32, #tpu.memory_space<vmem_shared>>)
        tpu.yield
      }) : () -> ()
      %add3A_69 = arith.constant 2 : i32
      %add3A_70 = arith.addi %add3A_58, %add3A_69 : i32
      %lt3A_71 = arith.constant 120 : i32
      %lt3A_72 = arith.cmpi slt, %add3A_70, %lt3A_71 : i32
      %convert_element_type3A_73 = arith.extui %lt3A_72 : i1 to i32
      %cond3A_74 = arith.constant 0 : i32
      %cond3A_75 = arith.cmpi ne, %convert_element_type3A_73, %cond3A_74 : i32
      scf.if %cond3A_75 {
        %add3A_76 = arith.constant 2 : i32
        %add3A_77 = arith.addi %add3A_58, %add3A_76 : i32
        %mul3A_78 = arith.constant 9600 : i32
        %mul3A_79 = arith.muli %arg1, %mul3A_78 : i32
        %mul3A_80 = arith.constant 80 : i32
        %mul3A_81 = arith.muli %add3A_77, %mul3A_80 : i32
        %add3A_82 = arith.addi %mul3A_79, %mul3A_81 : i32
        %add3A_83 = arith.constant 0 : i32
        %add3A_84 = arith.addi %add3A_83, %add3A_82 : i32
        %dma_start3A_85 = tpu.memref_slice %arg3[%add3A_84] : memref<320000xi32, #tpu.memory_space<hbm>> -> memref<80xi32, #tpu.memory_space<hbm>>
        %dma_start3A_86 = tpu.memref_slice %arg3[%add3A_84] : memref<320000xi32, #tpu.memory_space<hbm>> -> memref<80xi32, #tpu.memory_space<hbm>>
        tpu.enqueue_dma source(%dma_start3A_86 : memref<80xi32, #tpu.memory_space<hbm>>) target(%arg10 : memref<80xi32, #tpu.memory_space<vmem>>) target_semaphore(%arg12 : memref<!tpu.dma_semaphore, #tpu.memory_space<semaphore_mem>>)
        %dma_start3A_87 = arith.constant 0 : i32
        %dma_start3A_88 = tpu.memref_slice %arg2[%arg0, %add3A_82, %dma_start3A_87] : memref<2x153600x128xf32, #tpu.memory_space<hbm>> -> memref<1x80x128xf32, #tpu.memory_space<hbm>>
        %dma_start3A_89 = tpu.memref_squeeze %dma_start3A_88 : memref<1x80x128xf32, #tpu.memory_space<hbm>> -> memref<80x128xf32, #tpu.memory_space<hbm>>
        %dma_start3A_90 = arith.constant 0 : i32
        %dma_start3A_91 = tpu.memref_slice %arg2[%arg0, %add3A_82, %dma_start3A_90] : memref<2x153600x128xf32, #tpu.memory_space<hbm>> -> memref<1x80x128xf32, #tpu.memory_space<hbm>>
        %dma_start3A_92 = tpu.memref_squeeze %dma_start3A_91 : memref<1x80x128xf32, #tpu.memory_space<hbm>> -> memref<80x128xf32, #tpu.memory_space<hbm>>
        tpu.enqueue_dma source(%dma_start3A_92 : memref<80x128xf32, #tpu.memory_space<hbm>>) target(%arg8 : memref<80x128xf32, #tpu.memory_space<vmem>>) target_semaphore(%arg12 : memref<!tpu.dma_semaphore, #tpu.memory_space<semaphore_mem>>)
      } else {
      }
    }
    %scan3A_33 = arith.constant 60 : i32
    %barrier3A_34 = arith.constant 0 : index
    tpu.barrier barrier_id(%barrier3A_34)
    %mul3A_35 = arith.constant 640 : i32
    %mul3A_36 = arith.muli %arg1, %mul3A_35 : i32
    %mul3A_37 = arith.constant 640 : i32
    %mul3A_38 = arith.muli %arg1, %mul3A_37 : i32
    "tpu.region"() ({
      %run_scoped3A = tpu.sem_alloc : memref<!tpu.dma_semaphore, #tpu.memory_space<semaphore_mem>>
      %dma_start3A_39 = arith.constant 0 : i32
      %dma_start3A_40 = tpu.memref_slice %arg5[%arg0, %mul3A_38, %dma_start3A_39] : memref<2x10240x128xf32, #tpu.memory_space<hbm>> -> memref<1x640x128xf32, #tpu.memory_space<hbm>>
      %dma_start3A_41 = tpu.memref_squeeze %dma_start3A_40 : memref<1x640x128xf32, #tpu.memory_space<hbm>> -> memref<640x128xf32, #tpu.memory_space<hbm>>
      %dma_start3A_42 = arith.constant 0 : i32
      %dma_start3A_43 = tpu.memref_slice %arg6[%mul3A_36, %dma_start3A_42] : memref<10240x128xf32, #tpu.memory_space<vmem_shared>> -> memref<640x128xf32, #tpu.memory_space<vmem_shared>>
      tpu.enqueue_dma source(%dma_start3A_43 : memref<640x128xf32, #tpu.memory_space<vmem_shared>>) target(%dma_start3A_41 : memref<640x128xf32, #tpu.memory_space<hbm>>) target_semaphore(%run_scoped3A : memref<!tpu.dma_semaphore, #tpu.memory_space<semaphore_mem>>)
      %dma_wait3A = arith.constant 0 : i32
      %dma_wait3A_44 = tpu.memref_slice %arg5[%arg0, %mul3A_38, %dma_wait3A] : memref<2x10240x128xf32, #tpu.memory_space<hbm>> -> memref<1x640x128xf32, #tpu.memory_space<hbm>>
      %dma_wait3A_45 = tpu.memref_squeeze %dma_wait3A_44 : memref<1x640x128xf32, #tpu.memory_space<hbm>> -> memref<640x128xf32, #tpu.memory_space<hbm>>
      %dma_wait3A_46 = arith.constant 0 : i32
      %dma_wait3A_47 = tpu.memref_slice %arg6[%mul3A_36, %dma_wait3A_46] : memref<10240x128xf32, #tpu.memory_space<vmem_shared>> -> memref<640x128xf32, #tpu.memory_space<vmem_shared>>
      tpu.wait_dma2 semaphore(%run_scoped3A : memref<!tpu.dma_semaphore, #tpu.memory_space<semaphore_mem>>) src(%dma_wait3A_47 : memref<640x128xf32, #tpu.memory_space<vmem_shared>>) dst(%dma_wait3A_45 : memref<640x128xf32, #tpu.memory_space<hbm>>)
      tpu.yield
    }) : () -> ()
    return
  }
}

module attributes {stable_mosaic.version = 14 : i64} {
  func.func @_node_pre_body(%arg0: i32, %arg1: memref<1000x128xf32, #tpu.memory_space<vmem>>, %arg2: memref<1000x128xf32, #tpu.memory_space<vmem>>, %arg3: memref<256x256xf32, #tpu.memory_space<vmem>>, %arg4: memref<128x256xf32, #tpu.memory_space<vmem>>, %arg5: memref<256x128xf32, #tpu.memory_space<vmem>>, %arg6: memref<128x128xf32, #tpu.memory_space<vmem>>, %arg7: memref<1x128xf32, #tpu.memory_space<vmem>>, %arg8: memref<1x128xf32, #tpu.memory_space<vmem>>, %arg9: memref<1x128xf32, #tpu.memory_space<vmem>>, %arg10: memref<1x128xf32, #tpu.memory_space<vmem>>, %arg11: memref<1000x128xi32, #tpu.memory_space<vmem>>, %arg12: memref<1000x128xi32, #tpu.memory_space<vmem>>, %arg13: memref<1000x128xf32, #tpu.memory_space<vmem>>, %arg14: memref<1000x128xf32, #tpu.memory_space<vmem>>) attributes {dimension_semantics = [#tpu.dimension_semantics<arbitrary>], iteration_bounds = array<i64: 10>, scalar_prefetch = 0 : i64, scratch_operands = 0 : i64, tpu.core_type = #tpu.core_type<tc>, window_params = [{transform_indices = @transform_0, window_bounds = array<i64: 1000, 128>}, {transform_indices = @transform_1, window_bounds = array<i64: 1000, 128>}, {pipeline_mode = #tpu.pipeline_mode<synchronous>, transform_indices = @transform_2, window_bounds = array<i64: 256, 256>}, {pipeline_mode = #tpu.pipeline_mode<synchronous>, transform_indices = @transform_3, window_bounds = array<i64: 128, 256>}, {pipeline_mode = #tpu.pipeline_mode<synchronous>, transform_indices = @transform_4, window_bounds = array<i64: 256, 128>}, {pipeline_mode = #tpu.pipeline_mode<synchronous>, transform_indices = @transform_5, window_bounds = array<i64: 128, 128>}, {pipeline_mode = #tpu.pipeline_mode<synchronous>, transform_indices = @transform_6, window_bounds = array<i64: 1, 128>}, {pipeline_mode = #tpu.pipeline_mode<synchronous>, transform_indices = @transform_7, window_bounds = array<i64: 1, 128>}, {pipeline_mode = #tpu.pipeline_mode<synchronous>, transform_indices = @transform_8, window_bounds = array<i64: 1, 128>}, {pipeline_mode = #tpu.pipeline_mode<synchronous>, transform_indices = @transform_9, window_bounds = array<i64: 1, 128>}, {transform_indices = @transform_10, window_bounds = array<i64: 1000, 128>}, {transform_indices = @transform_11, window_bounds = array<i64: 1000, 128>}, {transform_indices = @transform_12, window_bounds = array<i64: 1000, 128>}, {transform_indices = @transform_13, window_bounds = array<i64: 1000, 128>}]} {
    %get3A = arith.constant 0 : index
    %get3A_0 = arith.constant 0 : index
    %get3A_1 = vector.load %arg1[%get3A, %get3A_0] : memref<1000x128xf32, #tpu.memory_space<vmem>>, vector<1000x128xf32>
    %get3A_2 = arith.constant 0 : index
    %get3A_3 = arith.constant 0 : index
    %get3A_4 = vector.load %arg2[%get3A_2, %get3A_3] : memref<1000x128xf32, #tpu.memory_space<vmem>>, vector<1000x128xf32>
    %concatenate3A = tpu.concatenate %get3A_1, %get3A_4 in 1 : vector<1000x128xf32>, vector<1000x128xf32> -> vector<1000x256xf32>
    %get3A_5 = arith.constant 0 : index
    %get3A_6 = arith.constant 0 : index
    %get3A_7 = vector.load %arg3[%get3A_5, %get3A_6] : memref<256x256xf32, #tpu.memory_space<vmem>>, vector<256x256xf32>
    %dot_general3A = arith.constant dense<0.000000e+00> : vector<1000x256xf32>
    %dot_general3A_8 = tpu.matmul %concatenate3A, %get3A_7, %dot_general3A {dimension_numbers = #tpu.dot_dimension_numbers<[1], [0], [0], [1], [0, 0, 1, 1], [], []>, transpose_lhs_hint = false} : vector<1000x256xf32>, vector<256x256xf32>, vector<1000x256xf32> -> vector<1000x256xf32>
    %get3A_9 = arith.constant 0 : index
    %get3A_10 = arith.constant 0 : index
    %get3A_11 = vector.load %arg4[%get3A_9, %get3A_10] : memref<128x256xf32, #tpu.memory_space<vmem>>, vector<128x256xf32>
    %dot_general3A_12 = arith.constant dense<0.000000e+00> : vector<1000x256xf32>
    %dot_general3A_13 = tpu.matmul %get3A_4, %get3A_11, %dot_general3A_12 {dimension_numbers = #tpu.dot_dimension_numbers<[1], [0], [0], [1], [0, 0, 1, 1], [], []>, transpose_lhs_hint = false} : vector<1000x128xf32>, vector<128x256xf32>, vector<1000x256xf32> -> vector<1000x256xf32>
    %slice3A = vector.extract_strided_slice %dot_general3A_8 {offsets = [0, 0], sizes = [1000, 128], strides = [1, 1]} : vector<1000x256xf32> to vector<1000x128xf32>
    %get3A_14 = arith.constant 0 : index
    %get3A_15 = arith.constant 0 : index
    %get3A_16 = vector.load %arg7[%get3A_14, %get3A_15] : memref<1x128xf32, #tpu.memory_space<vmem>>, vector<1x128xf32>
    %add3A = vector.broadcast %get3A_16 : vector<1x128xf32> to vector<1000x128xf32>
    %add3A_17 = arith.addf %slice3A, %add3A : vector<1000x128xf32>
    %slice3A_18 = vector.extract_strided_slice %dot_general3A_13 {offsets = [0, 0], sizes = [1000, 128], strides = [1, 1]} : vector<1000x256xf32> to vector<1000x128xf32>
    %get3A_19 = arith.constant 0 : index
    %get3A_20 = arith.constant 0 : index
    %get3A_21 = vector.load %arg8[%get3A_19, %get3A_20] : memref<1x128xf32, #tpu.memory_space<vmem>>, vector<1x128xf32>
    %add3A_22 = vector.broadcast %get3A_21 : vector<1x128xf32> to vector<1000x128xf32>
    %add3A_23 = arith.addf %slice3A_18, %add3A_22 : vector<1000x128xf32>
    %bitcast_convert_type3A = tpu.bitcast %add3A_23 : vector<1000x128xf32> -> vector<1000x128xi32>
    %add3A_24 = arith.constant 32767 : i32
    %add3A_25 = vector.broadcast %add3A_24 : i32 to vector<1000x128xi32>
    %add3A_26 = arith.addi %bitcast_convert_type3A, %add3A_25 : vector<1000x128xi32>
    %shift_right_arithmetic3A = arith.constant 16 : i32
    %shift_right_arithmetic3A_27 = vector.broadcast %shift_right_arithmetic3A : i32 to vector<1000x128xi32>
    %shift_right_arithmetic3A_28 = arith.shrsi %bitcast_convert_type3A, %shift_right_arithmetic3A_27 : vector<1000x128xi32>
    %and3A = arith.constant 1 : i32
    %and3A_29 = vector.broadcast %and3A : i32 to vector<1000x128xi32>
    %and3A_30 = arith.andi %shift_right_arithmetic3A_28, %and3A_29 : vector<1000x128xi32>
    %add3A_31 = arith.addi %add3A_26, %and3A_30 : vector<1000x128xi32>
    %shift_right_arithmetic3A_32 = arith.constant 16 : i32
    %shift_right_arithmetic3A_33 = vector.broadcast %shift_right_arithmetic3A_32 : i32 to vector<1000x128xi32>
    %shift_right_arithmetic3A_34 = arith.shrsi %add3A_31, %shift_right_arithmetic3A_33 : vector<1000x128xi32>
    %and3A_35 = arith.constant 65535 : i32
    %and3A_36 = vector.broadcast %and3A_35 : i32 to vector<1000x128xi32>
    %and3A_37 = arith.andi %shift_right_arithmetic3A_34, %and3A_36 : vector<1000x128xi32>
    %shift_left3A = arith.constant 16 : i32
    %shift_left3A_38 = vector.broadcast %shift_left3A : i32 to vector<1000x128xi32>
    %shift_left3A_39 = arith.shli %and3A_37, %shift_left3A_38 : vector<1000x128xi32>
    %bitcast_convert_type3A_40 = tpu.bitcast %add3A_17 : vector<1000x128xf32> -> vector<1000x128xi32>
    %add3A_41 = arith.constant 32767 : i32
    %add3A_42 = vector.broadcast %add3A_41 : i32 to vector<1000x128xi32>
    %add3A_43 = arith.addi %bitcast_convert_type3A_40, %add3A_42 : vector<1000x128xi32>
    %shift_right_arithmetic3A_44 = arith.constant 16 : i32
    %shift_right_arithmetic3A_45 = vector.broadcast %shift_right_arithmetic3A_44 : i32 to vector<1000x128xi32>
    %shift_right_arithmetic3A_46 = arith.shrsi %bitcast_convert_type3A_40, %shift_right_arithmetic3A_45 : vector<1000x128xi32>
    %and3A_47 = arith.constant 1 : i32
    %and3A_48 = vector.broadcast %and3A_47 : i32 to vector<1000x128xi32>
    %and3A_49 = arith.andi %shift_right_arithmetic3A_46, %and3A_48 : vector<1000x128xi32>
    %add3A_50 = arith.addi %add3A_43, %and3A_49 : vector<1000x128xi32>
    %shift_right_arithmetic3A_51 = arith.constant 16 : i32
    %shift_right_arithmetic3A_52 = vector.broadcast %shift_right_arithmetic3A_51 : i32 to vector<1000x128xi32>
    %shift_right_arithmetic3A_53 = arith.shrsi %add3A_50, %shift_right_arithmetic3A_52 : vector<1000x128xi32>
    %and3A_54 = arith.constant 65535 : i32
    %and3A_55 = vector.broadcast %and3A_54 : i32 to vector<1000x128xi32>
    %and3A_56 = arith.andi %shift_right_arithmetic3A_53, %and3A_55 : vector<1000x128xi32>
    %or3A = arith.ori %shift_left3A_39, %and3A_56 : vector<1000x128xi32>
    %swap3A = arith.constant 0 : index
    %swap3A_57 = arith.constant 0 : index
    %swap3A_58 = vector.load %arg11[%swap3A, %swap3A_57] : memref<1000x128xi32, #tpu.memory_space<vmem>>, vector<1000x128xi32>
    tpu.vector_store %arg11[%swap3A, %swap3A_57], %or3A {strides = array<i32>} : memref<1000x128xi32, #tpu.memory_space<vmem>>, vector<1000x128xi32>,
    %slice3A_59 = vector.extract_strided_slice %dot_general3A_8 {offsets = [0, 128], sizes = [1000, 128], strides = [1, 1]} : vector<1000x256xf32> to vector<1000x128xf32>
    %slice3A_60 = vector.extract_strided_slice %dot_general3A_13 {offsets = [0, 128], sizes = [1000, 128], strides = [1, 1]} : vector<1000x256xf32> to vector<1000x128xf32>
    %bitcast_convert_type3A_61 = tpu.bitcast %slice3A_60 : vector<1000x128xf32> -> vector<1000x128xi32>
    %add3A_62 = arith.constant 32767 : i32
    %add3A_63 = vector.broadcast %add3A_62 : i32 to vector<1000x128xi32>
    %add3A_64 = arith.addi %bitcast_convert_type3A_61, %add3A_63 : vector<1000x128xi32>
    %shift_right_arithmetic3A_65 = arith.constant 16 : i32
    %shift_right_arithmetic3A_66 = vector.broadcast %shift_right_arithmetic3A_65 : i32 to vector<1000x128xi32>
    %shift_right_arithmetic3A_67 = arith.shrsi %bitcast_convert_type3A_61, %shift_right_arithmetic3A_66 : vector<1000x128xi32>
    %and3A_68 = arith.constant 1 : i32
    %and3A_69 = vector.broadcast %and3A_68 : i32 to vector<1000x128xi32>
    %and3A_70 = arith.andi %shift_right_arithmetic3A_67, %and3A_69 : vector<1000x128xi32>
    %add3A_71 = arith.addi %add3A_64, %and3A_70 : vector<1000x128xi32>
    %shift_right_arithmetic3A_72 = arith.constant 16 : i32
    %shift_right_arithmetic3A_73 = vector.broadcast %shift_right_arithmetic3A_72 : i32 to vector<1000x128xi32>
    %shift_right_arithmetic3A_74 = arith.shrsi %add3A_71, %shift_right_arithmetic3A_73 : vector<1000x128xi32>
    %and3A_75 = arith.constant 65535 : i32
    %and3A_76 = vector.broadcast %and3A_75 : i32 to vector<1000x128xi32>
    %and3A_77 = arith.andi %shift_right_arithmetic3A_74, %and3A_76 : vector<1000x128xi32>
    %shift_left3A_78 = arith.constant 16 : i32
    %shift_left3A_79 = vector.broadcast %shift_left3A_78 : i32 to vector<1000x128xi32>
    %shift_left3A_80 = arith.shli %and3A_77, %shift_left3A_79 : vector<1000x128xi32>
    %bitcast_convert_type3A_81 = tpu.bitcast %slice3A_59 : vector<1000x128xf32> -> vector<1000x128xi32>
    %add3A_82 = arith.constant 32767 : i32
    %add3A_83 = vector.broadcast %add3A_82 : i32 to vector<1000x128xi32>
    %add3A_84 = arith.addi %bitcast_convert_type3A_81, %add3A_83 : vector<1000x128xi32>
    %shift_right_arithmetic3A_85 = arith.constant 16 : i32
    %shift_right_arithmetic3A_86 = vector.broadcast %shift_right_arithmetic3A_85 : i32 to vector<1000x128xi32>
    %shift_right_arithmetic3A_87 = arith.shrsi %bitcast_convert_type3A_81, %shift_right_arithmetic3A_86 : vector<1000x128xi32>
    %and3A_88 = arith.constant 1 : i32
    %and3A_89 = vector.broadcast %and3A_88 : i32 to vector<1000x128xi32>
    %and3A_90 = arith.andi %shift_right_arithmetic3A_87, %and3A_89 : vector<1000x128xi32>
    %add3A_91 = arith.addi %add3A_84, %and3A_90 : vector<1000x128xi32>
    %shift_right_arithmetic3A_92 = arith.constant 16 : i32
    %shift_right_arithmetic3A_93 = vector.broadcast %shift_right_arithmetic3A_92 : i32 to vector<1000x128xi32>
    %shift_right_arithmetic3A_94 = arith.shrsi %add3A_91, %shift_right_arithmetic3A_93 : vector<1000x128xi32>
    %and3A_95 = arith.constant 65535 : i32
    %and3A_96 = vector.broadcast %and3A_95 : i32 to vector<1000x128xi32>
    %and3A_97 = arith.andi %shift_right_arithmetic3A_94, %and3A_96 : vector<1000x128xi32>
    %or3A_98 = arith.ori %shift_left3A_80, %and3A_97 : vector<1000x128xi32>
    %swap3A_99 = arith.constant 0 : index
    %swap3A_100 = arith.constant 0 : index
    %swap3A_101 = vector.load %arg12[%swap3A_99, %swap3A_100] : memref<1000x128xi32, #tpu.memory_space<vmem>>, vector<1000x128xi32>
    tpu.vector_store %arg12[%swap3A_99, %swap3A_100], %or3A_98 {strides = array<i32>} : memref<1000x128xi32, #tpu.memory_space<vmem>>, vector<1000x128xi32>,
    %get3A_102 = arith.constant 0 : index
    %get3A_103 = arith.constant 0 : index
    %get3A_104 = vector.load %arg5[%get3A_102, %get3A_103] : memref<256x128xf32, #tpu.memory_space<vmem>>, vector<256x128xf32>
    %dot_general3A_105 = arith.constant dense<0.000000e+00> : vector<1000x128xf32>
    %dot_general3A_106 = tpu.matmul %concatenate3A, %get3A_104, %dot_general3A_105 {dimension_numbers = #tpu.dot_dimension_numbers<[1], [0], [0], [1], [0, 0, 1, 1], [], []>, transpose_lhs_hint = false} : vector<1000x256xf32>, vector<256x128xf32>, vector<1000x128xf32> -> vector<1000x128xf32>
    %get3A_107 = arith.constant 0 : index
    %get3A_108 = arith.constant 0 : index
    %get3A_109 = vector.load %arg9[%get3A_107, %get3A_108] : memref<1x128xf32, #tpu.memory_space<vmem>>, vector<1x128xf32>
    %add3A_110 = vector.broadcast %get3A_109 : vector<1x128xf32> to vector<1000x128xf32>
    %add3A_111 = arith.addf %dot_general3A_106, %add3A_110 : vector<1000x128xf32>
    %swap3A_112 = arith.constant 0 : index
    %swap3A_113 = arith.constant 0 : index
    %swap3A_114 = vector.load %arg13[%swap3A_112, %swap3A_113] : memref<1000x128xf32, #tpu.memory_space<vmem>>, vector<1000x128xf32>
    tpu.vector_store %arg13[%swap3A_112, %swap3A_113], %add3A_111 {strides = array<i32>} : memref<1000x128xf32, #tpu.memory_space<vmem>>, vector<1000x128xf32>,
    %get3A_115 = arith.constant 0 : index
    %get3A_116 = arith.constant 0 : index
    %get3A_117 = vector.load %arg6[%get3A_115, %get3A_116] : memref<128x128xf32, #tpu.memory_space<vmem>>, vector<128x128xf32>
    %dot_general3A_118 = arith.constant dense<0.000000e+00> : vector<1000x128xf32>
    %dot_general3A_119 = tpu.matmul %get3A_4, %get3A_117, %dot_general3A_118 {dimension_numbers = #tpu.dot_dimension_numbers<[1], [0], [0], [1], [0, 0, 1, 1], [], []>, transpose_lhs_hint = false} : vector<1000x128xf32>, vector<128x128xf32>, vector<1000x128xf32> -> vector<1000x128xf32>
    %get3A_120 = arith.constant 0 : index
    %get3A_121 = arith.constant 0 : index
    %get3A_122 = vector.load %arg10[%get3A_120, %get3A_121] : memref<1x128xf32, #tpu.memory_space<vmem>>, vector<1x128xf32>
    %add3A_123 = vector.broadcast %get3A_122 : vector<1x128xf32> to vector<1000x128xf32>
    %add3A_124 = arith.addf %dot_general3A_119, %add3A_123 : vector<1000x128xf32>
    %swap3A_125 = arith.constant 0 : index
    %swap3A_126 = arith.constant 0 : index
    %swap3A_127 = vector.load %arg14[%swap3A_125, %swap3A_126] : memref<1000x128xf32, #tpu.memory_space<vmem>>, vector<1000x128xf32>
    tpu.vector_store %arg14[%swap3A_125, %swap3A_126], %add3A_124 {strides = array<i32>} : memref<1000x128xf32, #tpu.memory_space<vmem>>, vector<1000x128xf32>,
    return
  }
  func.func @transform_0(%arg0: i32) -> (i32, i32) {
    %c0_i32 = arith.constant 0 : i32
    %c0_i32_0 = arith.constant 0 : i32
    return %arg0, %c0_i32 : i32, i32
  }
  func.func @transform_1(%arg0: i32) -> (i32, i32) {
    %c0_i32 = arith.constant 0 : i32
    %c0_i32_0 = arith.constant 0 : i32
    return %arg0, %c0_i32 : i32, i32
  }
  func.func @transform_2(%arg0: i32) -> (i32, i32) {
    %c0_i32 = arith.constant 0 : i32
    %c0_i32_0 = arith.constant 0 : i32
    %c0_i32_1 = arith.constant 0 : i32
    return %c0_i32, %c0_i32_0 : i32, i32
  }
  func.func @transform_3(%arg0: i32) -> (i32, i32) {
    %c0_i32 = arith.constant 0 : i32
    %c0_i32_0 = arith.constant 0 : i32
    %c0_i32_1 = arith.constant 0 : i32
    return %c0_i32, %c0_i32_0 : i32, i32
  }
  func.func @transform_4(%arg0: i32) -> (i32, i32) {
    %c0_i32 = arith.constant 0 : i32
    %c0_i32_0 = arith.constant 0 : i32
    %c0_i32_1 = arith.constant 0 : i32
    return %c0_i32, %c0_i32_0 : i32, i32
  }
  func.func @transform_5(%arg0: i32) -> (i32, i32) {
    %c0_i32 = arith.constant 0 : i32
    %c0_i32_0 = arith.constant 0 : i32
    %c0_i32_1 = arith.constant 0 : i32
    return %c0_i32, %c0_i32_0 : i32, i32
  }
  func.func @transform_6(%arg0: i32) -> (i32, i32) {
    %c0_i32 = arith.constant 0 : i32
    %c0_i32_0 = arith.constant 0 : i32
    %c0_i32_1 = arith.constant 0 : i32
    return %c0_i32, %c0_i32_0 : i32, i32
  }
  func.func @transform_7(%arg0: i32) -> (i32, i32) {
    %c0_i32 = arith.constant 0 : i32
    %c0_i32_0 = arith.constant 0 : i32
    %c0_i32_1 = arith.constant 0 : i32
    return %c0_i32, %c0_i32_0 : i32, i32
  }
  func.func @transform_8(%arg0: i32) -> (i32, i32) {
    %c0_i32 = arith.constant 0 : i32
    %c0_i32_0 = arith.constant 0 : i32
    %c0_i32_1 = arith.constant 0 : i32
    return %c0_i32, %c0_i32_0 : i32, i32
  }
  func.func @transform_9(%arg0: i32) -> (i32, i32) {
    %c0_i32 = arith.constant 0 : i32
    %c0_i32_0 = arith.constant 0 : i32
    %c0_i32_1 = arith.constant 0 : i32
    return %c0_i32, %c0_i32_0 : i32, i32
  }
  func.func @transform_10(%arg0: i32) -> (i32, i32) {
    %c0_i32 = arith.constant 0 : i32
    %c0_i32_0 = arith.constant 0 : i32
    return %arg0, %c0_i32 : i32, i32
  }
  func.func @transform_11(%arg0: i32) -> (i32, i32) {
    %c0_i32 = arith.constant 0 : i32
    %c0_i32_0 = arith.constant 0 : i32
    return %arg0, %c0_i32 : i32, i32
  }
  func.func @transform_12(%arg0: i32) -> (i32, i32) {
    %c0_i32 = arith.constant 0 : i32
    %c0_i32_0 = arith.constant 0 : i32
    return %arg0, %c0_i32 : i32, i32
  }
  func.func @transform_13(%arg0: i32) -> (i32, i32) {
    %c0_i32 = arith.constant 0 : i32
    %c0_i32_0 = arith.constant 0 : i32
    return %arg0, %c0_i32 : i32, i32
  }
}

module attributes {stable_mosaic.version = 14 : i64} {
  func.func @_edge_mlp_body(%arg0: i32, %arg1: memref<1600x128xi32, #tpu.memory_space<vmem>>, %arg2: memref<1600x1xf32, #tpu.memory_space<vmem>>, %arg3: memref<1x128xf32, #tpu.memory_space<vmem>>, %arg4: memref<1x128xf32, #tpu.memory_space<vmem>>, %arg5: memref<256x256xf32, #tpu.memory_space<vmem>>, %arg6: memref<1x256xf32, #tpu.memory_space<vmem>>, %arg7: memref<2x1600x128xf32, #tpu.memory_space<vmem>>) attributes {dimension_semantics = [#tpu.dimension_semantics<arbitrary>], iteration_bounds = array<i64: 104>, scalar_prefetch = 0 : i64, scratch_operands = 0 : i64, tpu.core_type = #tpu.core_type<tc>, window_params = [{transform_indices = @transform_0, window_bounds = array<i64: 1600, 128>}, {transform_indices = @transform_1, window_bounds = array<i64: 1600, 1>}, {pipeline_mode = #tpu.pipeline_mode<synchronous>, transform_indices = @transform_2, window_bounds = array<i64: 1, 128>}, {pipeline_mode = #tpu.pipeline_mode<synchronous>, transform_indices = @transform_3, window_bounds = array<i64: 1, 128>}, {pipeline_mode = #tpu.pipeline_mode<synchronous>, transform_indices = @transform_4, window_bounds = array<i64: 256, 256>}, {pipeline_mode = #tpu.pipeline_mode<synchronous>, transform_indices = @transform_5, window_bounds = array<i64: 1, 256>}, {transform_indices = @transform_6, window_bounds = array<i64: 2, 1600, 128>}]} {
    %get3A = arith.constant 0 : index
    %get3A_0 = arith.constant 0 : index
    %get3A_1 = vector.load %arg2[%get3A, %get3A_0] : memref<1600x1xf32, #tpu.memory_space<vmem>>, vector<1600x1xf32>
    %add3A = arith.constant 9.99999996E-13 : f32
    %add3A_2 = vector.broadcast %add3A : f32 to vector<1600x1xf32>
    %add3A_3 = arith.addf %get3A_1, %add3A_2 : vector<1600x1xf32>
    %sqrt3A = math.sqrt %add3A_3 : vector<1600x1xf32>
    %get3A_4 = arith.constant 0 : index
    %get3A_5 = arith.constant 0 : index
    %get3A_6 = vector.load %arg1[%get3A_4, %get3A_5] : memref<1600x128xi32, #tpu.memory_space<vmem>>, vector<1600x128xi32>
    %shift_left3A = arith.constant 16 : i32
    %shift_left3A_7 = vector.broadcast %shift_left3A : i32 to vector<1600x128xi32>
    %shift_left3A_8 = arith.shli %get3A_6, %shift_left3A_7 : vector<1600x128xi32>
    %bitcast_convert_type3A = tpu.bitcast %shift_left3A_8 : vector<1600x128xi32> -> vector<1600x128xf32>
    %get3A_9 = arith.constant 0 : index
    %get3A_10 = arith.constant 0 : index
    %get3A_11 = vector.load %arg3[%get3A_9, %get3A_10] : memref<1x128xf32, #tpu.memory_space<vmem>>, vector<1x128xf32>
    %mul3A = vector.broadcast %sqrt3A : vector<1600x1xf32> to vector<1600x128xf32>
    %mul3A_12 = vector.broadcast %get3A_11 : vector<1x128xf32> to vector<1600x128xf32>
    %mul3A_13 = arith.mulf %mul3A, %mul3A_12 : vector<1600x128xf32>
    %add3A_14 = arith.addf %bitcast_convert_type3A, %mul3A_13 : vector<1600x128xf32>
    %and3A = arith.constant -65536 : i32
    %and3A_15 = vector.broadcast %and3A : i32 to vector<1600x128xi32>
    %and3A_16 = arith.andi %get3A_6, %and3A_15 : vector<1600x128xi32>
    %bitcast_convert_type3A_17 = tpu.bitcast %and3A_16 : vector<1600x128xi32> -> vector<1600x128xf32>
    %get3A_18 = arith.constant 0 : index
    %get3A_19 = arith.constant 0 : index
    %get3A_20 = vector.load %arg4[%get3A_18, %get3A_19] : memref<1x128xf32, #tpu.memory_space<vmem>>, vector<1x128xf32>
    %mul3A_21 = vector.broadcast %sqrt3A : vector<1600x1xf32> to vector<1600x128xf32>
    %mul3A_22 = vector.broadcast %get3A_20 : vector<1x128xf32> to vector<1600x128xf32>
    %mul3A_23 = arith.mulf %mul3A_21, %mul3A_22 : vector<1600x128xf32>
    %add3A_24 = arith.addf %bitcast_convert_type3A_17, %mul3A_23 : vector<1600x128xf32>
    %logistic3A = arith.negf %add3A_14 : vector<1600x128xf32>
    %logistic3A_25 = math.exp %logistic3A : vector<1600x128xf32>
    %logistic3A_26 = arith.constant 1.000000e+00 : f32
    %logistic3A_27 = vector.broadcast %logistic3A_26 : f32 to vector<1600x128xf32>
    %logistic3A_28 = arith.addf %logistic3A_27, %logistic3A_25 : vector<1600x128xf32>
    %logistic3A_29 = arith.divf %logistic3A_27, %logistic3A_28 : vector<1600x128xf32>
    %mul3A_30 = arith.mulf %add3A_14, %logistic3A_29 : vector<1600x128xf32>
    %tanh3A = math.tanh %add3A_24 : vector<1600x128xf32>
    %concatenate3A = tpu.concatenate %mul3A_30, %tanh3A in 1 : vector<1600x128xf32>, vector<1600x128xf32> -> vector<1600x256xf32>
    %get3A_31 = arith.constant 0 : index
    %get3A_32 = arith.constant 0 : index
    %get3A_33 = vector.load %arg5[%get3A_31, %get3A_32] : memref<256x256xf32, #tpu.memory_space<vmem>>, vector<256x256xf32>
    %dot_general3A = arith.constant dense<0.000000e+00> : vector<1600x256xf32>
    %dot_general3A_34 = tpu.matmul %concatenate3A, %get3A_33, %dot_general3A {dimension_numbers = #tpu.dot_dimension_numbers<[1], [0], [0], [1], [0, 0, 1, 1], [], []>, transpose_lhs_hint = false} : vector<1600x256xf32>, vector<256x256xf32>, vector<1600x256xf32> -> vector<1600x256xf32>
    %get3A_35 = arith.constant 0 : index
    %get3A_36 = arith.constant 0 : index
    %get3A_37 = vector.load %arg6[%get3A_35, %get3A_36] : memref<1x256xf32, #tpu.memory_space<vmem>>, vector<1x256xf32>
    %add3A_38 = vector.broadcast %get3A_37 : vector<1x256xf32> to vector<1600x256xf32>
    %add3A_39 = arith.addf %dot_general3A_34, %add3A_38 : vector<1600x256xf32>
    %slice3A = vector.extract_strided_slice %add3A_39 {offsets = [0, 0], sizes = [1600, 128], strides = [1, 1]} : vector<1600x256xf32> to vector<1600x128xf32>
    %logistic3A_40 = arith.negf %slice3A : vector<1600x128xf32>
    %logistic3A_41 = math.exp %logistic3A_40 : vector<1600x128xf32>
    %logistic3A_42 = arith.constant 1.000000e+00 : f32
    %logistic3A_43 = vector.broadcast %logistic3A_42 : f32 to vector<1600x128xf32>
    %logistic3A_44 = arith.addf %logistic3A_43, %logistic3A_41 : vector<1600x128xf32>
    %logistic3A_45 = arith.divf %logistic3A_43, %logistic3A_44 : vector<1600x128xf32>
    %mul3A_46 = arith.mulf %slice3A, %logistic3A_45 : vector<1600x128xf32>
    %slice3A_47 = vector.extract_strided_slice %add3A_39 {offsets = [0, 128], sizes = [1600, 128], strides = [1, 1]} : vector<1600x256xf32> to vector<1600x128xf32>
    %tanh3A_48 = math.tanh %slice3A_47 : vector<1600x128xf32>
    %stack3A = vector.shape_cast %mul3A_46 : vector<1600x128xf32> to vector<1x1600x128xf32>
    %stack3A_49 = vector.shape_cast %tanh3A_48 : vector<1600x128xf32> to vector<1x1600x128xf32>
    %stack3A_50 = tpu.concatenate %stack3A, %stack3A_49 in 0 : vector<1x1600x128xf32>, vector<1x1600x128xf32> -> vector<2x1600x128xf32>
    %swap3A = arith.constant 0 : index
    %swap3A_51 = arith.constant 0 : index
    %swap3A_52 = arith.constant 0 : index
    %swap3A_53 = vector.load %arg7[%swap3A, %swap3A_51, %swap3A_52] : memref<2x1600x128xf32, #tpu.memory_space<vmem>>, vector<2x1600x128xf32>
    tpu.vector_store %arg7[%swap3A, %swap3A_51, %swap3A_52], %stack3A_50 {strides = array<i32>} : memref<2x1600x128xf32, #tpu.memory_space<vmem>>, vector<2x1600x128xf32>,
    return
  }
  func.func @transform_0(%arg0: i32) -> (i32, i32) {
    %c0_i32 = arith.constant 0 : i32
    %c0_i32_0 = arith.constant 0 : i32
    return %arg0, %c0_i32 : i32, i32
  }
  func.func @transform_1(%arg0: i32) -> (i32, i32) {
    %add3A = arith.constant 96 : i32
    %add3A_0 = arith.addi %arg0, %add3A : i32
    %c0_i32 = arith.constant 0 : i32
    %c0_i32_1 = arith.constant 0 : i32
    return %add3A_0, %c0_i32 : i32, i32
  }
  func.func @transform_2(%arg0: i32) -> (i32, i32) {
    %c0_i32 = arith.constant 0 : i32
    %c0_i32_0 = arith.constant 0 : i32
    %c0_i32_1 = arith.constant 0 : i32
    return %c0_i32, %c0_i32_0 : i32, i32
  }
  func.func @transform_3(%arg0: i32) -> (i32, i32) {
    %c0_i32 = arith.constant 0 : i32
    %c0_i32_0 = arith.constant 0 : i32
    %c0_i32_1 = arith.constant 0 : i32
    return %c0_i32, %c0_i32_0 : i32, i32
  }
  func.func @transform_4(%arg0: i32) -> (i32, i32) {
    %c0_i32 = arith.constant 0 : i32
    %c0_i32_0 = arith.constant 0 : i32
    %c0_i32_1 = arith.constant 0 : i32
    return %c0_i32, %c0_i32_0 : i32, i32
  }
  func.func @transform_5(%arg0: i32) -> (i32, i32) {
    %c0_i32 = arith.constant 0 : i32
    %c0_i32_0 = arith.constant 0 : i32
    %c0_i32_1 = arith.constant 0 : i32
    return %c0_i32, %c0_i32_0 : i32, i32
  }
  func.func @transform_6(%arg0: i32) -> (i32, i32, i32) {
    %c0_i32 = arith.constant 0 : i32
    %c0_i32_0 = arith.constant 0 : i32
    %c0_i32_1 = arith.constant 0 : i32
    return %c0_i32, %arg0, %c0_i32_0 : i32, i32, i32
  }
}

module attributes {stable_mosaic.version = 14 : i64} {
  func.func @_edge_mlp_body(%arg0: i32, %arg1: memref<1600x128xi32, #tpu.memory_space<vmem>>, %arg2: memref<1600x1xf32, #tpu.memory_space<vmem>>, %arg3: memref<1x128xf32, #tpu.memory_space<vmem>>, %arg4: memref<1x128xf32, #tpu.memory_space<vmem>>, %arg5: memref<256x256xf32, #tpu.memory_space<vmem>>, %arg6: memref<1x256xf32, #tpu.memory_space<vmem>>, %arg7: memref<2x1600x128xf32, #tpu.memory_space<vmem>>) attributes {dimension_semantics = [#tpu.dimension_semantics<arbitrary>], iteration_bounds = array<i64: 96>, scalar_prefetch = 0 : i64, scratch_operands = 0 : i64, tpu.core_type = #tpu.core_type<tc>, window_params = [{transform_indices = @transform_0, window_bounds = array<i64: 1600, 128>}, {transform_indices = @transform_1, window_bounds = array<i64: 1600, 1>}, {pipeline_mode = #tpu.pipeline_mode<synchronous>, transform_indices = @transform_2, window_bounds = array<i64: 1, 128>}, {pipeline_mode = #tpu.pipeline_mode<synchronous>, transform_indices = @transform_3, window_bounds = array<i64: 1, 128>}, {pipeline_mode = #tpu.pipeline_mode<synchronous>, transform_indices = @transform_4, window_bounds = array<i64: 256, 256>}, {pipeline_mode = #tpu.pipeline_mode<synchronous>, transform_indices = @transform_5, window_bounds = array<i64: 1, 256>}, {transform_indices = @transform_6, window_bounds = array<i64: 2, 1600, 128>}]} {
    %get3A = arith.constant 0 : index
    %get3A_0 = arith.constant 0 : index
    %get3A_1 = vector.load %arg2[%get3A, %get3A_0] : memref<1600x1xf32, #tpu.memory_space<vmem>>, vector<1600x1xf32>
    %add3A = arith.constant 9.99999996E-13 : f32
    %add3A_2 = vector.broadcast %add3A : f32 to vector<1600x1xf32>
    %add3A_3 = arith.addf %get3A_1, %add3A_2 : vector<1600x1xf32>
    %sqrt3A = math.sqrt %add3A_3 : vector<1600x1xf32>
    %get3A_4 = arith.constant 0 : index
    %get3A_5 = arith.constant 0 : index
    %get3A_6 = vector.load %arg1[%get3A_4, %get3A_5] : memref<1600x128xi32, #tpu.memory_space<vmem>>, vector<1600x128xi32>
    %shift_left3A = arith.constant 16 : i32
    %shift_left3A_7 = vector.broadcast %shift_left3A : i32 to vector<1600x128xi32>
    %shift_left3A_8 = arith.shli %get3A_6, %shift_left3A_7 : vector<1600x128xi32>
    %bitcast_convert_type3A = tpu.bitcast %shift_left3A_8 : vector<1600x128xi32> -> vector<1600x128xf32>
    %get3A_9 = arith.constant 0 : index
    %get3A_10 = arith.constant 0 : index
    %get3A_11 = vector.load %arg3[%get3A_9, %get3A_10] : memref<1x128xf32, #tpu.memory_space<vmem>>, vector<1x128xf32>
    %mul3A = vector.broadcast %sqrt3A : vector<1600x1xf32> to vector<1600x128xf32>
    %mul3A_12 = vector.broadcast %get3A_11 : vector<1x128xf32> to vector<1600x128xf32>
    %mul3A_13 = arith.mulf %mul3A, %mul3A_12 : vector<1600x128xf32>
    %add3A_14 = arith.addf %bitcast_convert_type3A, %mul3A_13 : vector<1600x128xf32>
    %and3A = arith.constant -65536 : i32
    %and3A_15 = vector.broadcast %and3A : i32 to vector<1600x128xi32>
    %and3A_16 = arith.andi %get3A_6, %and3A_15 : vector<1600x128xi32>
    %bitcast_convert_type3A_17 = tpu.bitcast %and3A_16 : vector<1600x128xi32> -> vector<1600x128xf32>
    %get3A_18 = arith.constant 0 : index
    %get3A_19 = arith.constant 0 : index
    %get3A_20 = vector.load %arg4[%get3A_18, %get3A_19] : memref<1x128xf32, #tpu.memory_space<vmem>>, vector<1x128xf32>
    %mul3A_21 = vector.broadcast %sqrt3A : vector<1600x1xf32> to vector<1600x128xf32>
    %mul3A_22 = vector.broadcast %get3A_20 : vector<1x128xf32> to vector<1600x128xf32>
    %mul3A_23 = arith.mulf %mul3A_21, %mul3A_22 : vector<1600x128xf32>
    %add3A_24 = arith.addf %bitcast_convert_type3A_17, %mul3A_23 : vector<1600x128xf32>
    %logistic3A = arith.negf %add3A_14 : vector<1600x128xf32>
    %logistic3A_25 = math.exp %logistic3A : vector<1600x128xf32>
    %logistic3A_26 = arith.constant 1.000000e+00 : f32
    %logistic3A_27 = vector.broadcast %logistic3A_26 : f32 to vector<1600x128xf32>
    %logistic3A_28 = arith.addf %logistic3A_27, %logistic3A_25 : vector<1600x128xf32>
    %logistic3A_29 = arith.divf %logistic3A_27, %logistic3A_28 : vector<1600x128xf32>
    %mul3A_30 = arith.mulf %add3A_14, %logistic3A_29 : vector<1600x128xf32>
    %tanh3A = math.tanh %add3A_24 : vector<1600x128xf32>
    %concatenate3A = tpu.concatenate %mul3A_30, %tanh3A in 1 : vector<1600x128xf32>, vector<1600x128xf32> -> vector<1600x256xf32>
    %get3A_31 = arith.constant 0 : index
    %get3A_32 = arith.constant 0 : index
    %get3A_33 = vector.load %arg5[%get3A_31, %get3A_32] : memref<256x256xf32, #tpu.memory_space<vmem>>, vector<256x256xf32>
    %dot_general3A = arith.constant dense<0.000000e+00> : vector<1600x256xf32>
    %dot_general3A_34 = tpu.matmul %concatenate3A, %get3A_33, %dot_general3A {dimension_numbers = #tpu.dot_dimension_numbers<[1], [0], [0], [1], [0, 0, 1, 1], [], []>, transpose_lhs_hint = false} : vector<1600x256xf32>, vector<256x256xf32>, vector<1600x256xf32> -> vector<1600x256xf32>
    %get3A_35 = arith.constant 0 : index
    %get3A_36 = arith.constant 0 : index
    %get3A_37 = vector.load %arg6[%get3A_35, %get3A_36] : memref<1x256xf32, #tpu.memory_space<vmem>>, vector<1x256xf32>
    %add3A_38 = vector.broadcast %get3A_37 : vector<1x256xf32> to vector<1600x256xf32>
    %add3A_39 = arith.addf %dot_general3A_34, %add3A_38 : vector<1600x256xf32>
    %slice3A = vector.extract_strided_slice %add3A_39 {offsets = [0, 0], sizes = [1600, 128], strides = [1, 1]} : vector<1600x256xf32> to vector<1600x128xf32>
    %logistic3A_40 = arith.negf %slice3A : vector<1600x128xf32>
    %logistic3A_41 = math.exp %logistic3A_40 : vector<1600x128xf32>
    %logistic3A_42 = arith.constant 1.000000e+00 : f32
    %logistic3A_43 = vector.broadcast %logistic3A_42 : f32 to vector<1600x128xf32>
    %logistic3A_44 = arith.addf %logistic3A_43, %logistic3A_41 : vector<1600x128xf32>
    %logistic3A_45 = arith.divf %logistic3A_43, %logistic3A_44 : vector<1600x128xf32>
    %mul3A_46 = arith.mulf %slice3A, %logistic3A_45 : vector<1600x128xf32>
    %slice3A_47 = vector.extract_strided_slice %add3A_39 {offsets = [0, 128], sizes = [1600, 128], strides = [1, 1]} : vector<1600x256xf32> to vector<1600x128xf32>
    %tanh3A_48 = math.tanh %slice3A_47 : vector<1600x128xf32>
    %stack3A = vector.shape_cast %mul3A_46 : vector<1600x128xf32> to vector<1x1600x128xf32>
    %stack3A_49 = vector.shape_cast %tanh3A_48 : vector<1600x128xf32> to vector<1x1600x128xf32>
    %stack3A_50 = tpu.concatenate %stack3A, %stack3A_49 in 0 : vector<1x1600x128xf32>, vector<1x1600x128xf32> -> vector<2x1600x128xf32>
    %swap3A = arith.constant 0 : index
    %swap3A_51 = arith.constant 0 : index
    %swap3A_52 = arith.constant 0 : index
    %swap3A_53 = vector.load %arg7[%swap3A, %swap3A_51, %swap3A_52] : memref<2x1600x128xf32, #tpu.memory_space<vmem>>, vector<2x1600x128xf32>
    tpu.vector_store %arg7[%swap3A, %swap3A_51, %swap3A_52], %stack3A_50 {strides = array<i32>} : memref<2x1600x128xf32, #tpu.memory_space<vmem>>, vector<2x1600x128xf32>,
    return
  }
  func.func @transform_0(%arg0: i32) -> (i32, i32) {
    %c0_i32 = arith.constant 0 : i32
    %c0_i32_0 = arith.constant 0 : i32
    return %arg0, %c0_i32 : i32, i32
  }
  func.func @transform_1(%arg0: i32) -> (i32, i32) {
    %add3A = arith.constant 0 : i32
    %add3A_0 = arith.addi %arg0, %add3A : i32
    %c0_i32 = arith.constant 0 : i32
    %c0_i32_1 = arith.constant 0 : i32
    return %add3A_0, %c0_i32 : i32, i32
  }
  func.func @transform_2(%arg0: i32) -> (i32, i32) {
    %c0_i32 = arith.constant 0 : i32
    %c0_i32_0 = arith.constant 0 : i32
    %c0_i32_1 = arith.constant 0 : i32
    return %c0_i32, %c0_i32_0 : i32, i32
  }
  func.func @transform_3(%arg0: i32) -> (i32, i32) {
    %c0_i32 = arith.constant 0 : i32
    %c0_i32_0 = arith.constant 0 : i32
    %c0_i32_1 = arith.constant 0 : i32
    return %c0_i32, %c0_i32_0 : i32, i32
  }
  func.func @transform_4(%arg0: i32) -> (i32, i32) {
    %c0_i32 = arith.constant 0 : i32
    %c0_i32_0 = arith.constant 0 : i32
    %c0_i32_1 = arith.constant 0 : i32
    return %c0_i32, %c0_i32_0 : i32, i32
  }
  func.func @transform_5(%arg0: i32) -> (i32, i32) {
    %c0_i32 = arith.constant 0 : i32
    %c0_i32_0 = arith.constant 0 : i32
    %c0_i32_1 = arith.constant 0 : i32
    return %c0_i32, %c0_i32_0 : i32, i32
  }
  func.func @transform_6(%arg0: i32) -> (i32, i32, i32) {
    %c0_i32 = arith.constant 0 : i32
    %c0_i32_0 = arith.constant 0 : i32
    %c0_i32_1 = arith.constant 0 : i32
    return %c0_i32, %arg0, %c0_i32_0 : i32, i32, i32
  }
}

module attributes {stable_mosaic.version = 14 : i64} {
  func.func @_node_out_body(%arg0: i32, %arg1: memref<1000x128xf32, #tpu.memory_space<vmem>>, %arg2: memref<1000x128xf32, #tpu.memory_space<vmem>>, %arg3: memref<2x1000x128xf32, #tpu.memory_space<vmem>>, %arg4: memref<2x1000x128xf32, #tpu.memory_space<vmem>>, %arg5: memref<256x256xf32, #tpu.memory_space<vmem>>, %arg6: memref<256x256xf32, #tpu.memory_space<vmem>>, %arg7: memref<1x128xf32, #tpu.memory_space<vmem>>, %arg8: memref<1x128xf32, #tpu.memory_space<vmem>>, %arg9: memref<1000x128xf32, #tpu.memory_space<vmem>>, %arg10: memref<1000x128xf32, #tpu.memory_space<vmem>>) attributes {dimension_semantics = [#tpu.dimension_semantics<arbitrary>], iteration_bounds = array<i64: 10>, scalar_prefetch = 0 : i64, scratch_operands = 0 : i64, tpu.core_type = #tpu.core_type<tc>, window_params = [{transform_indices = @transform_0, window_bounds = array<i64: 1000, 128>}, {transform_indices = @transform_1, window_bounds = array<i64: 1000, 128>}, {transform_indices = @transform_2, window_bounds = array<i64: 2, 1000, 128>}, {transform_indices = @transform_3, window_bounds = array<i64: 2, 1000, 128>}, {pipeline_mode = #tpu.pipeline_mode<synchronous>, transform_indices = @transform_4, window_bounds = array<i64: 256, 256>}, {pipeline_mode = #tpu.pipeline_mode<synchronous>, transform_indices = @transform_5, window_bounds = array<i64: 256, 256>}, {pipeline_mode = #tpu.pipeline_mode<synchronous>, transform_indices = @transform_6, window_bounds = array<i64: 1, 128>}, {pipeline_mode = #tpu.pipeline_mode<synchronous>, transform_indices = @transform_7, window_bounds = array<i64: 1, 128>}, {transform_indices = @transform_8, window_bounds = array<i64: 1000, 128>}, {transform_indices = @transform_9, window_bounds = array<i64: 1000, 128>}]} {
    %get3A = arith.constant 0 : index
    %get3A_0 = arith.constant 0 : index
    %get3A_1 = arith.constant 0 : index
    %get3A_2 = vector.load %arg3[%get3A, %get3A_0, %get3A_1] : memref<2x1000x128xf32, #tpu.memory_space<vmem>>, vector<1x1000x128xf32>
    %get3A_3 = vector.shape_cast %get3A_2 : vector<1x1000x128xf32> to vector<1000x128xf32>
    %get3A_4 = arith.constant 0 : index
    %get3A_5 = arith.constant 0 : index
    %get3A_6 = arith.constant 0 : index
    %get3A_7 = vector.load %arg4[%get3A_4, %get3A_5, %get3A_6] : memref<2x1000x128xf32, #tpu.memory_space<vmem>>, vector<1x1000x128xf32>
    %get3A_8 = vector.shape_cast %get3A_7 : vector<1x1000x128xf32> to vector<1000x128xf32>
    %add3A = arith.addf %get3A_3, %get3A_8 : vector<1000x128xf32>
    %get3A_9 = arith.constant 1 : index
    %get3A_10 = arith.constant 0 : index
    %get3A_11 = arith.constant 0 : index
    %get3A_12 = vector.load %arg3[%get3A_9, %get3A_10, %get3A_11] : memref<2x1000x128xf32, #tpu.memory_space<vmem>>, vector<1x1000x128xf32>
    %get3A_13 = vector.shape_cast %get3A_12 : vector<1x1000x128xf32> to vector<1000x128xf32>
    %get3A_14 = arith.constant 1 : index
    %get3A_15 = arith.constant 0 : index
    %get3A_16 = arith.constant 0 : index
    %get3A_17 = vector.load %arg4[%get3A_14, %get3A_15, %get3A_16] : memref<2x1000x128xf32, #tpu.memory_space<vmem>>, vector<1x1000x128xf32>
    %get3A_18 = vector.shape_cast %get3A_17 : vector<1x1000x128xf32> to vector<1000x128xf32>
    %add3A_19 = arith.addf %get3A_13, %get3A_18 : vector<1000x128xf32>
    %concatenate3A = tpu.concatenate %add3A, %add3A_19 in 1 : vector<1000x128xf32>, vector<1000x128xf32> -> vector<1000x256xf32>
    %get3A_20 = arith.constant 0 : index
    %get3A_21 = arith.constant 0 : index
    %get3A_22 = vector.load %arg5[%get3A_20, %get3A_21] : memref<256x256xf32, #tpu.memory_space<vmem>>, vector<256x256xf32>
    %dot_general3A = arith.constant dense<0.000000e+00> : vector<1000x256xf32>
    %dot_general3A_23 = tpu.matmul %concatenate3A, %get3A_22, %dot_general3A {dimension_numbers = #tpu.dot_dimension_numbers<[1], [0], [0], [1], [0, 0, 1, 1], [], []>, transpose_lhs_hint = false} : vector<1000x256xf32>, vector<256x256xf32>, vector<1000x256xf32> -> vector<1000x256xf32>
    %get3A_24 = arith.constant 0 : index
    %get3A_25 = arith.constant 0 : index
    %get3A_26 = vector.load %arg1[%get3A_24, %get3A_25] : memref<1000x128xf32, #tpu.memory_space<vmem>>, vector<1000x128xf32>
    %slice3A = vector.extract_strided_slice %dot_general3A_23 {offsets = [0, 0], sizes = [1000, 128], strides = [1, 1]} : vector<1000x256xf32> to vector<1000x128xf32>
    %add3A_27 = arith.addf %get3A_26, %slice3A : vector<1000x128xf32>
    %logistic3A = arith.negf %add3A_27 : vector<1000x128xf32>
    %logistic3A_28 = math.exp %logistic3A : vector<1000x128xf32>
    %logistic3A_29 = arith.constant 1.000000e+00 : f32
    %logistic3A_30 = vector.broadcast %logistic3A_29 : f32 to vector<1000x128xf32>
    %logistic3A_31 = arith.addf %logistic3A_30, %logistic3A_28 : vector<1000x128xf32>
    %logistic3A_32 = arith.divf %logistic3A_30, %logistic3A_31 : vector<1000x128xf32>
    %mul3A = arith.mulf %add3A_27, %logistic3A_32 : vector<1000x128xf32>
    %get3A_33 = arith.constant 0 : index
    %get3A_34 = arith.constant 0 : index
    %get3A_35 = vector.load %arg2[%get3A_33, %get3A_34] : memref<1000x128xf32, #tpu.memory_space<vmem>>, vector<1000x128xf32>
    %slice3A_36 = vector.extract_strided_slice %dot_general3A_23 {offsets = [0, 128], sizes = [1000, 128], strides = [1, 1]} : vector<1000x256xf32> to vector<1000x128xf32>
    %add3A_37 = arith.addf %get3A_35, %slice3A_36 : vector<1000x128xf32>
    %tanh3A = math.tanh %add3A_37 : vector<1000x128xf32>
    %concatenate3A_38 = tpu.concatenate %mul3A, %tanh3A in 1 : vector<1000x128xf32>, vector<1000x128xf32> -> vector<1000x256xf32>
    %get3A_39 = arith.constant 0 : index
    %get3A_40 = arith.constant 0 : index
    %get3A_41 = vector.load %arg6[%get3A_39, %get3A_40] : memref<256x256xf32, #tpu.memory_space<vmem>>, vector<256x256xf32>
    %dot_general3A_42 = arith.constant dense<0.000000e+00> : vector<1000x256xf32>
    %dot_general3A_43 = tpu.matmul %concatenate3A_38, %get3A_41, %dot_general3A_42 {dimension_numbers = #tpu.dot_dimension_numbers<[1], [0], [0], [1], [0, 0, 1, 1], [], []>, transpose_lhs_hint = false} : vector<1000x256xf32>, vector<256x256xf32>, vector<1000x256xf32> -> vector<1000x256xf32>
    %slice3A_44 = vector.extract_strided_slice %dot_general3A_43 {offsets = [0, 0], sizes = [1000, 128], strides = [1, 1]} : vector<1000x256xf32> to vector<1000x128xf32>
    %get3A_45 = arith.constant 0 : index
    %get3A_46 = arith.constant 0 : index
    %get3A_47 = vector.load %arg7[%get3A_45, %get3A_46] : memref<1x128xf32, #tpu.memory_space<vmem>>, vector<1x128xf32>
    %add3A_48 = vector.broadcast %get3A_47 : vector<1x128xf32> to vector<1000x128xf32>
    %add3A_49 = arith.addf %slice3A_44, %add3A_48 : vector<1000x128xf32>
    %swap3A = arith.constant 0 : index
    %swap3A_50 = arith.constant 0 : index
    %swap3A_51 = vector.load %arg9[%swap3A, %swap3A_50] : memref<1000x128xf32, #tpu.memory_space<vmem>>, vector<1000x128xf32>
    tpu.vector_store %arg9[%swap3A, %swap3A_50], %add3A_49 {strides = array<i32>} : memref<1000x128xf32, #tpu.memory_space<vmem>>, vector<1000x128xf32>,
    %slice3A_52 = vector.extract_strided_slice %dot_general3A_43 {offsets = [0, 128], sizes = [1000, 128], strides = [1, 1]} : vector<1000x256xf32> to vector<1000x128xf32>
    %get3A_53 = arith.constant 0 : index
    %get3A_54 = arith.constant 0 : index
    %get3A_55 = vector.load %arg8[%get3A_53, %get3A_54] : memref<1x128xf32, #tpu.memory_space<vmem>>, vector<1x128xf32>
    %add3A_56 = vector.broadcast %get3A_55 : vector<1x128xf32> to vector<1000x128xf32>
    %add3A_57 = arith.addf %slice3A_52, %add3A_56 : vector<1000x128xf32>
    %tanh3A_58 = math.tanh %add3A_57 : vector<1000x128xf32>
    %swap3A_59 = arith.constant 0 : index
    %swap3A_60 = arith.constant 0 : index
    %swap3A_61 = vector.load %arg10[%swap3A_59, %swap3A_60] : memref<1000x128xf32, #tpu.memory_space<vmem>>, vector<1000x128xf32>
    tpu.vector_store %arg10[%swap3A_59, %swap3A_60], %tanh3A_58 {strides = array<i32>} : memref<1000x128xf32, #tpu.memory_space<vmem>>, vector<1000x128xf32>,
    return
  }
  func.func @transform_0(%arg0: i32) -> (i32, i32) {
    %c0_i32 = arith.constant 0 : i32
    %c0_i32_0 = arith.constant 0 : i32
    return %arg0, %c0_i32 : i32, i32
  }
  func.func @transform_1(%arg0: i32) -> (i32, i32) {
    %c0_i32 = arith.constant 0 : i32
    %c0_i32_0 = arith.constant 0 : i32
    return %arg0, %c0_i32 : i32, i32
  }
  func.func @transform_2(%arg0: i32) -> (i32, i32, i32) {
    %c0_i32 = arith.constant 0 : i32
    %c0_i32_0 = arith.constant 0 : i32
    %c0_i32_1 = arith.constant 0 : i32
    return %c0_i32, %arg0, %c0_i32_0 : i32, i32, i32
  }
  func.func @transform_3(%arg0: i32) -> (i32, i32, i32) {
    %c0_i32 = arith.constant 0 : i32
    %c0_i32_0 = arith.constant 0 : i32
    %c0_i32_1 = arith.constant 0 : i32
    return %c0_i32, %arg0, %c0_i32_0 : i32, i32, i32
  }
  func.func @transform_4(%arg0: i32) -> (i32, i32) {
    %c0_i32 = arith.constant 0 : i32
    %c0_i32_0 = arith.constant 0 : i32
    %c0_i32_1 = arith.constant 0 : i32
    return %c0_i32, %c0_i32_0 : i32, i32
  }
  func.func @transform_5(%arg0: i32) -> (i32, i32) {
    %c0_i32 = arith.constant 0 : i32
    %c0_i32_0 = arith.constant 0 : i32
    %c0_i32_1 = arith.constant 0 : i32
    return %c0_i32, %c0_i32_0 : i32, i32
  }
  func.func @transform_6(%arg0: i32) -> (i32, i32) {
    %c0_i32 = arith.constant 0 : i32
    %c0_i32_0 = arith.constant 0 : i32
    %c0_i32_1 = arith.constant 0 : i32
    return %c0_i32, %c0_i32_0 : i32, i32
  }
  func.func @transform_7(%arg0: i32) -> (i32, i32) {
    %c0_i32 = arith.constant 0 : i32
    %c0_i32_0 = arith.constant 0 : i32
    %c0_i32_1 = arith.constant 0 : i32
    return %c0_i32, %c0_i32_0 : i32, i32
  }
  func.func @transform_8(%arg0: i32) -> (i32, i32) {
    %c0_i32 = arith.constant 0 : i32
    %c0_i32_0 = arith.constant 0 : i32
    return %arg0, %c0_i32 : i32, i32
  }
  func.func @transform_9(%arg0: i32) -> (i32, i32) {
    %c0_i32 = arith.constant 0 : i32
    %c0_i32_0 = arith.constant 0 : i32
    return %arg0, %c0_i32 : i32, i32
  }
}

</mosaic_0001>

<sc_bundles>
// kernel: kernel.11.cloned.1.call-start
scs
__scs_entry_jumppad:
0x0: {  	(pc) =	sbr.rel $0x88, $3  }
0x1: {  	(tag) =	ssettag $0x0;
	lr =	simm.s32 $0x1  }
0x2: {  	[smem:$0x3F8D] =	sst lr;
	_ =	strace $0xD0000000  }
0x3: {  	_ = 	snop  }
0x4: {  	_ = 	snop  }
0x5: {  	_ = 	snop  }
0x6: {  	_ = 	snop  }
0x7: {  	_ = 	snop  }
__scs_overlays_trampoline_lowered:
0x8: {  	[smem:$0x3F9C] =	sst s0  }
0x9: {  	[smem:$0x3F9D] =	sst s1  }
0xa: {  	[smem:$0x3F9E] =	sst s2  }
0xb: {  	[smem:$0x3F9F] =	sst s3  }
0xc: {  	[smem:$0x3FA0] =	sst s4  }
0xd: {  	[smem:$0x3FA1] =	sst s5  }
0xe: {  	[smem:$0x3FA2] =	sst s6  }
0xf: {  	[smem:$0x3FA3] =	sst s7  }
0x10: {  	[smem:$0x3FA4] =	sst s8  }
0x11: {  	[smem:$0x3FA5] =	sst s9;
	s0 =	simm.s32 @!p0 $0x0  }
0x12: {  	s1 =	sld [smem:$0x3F8B];
	s0 =	simm.s32 @p0 $0x1  }
0x13: {  	[smem:$0x3FA6] =	sst s0;
	s0 =	simm.s32 @!p1 $0x0  }
0x14: {  	s2 =	sld [smem:$0x3F8A];
	s0 =	simm.s32 @p1 $0x1  }
0x15: {  	[smem:$0x3FA7] =	sst s0;
	s0 =	simm.s32 @!p2 $0x0  }
0x16: {  	s3 =	sld [smem:$0x3FDB];
	s0 =	simm.s32 @p2 $0x1  }
0x17: {  	s4 =	simm.s32 $0x1BF5;
	[smem:$0x3FA9] =	sst s0  }
0x18: {  	s0 =	sld [smem:$0x3F8C];
	_ =	swait.ge [sflag:s4], $0x0  }
0x19: {  	s7 =	sld [smem:$0x3F8D]  }
0x1a: {  	s8 =	sadd.s32 $0xFFFFE003, lr  }
0x1b: {  	s9 =	sadd.s32 $0xFFFFFEF7, lr;
	s5 =	simm.s32 $0xFFFFFFFF;
	p2 =	slt.u32 s8, $0xFFFFF086  }
0x1c: {  	p1 =	slt.u32 s9, $0xF7A;
	s5 =	simm.s32 @!p2 $0x0  }
0x1d: {  	s5 =	simm.s32 @p1 $0x1;
	p0 =	seq.s32 s7, s2  }
0x1e: {  	s7 =	smul.u32 @!p0 $0xF7A, s2;
	p2 =	seq.s32 @!p0 s5, $0x0  }
0x1f: {  	s9 =	smul.u32 $0xF7A, s1;
	s8 =	simm.s32 @!p0 $0x1BF5;
	p2 =	por !p2, p0  }
0x20: {  	[sflag:s8] =	ssyncset.s32 @!p0 $0xFFFFF086;
	s6 =	sadd.s32 @!p0 s3, s7;
	s7 =	simm.s32 @!p0 $0x108  }
0x21: {  	s3 =	sadd.s32 s3, s9;
	s6 =	sadd.s32 @!p0 $0x88, s6;
	s7 =	simm.s32 @p2 $0x1082  }
0x22: {  	[simem:s7], [sflag:s8] =	dma.local @!p0 [hbm:s6], $0xF7A  }
0x23: {  	s9 =	sor.u32 $0xD0000000, s2;
	s6 =	simm.s32 $0x108;
	_ =	swait.ge @!p0 [sflag:s8], $0x0  }
0x24: {  	s3 =	sadd.s32 $0x88, s3;
	s6 =	simm.s32 @!p1 $0x1082;
	[sflag:s4] =	ssyncset.s32 $0xFFFFF086  }
0x25: {  	[simem:s6], [sflag:s4] =	dma.local [hbm:s3], $0xF7A  }
0x26: {  	[smem:$0x3F8D] =	sst s1;
	(tag) =	ssettag s2;
	_ =	strace s9  }
0x27: {  	s1 =	sld [smem:$0x3F9D]  }
0x28: {  	s2 =	sld [smem:$0x3F9E]  }
0x29: {  	s4 =	sld [smem:$0x3FA0]  }
0x2a: {  	p0 =	seq.s32 s5, $0x0;
	s5 =	sld [smem:$0x3FA1]  }
0x2b: {  	s6 =	sld [smem:$0x3FA2]  }
0x2c: {  	s7 =	sld [smem:$0x3FA3]  }
0x2d: {  	s3 =	simm.s32 $0x108;
	s8 =	sld [smem:$0x3FA4]  }
0x2e: {  	s3 =	simm.s32 @!p0 $0x1082;
	s9 =	sld [smem:$0x3FA5]  }
0x2f: {  	lr =	sadd.s32 s0, s3;
	s0 =	sld [smem:$0x3F9C]  }
0x30: {  	s3 =	sld [smem:$0x3F9F]  }
0x31: {  	[smem:$0x3FA8] =	sst s10  }
0x32: {  	s10 =	sld [smem:$0x3FA6];
	_ =	sdelay $0x3  }
0x33: {  	p0 =	seq.s32 s10, $0x1;
	s10 =	sld [smem:$0x3FA8];
	_ =	sdelay $0x3  }
0x34: {  	[smem:$0x3FA8] =	sst s10  }
0x35: {  	s10 =	sld [smem:$0x3FA7];
	_ =	sdelay $0x3  }
0x36: {  	p1 =	seq.s32 s10, $0x1;
	s10 =	sld [smem:$0x3FA8];
	_ =	sdelay $0x3  }
0x37: {  	[smem:$0x3FA8] =	sst s10  }
0x38: {  	s10 =	sld [smem:$0x3FA9]  }
0x39: {  	_ = 	snop;
	(pc) =	sbr.ind lr, $3  }
0x3a: {  	_ = 	snop  }
0x3b: {  	_ = 	snop  }
0x3c: {  	p2 =	seq.s32 s10, $0x1;
	s10 =	sld [smem:$0x3FA8]  }
0x3d: {  	_ =	shalt  }
0x3e: {  	_ =	shalt  }
0x3f: {  	_ =	shalt  }
0x40: {  	_ =	shalt  }
0x41: {  	_ =	shalt  }
0x42: {  	_ =	shalt  }
0x43: {  	_ =	shalt  }
0x44: {  	_ =	shalt  }
0x45: {  	_ =	shalt  }
0x46: {  	_ =	shalt  }
0x47: {  	_ =	shalt  }
0x48: {  	_ =	shalt  }
0x49: {  	_ =	shalt  }
0x4a: {  	_ =	shalt  }
0x4b: {  	_ =	shalt  }
0x4c: {  	_ =	shalt  }
0x4d: {  	_ =	shalt  }
0x4e: {  	_ =	shalt  }
0x4f: {  	_ =	shalt  }
0x50: {  	_ =	shalt  }
0x51: {  	_ =	shalt  }
0x52: {  	_ =	shalt  }
0x53: {  	_ =	shalt  }
0x54: {  	_ =	shalt  }
0x55: {  	_ =	shalt  }
0x56: {  	_ =	shalt  }
0x57: {  	_ =	shalt  }
0x58: {  	_ =	shalt  }
0x59: {  	_ =	shalt  }
0x5a: {  	_ =	shalt  }
0x5b: {  	_ =	shalt  }
0x5c: {  	_ =	shalt  }
0x5d: {  	_ =	shalt  }
0x5e: {  	_ =	shalt  }
0x5f: {  	_ =	shalt  }
0x60: {  	_ =	shalt  }
0x61: {  	_ =	shalt  }
0x62: {  	_ =	shalt  }
0x63: {  	_ =	shalt  }
0x64: {  	_ =	shalt  }
0x65: {  	_ =	shalt  }
0x66: {  	_ =	shalt  }
0x67: {  	_ =	shalt  }
0x68: {  	_ =	shalt  }
0x69: {  	_ =	shalt  }
0x6a: {  	_ =	shalt  }
0x6b: {  	_ =	shalt  }
0x6c: {  	_ =	shalt  }
0x6d: {  	_ =	shalt  }
0x6e: {  	_ =	shalt  }
0x6f: {  	_ =	shalt  }
0x70: {  	_ =	shalt  }
0x71: {  	_ =	shalt  }
0x72: {  	_ =	shalt  }
0x73: {  	_ =	shalt  }
0x74: {  	_ =	shalt  }
0x75: {  	_ =	shalt  }
0x76: {  	_ =	shalt  }
0x77: {  	_ =	shalt  }
0x78: {  	_ =	shalt  }
0x79: {  	_ =	shalt  }
0x7a: {  	_ =	shalt  }
0x7b: {  	_ =	shalt  }
0x7c: {  	_ =	shalt  }
0x7d: {  	_ =	shalt  }
0x7e: {  	_ =	shalt  }
0x7f: {  	_ =	shalt  }
0x80: {  	_ =	shalt  }
0x81: {  	_ =	shalt  }
0x82: {  	_ =	shalt  }
0x83: {  	_ =	shalt  }
0x84: {  	_ =	shalt  }
0x85: {  	_ =	shalt  }
0x86: {  	_ =	shalt  }
0x87: {  	_ =	shalt  }
.Lfunc_end0:
.L_simem_size_0:
called_computation_lowered:
.L_overlay_start_0:
0x88: {  	s2 =	sld [smem:$0x3FD9]  }
0x89: {  	s3 =	sld [smem:$0x3FFE];
	_ =	sdelay $0x1  }
0x8a: {  	s1 =	srdreg.scid  }
0x8b: {  	s0 =	sand.u32 $0x1, s1  }
0x8c: {  	s16 =	sshll.u32 s0, $0xA;
	s2 =	sadd.s32 s3, s2  }
0x8d: {  	s2 =	sadd.s32 s2, s16  }
0x8e: {  	[smem:$0x3FB4] =	sst s2  }
0x8f: {  	_ = 	snop  }
0x90: {  	(tm) =	ssettm $0x1  }
0x91: {  	s17 =	sld [smem:$0x3FFB];
	_ =	sdelay $0x3  }
0x92: {  	_ =	strace s17  }
0x93: {  	s2 =	sld [smem:$0x3FFC];
	_ =	sdelay $0x3  }
0x94: {  	_ =	strace s2  }
0x95: {  	s2 =	sld [smem:$0x3FFD];
	_ =	sdelay $0x3  }
0x96: {  	_ =	strace s2  }
0x97: {  	_ =	strace $0x8FFFFFFF  }
0x98: {  	s18 =	sld [smem:$0x3FDB];
	_ =	sdelay $0x1  }
0x99: {  	s19 =	simm.s32 $_scs_section_size  }
0x9a: {  	s4 =	simm.s32 $_size__tile_overlayer_lowered;
	s5 =	simm.s32 $_tile_overlayer_lowered  }
0x9b: {  	s22 =	simm.s32 $0x1BFF;
	s21 =	sshll.u32 s5, $0x1;
	s2 =	sadd.s32 s19, s18  }
0x9c: {  	s6 =	simm.s32 $0x0;
	s20 =	sshll.u32 s4, $0x1;
	s4 =	sadd.s32 s21, s2  }
0x9d: {  	[timem:s6], [sflag:s22] =	dma.local [hbm:s4], s20  }
0x9e: {  	_ =	swait.ge [sflag:s22], s20  }
0x9f: {  	s3 =	ssub.s32 $0x0, s20;
	[sflag:s22] =	ssyncset.done $0x0  }
0xa0: {  	[sflag:s22] =	ssyncadd.s32 s3;
	_ =	sdelay $0x1  }
0xa1: {  	s23 =	simm.s32 $0x1B8B  }
0xa2: {  	_ =	swait.ge [sflag:s23], $0x1  }
0xa3: {  	[sflag:s23] =	ssyncset.done $0x0  }
0xa4: {  	s25 =	simm.s32 $0x1B8E;
	s24 =	sld [smem:$0x3FFE];
	[sflag:s23] =	ssyncadd.s32 $0xFFFFFFFF  }
0xa5: {  	s26 =	simm.s32 $execute0_lowered;
	[smem:$0x3FD2] =	sst s25  }
0xa6: {  	s4 =	sshll.u32 s26, $0x1;
	_ =	strace $0x80000046;
	[dreg:$0x1] =	wrdreg $0xFFFFFFFF  }
0xa7: {  	s28 =	simm.s32 $_size_execute0_lowered;
	s2 =	sadd.s32 s2, s4;
	[dreg:$0x0] =	wrdreg $0x0  }
0xa8: {  	s4 =	sshll.u32 s28, $0x1;
	[dreg:$0x2] =	wrdreg s2  }
0xa9: {  	[dreg:$0x3] =	wrdreg s4  }
0xaa: {  	[dreg:$0x4] =	wrdreg $0xC0  }
0xab: {  	_ =	task [dreg:s6], $0x5FFFF  }
0xac: {  	[dreg:$0x1] =	wrdreg $0xFFFFFFFF  }
0xad: {  	[dreg:$0x0] =	wrdreg $0x60  }
0xae: {  	[dreg:$0x2] =	wrdreg s24  }
0xaf: {  	[dreg:$0x3] =	wrdreg $0xA  }
0xb0: {  	_ =	task.clear_ibuf [dreg:s6], $0x4FFFF;
	_ =	strace $0x90000046  }
0xb1: {  	s29 =	simm.s32 $0xA;
	_ =	strace $0x80000048  }
0xb2: {  	_ =	swait.ge [sflag:s29], $0x1  }
0xb3: {  	[sflag:s29] =	ssyncadd.s32 $0xFFFFFFFF  }
0xb4: {  	_ =	strace $0x90000048  }
0xb5: {  	_ =	sfence  }
0xb6: {  	s30 =	sld [smem:$0x0];
	_ =	sdelay $0x2  }
0xb7: {  	s31 =	sshll.u32 s1, $0xD;
	s1 =	sshrl.u32 s1, $0x2  }
0xb8: {  	s3 =	sand.u32 $0x4000, s31;
	s1 =	sadd.s32 s1, s30  }
0xb9: {  	s0 =	sor.u32 s3, s0;
	s1 =	sshll.u32 s1, $0x11  }
0xba: {  	s0 =	sor.u32 s1, s0  }
0xbb: {  	s0 =	sadd.s32 $0x8F2B, s0  }
0xbc: {  	[sflag:s0] =	ssyncadd.remote.s32 $0x1  }
0xbd: {  	_ =	sfence.sel $0xFFFF  }
0xbe: {  	[dreg:$0x0] =	wrdreg $0xFFFFFFFF;
	(pc) =	sbr.abs _section_cstart, $3  }
0xbf: {  	[dreg:$0x1] =	wrdreg $0xFFFFFFFF  }
0xc0: {  	_ =	task.clear_ibuf [dreg:s6], $0x2FFFF;
	_ =	strace $0x9FFFFFFF  }
0xc1: {  	(tm) =	ssettm $0x7FFFFFFF  }
tec
execute0_lowered:
.L_overlay_start_1:
0x0: {  	(tag) =	ssettag $0x1  }
0x1: {  	s6 =	rddreg [dreg:$0x0]  }
0x2: {  	s0 =	rddreg [dreg:$0x1]  }
0x3: {  	s3 =	srdreg.scid;
	s1 =	stileid.u32;
	s2 =	simm.s32 $0x0  }
0x4: {  	s11 =	simm.s32 $0x1;
	s12 =	simm.s32 $0x9E00;
	s13 =	simm.s32 $0xC580  }
0x5: {  	s14 =	simm.s32 $0x2780;
	s5 =	sand.u32 $0x1, s3;
	s30 =	sshll.u32 s1, $0x1  }
0x6: {  	s15 =	simm.s32 $0x4F00;
	s16 =	simm.s32 $0x0;
	s3 =	sor.u32 s5, s30  }
0x7: {  	[smem:$0x7FF] =	sst s2;
	s4 =	sadd.s32 $0x18E00, s6;
	s7 =	smul.u32 $0x4E2, s3  }
0x8: {  	_ =	strace $0x80000047;
	s8 =	ssub.s32 $0x2, s5;
	s5 =	sadd.s32 $0x18800, s6  }
0x9: {  	s3 =	sadd.s32 $0x19400, s6;
	s31 =	sshrl.u32 s8, $0x1;
	s9 =	sadd.s32 s7, s6  }
0xa: {  	s10 =	ssub.s32 s8, s31;
	s6 =	sadd.s32 $0x4C00, s9;
	s7 =	sadd.s32 $0xEA00, s9  }
0xb: {  	s8 =	sadd.s32 $0x19A00, s9;
	s9 =	smax.u32 s10, $0x1;
	s10 =	simm.s32 $0x7680  }
.LBB2_1:
0xc: {  	[tilespmem:s10], [sflag:$0x1] =	stream.linear.gather [hbm4b:s3+s2], $0x2780, $0x38;
	[tilespmem:$0xED00] =	vst v63  }
0xd: {  	_ =	swait.ge [sflag:s11], $0x2780  }
0xe: {  	[sflag:s11] =	ssyncset.done $0x0  }
0xf: {  	[sflag:s11] =	ssyncadd.s32 $0xFFFFD880  }
0x10: {  	[tilespmem:s12], [sflag:$0x1] =	stream.linear.gather [hbm4b:s4+s2], $0x2780, $0x38;
	[tilespmem:$0xED00] =	vst v63  }
0x11: {  	_ =	swait.ge [sflag:s11], $0x2780  }
0x12: {  	[sflag:s11] =	ssyncset.done $0x0  }
0x13: {  	[sflag:s11] =	ssyncadd.s32 $0xFFFFD880  }
0x14: {  	[tilespmem:s13], [sflag:$0x1] =	stream.linear.gather [hbm4b:s5+s2], $0x2780, $0x38;
	[tilespmem:$0xED00] =	vst v63  }
0x15: {  	_ =	swait.ge [sflag:s11], $0x2780  }
0x16: {  	[sflag:s11] =	ssyncset.done $0x0  }
0x17: {  	[sflag:s11] =	ssyncadd.s32 $0xFFFFD880  }
0x18: {  	[tilespmem:s2], [sflag:$0x1] =	stream.linear.gather [hbm4b:s6+s2], $0x2710, $0x38;
	[tilespmem:$0xED00] =	vst v63  }
0x19: {  	_ =	swait.ge [sflag:s11], $0x2710  }
0x1a: {  	[sflag:s11] =	ssyncset.done $0x0  }
0x1b: {  	[sflag:s11] =	ssyncadd.s32 $0xFFFFD8F0  }
0x1c: {  	[tilespmem:s14], [sflag:$0x1] =	stream.linear.gather [hbm4b:s7+s2], $0x2710, $0x38;
	[tilespmem:$0xED00] =	vst v63  }
0x1d: {  	_ =	swait.ge [sflag:s11], $0x2710  }
0x1e: {  	[sflag:s11] =	ssyncset.done $0x0  }
0x1f: {  	s17 =	simm.s32 $0x0;
	[sflag:s11] =	ssyncadd.s32 $0xFFFFD8F0  }
0x20: {  	v0 =	vld [tilespmem:s17+$0x2780]  }
0x21: {  	v1 =	vld [tilespmem:s17+$0x0];
	_ =	sdelay $0x6  }
0x22: {  	v2 =	vld.idx.msk [tilespmem:v0+s10+$0x0], $0xffff  }
0x23: {  	v3 =	vld.idx.msk [tilespmem:v1+s10+$0x0], $0xffff  }
0x24: {  	v4 =	vld.idx.msk [tilespmem:v1+s12+$0x0], $0xffff  }
0x25: {  	v5 =	vld.idx.msk [tilespmem:v0+s12+$0x0], $0xffff  }
0x26: {  	v6 =	vld.idx.msk [tilespmem:v1+s13+$0x0], $0xffff  }
0x27: {  	v7 =	vld.idx.msk [tilespmem:v0+s13+$0x0], $0xffff;
	_ =	sdelay $0x2  }
0x28: {  	s18 =	simm.s32 $0x10;
	v3 =	vsub.f32 v3, v2;
	v4 =	vsub.f32 v4, v5  }
0x29: {  	v0 =	vld [tilespmem:s18+$0x2780]  }
0x2a: {  	v1 =	vld [tilespmem:s18+$0x0];
	v2 =	vsub.f32 v6, v7;
	v3 =	vmul.f32 v3, v3;
	v4 =	vmul.f32 v4, v4  }
0x2b: {  	s19 =	simm.s32 $0x80  }
.LBB2_2:
0x2c: {  	p0 =	sne.s32 s19, $0x9C00;
	v3 =	vadd.f32 v4, v3;
	v2 =	vmul.f32 v2, v2;
	_ =	sdelay $0x1  }
0x2d: {  	v2 =	vadd.f32 v2, v3;
	_ =	sdelay $0x1  }
0x2e: {  	[tilespmem:s17+$0x4F00] =	vst v2;
	s17 =	smov.u32 s18  }
0x2f: {  	v2 =	vld.idx.msk [tilespmem:v0+s10+$0x0], $0xffff  }
0x30: {  	v3 =	vld.idx.msk [tilespmem:v1+s10+$0x0], $0xffff  }
0x31: {  	v4 =	vld.idx.msk [tilespmem:v1+s12+$0x0], $0xffff  }
0x32: {  	v5 =	vld.idx.msk [tilespmem:v0+s12+$0x0], $0xffff  }
0x33: {  	v6 =	vld.idx.msk [tilespmem:v1+s13+$0x0], $0xffff  }
0x34: {  	v7 =	vld.idx.msk [tilespmem:v0+s13+$0x0], $0xffff;
	_ =	sdelay $0x2  }
.Ltmp0:
0x35: {  	(pc) =	sbr.rel @p0 .LBB2_2-.Ltmp0, $4  }
0x36: {  	s18 =	sshra.s32 s19, $0x2;
	v3 =	vsub.f32 v3, v2;
	v4 =	vsub.f32 v4, v5  }
0x37: {  	v0 =	vld [tilespmem:s18+$0x2780]  }
0x38: {  	v3 =	vmul.f32 v3, v3;
	v2 =	vsub.f32 v6, v7;
	v4 =	vmul.f32 v4, v4;
	v1 =	vld [tilespmem:s18+$0x0]  }
0x39: {  	s19 =	sadd.s32 $0x40, s19  }
0x3a: {  	_ = 	snop  }
0x3b: {  	v3 =	vadd.f32 v4, v3;
	v2 =	vmul.f32 v2, v2;
	_ =	sdelay $0x1  }
0x3c: {  	v2 =	vadd.f32 v2, v3;
	_ =	sdelay $0x1  }
0x3d: {  	[tilespmem:s17+$0x4F00] =	vst v2  }
0x3e: {  	v2 =	vld.idx.msk [tilespmem:v0+s10+$0x0], $0xffff  }
0x3f: {  	v57 =	vld.idx.msk [tilespmem:v1+s10+$0x0], $0xffff  }
0x40: {  	v58 =	vld.idx.msk [tilespmem:v1+s12+$0x0], $0xffff  }
0x41: {  	v5 =	vld.idx.msk [tilespmem:v0+s12+$0x0], $0xffff  }
0x42: {  	v59 =	vld.idx.msk [tilespmem:v1+s13+$0x0], $0xffff  }
0x43: {  	v60 =	vld.idx.msk [tilespmem:v0+s13+$0x0], $0xffff;
	_ =	sdelay $0x2  }
0x44: {  	v2 =	vsub.f32 v57, v2;
	v61 =	vsub.f32 v58, v5;
	_ =	sdelay $0x1  }
0x45: {  	v0 =	vsub.f32 v59, v60;
	v62 =	vmul.f32 v2, v2;
	v63 =	vmul.f32 v61, v61;
	_ =	sdelay $0x1  }
0x46: {  	v0 =	vmul.f32 v0, v0;
	v1 =	vadd.f32 v63, v62;
	_ =	sdelay $0x1  }
0x47: {  	s16 =	sadd.s32 $0x1, s16;
	v0 =	vadd.f32 v0, v1  }
0x48: {  	p0 =	sne.s32 s16, s9  }
.Ltmp1:
0x49: {  	[tilespmem:s18+$0x4F00] =	vst v0;
	(pc) =	sbr.rel @p0 .LBB2_1-.Ltmp1, $4  }
0x4a: {  	[hbm4b:s8+s2] =	stream.linear.scatter [tilespmem:s15], [sflag:$0x1], $0x2710, $0x38;
	[tilespmem:$0xED00] =	vst v63  }
0x4b: {  	_ =	swait.ge [sflag:s11], $0x2710  }
0x4c: {  	[sflag:s11] =	ssyncset.done $0x0  }
0x4d: {  	[sflag:s11] =	ssyncadd.s32 $0xFFFFD8F0  }
0x4e: {  	_ =	sfence.sel $0x180000  }
0x4f: {  	[bflag:$0x0] =	sbarrier.arrive $0xFFFF  }
0x50: {  	p0 =	sne.s32 s1, $0x0;
	_ =	strace $0x90000047  }
0x51: {  	s0 =	sadd.s32 @!p0 $0x100000, s0;
	[bflag:$0x2] =	sbarrier.arrive $0xFFFF  }
0x52: {  	[sflag:s0] =	ssyncadd.tile.s32 @!p0 $0x1;
	_ =	shalt  }
.Lfunc_end2:
_tile_overlayer_lowered:
.L_overlay_start_2:
0x53: {  	(tag) =	ssettag $0x2  }
0x54: {  	s0 =	rddreg [dreg:$0x0];
	s2 =	stileid.u32  }
0x55: {  	s1 =	rddreg [dreg:$0x1];
	p0 =	sne.s32 s2, $0x0  }
0x56: {  	s3 =	rddreg [dreg:$0x2];
	[bflag:$0x3] =	sbarrier.arrive $0xFFFF;
	s2 =	simm.s32 @!p0 $0x1C01  }
0x57: {  	[timem:s3], [sflag:s2] =	dma.local @!p0 [hbm:s0], s1  }
0x58: {  	s0 =	simm.s32 @!p0 $0x1  }
0x59: {  	_ =	swait.ge @!p0 [sflag:s0], s1  }
0x5a: {  	s1 =	ssub.s32 @!p0 $0x0, s1;
	[sflag:s0] =	ssyncset.done @!p0 $0x0  }
0x5b: {  	[sflag:s0] =	ssyncadd.s32 @!p0 s1  }
0x5c: {  	[bflag:$0x3] =	sbarrier.arrive $0xFFFF  }
0x5d: {  	_ =	shalt  }

// kernel: kernel.14.cloned.1.call-start
scs
__scs_entry_jumppad:
0x0: {  	(pc) =	sbr.rel $0x88, $3  }
0x1: {  	(tag) =	ssettag $0x0;
	lr =	simm.s32 $0x1  }
0x2: {  	[smem:$0x3F8D] =	sst lr;
	_ =	strace $0xD0000000  }
0x3: {  	_ = 	snop  }
0x4: {  	_ = 	snop  }
0x5: {  	_ = 	snop  }
0x6: {  	_ = 	snop  }
0x7: {  	_ = 	snop  }
__scs_overlays_trampoline_lowered:
0x8: {  	[smem:$0x3F9C] =	sst s0  }
0x9: {  	[smem:$0x3F9D] =	sst s1  }
0xa: {  	[smem:$0x3F9E] =	sst s2  }
0xb: {  	[smem:$0x3F9F] =	sst s3  }
0xc: {  	[smem:$0x3FA0] =	sst s4  }
0xd: {  	[smem:$0x3FA1] =	sst s5  }
0xe: {  	[smem:$0x3FA2] =	sst s6  }
0xf: {  	[smem:$0x3FA3] =	sst s7  }
0x10: {  	[smem:$0x3FA4] =	sst s8  }
0x11: {  	[smem:$0x3FA5] =	sst s9;
	s0 =	simm.s32 @!p0 $0x0  }
0x12: {  	s1 =	sld [smem:$0x3F8B];
	s0 =	simm.s32 @p0 $0x1  }
0x13: {  	[smem:$0x3FA6] =	sst s0;
	s0 =	simm.s32 @!p1 $0x0  }
0x14: {  	s2 =	sld [smem:$0x3F8A];
	s0 =	simm.s32 @p1 $0x1  }
0x15: {  	[smem:$0x3FA7] =	sst s0;
	s0 =	simm.s32 @!p2 $0x0  }
0x16: {  	s3 =	sld [smem:$0x3FDB];
	s0 =	simm.s32 @p2 $0x1  }
0x17: {  	s4 =	simm.s32 $0x1BF5;
	[smem:$0x3FA9] =	sst s0  }
0x18: {  	s0 =	sld [smem:$0x3F8C];
	_ =	swait.ge [sflag:s4], $0x0  }
0x19: {  	s7 =	sld [smem:$0x3F8D]  }
0x1a: {  	s8 =	sadd.s32 $0xFFFFE003, lr  }
0x1b: {  	s9 =	sadd.s32 $0xFFFFFEF7, lr;
	s5 =	simm.s32 $0xFFFFFFFF;
	p2 =	slt.u32 s8, $0xFFFFF086  }
0x1c: {  	p1 =	slt.u32 s9, $0xF7A;
	s5 =	simm.s32 @!p2 $0x0  }
0x1d: {  	s5 =	simm.s32 @p1 $0x1;
	p0 =	seq.s32 s7, s2  }
0x1e: {  	s7 =	smul.u32 @!p0 $0xF7A, s2;
	p2 =	seq.s32 @!p0 s5, $0x0  }
0x1f: {  	s9 =	smul.u32 $0xF7A, s1;
	s8 =	simm.s32 @!p0 $0x1BF5;
	p2 =	por !p2, p0  }
0x20: {  	[sflag:s8] =	ssyncset.s32 @!p0 $0xFFFFF086;
	s6 =	sadd.s32 @!p0 s3, s7;
	s7 =	simm.s32 @!p0 $0x108  }
0x21: {  	s3 =	sadd.s32 s3, s9;
	s6 =	sadd.s32 @!p0 $0x88, s6;
	s7 =	simm.s32 @p2 $0x1082  }
0x22: {  	[simem:s7], [sflag:s8] =	dma.local @!p0 [hbm:s6], $0xF7A  }
0x23: {  	s9 =	sor.u32 $0xD0000000, s2;
	s6 =	simm.s32 $0x108;
	_ =	swait.ge @!p0 [sflag:s8], $0x0  }
0x24: {  	s3 =	sadd.s32 $0x88, s3;
	s6 =	simm.s32 @!p1 $0x1082;
	[sflag:s4] =	ssyncset.s32 $0xFFFFF086  }
0x25: {  	[simem:s6], [sflag:s4] =	dma.local [hbm:s3], $0xF7A  }
0x26: {  	[smem:$0x3F8D] =	sst s1;
	(tag) =	ssettag s2;
	_ =	strace s9  }
0x27: {  	s1 =	sld [smem:$0x3F9D]  }
0x28: {  	s2 =	sld [smem:$0x3F9E]  }
0x29: {  	s4 =	sld [smem:$0x3FA0]  }
0x2a: {  	p0 =	seq.s32 s5, $0x0;
	s5 =	sld [smem:$0x3FA1]  }
0x2b: {  	s6 =	sld [smem:$0x3FA2]  }
0x2c: {  	s7 =	sld [smem:$0x3FA3]  }
0x2d: {  	s3 =	simm.s32 $0x108;
	s8 =	sld [smem:$0x3FA4]  }
0x2e: {  	s3 =	simm.s32 @!p0 $0x1082;
	s9 =	sld [smem:$0x3FA5]  }
0x2f: {  	lr =	sadd.s32 s0, s3;
	s0 =	sld [smem:$0x3F9C]  }
0x30: {  	s3 =	sld [smem:$0x3F9F]  }
0x31: {  	[smem:$0x3FA8] =	sst s10  }
0x32: {  	s10 =	sld [smem:$0x3FA6];
	_ =	sdelay $0x3  }
0x33: {  	p0 =	seq.s32 s10, $0x1;
	s10 =	sld [smem:$0x3FA8];
	_ =	sdelay $0x3  }
0x34: {  	[smem:$0x3FA8] =	sst s10  }
0x35: {  	s10 =	sld [smem:$0x3FA7];
	_ =	sdelay $0x3  }
0x36: {  	p1 =	seq.s32 s10, $0x1;
	s10 =	sld [smem:$0x3FA8];
	_ =	sdelay $0x3  }
0x37: {  	[smem:$0x3FA8] =	sst s10  }
0x38: {  	s10 =	sld [smem:$0x3FA9]  }
0x39: {  	_ = 	snop;
	(pc) =	sbr.ind lr, $3  }
0x3a: {  	_ = 	snop  }
0x3b: {  	_ = 	snop  }
0x3c: {  	p2 =	seq.s32 s10, $0x1;
	s10 =	sld [smem:$0x3FA8]  }
0x3d: {  	_ =	shalt  }
0x3e: {  	_ =	shalt  }
0x3f: {  	_ =	shalt  }
0x40: {  	_ =	shalt  }
0x41: {  	_ =	shalt  }
0x42: {  	_ =	shalt  }
0x43: {  	_ =	shalt  }
0x44: {  	_ =	shalt  }
0x45: {  	_ =	shalt  }
0x46: {  	_ =	shalt  }
0x47: {  	_ =	shalt  }
0x48: {  	_ =	shalt  }
0x49: {  	_ =	shalt  }
0x4a: {  	_ =	shalt  }
0x4b: {  	_ =	shalt  }
0x4c: {  	_ =	shalt  }
0x4d: {  	_ =	shalt  }
0x4e: {  	_ =	shalt  }
0x4f: {  	_ =	shalt  }
0x50: {  	_ =	shalt  }
0x51: {  	_ =	shalt  }
0x52: {  	_ =	shalt  }
0x53: {  	_ =	shalt  }
0x54: {  	_ =	shalt  }
0x55: {  	_ =	shalt  }
0x56: {  	_ =	shalt  }
0x57: {  	_ =	shalt  }
0x58: {  	_ =	shalt  }
0x59: {  	_ =	shalt  }
0x5a: {  	_ =	shalt  }
0x5b: {  	_ =	shalt  }
0x5c: {  	_ =	shalt  }
0x5d: {  	_ =	shalt  }
0x5e: {  	_ =	shalt  }
0x5f: {  	_ =	shalt  }
0x60: {  	_ =	shalt  }
0x61: {  	_ =	shalt  }
0x62: {  	_ =	shalt  }
0x63: {  	_ =	shalt  }
0x64: {  	_ =	shalt  }
0x65: {  	_ =	shalt  }
0x66: {  	_ =	shalt  }
0x67: {  	_ =	shalt  }
0x68: {  	_ =	shalt  }
0x69: {  	_ =	shalt  }
0x6a: {  	_ =	shalt  }
0x6b: {  	_ =	shalt  }
0x6c: {  	_ =	shalt  }
0x6d: {  	_ =	shalt  }
0x6e: {  	_ =	shalt  }
0x6f: {  	_ =	shalt  }
0x70: {  	_ =	shalt  }
0x71: {  	_ =	shalt  }
0x72: {  	_ =	shalt  }
0x73: {  	_ =	shalt  }
0x74: {  	_ =	shalt  }
0x75: {  	_ =	shalt  }
0x76: {  	_ =	shalt  }
0x77: {  	_ =	shalt  }
0x78: {  	_ =	shalt  }
0x79: {  	_ =	shalt  }
0x7a: {  	_ =	shalt  }
0x7b: {  	_ =	shalt  }
0x7c: {  	_ =	shalt  }
0x7d: {  	_ =	shalt  }
0x7e: {  	_ =	shalt  }
0x7f: {  	_ =	shalt  }
0x80: {  	_ =	shalt  }
0x81: {  	_ =	shalt  }
0x82: {  	_ =	shalt  }
0x83: {  	_ =	shalt  }
0x84: {  	_ =	shalt  }
0x85: {  	_ =	shalt  }
0x86: {  	_ =	shalt  }
0x87: {  	_ =	shalt  }
.Lfunc_end0:
.L_simem_size_0:
called_computation.1_lowered:
.L_overlay_start_0:
0x88: {  	s2 =	sld [smem:$0x3FD9]  }
0x89: {  	s3 =	sld [smem:$0x3FFE];
	_ =	sdelay $0x1  }
0x8a: {  	s1 =	srdreg.scid  }
0x8b: {  	s0 =	sand.u32 $0x1, s1  }
0x8c: {  	s17 =	sshll.u32 s0, $0xA;
	s2 =	sadd.s32 s3, s2  }
0x8d: {  	s2 =	sadd.s32 s2, s17  }
0x8e: {  	[smem:$0x3FB4] =	sst s2  }
0x8f: {  	_ = 	snop  }
0x90: {  	(tm) =	ssettm $0x1  }
0x91: {  	s18 =	sld [smem:$0x3FFB];
	_ =	sdelay $0x3  }
0x92: {  	_ =	strace s18  }
0x93: {  	s2 =	sld [smem:$0x3FFC];
	_ =	sdelay $0x3  }
0x94: {  	_ =	strace s2  }
0x95: {  	s2 =	sld [smem:$0x3FFD];
	_ =	sdelay $0x3  }
0x96: {  	_ =	strace s2  }
0x97: {  	_ =	strace $0x8FFFFFFF  }
0x98: {  	s19 =	sld [smem:$0x3FDB];
	_ =	sdelay $0x1  }
0x99: {  	s20 =	simm.s32 $_scs_section_size  }
0x9a: {  	s4 =	simm.s32 $_size__tile_overlayer_lowered;
	s5 =	simm.s32 $_tile_overlayer_lowered  }
0x9b: {  	s6 =	simm.s32 $0x1BFF;
	s21 =	sshll.u32 s5, $0x1;
	s3 =	sadd.s32 s20, s19  }
0x9c: {  	s22 =	simm.s32 $0x0;
	s4 =	sshll.u32 s4, $0x1;
	s5 =	sadd.s32 s21, s3  }
0x9d: {  	[timem:s22], [sflag:s6] =	dma.local [hbm:s5], s4  }
0x9e: {  	_ =	swait.ge [sflag:s6], s4  }
0x9f: {  	s4 =	ssub.s32 $0x0, s4;
	[sflag:s6] =	ssyncset.done $0x0  }
0xa0: {  	[sflag:s6] =	ssyncadd.s32 s4;
	_ =	sdelay $0x1  }
0xa1: {  	s23 =	simm.s32 $0x1B8B  }
0xa2: {  	_ =	swait.ge [sflag:s23], $0x1  }
0xa3: {  	[sflag:s23] =	ssyncset.done $0x0  }
0xa4: {  	[sflag:s23] =	ssyncadd.s32 $0xFFFFFFFF  }
0xa5: {  	s4 =	sld [smem:$0x0]  }
0xa6: {  	s5 =	sand.u32 $0xFFFFFFFE, s1  }
0xa7: {  	p0 =	sne.s32 s1, s5  }
0xa8: {  	s5 =	sshll.u32 @p0 s5, $0xE  }
0xa9: {  	s5 =	sadd.s32 @p0 $0x11B8D, s5;
	s6 =	sshll.u32 @p0 s4, $0x11  }
0xaa: {  	s5 =	sor.u32 @p0 s6, s5  }
0xab: {  	[sflag:s5] =	ssyncadd.remote.s32 @p0 $0x1;
	_ =	sdelay $0x1  }
0xac: {  	s5 =	simm.s32 @p0 $0x1B8D  }
0xad: {  	_ =	swait.eq @p0 [sflag:s5], $0x1  }
0xae: {  	[sflag:s5] =	ssyncadd.s32 @p0 $0xFFFFFFFF  }
0xaf: {  	s6 =	sshll.u32 @!p0 s1, $0xE  }
0xb0: {  	s6 =	sor.u32 @!p0 $0x4000, s6;
	s5 =	simm.s32 @!p0 $0x1B8D  }
0xb1: {  	s4 =	sshll.u32 @!p0 s4, $0x11;
	s6 =	sadd.s32 @!p0 $0x11B8D, s6;
	_ =	swait.eq @!p0 [sflag:s5], $0x1  }
0xb2: {  	s4 =	sor.u32 @!p0 s4, s6;
	[sflag:s5] =	ssyncadd.s32 @!p0 $0xFFFFFFFF  }
0xb3: {  	s25 =	simm.s32 $0x1B8E;
	s24 =	sld [smem:$0x3FFE];
	[sflag:s4] =	ssyncadd.remote.s32 @!p0 $0x1  }
0xb4: {  	s26 =	simm.s32 $execute0_lowered;
	[smem:$0x3FD2] =	sst s25  }
0xb5: {  	s5 =	sshll.u32 s26, $0x1;
	_ =	strace $0x8000004C;
	[dreg:$0x1] =	wrdreg $0xFFFFFFFF  }
0xb6: {  	s28 =	simm.s32 $_size_execute0_lowered;
	s3 =	sadd.s32 s3, s5;
	[dreg:$0x0] =	wrdreg $0x0  }
0xb7: {  	s5 =	sshll.u32 s28, $0x1;
	[dreg:$0x2] =	wrdreg s3  }
0xb8: {  	[dreg:$0x3] =	wrdreg s5  }
0xb9: {  	[dreg:$0x4] =	wrdreg $0xC0  }
0xba: {  	_ =	task [dreg:s22], $0x5FFFF  }
0xbb: {  	[dreg:$0x1] =	wrdreg $0xFFFFFFFF  }
0xbc: {  	[dreg:$0x0] =	wrdreg $0x60  }
0xbd: {  	[dreg:$0x2] =	wrdreg s24  }
0xbe: {  	[dreg:$0x3] =	wrdreg $0x9  }
0xbf: {  	_ =	task.clear_ibuf [dreg:s22], $0x4FFFF;
	_ =	strace $0x9000004C  }
0xc0: {  	s29 =	simm.s32 $0x9;
	_ =	strace $0x8000004E  }
0xc1: {  	_ =	swait.ge [sflag:s29], $0x1  }
0xc2: {  	[sflag:s29] =	ssyncadd.s32 $0xFFFFFFFF  }
0xc3: {  	_ =	strace $0x9000004E  }
0xc4: {  	_ =	sfence  }
0xc5: {  	s30 =	sld [smem:$0x0];
	_ =	sdelay $0x2  }
0xc6: {  	s31 =	sshll.u32 s1, $0xD;
	s1 =	sshrl.u32 s1, $0x2  }
0xc7: {  	s4 =	sand.u32 $0x4000, s31;
	s1 =	sadd.s32 s1, s30  }
0xc8: {  	s0 =	sor.u32 s4, s0;
	s1 =	sshll.u32 s1, $0x11  }
0xc9: {  	s0 =	sor.u32 s1, s0  }
0xca: {  	s0 =	sadd.s32 $0x8F2B, s0  }
0xcb: {  	[sflag:s0] =	ssyncadd.remote.s32 $0x1  }
0xcc: {  	_ =	sfence.sel $0xFFFF  }
0xcd: {  	[dreg:$0x0] =	wrdreg $0xFFFFFFFF;
	(pc) =	sbr.abs _section_cstart, $3  }
0xce: {  	[dreg:$0x1] =	wrdreg $0xFFFFFFFF  }
0xcf: {  	_ =	task.clear_ibuf [dreg:s22], $0x2FFFF;
	_ =	strace $0x9FFFFFFF  }
0xd0: {  	(tm) =	ssettm $0x7FFFFFFF  }
0xd1: {  	_ =	shalt  }
tec
execute0_lowered:
.L_overlay_start_1:
0x0: {  	(tag) =	ssettag $0x1  }
0x1: {  	s0 =	rddreg [dreg:$0x0];
	s2 =	simm.s32 $0x0  }
0x2: {  	s1 =	srdreg.scid;
	s3 =	stileid.u32;
	s18 =	simm.s32 $0x5  }
0x3: {  	s20 =	simm.s32 $0x50;
	s22 =	simm.s32 $0xF080;
	s23 =	simm.s32 $0xF180  }
0x4: {  	s28 =	simm.s32 $0xA000;
	s29 =	simm.s32 $0x2;
	s30 =	simm.s32 $0xC800  }
0x5: {  	[smem:$0x7FF] =	sst s2;
	s1 =	sand.u32 $0x1, s1;
	s5 =	sshll.u32 s3, $0x1  }
0x6: {  	s3 =	sadd.s32 $0x24000, s0;
	s4 =	sadd.s32 $0x4B200, s0;
	s6 =	sor.u32 s1, s5  }
0x7: {  	s7 =	sadd.s32 $0xEA00, s0;
	s1 =	ssub.s32 $0x2, s1;
	s6 =	smul.u32 $0x12C0, s6  }
0x8: {  	s8 =	sadd.s32 $0x2FC400, s0;
	_ =	strace $0x8000004D;
	s24 =	sshrl.u32 s1, $0x1  }
0x9: {  	s5 =	sadd.s32 $0x4C00, s0;
	s0 =	ssub.s32 s1, s24;
	s25 =	sshrl.u32 s6, $0x3  }
0xa: {  	s9 =	sadd.s32 $0x50, s6;
	s14 =	sadd.s32 $0xA0, s6;
	s0 =	smax.u32 s0, $0x1  }
.Ltmp0:
0xb: {  	s10 =	sadd.s32 s5, s25;
	[dreg:$0x6] =	wrdreg s0;
	(pc) =	sbr.rel .LBB2_1-.Ltmp0, $4  }
0xc: {  	s1 =	sadd.s32 s7, s25;
	s26 =	sshrl.u32 s9, $0x3;
	[dreg:$0x2] =	wrdreg s10  }
0xd: {  	s15 =	sadd.s32 $0xF0, s6;
	[dreg:$0x3] =	wrdreg s1;
	s31 =	sadd.s32 s5, s26  }
0xe: {  	s25 =	simm.s32 $0x7800;
	s1 =	sadd.s32 s7, s26;
	[dreg:$0x4] =	wrdreg s31  }
0xf: {  	s26 =	simm.s32 $0x1;
	s10 =	simm.s32 $0x0;
	[dreg:$0x5] =	wrdreg s1  }
.LBB2_8:
0x10: {  	s0 =	simm.s32 $0x3  }
0x11: {  	_ =	swait.ge [sflag:s0], $0x2800  }
0x12: {  	[sflag:s0] =	ssyncset.done $0x0  }
0x13: {  	s1 =	simm.s32 $0x4;
	[sflag:s0] =	ssyncadd.s32 $0xFFFFD800  }
0x14: {  	_ =	swait.ge [sflag:s1], $0x2800  }
0x15: {  	s10 =	rddreg [dreg:$0x7]  }
0x16: {  	s31 =	rddreg [dreg:$0x6];
	s10 =	sadd.s32 $0x1, s10  }
0x17: {  	p0 =	sne.s32 s10, s31  }
.Ltmp1:
0x18: {  	_ = 	snop;
	(pc) =	sbr.rel @!p0 .LBB2_9-.Ltmp1, $3  }
0x19: {  	_ =	sdelay $0x1  }
0x1a: {  	[sflag:s1] =	ssyncset.done $0x0  }
0x1b: {  	[sflag:s1] =	ssyncadd.s32 $0xFFFFD800  }
.LBB2_1:
0x1c: {  	[dreg:$0x7] =	wrdreg s10  }
0x1d: {  	s0 =	rddreg [dreg:$0x2];
	s1 =	simm.s32 $0xF000  }
0x1e: {  	[tilespmem:s1], [sflag:$0x5] =	stream.linear.gather [hbm4b:s0+s2], $0x50, $0x38;
	[tilespmem:$0xF200] =	vst v63  }
0x1f: {  	_ =	swait.ge [sflag:s18], $0x50  }
0x20: {  	[sflag:s18] =	ssyncset.done $0x0  }
0x21: {  	s17 =	simm.s32 $0xF100;
	s16 =	rddreg [dreg:$0x3];
	[sflag:s18] =	ssyncadd.s32 $0xFFFFFFB0  }
0x22: {  	[tilespmem:s17], [sflag:$0x5] =	stream.linear.gather [hbm4b:s16+s2], $0x50, $0x38;
	[tilespmem:$0xF200] =	vst v63  }
0x23: {  	_ =	swait.ge [sflag:s18], $0x50  }
0x24: {  	[sflag:s18] =	ssyncset.done $0x0  }
0x25: {  	[sflag:s18] =	ssyncadd.s32 $0xFFFFFFB0  }
0x26: {  	[tilespmem:s2], [sflag:$0x1] =	stream.indirect.gather [hbm4b:s3+s20], $0x80, s1, s20, $0xb8;
	[tilespmem:$0xF200] =	vst v63  }
0x27: {  	s19 =	simm.s32 $0x5000  }
0x28: {  	[tilespmem:s19], [sflag:$0x1] =	stream.indirect.gather [hbm4b:s4+s20], $0x80, s17, s20, $0xb8;
	[tilespmem:$0xF200] =	vst v63  }
0x29: {  	s21 =	rddreg [dreg:$0x4]  }
0x2a: {  	[tilespmem:s22], [sflag:$0x5] =	stream.linear.gather [hbm4b:s21+s2], $0x50, $0x38;
	[tilespmem:$0xF200] =	vst v63  }
0x2b: {  	_ =	swait.ge [sflag:s18], $0x50  }
0x2c: {  	[sflag:s18] =	ssyncset.done $0x0  }
0x2d: {  	s24 =	rddreg [dreg:$0x5];
	[sflag:s18] =	ssyncadd.s32 $0xFFFFFFB0  }
0x2e: {  	[tilespmem:s23], [sflag:$0x5] =	stream.linear.gather [hbm4b:s24+s2], $0x50, $0x38;
	[tilespmem:$0xF200] =	vst v63  }
0x2f: {  	_ =	swait.ge [sflag:s18], $0x50  }
0x30: {  	[sflag:s18] =	ssyncset.done $0x0  }
0x31: {  	s31 =	simm.s32 $0x2800;
	[sflag:s18] =	ssyncadd.s32 $0xFFFFFFB0  }
0x32: {  	[tilespmem:s31], [sflag:$0x2] =	stream.indirect.gather [hbm4b:s3+s20], $0x80, s22, s20, $0xb8;
	[tilespmem:$0xF200] =	vst v63  }
0x33: {  	s21 =	simm.s32 $0x0  }
0x34: {  	[tilespmem:s25], [sflag:$0x2] =	stream.indirect.gather [hbm4b:s4+s20], $0x80, s23, s20, $0xb8;
	[tilespmem:$0xF200] =	vst v63  }
.LBB2_2:
0x35: {  	_ =	swait.ge [sflag:s26], $0x2800  }
0x36: {  	[sflag:s26] =	ssyncset.done $0x0  }
0x37: {  	[sflag:s26] =	ssyncadd.s32 $0xFFFFD800  }
0x38: {  	_ =	swait.ge [sflag:s26], $0x2800  }
0x39: {  	p0 =	seq.s32 s21, $0x0;
	[sflag:s26] =	ssyncset.done $0x0  }
0x3a: {  	s0 =	simm.s32 @!p0 $0x3;
	[sflag:s26] =	ssyncadd.s32 $0xFFFFD800  }
0x3b: {  	_ =	swait.ge @!p0 [sflag:s0], $0x2800  }
0x3c: {  	[sflag:s0] =	ssyncset.done @!p0 $0x0  }
0x3d: {  	s31 =	simm.s32 $0x80;
	[sflag:s0] =	ssyncadd.s32 @!p0 $0xFFFFD800  }
0x3e: {  	s24 =	simm.s32 $0x5080;
	v0 =	vld [tilespmem:s31+$0x0]  }
0x3f: {  	v1 =	vld [tilespmem:s24+$0x0];
	_ =	sdelay $0x4  }
0x40: {  	v0 =	vadd.bf16 v1, v0  }
0x41: {  	s17 =	simm.s32 $0xA080  }
0x42: {  	[tilespmem:s17+$0x0] =	vst v0  }
0x43: {  	v0 =	vld [tilespmem:s31+$0x10]  }
0x44: {  	v1 =	vld [tilespmem:s24+$0x10]  }
0x45: {  	v2 =	vld [tilespmem:s24+$0xFFFFFF80]  }
0x46: {  	v3 =	vld [tilespmem:s31+$0xFFFFFF80];
	_ =	sdelay $0x2  }
0x47: {  	v0 =	vadd.bf16 v1, v0;
	_ =	sdelay $0x1  }
0x48: {  	[tilespmem:s17+$0x10] =	vst v0;
	v0 =	vadd.bf16 v2, v3  }
0x49: {  	v1 =	vld [tilespmem:s31+$0x20]  }
0x4a: {  	v2 =	vld [tilespmem:s24+$0x20];
	[tilespmem:s17+$0xFFFFFF80] =	vst v0  }
0x4b: {  	v0 =	vld [tilespmem:s31+$0xFFFFFF90]  }
0x4c: {  	v3 =	vld [tilespmem:s24+$0xFFFFFF90];
	_ =	sdelay $0x2  }
0x4d: {  	v1 =	vadd.bf16 v2, v1;
	_ =	sdelay $0x1  }
0x4e: {  	[tilespmem:s17+$0x20] =	vst v1;
	v0 =	vadd.bf16 v3, v0  }
0x4f: {  	v1 =	vld [tilespmem:s31+$0x30]  }
0x50: {  	v2 =	vld [tilespmem:s24+$0x30];
	[tilespmem:s17+$0xFFFFFF90] =	vst v0  }
0x51: {  	v0 =	vld [tilespmem:s31+$0xFFFFFFA0]  }
0x52: {  	s10 =	simm.s32 $0x180;
	v3 =	vld [tilespmem:s24+$0xFFFFFFA0]  }
0x53: {  	s11 =	simm.s32 $0x5180;
	v4 =	vld [tilespmem:s10+$0x0]  }
0x54: {  	v5 =	vld [tilespmem:s11+$0x0]  }
0x55: {  	v6 =	vld [tilespmem:s10+$0xFFFFFF80];
	v1 =	vadd.bf16 v2, v1  }
0x56: {  	v2 =	vld [tilespmem:s11+$0xFFFFFF80]  }
0x57: {  	[tilespmem:s17+$0x30] =	vst v1;
	v0 =	vadd.bf16 v3, v0  }
0x58: {  	v1 =	vld [tilespmem:s31+$0x40]  }
0x59: {  	v3 =	vld [tilespmem:s24+$0x40];
	[tilespmem:s17+$0xFFFFFFA0] =	vst v0;
	v0 =	vadd.bf16 v5, v4  }
0x5a: {  	s19 =	simm.s32 $0xA180;
	v4 =	vld [tilespmem:s31+$0xFFFFFFB0]  }
0x5b: {  	v5 =	vld [tilespmem:s24+$0xFFFFFFB0];
	v2 =	vadd.bf16 v2, v6;
	[tilespmem:s19+$0x0] =	vst v0  }
0x5c: {  	v0 =	vld [tilespmem:s10+$0x10]  }
0x5d: {  	[tilespmem:s19+$0xFFFFFF80] =	vst v2;
	v2 =	vld [tilespmem:s11+$0x10]  }
0x5e: {  	v1 =	vadd.bf16 v3, v1;
	v3 =	vld [tilespmem:s10+$0xFFFFFF90]  }
0x5f: {  	v6 =	vld [tilespmem:s11+$0xFFFFFF90]  }
0x60: {  	[tilespmem:s17+$0x40] =	vst v1;
	v1 =	vadd.bf16 v5, v4  }
0x61: {  	v4 =	vld [tilespmem:s31+$0x50]  }
0x62: {  	v5 =	vld [tilespmem:s24+$0x50];
	[tilespmem:s17+$0xFFFFFFB0] =	vst v1;
	v0 =	vadd.bf16 v2, v0  }
0x63: {  	v1 =	vld [tilespmem:s31+$0xFFFFFFC0]  }
0x64: {  	v2 =	vld [tilespmem:s24+$0xFFFFFFC0];
	v3 =	vadd.bf16 v6, v3;
	[tilespmem:s19+$0x10] =	vst v0  }
0x65: {  	v0 =	vld [tilespmem:s10+$0x20]  }
0x66: {  	[tilespmem:s19+$0xFFFFFF90] =	vst v3;
	v3 =	vld [tilespmem:s11+$0x20]  }
0x67: {  	v4 =	vadd.bf16 v5, v4;
	v5 =	vld [tilespmem:s10+$0xFFFFFFA0]  }
0x68: {  	v6 =	vld [tilespmem:s11+$0xFFFFFFA0]  }
0x69: {  	s16 =	simm.s32 $0x5280  }
0x6a: {  	v8 =	vld [tilespmem:s16+$0x0];
	[tilespmem:s17+$0x50] =	vst v4  }
0x6b: {  	v1 =	vadd.bf16 v2, v1;
	v2 =	vld [tilespmem:s31+$0x60];
	v0 =	vadd.bf16 v3, v0  }
0x6c: {  	s12 =	simm.s32 $0x280;
	v4 =	vld [tilespmem:s24+$0x60]  }
0x6d: {  	v9 =	vld [tilespmem:s12+$0xFFFFFF80];
	v5 =	vadd.bf16 v6, v5;
	[tilespmem:s19+$0x20] =	vst v0  }
0x6e: {  	[tilespmem:s17+$0xFFFFFFC0] =	vst v1;
	v0 =	vld [tilespmem:s10+$0x30]  }
0x6f: {  	[tilespmem:s19+$0xFFFFFFA0] =	vst v5;
	v5 =	vld [tilespmem:s11+$0x30]  }
0x70: {  	v1 =	vld [tilespmem:s31+$0xFFFFFFD0]  }
0x71: {  	v3 =	vld [tilespmem:s24+$0xFFFFFFD0];
	v2 =	vadd.bf16 v4, v2  }
0x72: {  	v6 =	vld [tilespmem:s12+$0x0]  }
0x73: {  	v4 =	vld [tilespmem:s10+$0xFFFFFFB0];
	[tilespmem:s17+$0x60] =	vst v2  }
0x74: {  	v2 =	vld [tilespmem:s31+$0x70];
	v0 =	vadd.bf16 v5, v0  }
0x75: {  	v7 =	vld [tilespmem:s24+$0x70]  }
0x76: {  	v5 =	vld [tilespmem:s16+$0xFFFFFF80];
	[tilespmem:s19+$0x30] =	vst v0  }
0x77: {  	v0 =	vadd.bf16 v3, v1;
	v1 =	vld [tilespmem:s10+$0x40]  }
0x78: {  	v3 =	vld [tilespmem:s11+$0x40]  }
0x79: {  	[tilespmem:s17+$0xFFFFFFD0] =	vst v0;
	v0 =	vadd.bf16 v8, v6;
	v6 =	vld [tilespmem:s11+$0xFFFFFFB0]  }
0x7a: {  	s13 =	simm.s32 $0xA280;
	v8 =	vld [tilespmem:s31+$0xFFFFFFE0]  }
0x7b: {  	v5 =	vadd.bf16 v5, v9;
	[tilespmem:s13+$0x0] =	vst v0;
	v0 =	vld [tilespmem:s24+$0xFFFFFFE0]  }
0x7c: {  	v61 =	vld [tilespmem:s12+$0x10]  }
0x7d: {  	[tilespmem:s13+$0xFFFFFF80] =	vst v5;
	v5 =	vld [tilespmem:s16+$0x10];
	v1 =	vadd.bf16 v3, v1  }
0x7e: {  	v3 =	vld [tilespmem:s12+$0xFFFFFF90]  }
0x7f: {  	v4 =	vadd.bf16 v6, v4;
	v6 =	vld [tilespmem:s16+$0xFFFFFF90];
	[tilespmem:s19+$0x40] =	vst v1  }
0x80: {  	v1 =	vld [tilespmem:s10+$0x50]  }
0x81: {  	[tilespmem:s19+$0xFFFFFFB0] =	vst v4;
	v0 =	vadd.bf16 v0, v8;
	v4 =	vld [tilespmem:s11+$0x50]  }
0x82: {  	v5 =	vadd.bf16 v5, v61;
	v8 =	vld [tilespmem:s10+$0xFFFFFFC0]  }
0x83: {  	v62 =	vld [tilespmem:s11+$0xFFFFFFC0];
	[tilespmem:s17+$0xFFFFFFE0] =	vst v0  }
0x84: {  	v3 =	vadd.bf16 v6, v3;
	[tilespmem:s13+$0x10] =	vst v5;
	v0 =	vld [tilespmem:s31+$0xFFFFFFF0]  }
0x85: {  	v5 =	vld [tilespmem:s12+$0x20]  }
0x86: {  	[tilespmem:s13+$0xFFFFFF90] =	vst v3;
	v3 =	vld [tilespmem:s16+$0x20];
	v1 =	vadd.bf16 v4, v1  }
0x87: {  	v6 =	vld [tilespmem:s12+$0xFFFFFFA0]  }
0x88: {  	v10 =	vld [tilespmem:s16+$0xFFFFFFA0];
	v4 =	vadd.bf16 v62, v8;
	[tilespmem:s19+$0x50] =	vst v1  }
0x89: {  	v8 =	vld [tilespmem:s10+$0x60]  }
0x8a: {  	[tilespmem:s19+$0xFFFFFFC0] =	vst v4;
	v63 =	vld [tilespmem:s11+$0x60]  }
0x8b: {  	v4 =	vld [tilespmem:s11+$0xFFFFFFD0];
	v1 =	vadd.bf16 v3, v5  }
0x8c: {  	v3 =	vld [tilespmem:s10+$0xFFFFFFD0]  }
0x8d: {  	v5 =	vadd.bf16 v10, v6;
	[tilespmem:s13+$0x20] =	vst v1;
	v1 =	vld [tilespmem:s24+$0xFFFFFFF0]  }
0x8e: {  	v2 =	vadd.bf16 v7, v2;
	v6 =	vld [tilespmem:s12+$0x30]  }
0x8f: {  	[tilespmem:s13+$0xFFFFFFA0] =	vst v5;
	v7 =	vld [tilespmem:s16+$0x30];
	v5 =	vadd.bf16 v63, v8  }
0x90: {  	s1 =	simm.s32 $0x380;
	s0 =	simm.s32 $0x4;
	[tilespmem:s17+$0x70] =	vst v2;
	s31 =	simm.s32 $0x5280;
	v2 =	vld [tilespmem:s12+$0xFFFFFFB0]  }
.LBB2_3:
0x91: {  	v8 =	vld [tilespmem:s1+$0x0];
	v3 =	vadd.bf16 v4, v3;
	[tilespmem:s19+$0x60] =	vst v5  }
0x92: {  	v4 =	vld [tilespmem:s10+$0x70];
	v0 =	vadd.bf16 v1, v0  }
0x93: {  	s16 =	sadd.s32 $0x100, s16;
	[tilespmem:s19+$0xFFFFFFD0] =	vst v3;
	v1 =	vld [tilespmem:s11+$0x70]  }
0x94: {  	v3 =	vld [tilespmem:s16+$0x0];
	v5 =	vadd.bf16 v7, v6;
	[tilespmem:s17+$0xFFFFFFF0] =	vst v0;
	s17 =	smov.u32 s19;
	s19 =	smov.u32 s13  }
0x95: {  	v0 =	vld [tilespmem:s16+$0xFFFFFF80]  }
0x96: {  	v6 =	vld [tilespmem:s1+$0xFFFFFF80];
	[tilespmem:s13+$0x30] =	vst v5  }
0x97: {  	v5 =	vld [tilespmem:s12+$0x40]  }
0x98: {  	v7 =	vld [tilespmem:s31+$0x40];
	v1 =	vadd.bf16 v1, v4  }
0x99: {  	v3 =	vadd.bf16 v3, v8;
	v4 =	vld [tilespmem:s31+$0xFFFFFFB0]  }
0x9a: {  	s13 =	sadd.s32 $0x100, s13;
	v8 =	vld [tilespmem:s10+$0xFFFFFFE0];
	[tilespmem:s17+$0x70] =	vst v1  }
0x9b: {  	s0 =	sadd.s32 $0x2, s0;
	v0 =	vadd.bf16 v0, v6;
	[tilespmem:s13+$0x0] =	vst v3;
	v1 =	vld [tilespmem:s11+$0xFFFFFFE0]  }
0x9c: {  	p1 =	slt.u32 s0, $0x4E;
	v3 =	vld [tilespmem:s1+$0x10]  }
0x9d: {  	[tilespmem:s13+$0xFFFFFF80] =	vst v0;
	v0 =	vld [tilespmem:s16+$0x10];
	v5 =	vadd.bf16 v7, v5  }
0x9e: {  	v6 =	vld [tilespmem:s1+$0xFFFFFF90];
	v2 =	vadd.bf16 v4, v2  }
0x9f: {  	v4 =	vld [tilespmem:s16+$0xFFFFFF90];
	[tilespmem:s19+$0x40] =	vst v5  }
0xa0: {  	[tilespmem:s19+$0xFFFFFFB0] =	vst v2;
	v2 =	vld [tilespmem:s12+$0x50];
	v1 =	vadd.bf16 v1, v8  }
0xa1: {  	v5 =	vld [tilespmem:s31+$0x50]  }
0xa2: {  	v0 =	vadd.bf16 v0, v3;
	v3 =	vld [tilespmem:s12+$0xFFFFFFC0];
	[tilespmem:s17+$0xFFFFFFE0] =	vst v1  }
0xa3: {  	v1 =	vld [tilespmem:s31+$0xFFFFFFC0]  }
0xa4: {  	v4 =	vadd.bf16 v4, v6;
	[tilespmem:s13+$0x10] =	vst v0;
	v0 =	vld [tilespmem:s10+$0xFFFFFFF0];
	s10 =	smov.u32 s12;
	s12 =	smov.u32 s1  }
0xa5: {  	v6 =	vld [tilespmem:s1+$0x20]  }
0xa6: {  	[tilespmem:s13+$0xFFFFFF90] =	vst v4;
	v4 =	vld [tilespmem:s16+$0x20];
	v2 =	vadd.bf16 v5, v2  }
0xa7: {  	v5 =	vld [tilespmem:s1+$0xFFFFFFA0]  }
0xa8: {  	v7 =	vld [tilespmem:s16+$0xFFFFFFA0];
	v1 =	vadd.bf16 v1, v3;
	[tilespmem:s19+$0x50] =	vst v2  }
0xa9: {  	v2 =	vld [tilespmem:s10+$0x60]  }
0xaa: {  	[tilespmem:s19+$0xFFFFFFC0] =	vst v1;
	v8 =	vld [tilespmem:s31+$0x60]  }
0xab: {  	v1 =	vadd.bf16 v4, v6;
	v3 =	vld [tilespmem:s10+$0xFFFFFFD0]  }
.Ltmp2:
0xac: {  	v4 =	vld [tilespmem:s31+$0xFFFFFFD0];
	(pc) =	sbr.rel @p1 .LBB2_3-.Ltmp2, $4  }
0xad: {  	v5 =	vadd.bf16 v7, v5;
	[tilespmem:s13+$0x20] =	vst v1;
	v1 =	vld [tilespmem:s11+$0xFFFFFFF0];
	s11 =	smov.u32 s31;
	s31 =	smov.u32 s16  }
0xae: {  	v6 =	vld [tilespmem:s1+$0x30]  }
0xaf: {  	[tilespmem:s13+$0xFFFFFFA0] =	vst v5;
	v7 =	vld [tilespmem:s16+$0x30];
	v5 =	vadd.bf16 v8, v2  }
0xb0: {  	s1 =	sadd.s32 $0x100, s1;
	v2 =	vld [tilespmem:s12+$0xFFFFFFB0]  }
0xb1: {  	v8 =	vld [tilespmem:s31+$0xFFFFFFB0];
	_ =	sdelay $0x2  }
0xb2: {  	v6 =	vadd.bf16 v7, v6;
	_ =	sdelay $0x1  }
0xb3: {  	[tilespmem:s13+$0x30] =	vst v6;
	v2 =	vadd.bf16 v8, v2  }
0xb4: {  	v6 =	vld [tilespmem:s12+$0x40]  }
0xb5: {  	v7 =	vld [tilespmem:s31+$0x40];
	[tilespmem:s13+$0xFFFFFFB0] =	vst v2  }
0xb6: {  	v2 =	vld [tilespmem:s12+$0xFFFFFFC0]  }
0xb7: {  	v8 =	vld [tilespmem:s31+$0xFFFFFFC0];
	_ =	sdelay $0x2  }
0xb8: {  	v6 =	vadd.bf16 v7, v6;
	_ =	sdelay $0x1  }
0xb9: {  	[tilespmem:s13+$0x40] =	vst v6;
	v2 =	vadd.bf16 v8, v2  }
0xba: {  	v6 =	vld [tilespmem:s12+$0x50]  }
0xbb: {  	v7 =	vld [tilespmem:s31+$0x50];
	[tilespmem:s13+$0xFFFFFFC0] =	vst v2  }
0xbc: {  	v2 =	vld [tilespmem:s12+$0xFFFFFFD0]  }
0xbd: {  	v8 =	vld [tilespmem:s31+$0xFFFFFFD0]  }
0xbe: {  	v3 =	vadd.bf16 v4, v3;
	_ =	sdelay $0x1  }
0xbf: {  	[tilespmem:s19+$0xFFFFFFD0] =	vst v3;
	v3 =	vadd.bf16 v7, v6  }
0xc0: {  	v4 =	vld [tilespmem:s10+$0xFFFFFFE0]  }
0xc1: {  	v6 =	vld [tilespmem:s11+$0xFFFFFFE0];
	[tilespmem:s13+$0x50] =	vst v3;
	v2 =	vadd.bf16 v8, v2  }
0xc2: {  	v3 =	vld [tilespmem:s12+$0x60]  }
0xc3: {  	v7 =	vld [tilespmem:s31+$0x60];
	[tilespmem:s13+$0xFFFFFFD0] =	vst v2  }
0xc4: {  	v2 =	vld [tilespmem:s12+$0xFFFFFFE0]  }
0xc5: {  	v8 =	vld [tilespmem:s31+$0xFFFFFFE0]  }
0xc6: {  	[tilespmem:s19+$0x60] =	vst v5;
	v4 =	vadd.bf16 v6, v4  }
0xc7: {  	v5 =	vld [tilespmem:s10+$0x70]  }
0xc8: {  	v6 =	vld [tilespmem:s11+$0x70];
	[tilespmem:s19+$0xFFFFFFE0] =	vst v4;
	v3 =	vadd.bf16 v7, v3  }
0xc9: {  	v4 =	vld [tilespmem:s10+$0xFFFFFFF0]  }
0xca: {  	v7 =	vld [tilespmem:s11+$0xFFFFFFF0];
	[tilespmem:s13+$0x60] =	vst v3;
	v2 =	vadd.bf16 v8, v2  }
0xcb: {  	v3 =	vld [tilespmem:s12+$0x70]  }
0xcc: {  	v8 =	vld [tilespmem:s31+$0x70];
	[tilespmem:s13+$0xFFFFFFE0] =	vst v2  }
0xcd: {  	v2 =	vld [tilespmem:s12+$0xFFFFFFF0]  }
0xce: {  	v9 =	vld [tilespmem:s31+$0xFFFFFFF0]  }
0xcf: {  	v0 =	vadd.bf16 v1, v0  }
0xd0: {  	v1 =	vadd.bf16 v6, v5  }
0xd1: {  	[tilespmem:s17+$0xFFFFFFF0] =	vst v0;
	s17 =	smul.u32 $0xA0, s21;
	v0 =	vadd.bf16 v7, v4  }
0xd2: {  	[tilespmem:s19+$0x70] =	vst v1;
	v1 =	vadd.bf16 v8, v3  }
0xd3: {  	s0 =	sadd.s32 s6, s17;
	[tilespmem:s19+$0xFFFFFFF0] =	vst v0;
	v0 =	vadd.bf16 v9, v2  }
0xd4: {  	s0 =	sshll.u32 s0, $0x4;
	[tilespmem:s13+$0x70] =	vst v1  }
0xd5: {  	p1 =	seq.s32 s21, $0x1D;
	s0 =	sadd.s32 s8, s0;
	[tilespmem:s13+$0xFFFFFFF0] =	vst v0  }
0xd6: {  	[hbm4b:s0+s2] =	stream.linear.scatter [tilespmem:s28], [sflag:$0x3], $0x2800, $0x38;
	[tilespmem:$0xF200] =	vst v63  }
0xd7: {  	s0 =	sadd.s32 @!p1 s17, s14  }
0xd8: {  	s0 =	sshrl.u32 @!p1 s0, $0x3  }
0xd9: {  	s10 =	simm.s32 @!p1 $0x0;
	s11 =	simm.s32 @!p1 $0xF000;
	s1 =	sadd.s32 @!p1 s5, s0  }
0xda: {  	[tilespmem:s11], [sflag:$0x5] =	stream.linear.gather @!p1 [hbm4b:s1+s10], $0x50, $0x38;
	[tilespmem:$0xF200] =	vst v63  }
0xdb: {  	s1 =	simm.s32 @!p1 $0x5  }
0xdc: {  	_ =	swait.ge @!p1 [sflag:s1], $0x50  }
0xdd: {  	[sflag:s1] =	ssyncset.done @!p1 $0x0  }
0xde: {  	s12 =	simm.s32 @!p1 $0xF100;
	s0 =	sadd.s32 @!p1 s7, s0;
	[sflag:s1] =	ssyncadd.s32 @!p1 $0xFFFFFFB0  }
0xdf: {  	[tilespmem:s12], [sflag:$0x5] =	stream.linear.gather @!p1 [hbm4b:s0+s10], $0x50, $0x38;
	[tilespmem:$0xF200] =	vst v63  }
0xe0: {  	_ =	swait.ge @!p1 [sflag:s1], $0x50  }
0xe1: {  	[sflag:s1] =	ssyncset.done @!p1 $0x0  }
0xe2: {  	s0 =	simm.s32 @!p1 $0x50;
	[sflag:s1] =	ssyncadd.s32 @!p1 $0xFFFFFFB0  }
0xe3: {  	[tilespmem:s10], [sflag:$0x1] =	stream.indirect.gather @!p1 [hbm4b:s3+s0], $0x80, s11, s0, $0xb8;
	[tilespmem:$0xF200] =	vst v63  }
0xe4: {  	s1 =	simm.s32 @!p1 $0x5000  }
0xe5: {  	[tilespmem:s1], [sflag:$0x1] =	stream.indirect.gather @!p1 [hbm4b:s4+s0], $0x80, s12, s0, $0xb8;
	[tilespmem:$0xF200] =	vst v63  }
0xe6: {  	_ =	swait.ge [sflag:s29], $0x2800  }
0xe7: {  	[sflag:s29] =	ssyncset.done $0x0  }
0xe8: {  	[sflag:s29] =	ssyncadd.s32 $0xFFFFD800  }
0xe9: {  	_ =	swait.ge [sflag:s29], $0x2800  }
0xea: {  	[sflag:s29] =	ssyncset.done $0x0  }
0xeb: {  	s0 =	simm.s32 @!p0 $0x4;
	[sflag:s29] =	ssyncadd.s32 $0xFFFFD800  }
0xec: {  	_ =	swait.ge @!p0 [sflag:s0], $0x2800  }
0xed: {  	[sflag:s0] =	ssyncset.done @!p0 $0x0  }
0xee: {  	[sflag:s0] =	ssyncadd.s32 @!p0 $0xFFFFD800;
	s0 =	simm.s32 $0x2880  }
0xef: {  	s24 =	simm.s32 $0x7880;
	v0 =	vld [tilespmem:s0+$0x0]  }
0xf0: {  	v1 =	vld [tilespmem:s24+$0x0];
	_ =	sdelay $0x4  }
0xf1: {  	v0 =	vadd.bf16 v1, v0  }
0xf2: {  	s19 =	simm.s32 $0xC880  }
0xf3: {  	[tilespmem:s19+$0x0] =	vst v0  }
0xf4: {  	v0 =	vld [tilespmem:s0+$0x10]  }
0xf5: {  	v1 =	vld [tilespmem:s24+$0x10]  }
0xf6: {  	v2 =	vld [tilespmem:s24+$0xFFFFFF80]  }
0xf7: {  	v3 =	vld [tilespmem:s0+$0xFFFFFF80];
	_ =	sdelay $0x2  }
0xf8: {  	v0 =	vadd.bf16 v1, v0;
	_ =	sdelay $0x1  }
0xf9: {  	[tilespmem:s19+$0x10] =	vst v0;
	v0 =	vadd.bf16 v2, v3  }
0xfa: {  	v1 =	vld [tilespmem:s0+$0x20]  }
0xfb: {  	v2 =	vld [tilespmem:s24+$0x20];
	[tilespmem:s19+$0xFFFFFF80] =	vst v0  }
0xfc: {  	v0 =	vld [tilespmem:s0+$0xFFFFFF90]  }
0xfd: {  	v3 =	vld [tilespmem:s24+$0xFFFFFF90];
	_ =	sdelay $0x2  }
0xfe: {  	v1 =	vadd.bf16 v2, v1;
	_ =	sdelay $0x1  }
0xff: {  	[tilespmem:s19+$0x20] =	vst v1;
	v0 =	vadd.bf16 v3, v0  }
0x100: {  	v1 =	vld [tilespmem:s0+$0x30]  }
0x101: {  	v2 =	vld [tilespmem:s24+$0x30];
	[tilespmem:s19+$0xFFFFFF90] =	vst v0  }
0x102: {  	v0 =	vld [tilespmem:s0+$0xFFFFFFA0]  }
0x103: {  	s11 =	simm.s32 $0x2980;
	v3 =	vld [tilespmem:s24+$0xFFFFFFA0]  }
0x104: {  	s12 =	simm.s32 $0x7980;
	v4 =	vld [tilespmem:s11+$0x0]  }
0x105: {  	v5 =	vld [tilespmem:s12+$0x0]  }
0x106: {  	v6 =	vld [tilespmem:s11+$0xFFFFFF80];
	v1 =	vadd.bf16 v2, v1  }
0x107: {  	v2 =	vld [tilespmem:s12+$0xFFFFFF80]  }
0x108: {  	[tilespmem:s19+$0x30] =	vst v1;
	v0 =	vadd.bf16 v3, v0  }
0x109: {  	v1 =	vld [tilespmem:s0+$0x40]  }
0x10a: {  	v3 =	vld [tilespmem:s24+$0x40];
	[tilespmem:s19+$0xFFFFFFA0] =	vst v0;
	v0 =	vadd.bf16 v5, v4  }
0x10b: {  	s10 =	simm.s32 $0xC980;
	v4 =	vld [tilespmem:s0+$0xFFFFFFB0]  }
0x10c: {  	v5 =	vld [tilespmem:s24+$0xFFFFFFB0];
	v2 =	vadd.bf16 v2, v6;
	[tilespmem:s10+$0x0] =	vst v0  }
0x10d: {  	v0 =	vld [tilespmem:s11+$0x10]  }
0x10e: {  	[tilespmem:s10+$0xFFFFFF80] =	vst v2;
	v2 =	vld [tilespmem:s12+$0x10]  }
0x10f: {  	v1 =	vadd.bf16 v3, v1;
	v3 =	vld [tilespmem:s11+$0xFFFFFF90]  }
0x110: {  	v6 =	vld [tilespmem:s12+$0xFFFFFF90]  }
0x111: {  	[tilespmem:s19+$0x40] =	vst v1;
	v1 =	vadd.bf16 v5, v4  }
0x112: {  	v4 =	vld [tilespmem:s0+$0x50]  }
0x113: {  	v5 =	vld [tilespmem:s24+$0x50];
	[tilespmem:s19+$0xFFFFFFB0] =	vst v1;
	v0 =	vadd.bf16 v2, v0  }
0x114: {  	v1 =	vld [tilespmem:s0+$0xFFFFFFC0]  }
0x115: {  	v2 =	vld [tilespmem:s24+$0xFFFFFFC0];
	v3 =	vadd.bf16 v6, v3;
	[tilespmem:s10+$0x10] =	vst v0  }
0x116: {  	v0 =	vld [tilespmem:s11+$0x20]  }
0x117: {  	[tilespmem:s10+$0xFFFFFF90] =	vst v3;
	v3 =	vld [tilespmem:s12+$0x20]  }
0x118: {  	v4 =	vadd.bf16 v5, v4;
	v5 =	vld [tilespmem:s11+$0xFFFFFFA0]  }
0x119: {  	v6 =	vld [tilespmem:s12+$0xFFFFFFA0]  }
0x11a: {  	s31 =	simm.s32 $0x7A80  }
0x11b: {  	v8 =	vld [tilespmem:s31+$0x0];
	[tilespmem:s19+$0x50] =	vst v4  }
0x11c: {  	v1 =	vadd.bf16 v2, v1;
	v2 =	vld [tilespmem:s0+$0x60];
	v0 =	vadd.bf16 v3, v0  }
0x11d: {  	s13 =	simm.s32 $0x2A80;
	v4 =	vld [tilespmem:s24+$0x60]  }
0x11e: {  	v60 =	vld [tilespmem:s13+$0xFFFFFF80];
	v5 =	vadd.bf16 v6, v5;
	[tilespmem:s10+$0x20] =	vst v0  }
0x11f: {  	[tilespmem:s19+$0xFFFFFFC0] =	vst v1;
	v0 =	vld [tilespmem:s11+$0x30]  }
0x120: {  	[tilespmem:s10+$0xFFFFFFA0] =	vst v5;
	v5 =	vld [tilespmem:s12+$0x30]  }
0x121: {  	v1 =	vld [tilespmem:s0+$0xFFFFFFD0]  }
0x122: {  	v3 =	vld [tilespmem:s24+$0xFFFFFFD0];
	v2 =	vadd.bf16 v4, v2  }
0x123: {  	v6 =	vld [tilespmem:s13+$0x0]  }
0x124: {  	v4 =	vld [tilespmem:s11+$0xFFFFFFB0];
	[tilespmem:s19+$0x60] =	vst v2  }
0x125: {  	v2 =	vld [tilespmem:s0+$0x70];
	v0 =	vadd.bf16 v5, v0  }
0x126: {  	v7 =	vld [tilespmem:s24+$0x70]  }
0x127: {  	v5 =	vld [tilespmem:s31+$0xFFFFFF80];
	[tilespmem:s10+$0x30] =	vst v0  }
0x128: {  	v0 =	vadd.bf16 v3, v1;
	v1 =	vld [tilespmem:s11+$0x40]  }
0x129: {  	v3 =	vld [tilespmem:s12+$0x40]  }
0x12a: {  	[tilespmem:s19+$0xFFFFFFD0] =	vst v0;
	v0 =	vadd.bf16 v8, v6;
	v6 =	vld [tilespmem:s12+$0xFFFFFFB0]  }
0x12b: {  	s16 =	simm.s32 $0xCA80;
	v8 =	vld [tilespmem:s0+$0xFFFFFFE0]  }
0x12c: {  	v5 =	vadd.bf16 v5, v60;
	[tilespmem:s16+$0x0] =	vst v0;
	v0 =	vld [tilespmem:s24+$0xFFFFFFE0]  }
0x12d: {  	v61 =	vld [tilespmem:s13+$0x10]  }
0x12e: {  	[tilespmem:s16+$0xFFFFFF80] =	vst v5;
	v5 =	vld [tilespmem:s31+$0x10];
	v1 =	vadd.bf16 v3, v1  }
0x12f: {  	v3 =	vld [tilespmem:s13+$0xFFFFFF90]  }
0x130: {  	v4 =	vadd.bf16 v6, v4;
	v6 =	vld [tilespmem:s31+$0xFFFFFF90];
	[tilespmem:s10+$0x40] =	vst v1  }
0x131: {  	v1 =	vld [tilespmem:s11+$0x50]  }
0x132: {  	[tilespmem:s10+$0xFFFFFFB0] =	vst v4;
	v0 =	vadd.bf16 v0, v8;
	v4 =	vld [tilespmem:s12+$0x50]  }
0x133: {  	v5 =	vadd.bf16 v5, v61;
	v8 =	vld [tilespmem:s11+$0xFFFFFFC0]  }
0x134: {  	v62 =	vld [tilespmem:s12+$0xFFFFFFC0];
	[tilespmem:s19+$0xFFFFFFE0] =	vst v0  }
0x135: {  	v3 =	vadd.bf16 v6, v3;
	[tilespmem:s16+$0x10] =	vst v5;
	v0 =	vld [tilespmem:s0+$0xFFFFFFF0]  }
0x136: {  	v5 =	vld [tilespmem:s13+$0x20]  }
0x137: {  	[tilespmem:s16+$0xFFFFFF90] =	vst v3;
	v3 =	vld [tilespmem:s31+$0x20];
	v1 =	vadd.bf16 v4, v1  }
0x138: {  	v6 =	vld [tilespmem:s13+$0xFFFFFFA0]  }
0x139: {  	v10 =	vld [tilespmem:s31+$0xFFFFFFA0];
	v4 =	vadd.bf16 v62, v8;
	[tilespmem:s10+$0x50] =	vst v1  }
0x13a: {  	v8 =	vld [tilespmem:s11+$0x60]  }
0x13b: {  	[tilespmem:s10+$0xFFFFFFC0] =	vst v4;
	v63 =	vld [tilespmem:s12+$0x60]  }
0x13c: {  	v4 =	vld [tilespmem:s12+$0xFFFFFFD0];
	v1 =	vadd.bf16 v3, v5  }
0x13d: {  	v3 =	vld [tilespmem:s11+$0xFFFFFFD0]  }
0x13e: {  	v5 =	vadd.bf16 v10, v6;
	[tilespmem:s16+$0x20] =	vst v1;
	v1 =	vld [tilespmem:s24+$0xFFFFFFF0]  }
0x13f: {  	v2 =	vadd.bf16 v7, v2;
	v6 =	vld [tilespmem:s13+$0x30]  }
0x140: {  	[tilespmem:s16+$0xFFFFFFA0] =	vst v5;
	v7 =	vld [tilespmem:s31+$0x30];
	v5 =	vadd.bf16 v63, v8  }
0x141: {  	s1 =	simm.s32 $0x4;
	[tilespmem:s19+$0x70] =	vst v2;
	s0 =	simm.s32 $0x7A80;
	s24 =	simm.s32 $0x2B80;
	v2 =	vld [tilespmem:s13+$0xFFFFFFB0]  }
.LBB2_5:
0x142: {  	v8 =	vld [tilespmem:s24+$0x0];
	v3 =	vadd.bf16 v4, v3;
	[tilespmem:s10+$0x60] =	vst v5  }
0x143: {  	v4 =	vld [tilespmem:s11+$0x70];
	v0 =	vadd.bf16 v1, v0  }
0x144: {  	s31 =	sadd.s32 $0x100, s31;
	[tilespmem:s10+$0xFFFFFFD0] =	vst v3;
	v1 =	vld [tilespmem:s12+$0x70]  }
0x145: {  	v3 =	vld [tilespmem:s31+$0x0];
	v5 =	vadd.bf16 v7, v6;
	[tilespmem:s19+$0xFFFFFFF0] =	vst v0;
	s19 =	smov.u32 s10;
	s10 =	smov.u32 s16  }
0x146: {  	v0 =	vld [tilespmem:s31+$0xFFFFFF80]  }
0x147: {  	v6 =	vld [tilespmem:s24+$0xFFFFFF80];
	[tilespmem:s16+$0x30] =	vst v5  }
0x148: {  	v5 =	vld [tilespmem:s13+$0x40]  }
0x149: {  	v7 =	vld [tilespmem:s0+$0x40];
	v1 =	vadd.bf16 v1, v4  }
0x14a: {  	v3 =	vadd.bf16 v3, v8;
	v4 =	vld [tilespmem:s0+$0xFFFFFFB0]  }
0x14b: {  	s16 =	sadd.s32 $0x100, s16;
	v8 =	vld [tilespmem:s11+$0xFFFFFFE0];
	[tilespmem:s19+$0x70] =	vst v1  }
0x14c: {  	s1 =	sadd.s32 $0x2, s1;
	v0 =	vadd.bf16 v0, v6;
	[tilespmem:s16+$0x0] =	vst v3;
	v1 =	vld [tilespmem:s12+$0xFFFFFFE0]  }
0x14d: {  	p0 =	slt.u32 s1, $0x4E;
	v3 =	vld [tilespmem:s24+$0x10]  }
0x14e: {  	[tilespmem:s16+$0xFFFFFF80] =	vst v0;
	v0 =	vld [tilespmem:s31+$0x10];
	v5 =	vadd.bf16 v7, v5  }
0x14f: {  	v6 =	vld [tilespmem:s24+$0xFFFFFF90];
	v2 =	vadd.bf16 v4, v2  }
0x150: {  	v4 =	vld [tilespmem:s31+$0xFFFFFF90];
	[tilespmem:s10+$0x40] =	vst v5  }
0x151: {  	[tilespmem:s10+$0xFFFFFFB0] =	vst v2;
	v2 =	vld [tilespmem:s13+$0x50];
	v1 =	vadd.bf16 v1, v8  }
0x152: {  	v5 =	vld [tilespmem:s0+$0x50]  }
0x153: {  	v0 =	vadd.bf16 v0, v3;
	v3 =	vld [tilespmem:s13+$0xFFFFFFC0];
	[tilespmem:s19+$0xFFFFFFE0] =	vst v1  }
0x154: {  	v1 =	vld [tilespmem:s0+$0xFFFFFFC0]  }
0x155: {  	v4 =	vadd.bf16 v4, v6;
	[tilespmem:s16+$0x10] =	vst v0;
	v0 =	vld [tilespmem:s11+$0xFFFFFFF0];
	s11 =	smov.u32 s13;
	s13 =	smov.u32 s24  }
0x156: {  	v6 =	vld [tilespmem:s24+$0x20]  }
0x157: {  	[tilespmem:s16+$0xFFFFFF90] =	vst v4;
	v4 =	vld [tilespmem:s31+$0x20];
	v2 =	vadd.bf16 v5, v2  }
0x158: {  	v5 =	vld [tilespmem:s24+$0xFFFFFFA0]  }
0x159: {  	v7 =	vld [tilespmem:s31+$0xFFFFFFA0];
	v1 =	vadd.bf16 v1, v3;
	[tilespmem:s10+$0x50] =	vst v2  }
0x15a: {  	v2 =	vld [tilespmem:s11+$0x60]  }
0x15b: {  	[tilespmem:s10+$0xFFFFFFC0] =	vst v1;
	v8 =	vld [tilespmem:s0+$0x60]  }
0x15c: {  	v1 =	vadd.bf16 v4, v6;
	v3 =	vld [tilespmem:s11+$0xFFFFFFD0]  }
.Ltmp3:
0x15d: {  	v4 =	vld [tilespmem:s0+$0xFFFFFFD0];
	(pc) =	sbr.rel @p0 .LBB2_5-.Ltmp3, $4  }
0x15e: {  	v5 =	vadd.bf16 v7, v5;
	[tilespmem:s16+$0x20] =	vst v1;
	v1 =	vld [tilespmem:s12+$0xFFFFFFF0];
	s12 =	smov.u32 s0;
	s0 =	smov.u32 s31  }
0x15f: {  	v6 =	vld [tilespmem:s24+$0x30]  }
0x160: {  	[tilespmem:s16+$0xFFFFFFA0] =	vst v5;
	v7 =	vld [tilespmem:s31+$0x30];
	v5 =	vadd.bf16 v8, v2  }
0x161: {  	s24 =	sadd.s32 $0x100, s24;
	v2 =	vld [tilespmem:s13+$0xFFFFFFB0]  }
0x162: {  	v8 =	vld [tilespmem:s0+$0xFFFFFFB0];
	_ =	sdelay $0x2  }
0x163: {  	v6 =	vadd.bf16 v7, v6;
	_ =	sdelay $0x1  }
0x164: {  	[tilespmem:s16+$0x30] =	vst v6;
	v2 =	vadd.bf16 v8, v2  }
0x165: {  	v6 =	vld [tilespmem:s13+$0x40]  }
0x166: {  	v48 =	vld [tilespmem:s0+$0x40];
	[tilespmem:s16+$0xFFFFFFB0] =	vst v2  }
0x167: {  	v2 =	vld [tilespmem:s13+$0xFFFFFFC0]  }
0x168: {  	v49 =	vld [tilespmem:s0+$0xFFFFFFC0];
	_ =	sdelay $0x2  }
0x169: {  	v6 =	vadd.bf16 v48, v6;
	_ =	sdelay $0x1  }
0x16a: {  	[tilespmem:s16+$0x40] =	vst v6;
	v2 =	vadd.bf16 v49, v2  }
0x16b: {  	v6 =	vld [tilespmem:s13+$0x50]  }
0x16c: {  	v50 =	vld [tilespmem:s0+$0x50];
	[tilespmem:s16+$0xFFFFFFC0] =	vst v2  }
0x16d: {  	v2 =	vld [tilespmem:s13+$0xFFFFFFD0]  }
0x16e: {  	v51 =	vld [tilespmem:s0+$0xFFFFFFD0]  }
0x16f: {  	v3 =	vadd.bf16 v4, v3;
	_ =	sdelay $0x1  }
0x170: {  	[tilespmem:s10+$0xFFFFFFD0] =	vst v3;
	v52 =	vadd.bf16 v50, v6  }
0x171: {  	v53 =	vld [tilespmem:s11+$0xFFFFFFE0]  }
0x172: {  	v54 =	vld [tilespmem:s12+$0xFFFFFFE0];
	[tilespmem:s16+$0x50] =	vst v52;
	v2 =	vadd.bf16 v51, v2  }
0x173: {  	v3 =	vld [tilespmem:s13+$0x60]  }
0x174: {  	v55 =	vld [tilespmem:s0+$0x60];
	[tilespmem:s16+$0xFFFFFFD0] =	vst v2  }
0x175: {  	v2 =	vld [tilespmem:s13+$0xFFFFFFE0]  }
0x176: {  	v56 =	vld [tilespmem:s0+$0xFFFFFFE0]  }
0x177: {  	[tilespmem:s10+$0x60] =	vst v5;
	v4 =	vadd.bf16 v54, v53  }
0x178: {  	v5 =	vld [tilespmem:s11+$0x70]  }
0x179: {  	v57 =	vld [tilespmem:s12+$0x70];
	[tilespmem:s10+$0xFFFFFFE0] =	vst v4;
	v3 =	vadd.bf16 v55, v3  }
0x17a: {  	v4 =	vld [tilespmem:s11+$0xFFFFFFF0]  }
0x17b: {  	v58 =	vld [tilespmem:s12+$0xFFFFFFF0];
	[tilespmem:s16+$0x60] =	vst v3;
	v2 =	vadd.bf16 v56, v2  }
0x17c: {  	v3 =	vld [tilespmem:s13+$0x70]  }
0x17d: {  	v59 =	vld [tilespmem:s0+$0x70];
	[tilespmem:s16+$0xFFFFFFE0] =	vst v2  }
0x17e: {  	v2 =	vld [tilespmem:s13+$0xFFFFFFF0]  }
0x17f: {  	v9 =	vld [tilespmem:s0+$0xFFFFFFF0]  }
0x180: {  	v0 =	vadd.bf16 v1, v0  }
0x181: {  	v60 =	vadd.bf16 v57, v5  }
0x182: {  	[tilespmem:s19+$0xFFFFFFF0] =	vst v0;
	v61 =	vadd.bf16 v58, v4  }
.Ltmp4:
0x183: {  	[tilespmem:s10+$0x70] =	vst v60;
	v62 =	vadd.bf16 v59, v3;
	(pc) =	sbr.rel @p1 .LBB2_8-.Ltmp4, $4  }
0x184: {  	s31 =	sadd.s32 s17, s9;
	[tilespmem:s10+$0xFFFFFFF0] =	vst v61;
	v63 =	vadd.bf16 v9, v2  }
0x185: {  	s0 =	sshll.u32 s31, $0x4;
	[tilespmem:s16+$0x70] =	vst v62  }
0x186: {  	s0 =	sadd.s32 s8, s0;
	[tilespmem:s16+$0xFFFFFFF0] =	vst v63  }
0x187: {  	[hbm4b:s0+s2] =	stream.linear.scatter [tilespmem:s30], [sflag:$0x4], $0x2800, $0x38;
	[tilespmem:$0xF200] =	vst v63  }
0x188: {  	s0 =	sadd.s32 s17, s15  }
0x189: {  	s0 =	sshrl.u32 s0, $0x3  }
0x18a: {  	s1 =	sadd.s32 s5, s0  }
0x18b: {  	[tilespmem:s22], [sflag:$0x5] =	stream.linear.gather [hbm4b:s1+s2], $0x50, $0x38;
	[tilespmem:$0xF200] =	vst v63  }
0x18c: {  	_ =	swait.ge [sflag:s18], $0x50  }
0x18d: {  	[sflag:s18] =	ssyncset.done $0x0  }
0x18e: {  	s0 =	sadd.s32 s7, s0;
	[sflag:s18] =	ssyncadd.s32 $0xFFFFFFB0  }
0x18f: {  	[tilespmem:s23], [sflag:$0x5] =	stream.linear.gather [hbm4b:s0+s2], $0x50, $0x38;
	[tilespmem:$0xF200] =	vst v63  }
0x190: {  	_ =	swait.ge [sflag:s18], $0x50  }
.Ltmp5:
0x191: {  	[sflag:s18] =	ssyncset.done $0x0;
	(pc) =	sbr.rel .LBB2_2-.Ltmp5, $4  }
0x192: {  	s31 =	simm.s32 $0x2800;
	[sflag:s18] =	ssyncadd.s32 $0xFFFFFFB0  }
0x193: {  	[tilespmem:s31], [sflag:$0x2] =	stream.indirect.gather [hbm4b:s3+s20], $0x80, s22, s20, $0xb8;
	[tilespmem:$0xF200] =	vst v63  }
0x194: {  	s21 =	sadd.s32 $0x1, s21  }
0x195: {  	[tilespmem:s25], [sflag:$0x2] =	stream.indirect.gather [hbm4b:s4+s20], $0x80, s23, s20, $0xb8;
	[tilespmem:$0xF200] =	vst v63  }
.LBB2_9:
0x196: {  	_ =	sfence.sel $0x180000  }
0x197: {  	[bflag:$0x0] =	sbarrier.arrive $0xFFFF  }
0x198: {  	_ =	strace $0x9000004D  }
0x199: {  	s0 =	stileid.u32;
	[bflag:$0x2] =	sbarrier.arrive $0xFFFF  }
0x19a: {  	p0 =	sne.s32 s0, $0x0;
	s0 =	rddreg [dreg:$0x1]  }
0x19b: {  	s0 =	sadd.s32 @!p0 $0x100000, s0  }
0x19c: {  	[sflag:s0] =	ssyncadd.tile.s32 @!p0 $0x1;
	_ =	shalt  }
.Lfunc_end2:
_tile_overlayer_lowered:
.L_overlay_start_2:
0x19d: {  	(tag) =	ssettag $0x2  }
0x19e: {  	s0 =	rddreg [dreg:$0x0];
	s2 =	stileid.u32  }
0x19f: {  	s1 =	rddreg [dreg:$0x1];
	p0 =	sne.s32 s2, $0x0  }
0x1a0: {  	s3 =	rddreg [dreg:$0x2];
	[bflag:$0x3] =	sbarrier.arrive $0xFFFF;
	s2 =	simm.s32 @!p0 $0x1C05  }
0x1a1: {  	[timem:s3], [sflag:s2] =	dma.local @!p0 [hbm:s0], s1  }
0x1a2: {  	s0 =	simm.s32 @!p0 $0x5  }
0x1a3: {  	_ =	swait.ge @!p0 [sflag:s0], s1  }
0x1a4: {  	s1 =	ssub.s32 @!p0 $0x0, s1;
	[sflag:s0] =	ssyncset.done @!p0 $0x0  }
0x1a5: {  	[sflag:s0] =	ssyncadd.s32 @!p0 s1  }
0x1a6: {  	[bflag:$0x3] =	sbarrier.arrive $0xFFFF  }
0x1a7: {  	_ =	shalt  }

// kernel: kernel.17.cloned.1.call-start
scs
__scs_entry_jumppad:
0x0: {  	(pc) =	sbr.rel $0x88, $3  }
0x1: {  	(tag) =	ssettag $0x0;
	lr =	simm.s32 $0x1  }
0x2: {  	[smem:$0x3F8D] =	sst lr;
	_ =	strace $0xD0000000  }
0x3: {  	_ = 	snop  }
0x4: {  	_ = 	snop  }
0x5: {  	_ = 	snop  }
0x6: {  	_ = 	snop  }
0x7: {  	_ = 	snop  }
__scs_overlays_trampoline_lowered:
0x8: {  	[smem:$0x3F9C] =	sst s0  }
0x9: {  	[smem:$0x3F9D] =	sst s1  }
0xa: {  	[smem:$0x3F9E] =	sst s2  }
0xb: {  	[smem:$0x3F9F] =	sst s3  }
0xc: {  	[smem:$0x3FA0] =	sst s4  }
0xd: {  	[smem:$0x3FA1] =	sst s5  }
0xe: {  	[smem:$0x3FA2] =	sst s6  }
0xf: {  	[smem:$0x3FA3] =	sst s7  }
0x10: {  	[smem:$0x3FA4] =	sst s8  }
0x11: {  	[smem:$0x3FA5] =	sst s9;
	s0 =	simm.s32 @!p0 $0x0  }
0x12: {  	s1 =	sld [smem:$0x3F8B];
	s0 =	simm.s32 @p0 $0x1  }
0x13: {  	[smem:$0x3FA6] =	sst s0;
	s0 =	simm.s32 @!p1 $0x0  }
0x14: {  	s2 =	sld [smem:$0x3F8A];
	s0 =	simm.s32 @p1 $0x1  }
0x15: {  	[smem:$0x3FA7] =	sst s0;
	s0 =	simm.s32 @!p2 $0x0  }
0x16: {  	s3 =	sld [smem:$0x3FDB];
	s0 =	simm.s32 @p2 $0x1  }
0x17: {  	s4 =	simm.s32 $0x1BF5;
	[smem:$0x3FA9] =	sst s0  }
0x18: {  	s0 =	sld [smem:$0x3F8C];
	_ =	swait.ge [sflag:s4], $0x0  }
0x19: {  	s7 =	sld [smem:$0x3F8D]  }
0x1a: {  	s8 =	sadd.s32 $0xFFFFE003, lr  }
0x1b: {  	s9 =	sadd.s32 $0xFFFFFEF7, lr;
	s5 =	simm.s32 $0xFFFFFFFF;
	p2 =	slt.u32 s8, $0xFFFFF086  }
0x1c: {  	p1 =	slt.u32 s9, $0xF7A;
	s5 =	simm.s32 @!p2 $0x0  }
0x1d: {  	s5 =	simm.s32 @p1 $0x1;
	p0 =	seq.s32 s7, s2  }
0x1e: {  	s7 =	smul.u32 @!p0 $0xF7A, s2;
	p2 =	seq.s32 @!p0 s5, $0x0  }
0x1f: {  	s9 =	smul.u32 $0xF7A, s1;
	s8 =	simm.s32 @!p0 $0x1BF5;
	p2 =	por !p2, p0  }
0x20: {  	[sflag:s8] =	ssyncset.s32 @!p0 $0xFFFFF086;
	s6 =	sadd.s32 @!p0 s3, s7;
	s7 =	simm.s32 @!p0 $0x108  }
0x21: {  	s3 =	sadd.s32 s3, s9;
	s6 =	sadd.s32 @!p0 $0x88, s6;
	s7 =	simm.s32 @p2 $0x1082  }
0x22: {  	[simem:s7], [sflag:s8] =	dma.local @!p0 [hbm:s6], $0xF7A  }
0x23: {  	s9 =	sor.u32 $0xD0000000, s2;
	s6 =	simm.s32 $0x108;
	_ =	swait.ge @!p0 [sflag:s8], $0x0  }
0x24: {  	s3 =	sadd.s32 $0x88, s3;
	s6 =	simm.s32 @!p1 $0x1082;
	[sflag:s4] =	ssyncset.s32 $0xFFFFF086  }
0x25: {  	[simem:s6], [sflag:s4] =	dma.local [hbm:s3], $0xF7A  }
0x26: {  	[smem:$0x3F8D] =	sst s1;
	(tag) =	ssettag s2;
	_ =	strace s9  }
0x27: {  	s1 =	sld [smem:$0x3F9D]  }
0x28: {  	s2 =	sld [smem:$0x3F9E]  }
0x29: {  	s4 =	sld [smem:$0x3FA0]  }
0x2a: {  	p0 =	seq.s32 s5, $0x0;
	s5 =	sld [smem:$0x3FA1]  }
0x2b: {  	s6 =	sld [smem:$0x3FA2]  }
0x2c: {  	s7 =	sld [smem:$0x3FA3]  }
0x2d: {  	s3 =	simm.s32 $0x108;
	s8 =	sld [smem:$0x3FA4]  }
0x2e: {  	s3 =	simm.s32 @!p0 $0x1082;
	s9 =	sld [smem:$0x3FA5]  }
0x2f: {  	lr =	sadd.s32 s0, s3;
	s0 =	sld [smem:$0x3F9C]  }
0x30: {  	s3 =	sld [smem:$0x3F9F]  }
0x31: {  	[smem:$0x3FA8] =	sst s10  }
0x32: {  	s10 =	sld [smem:$0x3FA6];
	_ =	sdelay $0x3  }
0x33: {  	p0 =	seq.s32 s10, $0x1;
	s10 =	sld [smem:$0x3FA8];
	_ =	sdelay $0x3  }
0x34: {  	[smem:$0x3FA8] =	sst s10  }
0x35: {  	s10 =	sld [smem:$0x3FA7];
	_ =	sdelay $0x3  }
0x36: {  	p1 =	seq.s32 s10, $0x1;
	s10 =	sld [smem:$0x3FA8];
	_ =	sdelay $0x3  }
0x37: {  	[smem:$0x3FA8] =	sst s10  }
0x38: {  	s10 =	sld [smem:$0x3FA9]  }
0x39: {  	_ = 	snop;
	(pc) =	sbr.ind lr, $3  }
0x3a: {  	_ = 	snop  }
0x3b: {  	_ = 	snop  }
0x3c: {  	p2 =	seq.s32 s10, $0x1;
	s10 =	sld [smem:$0x3FA8]  }
0x3d: {  	_ =	shalt  }
0x3e: {  	_ =	shalt  }
0x3f: {  	_ =	shalt  }
0x40: {  	_ =	shalt  }
0x41: {  	_ =	shalt  }
0x42: {  	_ =	shalt  }
0x43: {  	_ =	shalt  }
0x44: {  	_ =	shalt  }
0x45: {  	_ =	shalt  }
0x46: {  	_ =	shalt  }
0x47: {  	_ =	shalt  }
0x48: {  	_ =	shalt  }
0x49: {  	_ =	shalt  }
0x4a: {  	_ =	shalt  }
0x4b: {  	_ =	shalt  }
0x4c: {  	_ =	shalt  }
0x4d: {  	_ =	shalt  }
0x4e: {  	_ =	shalt  }
0x4f: {  	_ =	shalt  }
0x50: {  	_ =	shalt  }
0x51: {  	_ =	shalt  }
0x52: {  	_ =	shalt  }
0x53: {  	_ =	shalt  }
0x54: {  	_ =	shalt  }
0x55: {  	_ =	shalt  }
0x56: {  	_ =	shalt  }
0x57: {  	_ =	shalt  }
0x58: {  	_ =	shalt  }
0x59: {  	_ =	shalt  }
0x5a: {  	_ =	shalt  }
0x5b: {  	_ =	shalt  }
0x5c: {  	_ =	shalt  }
0x5d: {  	_ =	shalt  }
0x5e: {  	_ =	shalt  }
0x5f: {  	_ =	shalt  }
0x60: {  	_ =	shalt  }
0x61: {  	_ =	shalt  }
0x62: {  	_ =	shalt  }
0x63: {  	_ =	shalt  }
0x64: {  	_ =	shalt  }
0x65: {  	_ =	shalt  }
0x66: {  	_ =	shalt  }
0x67: {  	_ =	shalt  }
0x68: {  	_ =	shalt  }
0x69: {  	_ =	shalt  }
0x6a: {  	_ =	shalt  }
0x6b: {  	_ =	shalt  }
0x6c: {  	_ =	shalt  }
0x6d: {  	_ =	shalt  }
0x6e: {  	_ =	shalt  }
0x6f: {  	_ =	shalt  }
0x70: {  	_ =	shalt  }
0x71: {  	_ =	shalt  }
0x72: {  	_ =	shalt  }
0x73: {  	_ =	shalt  }
0x74: {  	_ =	shalt  }
0x75: {  	_ =	shalt  }
0x76: {  	_ =	shalt  }
0x77: {  	_ =	shalt  }
0x78: {  	_ =	shalt  }
0x79: {  	_ =	shalt  }
0x7a: {  	_ =	shalt  }
0x7b: {  	_ =	shalt  }
0x7c: {  	_ =	shalt  }
0x7d: {  	_ =	shalt  }
0x7e: {  	_ =	shalt  }
0x7f: {  	_ =	shalt  }
0x80: {  	_ =	shalt  }
0x81: {  	_ =	shalt  }
0x82: {  	_ =	shalt  }
0x83: {  	_ =	shalt  }
0x84: {  	_ =	shalt  }
0x85: {  	_ =	shalt  }
0x86: {  	_ =	shalt  }
0x87: {  	_ =	shalt  }
.Lfunc_end0:
.L_simem_size_0:
called_computation.2_lowered:
.L_overlay_start_0:
0x88: {  	s2 =	sld [smem:$0x3FD9]  }
0x89: {  	s3 =	sld [smem:$0x3FFE];
	_ =	sdelay $0x1  }
0x8a: {  	s1 =	srdreg.scid  }
0x8b: {  	s0 =	sand.u32 $0x1, s1  }
0x8c: {  	s17 =	sshll.u32 s0, $0xA;
	s2 =	sadd.s32 s3, s2  }
0x8d: {  	s2 =	sadd.s32 s2, s17  }
0x8e: {  	[smem:$0x3FB4] =	sst s2  }
0x8f: {  	_ = 	snop  }
0x90: {  	(tm) =	ssettm $0x1  }
0x91: {  	s18 =	sld [smem:$0x3FFB];
	_ =	sdelay $0x3  }
0x92: {  	_ =	strace s18  }
0x93: {  	s2 =	sld [smem:$0x3FFC];
	_ =	sdelay $0x3  }
0x94: {  	_ =	strace s2  }
0x95: {  	s2 =	sld [smem:$0x3FFD];
	_ =	sdelay $0x3  }
0x96: {  	_ =	strace s2  }
0x97: {  	_ =	strace $0x8FFFFFFF  }
0x98: {  	s19 =	sld [smem:$0x3FDB];
	_ =	sdelay $0x1  }
0x99: {  	s20 =	simm.s32 $_scs_section_size  }
0x9a: {  	s4 =	simm.s32 $_size__tile_overlayer_lowered;
	s5 =	simm.s32 $_tile_overlayer_lowered  }
0x9b: {  	s6 =	simm.s32 $0x1BFF;
	s21 =	sshll.u32 s5, $0x1;
	s3 =	sadd.s32 s20, s19  }
0x9c: {  	s22 =	simm.s32 $0x0;
	s4 =	sshll.u32 s4, $0x1;
	s5 =	sadd.s32 s21, s3  }
0x9d: {  	[timem:s22], [sflag:s6] =	dma.local [hbm:s5], s4  }
0x9e: {  	_ =	swait.ge [sflag:s6], s4  }
0x9f: {  	s4 =	ssub.s32 $0x0, s4;
	[sflag:s6] =	ssyncset.done $0x0  }
0xa0: {  	[sflag:s6] =	ssyncadd.s32 s4;
	_ =	sdelay $0x1  }
0xa1: {  	s23 =	simm.s32 $0x1B8B  }
0xa2: {  	_ =	swait.ge [sflag:s23], $0x1  }
0xa3: {  	[sflag:s23] =	ssyncset.done $0x0  }
0xa4: {  	[sflag:s23] =	ssyncadd.s32 $0xFFFFFFFF  }
0xa5: {  	s4 =	sld [smem:$0x0]  }
0xa6: {  	s5 =	sand.u32 $0xFFFFFFFE, s1  }
0xa7: {  	p0 =	sne.s32 s1, s5  }
0xa8: {  	s5 =	sshll.u32 @p0 s5, $0xE  }
0xa9: {  	s5 =	sadd.s32 @p0 $0x11B8D, s5;
	s6 =	sshll.u32 @p0 s4, $0x11  }
0xaa: {  	s5 =	sor.u32 @p0 s6, s5  }
0xab: {  	[sflag:s5] =	ssyncadd.remote.s32 @p0 $0x1;
	_ =	sdelay $0x1  }
0xac: {  	s5 =	simm.s32 @p0 $0x1B8D  }
0xad: {  	_ =	swait.eq @p0 [sflag:s5], $0x1  }
0xae: {  	[sflag:s5] =	ssyncadd.s32 @p0 $0xFFFFFFFF  }
0xaf: {  	s6 =	sshll.u32 @!p0 s1, $0xE  }
0xb0: {  	s6 =	sor.u32 @!p0 $0x4000, s6;
	s5 =	simm.s32 @!p0 $0x1B8D  }
0xb1: {  	s4 =	sshll.u32 @!p0 s4, $0x11;
	s6 =	sadd.s32 @!p0 $0x11B8D, s6;
	_ =	swait.eq @!p0 [sflag:s5], $0x1  }
0xb2: {  	s4 =	sor.u32 @!p0 s4, s6;
	[sflag:s5] =	ssyncadd.s32 @!p0 $0xFFFFFFFF  }
0xb3: {  	s25 =	simm.s32 $0x1B8E;
	s24 =	sld [smem:$0x3FFE];
	[sflag:s4] =	ssyncadd.remote.s32 @!p0 $0x1  }
0xb4: {  	s26 =	simm.s32 $execute0_lowered;
	[smem:$0x3FD2] =	sst s25  }
0xb5: {  	s5 =	sshll.u32 s26, $0x1;
	_ =	strace $0x80000049;
	[dreg:$0x1] =	wrdreg $0xFFFFFFFF  }
0xb6: {  	s28 =	simm.s32 $_size_execute0_lowered;
	s3 =	sadd.s32 s3, s5;
	[dreg:$0x0] =	wrdreg $0x0  }
0xb7: {  	s5 =	sshll.u32 s28, $0x1;
	[dreg:$0x2] =	wrdreg s3  }
0xb8: {  	[dreg:$0x3] =	wrdreg s5  }
0xb9: {  	[dreg:$0x4] =	wrdreg $0xC0  }
0xba: {  	_ =	task [dreg:s22], $0x5FFFF  }
0xbb: {  	[dreg:$0x1] =	wrdreg $0xFFFFFFFF  }
0xbc: {  	[dreg:$0x0] =	wrdreg $0x60  }
0xbd: {  	[dreg:$0x2] =	wrdreg s24  }
0xbe: {  	[dreg:$0x3] =	wrdreg $0xB  }
0xbf: {  	_ =	task.clear_ibuf [dreg:s22], $0x4FFFF;
	_ =	strace $0x90000049  }
0xc0: {  	s29 =	simm.s32 $0xB;
	_ =	strace $0x8000004B  }
0xc1: {  	_ =	swait.ge [sflag:s29], $0x1  }
0xc2: {  	[sflag:s29] =	ssyncadd.s32 $0xFFFFFFFF  }
0xc3: {  	_ =	strace $0x9000004B  }
0xc4: {  	_ =	sfence  }
0xc5: {  	s30 =	sld [smem:$0x0];
	_ =	sdelay $0x2  }
0xc6: {  	s31 =	sshll.u32 s1, $0xD;
	s1 =	sshrl.u32 s1, $0x2  }
0xc7: {  	s4 =	sand.u32 $0x4000, s31;
	s1 =	sadd.s32 s1, s30  }
0xc8: {  	s0 =	sor.u32 s4, s0;
	s1 =	sshll.u32 s1, $0x11  }
0xc9: {  	s0 =	sor.u32 s1, s0  }
0xca: {  	s0 =	sadd.s32 $0x8F2B, s0  }
0xcb: {  	[sflag:s0] =	ssyncadd.remote.s32 $0x1  }
0xcc: {  	_ =	sfence.sel $0xFFFF  }
0xcd: {  	[dreg:$0x0] =	wrdreg $0xFFFFFFFF;
	(pc) =	sbr.abs _section_cstart, $3  }
0xce: {  	[dreg:$0x1] =	wrdreg $0xFFFFFFFF  }
0xcf: {  	_ =	task.clear_ibuf [dreg:s22], $0x2FFFF;
	_ =	strace $0x9FFFFFFF  }
0xd0: {  	(tm) =	ssettm $0x7FFFFFFF  }
0xd1: {  	_ =	shalt  }
tec
execute0_lowered:
.L_overlay_start_1:
0x0: {  	(tag) =	ssettag $0x1  }
0x1: {  	s0 =	rddreg [dreg:$0x0]  }
0x2: {  	s2 =	simm.s32 $0x0;
	s1 =	srdreg.scid;
	s3 =	stileid.u32  }
0x3: {  	s18 =	simm.s32 $0xF000;
	s19 =	simm.s32 $0x5;
	s20 =	simm.s32 $0xF100  }
0x4: {  	s21 =	simm.s32 $0x50;
	s28 =	simm.s32 $0x1;
	s29 =	simm.s32 $0xA000  }
0x5: {  	s30 =	simm.s32 $0x2;
	[smem:$0x7FF] =	sst s2;
	s1 =	sand.u32 $0x1, s1  }
0x6: {  	s4 =	sshll.u32 s3, $0x1;
	s3 =	sadd.s32 $0x24000, s0;
	s6 =	sadd.s32 $0x4C00, s0  }
0x7: {  	s7 =	sadd.s32 $0xEA00, s0;
	s8 =	sadd.s32 $0x72400, s0;
	s9 =	sor.u32 s1, s4  }
0x8: {  	_ =	strace $0x8000004A;
	s1 =	ssub.s32 $0x2, s1;
	s5 =	smul.u32 $0x1450, s9  }
0x9: {  	s4 =	sadd.s32 $0x4B200, s0;
	s10 =	sshrl.u32 s1, $0x1;
	s9 =	smul.u32 $0xA2800, s9  }
0xa: {  	s23 =	ssub.s32 s1, s10;
	s24 =	sshrl.u32 s5, $0x3;
	s13 =	sadd.s32 $0x258A0, s5  }
0xb: {  	s31 =	sshrl.u32 s9, $0x3;
	s0 =	smax.u32 s23, $0x1;
	s25 =	sadd.s32 $0x4B00, s24  }
0xc: {  	s14 =	sadd.s32 $0x50, s5;
	[dreg:$0x7] =	wrdreg s0;
	s11 =	sadd.s32 s6, s25  }
0xd: {  	s1 =	sadd.s32 $0x4B0A, s24;
	s10 =	sadd.s32 s7, s25;
	[dreg:$0x2] =	wrdreg s11  }
0xe: {  	s26 =	sadd.s32 s6, s1;
	s1 =	sadd.s32 s7, s1;
	[dreg:$0x3] =	wrdreg s10  }
0xf: {  	s15 =	sadd.s32 $0x258F0, s5;
	[dreg:$0x5] =	wrdreg s1;
	s1 =	sadd.s32 s8, s31  }
0x10: {  	s23 =	simm.s32 $0xF080;
	[dreg:$0x4] =	wrdreg s26;
	s1 =	sadd.s32 $0x14000, s1  }
0x11: {  	s9 =	simm.s32 $0x0;
	s24 =	simm.s32 $0xF180;
	[dreg:$0x6] =	wrdreg s1  }
.LBB2_1:
0x12: {  	[dreg:$0x8] =	wrdreg s9  }
0x13: {  	s0 =	rddreg [dreg:$0x2]  }
0x14: {  	[tilespmem:s18], [sflag:$0x5] =	stream.linear.gather [hbm4b:s0+s2], $0x50, $0x38;
	[tilespmem:$0xF200] =	vst v63  }
0x15: {  	_ =	swait.ge [sflag:s19], $0x50  }
0x16: {  	[sflag:s19] =	ssyncset.done $0x0  }
0x17: {  	s16 =	rddreg [dreg:$0x3];
	[sflag:s19] =	ssyncadd.s32 $0xFFFFFFB0  }
0x18: {  	[tilespmem:s20], [sflag:$0x5] =	stream.linear.gather [hbm4b:s16+s2], $0x50, $0x38;
	[tilespmem:$0xF200] =	vst v63  }
0x19: {  	_ =	swait.ge [sflag:s19], $0x50  }
0x1a: {  	[sflag:s19] =	ssyncset.done $0x0  }
0x1b: {  	[sflag:s19] =	ssyncadd.s32 $0xFFFFFFB0  }
0x1c: {  	[tilespmem:s2], [sflag:$0x1] =	stream.indirect.gather [hbm4b:s3+s21], $0x80, s18, s21, $0xb8;
	[tilespmem:$0xF200] =	vst v63  }
0x1d: {  	s17 =	simm.s32 $0x5000  }
0x1e: {  	[tilespmem:s17], [sflag:$0x1] =	stream.indirect.gather [hbm4b:s4+s21], $0x80, s20, s21, $0xb8;
	[tilespmem:$0xF200] =	vst v63  }
0x1f: {  	s22 =	rddreg [dreg:$0x4]  }
0x20: {  	[tilespmem:s23], [sflag:$0x5] =	stream.linear.gather [hbm4b:s22+s2], $0x50, $0x38;
	[tilespmem:$0xF200] =	vst v63  }
0x21: {  	_ =	swait.ge [sflag:s19], $0x50  }
0x22: {  	[sflag:s19] =	ssyncset.done $0x0  }
0x23: {  	s25 =	rddreg [dreg:$0x5];
	[sflag:s19] =	ssyncadd.s32 $0xFFFFFFB0  }
0x24: {  	[tilespmem:s24], [sflag:$0x5] =	stream.linear.gather [hbm4b:s25+s2], $0x50, $0x38;
	[tilespmem:$0xF200] =	vst v63  }
0x25: {  	_ =	swait.ge [sflag:s19], $0x50  }
0x26: {  	[sflag:s19] =	ssyncset.done $0x0  }
0x27: {  	s26 =	simm.s32 $0x2800;
	[sflag:s19] =	ssyncadd.s32 $0xFFFFFFB0  }
0x28: {  	[tilespmem:s26], [sflag:$0x2] =	stream.indirect.gather [hbm4b:s3+s21], $0x80, s23, s21, $0xb8;
	[tilespmem:$0xF200] =	vst v63  }
0x29: {  	s31 =	simm.s32 $0x7800;
	s10 =	simm.s32 $0x0  }
0x2a: {  	[tilespmem:s31], [sflag:$0x2] =	stream.indirect.gather [hbm4b:s4+s21], $0x80, s24, s21, $0xb8;
	[tilespmem:$0xF200] =	vst v63  }
.LBB2_2:
0x2b: {  	_ =	swait.ge [sflag:s28], $0x2800  }
0x2c: {  	[sflag:s28] =	ssyncset.done $0x0  }
0x2d: {  	[sflag:s28] =	ssyncadd.s32 $0xFFFFD800  }
0x2e: {  	_ =	swait.ge [sflag:s28], $0x2800  }
0x2f: {  	p0 =	seq.s32 s10, $0x0;
	[sflag:s28] =	ssyncset.done $0x0  }
0x30: {  	s0 =	simm.s32 @!p0 $0x3;
	[sflag:s28] =	ssyncadd.s32 $0xFFFFD800  }
0x31: {  	_ =	swait.ge @!p0 [sflag:s0], $0x2800  }
0x32: {  	[sflag:s0] =	ssyncset.done @!p0 $0x0  }
0x33: {  	s26 =	simm.s32 $0x80;
	[sflag:s0] =	ssyncadd.s32 @!p0 $0xFFFFD800  }
0x34: {  	s25 =	simm.s32 $0x5080;
	v0 =	vld [tilespmem:s26+$0x0]  }
0x35: {  	v1 =	vld [tilespmem:s25+$0x0];
	_ =	sdelay $0x4  }
0x36: {  	v0 =	vadd.bf16 v1, v0  }
0x37: {  	s11 =	simm.s32 $0xA080  }
0x38: {  	[tilespmem:s11+$0x0] =	vst v0  }
0x39: {  	v0 =	vld [tilespmem:s26+$0x10]  }
0x3a: {  	v1 =	vld [tilespmem:s25+$0x10]  }
0x3b: {  	v2 =	vld [tilespmem:s25+$0xFFFFFF80]  }
0x3c: {  	v3 =	vld [tilespmem:s26+$0xFFFFFF80];
	_ =	sdelay $0x2  }
0x3d: {  	v0 =	vadd.bf16 v1, v0;
	_ =	sdelay $0x1  }
0x3e: {  	[tilespmem:s11+$0x10] =	vst v0;
	v0 =	vadd.bf16 v2, v3  }
0x3f: {  	v1 =	vld [tilespmem:s26+$0x20]  }
0x40: {  	v2 =	vld [tilespmem:s25+$0x20];
	[tilespmem:s11+$0xFFFFFF80] =	vst v0  }
0x41: {  	v0 =	vld [tilespmem:s26+$0xFFFFFF90]  }
0x42: {  	v3 =	vld [tilespmem:s25+$0xFFFFFF90];
	_ =	sdelay $0x2  }
0x43: {  	v1 =	vadd.bf16 v2, v1;
	_ =	sdelay $0x1  }
0x44: {  	[tilespmem:s11+$0x20] =	vst v1;
	v0 =	vadd.bf16 v3, v0  }
0x45: {  	v1 =	vld [tilespmem:s26+$0x30]  }
0x46: {  	v2 =	vld [tilespmem:s25+$0x30];
	[tilespmem:s11+$0xFFFFFF90] =	vst v0  }
0x47: {  	v0 =	vld [tilespmem:s26+$0xFFFFFFA0]  }
0x48: {  	s16 =	simm.s32 $0x180;
	v3 =	vld [tilespmem:s25+$0xFFFFFFA0]  }
0x49: {  	s17 =	simm.s32 $0x5180;
	v4 =	vld [tilespmem:s16+$0x0]  }
0x4a: {  	v5 =	vld [tilespmem:s17+$0x0]  }
0x4b: {  	v6 =	vld [tilespmem:s16+$0xFFFFFF80];
	v1 =	vadd.bf16 v2, v1  }
0x4c: {  	v2 =	vld [tilespmem:s17+$0xFFFFFF80]  }
0x4d: {  	[tilespmem:s11+$0x30] =	vst v1;
	v0 =	vadd.bf16 v3, v0  }
0x4e: {  	v1 =	vld [tilespmem:s26+$0x40]  }
0x4f: {  	v3 =	vld [tilespmem:s25+$0x40];
	[tilespmem:s11+$0xFFFFFFA0] =	vst v0;
	v0 =	vadd.bf16 v5, v4  }
0x50: {  	s12 =	simm.s32 $0xA180;
	v4 =	vld [tilespmem:s26+$0xFFFFFFB0]  }
0x51: {  	v5 =	vld [tilespmem:s25+$0xFFFFFFB0];
	v2 =	vadd.bf16 v2, v6;
	[tilespmem:s12+$0x0] =	vst v0  }
0x52: {  	v0 =	vld [tilespmem:s16+$0x10]  }
0x53: {  	[tilespmem:s12+$0xFFFFFF80] =	vst v2;
	v2 =	vld [tilespmem:s17+$0x10]  }
0x54: {  	v1 =	vadd.bf16 v3, v1;
	v3 =	vld [tilespmem:s16+$0xFFFFFF90]  }
0x55: {  	v6 =	vld [tilespmem:s17+$0xFFFFFF90]  }
0x56: {  	[tilespmem:s11+$0x40] =	vst v1;
	v1 =	vadd.bf16 v5, v4  }
0x57: {  	v4 =	vld [tilespmem:s26+$0x50]  }
0x58: {  	v5 =	vld [tilespmem:s25+$0x50];
	[tilespmem:s11+$0xFFFFFFB0] =	vst v1;
	v0 =	vadd.bf16 v2, v0  }
0x59: {  	v1 =	vld [tilespmem:s26+$0xFFFFFFC0]  }
0x5a: {  	v2 =	vld [tilespmem:s25+$0xFFFFFFC0];
	v3 =	vadd.bf16 v6, v3;
	[tilespmem:s12+$0x10] =	vst v0  }
0x5b: {  	v0 =	vld [tilespmem:s16+$0x20]  }
0x5c: {  	[tilespmem:s12+$0xFFFFFF90] =	vst v3;
	v3 =	vld [tilespmem:s17+$0x20]  }
0x5d: {  	v4 =	vadd.bf16 v5, v4;
	v5 =	vld [tilespmem:s16+$0xFFFFFFA0]  }
0x5e: {  	v6 =	vld [tilespmem:s17+$0xFFFFFFA0]  }
0x5f: {  	s9 =	simm.s32 $0x5280  }
0x60: {  	v8 =	vld [tilespmem:s9+$0x0];
	[tilespmem:s11+$0x50] =	vst v4  }
0x61: {  	v1 =	vadd.bf16 v2, v1;
	v2 =	vld [tilespmem:s26+$0x60];
	v0 =	vadd.bf16 v3, v0  }
0x62: {  	s1 =	simm.s32 $0x280;
	v4 =	vld [tilespmem:s25+$0x60]  }
0x63: {  	v9 =	vld [tilespmem:s1+$0xFFFFFF80];
	v5 =	vadd.bf16 v6, v5;
	[tilespmem:s12+$0x20] =	vst v0  }
0x64: {  	[tilespmem:s11+$0xFFFFFFC0] =	vst v1;
	v0 =	vld [tilespmem:s16+$0x30]  }
0x65: {  	[tilespmem:s12+$0xFFFFFFA0] =	vst v5;
	v5 =	vld [tilespmem:s17+$0x30]  }
0x66: {  	v1 =	vld [tilespmem:s26+$0xFFFFFFD0]  }
0x67: {  	v3 =	vld [tilespmem:s25+$0xFFFFFFD0];
	v2 =	vadd.bf16 v4, v2  }
0x68: {  	v6 =	vld [tilespmem:s1+$0x0]  }
0x69: {  	v4 =	vld [tilespmem:s16+$0xFFFFFFB0];
	[tilespmem:s11+$0x60] =	vst v2  }
0x6a: {  	v2 =	vld [tilespmem:s26+$0x70];
	v0 =	vadd.bf16 v5, v0  }
0x6b: {  	v7 =	vld [tilespmem:s25+$0x70]  }
0x6c: {  	v5 =	vld [tilespmem:s9+$0xFFFFFF80];
	[tilespmem:s12+$0x30] =	vst v0  }
0x6d: {  	v0 =	vadd.bf16 v3, v1;
	v1 =	vld [tilespmem:s16+$0x40]  }
0x6e: {  	v3 =	vld [tilespmem:s17+$0x40]  }
0x6f: {  	[tilespmem:s11+$0xFFFFFFD0] =	vst v0;
	v0 =	vadd.bf16 v8, v6;
	v6 =	vld [tilespmem:s17+$0xFFFFFFB0]  }
0x70: {  	s0 =	simm.s32 $0xA280;
	v8 =	vld [tilespmem:s26+$0xFFFFFFE0]  }
0x71: {  	v5 =	vadd.bf16 v5, v9;
	[tilespmem:s0+$0x0] =	vst v0;
	v0 =	vld [tilespmem:s25+$0xFFFFFFE0]  }
0x72: {  	v61 =	vld [tilespmem:s1+$0x10]  }
0x73: {  	[tilespmem:s0+$0xFFFFFF80] =	vst v5;
	v5 =	vld [tilespmem:s9+$0x10];
	v1 =	vadd.bf16 v3, v1  }
0x74: {  	v3 =	vld [tilespmem:s1+$0xFFFFFF90]  }
0x75: {  	v4 =	vadd.bf16 v6, v4;
	v6 =	vld [tilespmem:s9+$0xFFFFFF90];
	[tilespmem:s12+$0x40] =	vst v1  }
0x76: {  	v1 =	vld [tilespmem:s16+$0x50]  }
0x77: {  	[tilespmem:s12+$0xFFFFFFB0] =	vst v4;
	v0 =	vadd.bf16 v0, v8;
	v4 =	vld [tilespmem:s17+$0x50]  }
0x78: {  	v5 =	vadd.bf16 v5, v61;
	v8 =	vld [tilespmem:s16+$0xFFFFFFC0]  }
0x79: {  	v62 =	vld [tilespmem:s17+$0xFFFFFFC0];
	[tilespmem:s11+$0xFFFFFFE0] =	vst v0  }
0x7a: {  	v3 =	vadd.bf16 v6, v3;
	[tilespmem:s0+$0x10] =	vst v5;
	v0 =	vld [tilespmem:s26+$0xFFFFFFF0]  }
0x7b: {  	v5 =	vld [tilespmem:s1+$0x20]  }
0x7c: {  	[tilespmem:s0+$0xFFFFFF90] =	vst v3;
	v3 =	vld [tilespmem:s9+$0x20];
	v1 =	vadd.bf16 v4, v1  }
0x7d: {  	v6 =	vld [tilespmem:s1+$0xFFFFFFA0]  }
0x7e: {  	v10 =	vld [tilespmem:s9+$0xFFFFFFA0];
	v4 =	vadd.bf16 v62, v8;
	[tilespmem:s12+$0x50] =	vst v1  }
0x7f: {  	v8 =	vld [tilespmem:s16+$0x60]  }
0x80: {  	[tilespmem:s12+$0xFFFFFFC0] =	vst v4;
	v63 =	vld [tilespmem:s17+$0x60]  }
0x81: {  	v4 =	vld [tilespmem:s17+$0xFFFFFFD0];
	v1 =	vadd.bf16 v3, v5  }
0x82: {  	v3 =	vld [tilespmem:s16+$0xFFFFFFD0]  }
0x83: {  	v5 =	vadd.bf16 v10, v6;
	[tilespmem:s0+$0x20] =	vst v1;
	v1 =	vld [tilespmem:s25+$0xFFFFFFF0]  }
0x84: {  	v2 =	vadd.bf16 v7, v2;
	v6 =	vld [tilespmem:s1+$0x30]  }
0x85: {  	[tilespmem:s0+$0xFFFFFFA0] =	vst v5;
	v7 =	vld [tilespmem:s9+$0x30];
	v5 =	vadd.bf16 v63, v8  }
0x86: {  	s31 =	simm.s32 $0x380;
	[tilespmem:s11+$0x70] =	vst v2;
	s26 =	simm.s32 $0x4;
	s25 =	simm.s32 $0x5280;
	v2 =	vld [tilespmem:s1+$0xFFFFFFB0]  }
.LBB2_3:
0x87: {  	v8 =	vld [tilespmem:s31+$0x0];
	v3 =	vadd.bf16 v4, v3;
	[tilespmem:s12+$0x60] =	vst v5  }
0x88: {  	v4 =	vld [tilespmem:s16+$0x70];
	v0 =	vadd.bf16 v1, v0  }
0x89: {  	s9 =	sadd.s32 $0x100, s9;
	[tilespmem:s12+$0xFFFFFFD0] =	vst v3;
	v1 =	vld [tilespmem:s17+$0x70]  }
0x8a: {  	v3 =	vld [tilespmem:s9+$0x0];
	v5 =	vadd.bf16 v7, v6;
	[tilespmem:s11+$0xFFFFFFF0] =	vst v0;
	s11 =	smov.u32 s12;
	s12 =	smov.u32 s0  }
0x8b: {  	v0 =	vld [tilespmem:s9+$0xFFFFFF80]  }
0x8c: {  	v6 =	vld [tilespmem:s31+$0xFFFFFF80];
	[tilespmem:s0+$0x30] =	vst v5  }
0x8d: {  	v5 =	vld [tilespmem:s1+$0x40]  }
0x8e: {  	v7 =	vld [tilespmem:s25+$0x40];
	v1 =	vadd.bf16 v1, v4  }
0x8f: {  	v3 =	vadd.bf16 v3, v8;
	v4 =	vld [tilespmem:s25+$0xFFFFFFB0]  }
0x90: {  	s0 =	sadd.s32 $0x100, s0;
	v8 =	vld [tilespmem:s16+$0xFFFFFFE0];
	[tilespmem:s11+$0x70] =	vst v1  }
0x91: {  	s26 =	sadd.s32 $0x2, s26;
	v0 =	vadd.bf16 v0, v6;
	[tilespmem:s0+$0x0] =	vst v3;
	v1 =	vld [tilespmem:s17+$0xFFFFFFE0]  }
0x92: {  	p1 =	slt.u32 s26, $0x4E;
	v3 =	vld [tilespmem:s31+$0x10]  }
0x93: {  	[tilespmem:s0+$0xFFFFFF80] =	vst v0;
	v0 =	vld [tilespmem:s9+$0x10];
	v5 =	vadd.bf16 v7, v5  }
0x94: {  	v6 =	vld [tilespmem:s31+$0xFFFFFF90];
	v2 =	vadd.bf16 v4, v2  }
0x95: {  	v4 =	vld [tilespmem:s9+$0xFFFFFF90];
	[tilespmem:s12+$0x40] =	vst v5  }
0x96: {  	[tilespmem:s12+$0xFFFFFFB0] =	vst v2;
	v2 =	vld [tilespmem:s1+$0x50];
	v1 =	vadd.bf16 v1, v8  }
0x97: {  	v5 =	vld [tilespmem:s25+$0x50]  }
0x98: {  	v0 =	vadd.bf16 v0, v3;
	v3 =	vld [tilespmem:s1+$0xFFFFFFC0];
	[tilespmem:s11+$0xFFFFFFE0] =	vst v1  }
0x99: {  	v1 =	vld [tilespmem:s25+$0xFFFFFFC0]  }
0x9a: {  	v4 =	vadd.bf16 v4, v6;
	[tilespmem:s0+$0x10] =	vst v0;
	v0 =	vld [tilespmem:s16+$0xFFFFFFF0];
	s16 =	smov.u32 s1;
	s1 =	smov.u32 s31  }
0x9b: {  	v6 =	vld [tilespmem:s31+$0x20]  }
0x9c: {  	[tilespmem:s0+$0xFFFFFF90] =	vst v4;
	v4 =	vld [tilespmem:s9+$0x20];
	v2 =	vadd.bf16 v5, v2  }
0x9d: {  	v5 =	vld [tilespmem:s31+$0xFFFFFFA0]  }
0x9e: {  	v7 =	vld [tilespmem:s9+$0xFFFFFFA0];
	v1 =	vadd.bf16 v1, v3;
	[tilespmem:s12+$0x50] =	vst v2  }
0x9f: {  	v2 =	vld [tilespmem:s16+$0x60]  }
0xa0: {  	[tilespmem:s12+$0xFFFFFFC0] =	vst v1;
	v8 =	vld [tilespmem:s25+$0x60]  }
0xa1: {  	v1 =	vadd.bf16 v4, v6;
	v3 =	vld [tilespmem:s16+$0xFFFFFFD0]  }
.Ltmp0:
0xa2: {  	v4 =	vld [tilespmem:s25+$0xFFFFFFD0];
	(pc) =	sbr.rel @p1 .LBB2_3-.Ltmp0, $4  }
0xa3: {  	v5 =	vadd.bf16 v7, v5;
	[tilespmem:s0+$0x20] =	vst v1;
	v1 =	vld [tilespmem:s17+$0xFFFFFFF0];
	s17 =	smov.u32 s25;
	s25 =	smov.u32 s9  }
0xa4: {  	v6 =	vld [tilespmem:s31+$0x30]  }
0xa5: {  	[tilespmem:s0+$0xFFFFFFA0] =	vst v5;
	v7 =	vld [tilespmem:s9+$0x30];
	v5 =	vadd.bf16 v8, v2  }
0xa6: {  	s31 =	sadd.s32 $0x100, s31;
	v2 =	vld [tilespmem:s1+$0xFFFFFFB0]  }
0xa7: {  	v8 =	vld [tilespmem:s25+$0xFFFFFFB0];
	_ =	sdelay $0x2  }
0xa8: {  	v6 =	vadd.bf16 v7, v6;
	_ =	sdelay $0x1  }
0xa9: {  	[tilespmem:s0+$0x30] =	vst v6;
	v2 =	vadd.bf16 v8, v2  }
0xaa: {  	v6 =	vld [tilespmem:s1+$0x40]  }
0xab: {  	v7 =	vld [tilespmem:s25+$0x40];
	[tilespmem:s0+$0xFFFFFFB0] =	vst v2  }
0xac: {  	v2 =	vld [tilespmem:s1+$0xFFFFFFC0]  }
0xad: {  	v8 =	vld [tilespmem:s25+$0xFFFFFFC0];
	_ =	sdelay $0x2  }
0xae: {  	v6 =	vadd.bf16 v7, v6;
	_ =	sdelay $0x1  }
0xaf: {  	[tilespmem:s0+$0x40] =	vst v6;
	v2 =	vadd.bf16 v8, v2  }
0xb0: {  	v6 =	vld [tilespmem:s1+$0x50]  }
0xb1: {  	v7 =	vld [tilespmem:s25+$0x50];
	[tilespmem:s0+$0xFFFFFFC0] =	vst v2  }
0xb2: {  	v2 =	vld [tilespmem:s1+$0xFFFFFFD0]  }
0xb3: {  	v8 =	vld [tilespmem:s25+$0xFFFFFFD0]  }
0xb4: {  	v3 =	vadd.bf16 v4, v3;
	_ =	sdelay $0x1  }
0xb5: {  	[tilespmem:s12+$0xFFFFFFD0] =	vst v3;
	v3 =	vadd.bf16 v7, v6  }
0xb6: {  	v4 =	vld [tilespmem:s16+$0xFFFFFFE0]  }
0xb7: {  	v6 =	vld [tilespmem:s17+$0xFFFFFFE0];
	[tilespmem:s0+$0x50] =	vst v3;
	v2 =	vadd.bf16 v8, v2  }
0xb8: {  	v3 =	vld [tilespmem:s1+$0x60]  }
0xb9: {  	v7 =	vld [tilespmem:s25+$0x60];
	[tilespmem:s0+$0xFFFFFFD0] =	vst v2  }
0xba: {  	v2 =	vld [tilespmem:s1+$0xFFFFFFE0]  }
0xbb: {  	v8 =	vld [tilespmem:s25+$0xFFFFFFE0]  }
0xbc: {  	[tilespmem:s12+$0x60] =	vst v5;
	v4 =	vadd.bf16 v6, v4  }
0xbd: {  	v5 =	vld [tilespmem:s16+$0x70]  }
0xbe: {  	v6 =	vld [tilespmem:s17+$0x70];
	[tilespmem:s12+$0xFFFFFFE0] =	vst v4;
	v3 =	vadd.bf16 v7, v3  }
0xbf: {  	v4 =	vld [tilespmem:s16+$0xFFFFFFF0]  }
0xc0: {  	v7 =	vld [tilespmem:s17+$0xFFFFFFF0];
	[tilespmem:s0+$0x60] =	vst v3;
	v2 =	vadd.bf16 v8, v2  }
0xc1: {  	v3 =	vld [tilespmem:s1+$0x70]  }
0xc2: {  	v8 =	vld [tilespmem:s25+$0x70];
	[tilespmem:s0+$0xFFFFFFE0] =	vst v2  }
0xc3: {  	v2 =	vld [tilespmem:s1+$0xFFFFFFF0]  }
0xc4: {  	v9 =	vld [tilespmem:s25+$0xFFFFFFF0]  }
0xc5: {  	v0 =	vadd.bf16 v1, v0  }
0xc6: {  	v1 =	vadd.bf16 v6, v5  }
0xc7: {  	[tilespmem:s11+$0xFFFFFFF0] =	vst v0;
	s11 =	smul.u32 $0xA0, s10;
	v0 =	vadd.bf16 v7, v4  }
0xc8: {  	[tilespmem:s12+$0x70] =	vst v1;
	v1 =	vadd.bf16 v8, v3  }
0xc9: {  	s16 =	sadd.s32 s5, s11;
	[tilespmem:s12+$0xFFFFFFF0] =	vst v0;
	v0 =	vadd.bf16 v9, v2  }
0xca: {  	s22 =	sadd.s32 s11, s13;
	s1 =	sshll.u32 s16, $0x4;
	[tilespmem:s0+$0x70] =	vst v1  }
0xcb: {  	s17 =	sadd.s32 s8, s1;
	[tilespmem:s0+$0xFFFFFFF0] =	vst v0;
	s0 =	sshrl.u32 s22, $0x3  }
0xcc: {  	[hbm4b:s17+s2] =	stream.linear.scatter [tilespmem:s29], [sflag:$0x3], $0x2800, $0x38;
	[tilespmem:$0xF200] =	vst v63  }
0xcd: {  	s25 =	sadd.s32 s6, s0  }
0xce: {  	[tilespmem:s18], [sflag:$0x5] =	stream.linear.gather [hbm4b:s25+s2], $0x50, $0x38;
	[tilespmem:$0xF200] =	vst v63  }
0xcf: {  	_ =	swait.ge [sflag:s19], $0x50  }
0xd0: {  	[sflag:s19] =	ssyncset.done $0x0  }
0xd1: {  	s0 =	sadd.s32 s7, s0;
	[sflag:s19] =	ssyncadd.s32 $0xFFFFFFB0  }
0xd2: {  	[tilespmem:s20], [sflag:$0x5] =	stream.linear.gather [hbm4b:s0+s2], $0x50, $0x38;
	[tilespmem:$0xF200] =	vst v63  }
0xd3: {  	_ =	swait.ge [sflag:s19], $0x50  }
0xd4: {  	[sflag:s19] =	ssyncset.done $0x0  }
0xd5: {  	[sflag:s19] =	ssyncadd.s32 $0xFFFFFFB0  }
0xd6: {  	[tilespmem:s2], [sflag:$0x1] =	stream.indirect.gather [hbm4b:s3+s21], $0x80, s18, s21, $0xb8;
	[tilespmem:$0xF200] =	vst v63  }
0xd7: {  	s26 =	simm.s32 $0x5000  }
0xd8: {  	[tilespmem:s26], [sflag:$0x1] =	stream.indirect.gather [hbm4b:s4+s21], $0x80, s20, s21, $0xb8;
	[tilespmem:$0xF200] =	vst v63  }
0xd9: {  	_ =	swait.ge [sflag:s30], $0x2800  }
0xda: {  	[sflag:s30] =	ssyncset.done $0x0  }
0xdb: {  	[sflag:s30] =	ssyncadd.s32 $0xFFFFD800  }
0xdc: {  	_ =	swait.ge [sflag:s30], $0x2800  }
0xdd: {  	[sflag:s30] =	ssyncset.done $0x0  }
0xde: {  	s0 =	simm.s32 @!p0 $0x4;
	[sflag:s30] =	ssyncadd.s32 $0xFFFFD800  }
0xdf: {  	_ =	swait.ge @!p0 [sflag:s0], $0x2800  }
0xe0: {  	[sflag:s0] =	ssyncset.done @!p0 $0x0  }
0xe1: {  	s31 =	simm.s32 $0x2880;
	[sflag:s0] =	ssyncadd.s32 @!p0 $0xFFFFD800  }
0xe2: {  	s26 =	simm.s32 $0x7880;
	v0 =	vld [tilespmem:s31+$0x0]  }
0xe3: {  	v1 =	vld [tilespmem:s26+$0x0];
	_ =	sdelay $0x4  }
0xe4: {  	v0 =	vadd.bf16 v1, v0  }
0xe5: {  	s12 =	simm.s32 $0xC880  }
0xe6: {  	[tilespmem:s12+$0x0] =	vst v0  }
0xe7: {  	v0 =	vld [tilespmem:s31+$0x10]  }
0xe8: {  	v1 =	vld [tilespmem:s26+$0x10]  }
0xe9: {  	v2 =	vld [tilespmem:s26+$0xFFFFFF80]  }
0xea: {  	v3 =	vld [tilespmem:s31+$0xFFFFFF80];
	_ =	sdelay $0x2  }
0xeb: {  	v0 =	vadd.bf16 v1, v0;
	_ =	sdelay $0x1  }
0xec: {  	[tilespmem:s12+$0x10] =	vst v0;
	v0 =	vadd.bf16 v2, v3  }
0xed: {  	v1 =	vld [tilespmem:s31+$0x20]  }
0xee: {  	v2 =	vld [tilespmem:s26+$0x20];
	[tilespmem:s12+$0xFFFFFF80] =	vst v0  }
0xef: {  	v0 =	vld [tilespmem:s31+$0xFFFFFF90]  }
0xf0: {  	v3 =	vld [tilespmem:s26+$0xFFFFFF90];
	_ =	sdelay $0x2  }
0xf1: {  	v1 =	vadd.bf16 v2, v1;
	_ =	sdelay $0x1  }
0xf2: {  	[tilespmem:s12+$0x20] =	vst v1;
	v0 =	vadd.bf16 v3, v0  }
0xf3: {  	v1 =	vld [tilespmem:s31+$0x30]  }
0xf4: {  	v2 =	vld [tilespmem:s26+$0x30];
	[tilespmem:s12+$0xFFFFFF90] =	vst v0  }
0xf5: {  	v0 =	vld [tilespmem:s31+$0xFFFFFFA0]  }
0xf6: {  	s17 =	simm.s32 $0x2980;
	v3 =	vld [tilespmem:s26+$0xFFFFFFA0]  }
0xf7: {  	s1 =	simm.s32 $0x7980;
	v4 =	vld [tilespmem:s17+$0x0]  }
0xf8: {  	v5 =	vld [tilespmem:s1+$0x0]  }
0xf9: {  	v6 =	vld [tilespmem:s17+$0xFFFFFF80];
	v1 =	vadd.bf16 v2, v1  }
0xfa: {  	v2 =	vld [tilespmem:s1+$0xFFFFFF80]  }
0xfb: {  	[tilespmem:s12+$0x30] =	vst v1;
	v0 =	vadd.bf16 v3, v0  }
0xfc: {  	v1 =	vld [tilespmem:s31+$0x40]  }
0xfd: {  	v3 =	vld [tilespmem:s26+$0x40];
	[tilespmem:s12+$0xFFFFFFA0] =	vst v0;
	v0 =	vadd.bf16 v5, v4  }
0xfe: {  	s16 =	simm.s32 $0xC980;
	v4 =	vld [tilespmem:s31+$0xFFFFFFB0]  }
0xff: {  	v5 =	vld [tilespmem:s26+$0xFFFFFFB0];
	v2 =	vadd.bf16 v2, v6;
	[tilespmem:s16+$0x0] =	vst v0  }
0x100: {  	v0 =	vld [tilespmem:s17+$0x10]  }
0x101: {  	[tilespmem:s16+$0xFFFFFF80] =	vst v2;
	v2 =	vld [tilespmem:s1+$0x10]  }
0x102: {  	v1 =	vadd.bf16 v3, v1;
	v3 =	vld [tilespmem:s17+$0xFFFFFF90]  }
0x103: {  	v6 =	vld [tilespmem:s1+$0xFFFFFF90]  }
0x104: {  	[tilespmem:s12+$0x40] =	vst v1;
	v1 =	vadd.bf16 v5, v4  }
0x105: {  	v4 =	vld [tilespmem:s31+$0x50]  }
0x106: {  	v5 =	vld [tilespmem:s26+$0x50];
	[tilespmem:s12+$0xFFFFFFB0] =	vst v1;
	v0 =	vadd.bf16 v2, v0  }
0x107: {  	v1 =	vld [tilespmem:s31+$0xFFFFFFC0]  }
0x108: {  	v2 =	vld [tilespmem:s26+$0xFFFFFFC0];
	v3 =	vadd.bf16 v6, v3;
	[tilespmem:s16+$0x10] =	vst v0  }
0x109: {  	v0 =	vld [tilespmem:s17+$0x20]  }
0x10a: {  	[tilespmem:s16+$0xFFFFFF90] =	vst v3;
	v3 =	vld [tilespmem:s1+$0x20]  }
0x10b: {  	v4 =	vadd.bf16 v5, v4;
	v5 =	vld [tilespmem:s17+$0xFFFFFFA0]  }
0x10c: {  	v6 =	vld [tilespmem:s1+$0xFFFFFFA0]  }
0x10d: {  	s25 =	simm.s32 $0x7A80  }
0x10e: {  	v8 =	vld [tilespmem:s25+$0x0];
	[tilespmem:s12+$0x50] =	vst v4  }
0x10f: {  	v1 =	vadd.bf16 v2, v1;
	v2 =	vld [tilespmem:s31+$0x60];
	v0 =	vadd.bf16 v3, v0  }
0x110: {  	s0 =	simm.s32 $0x2A80;
	v4 =	vld [tilespmem:s26+$0x60]  }
0x111: {  	v60 =	vld [tilespmem:s0+$0xFFFFFF80];
	v5 =	vadd.bf16 v6, v5;
	[tilespmem:s16+$0x20] =	vst v0  }
0x112: {  	[tilespmem:s12+$0xFFFFFFC0] =	vst v1;
	v0 =	vld [tilespmem:s17+$0x30]  }
0x113: {  	[tilespmem:s16+$0xFFFFFFA0] =	vst v5;
	v5 =	vld [tilespmem:s1+$0x30]  }
0x114: {  	v1 =	vld [tilespmem:s31+$0xFFFFFFD0]  }
0x115: {  	v3 =	vld [tilespmem:s26+$0xFFFFFFD0];
	v2 =	vadd.bf16 v4, v2  }
0x116: {  	v6 =	vld [tilespmem:s0+$0x0]  }
0x117: {  	v4 =	vld [tilespmem:s17+$0xFFFFFFB0];
	[tilespmem:s12+$0x60] =	vst v2  }
0x118: {  	v2 =	vld [tilespmem:s31+$0x70];
	v0 =	vadd.bf16 v5, v0  }
0x119: {  	v7 =	vld [tilespmem:s26+$0x70]  }
0x11a: {  	v5 =	vld [tilespmem:s25+$0xFFFFFF80];
	[tilespmem:s16+$0x30] =	vst v0  }
0x11b: {  	v0 =	vadd.bf16 v3, v1;
	v1 =	vld [tilespmem:s17+$0x40]  }
0x11c: {  	v3 =	vld [tilespmem:s1+$0x40]  }
0x11d: {  	[tilespmem:s12+$0xFFFFFFD0] =	vst v0;
	v0 =	vadd.bf16 v8, v6;
	v6 =	vld [tilespmem:s1+$0xFFFFFFB0]  }
0x11e: {  	s9 =	simm.s32 $0xCA80;
	v8 =	vld [tilespmem:s31+$0xFFFFFFE0]  }
0x11f: {  	v5 =	vadd.bf16 v5, v60;
	[tilespmem:s9+$0x0] =	vst v0;
	v0 =	vld [tilespmem:s26+$0xFFFFFFE0]  }
0x120: {  	v61 =	vld [tilespmem:s0+$0x10]  }
0x121: {  	[tilespmem:s9+$0xFFFFFF80] =	vst v5;
	v5 =	vld [tilespmem:s25+$0x10];
	v1 =	vadd.bf16 v3, v1  }
0x122: {  	v3 =	vld [tilespmem:s0+$0xFFFFFF90]  }
0x123: {  	v4 =	vadd.bf16 v6, v4;
	v6 =	vld [tilespmem:s25+$0xFFFFFF90];
	[tilespmem:s16+$0x40] =	vst v1  }
0x124: {  	v1 =	vld [tilespmem:s17+$0x50]  }
0x125: {  	[tilespmem:s16+$0xFFFFFFB0] =	vst v4;
	v0 =	vadd.bf16 v0, v8;
	v4 =	vld [tilespmem:s1+$0x50]  }
0x126: {  	v5 =	vadd.bf16 v5, v61;
	v8 =	vld [tilespmem:s17+$0xFFFFFFC0]  }
0x127: {  	v62 =	vld [tilespmem:s1+$0xFFFFFFC0];
	[tilespmem:s12+$0xFFFFFFE0] =	vst v0  }
0x128: {  	v3 =	vadd.bf16 v6, v3;
	[tilespmem:s9+$0x10] =	vst v5;
	v0 =	vld [tilespmem:s31+$0xFFFFFFF0]  }
0x129: {  	v5 =	vld [tilespmem:s0+$0x20]  }
0x12a: {  	[tilespmem:s9+$0xFFFFFF90] =	vst v3;
	v3 =	vld [tilespmem:s25+$0x20];
	v1 =	vadd.bf16 v4, v1  }
0x12b: {  	v6 =	vld [tilespmem:s0+$0xFFFFFFA0]  }
0x12c: {  	v10 =	vld [tilespmem:s25+$0xFFFFFFA0];
	v4 =	vadd.bf16 v62, v8;
	[tilespmem:s16+$0x50] =	vst v1  }
0x12d: {  	v8 =	vld [tilespmem:s17+$0x60]  }
0x12e: {  	[tilespmem:s16+$0xFFFFFFC0] =	vst v4;
	v63 =	vld [tilespmem:s1+$0x60]  }
0x12f: {  	v4 =	vld [tilespmem:s1+$0xFFFFFFD0];
	v1 =	vadd.bf16 v3, v5  }
0x130: {  	v3 =	vld [tilespmem:s17+$0xFFFFFFD0]  }
0x131: {  	v5 =	vadd.bf16 v10, v6;
	[tilespmem:s9+$0x20] =	vst v1;
	v1 =	vld [tilespmem:s26+$0xFFFFFFF0]  }
0x132: {  	v2 =	vadd.bf16 v7, v2;
	v6 =	vld [tilespmem:s0+$0x30]  }
0x133: {  	[tilespmem:s9+$0xFFFFFFA0] =	vst v5;
	v7 =	vld [tilespmem:s25+$0x30];
	v5 =	vadd.bf16 v63, v8  }
0x134: {  	s22 =	simm.s32 $0x2B80;
	[tilespmem:s12+$0x70] =	vst v2;
	s31 =	simm.s32 $0x4;
	s26 =	simm.s32 $0x7A80;
	v2 =	vld [tilespmem:s0+$0xFFFFFFB0]  }
.LBB2_5:
0x135: {  	v8 =	vld [tilespmem:s22+$0x0];
	v3 =	vadd.bf16 v4, v3;
	[tilespmem:s16+$0x60] =	vst v5  }
0x136: {  	v4 =	vld [tilespmem:s17+$0x70];
	v0 =	vadd.bf16 v1, v0  }
0x137: {  	s25 =	sadd.s32 $0x100, s25;
	[tilespmem:s16+$0xFFFFFFD0] =	vst v3;
	v1 =	vld [tilespmem:s1+$0x70]  }
0x138: {  	v3 =	vld [tilespmem:s25+$0x0];
	v5 =	vadd.bf16 v7, v6;
	[tilespmem:s12+$0xFFFFFFF0] =	vst v0;
	s12 =	smov.u32 s16;
	s16 =	smov.u32 s9  }
0x139: {  	v0 =	vld [tilespmem:s25+$0xFFFFFF80]  }
0x13a: {  	v6 =	vld [tilespmem:s22+$0xFFFFFF80];
	[tilespmem:s9+$0x30] =	vst v5  }
0x13b: {  	v5 =	vld [tilespmem:s0+$0x40]  }
0x13c: {  	v7 =	vld [tilespmem:s26+$0x40];
	v1 =	vadd.bf16 v1, v4  }
0x13d: {  	v3 =	vadd.bf16 v3, v8;
	v4 =	vld [tilespmem:s26+$0xFFFFFFB0]  }
0x13e: {  	s9 =	sadd.s32 $0x100, s9;
	v8 =	vld [tilespmem:s17+$0xFFFFFFE0];
	[tilespmem:s12+$0x70] =	vst v1  }
0x13f: {  	s31 =	sadd.s32 $0x2, s31;
	v0 =	vadd.bf16 v0, v6;
	[tilespmem:s9+$0x0] =	vst v3;
	v1 =	vld [tilespmem:s1+$0xFFFFFFE0]  }
0x140: {  	p0 =	slt.u32 s31, $0x4E;
	v3 =	vld [tilespmem:s22+$0x10]  }
0x141: {  	[tilespmem:s9+$0xFFFFFF80] =	vst v0;
	v0 =	vld [tilespmem:s25+$0x10];
	v5 =	vadd.bf16 v7, v5  }
0x142: {  	v6 =	vld [tilespmem:s22+$0xFFFFFF90];
	v2 =	vadd.bf16 v4, v2  }
0x143: {  	v4 =	vld [tilespmem:s25+$0xFFFFFF90];
	[tilespmem:s16+$0x40] =	vst v5  }
0x144: {  	[tilespmem:s16+$0xFFFFFFB0] =	vst v2;
	v2 =	vld [tilespmem:s0+$0x50];
	v1 =	vadd.bf16 v1, v8  }
0x145: {  	v5 =	vld [tilespmem:s26+$0x50]  }
0x146: {  	v0 =	vadd.bf16 v0, v3;
	v3 =	vld [tilespmem:s0+$0xFFFFFFC0];
	[tilespmem:s12+$0xFFFFFFE0] =	vst v1  }
0x147: {  	v1 =	vld [tilespmem:s26+$0xFFFFFFC0]  }
0x148: {  	v4 =	vadd.bf16 v4, v6;
	[tilespmem:s9+$0x10] =	vst v0;
	v0 =	vld [tilespmem:s17+$0xFFFFFFF0];
	s17 =	smov.u32 s0;
	s0 =	smov.u32 s22  }
0x149: {  	v6 =	vld [tilespmem:s22+$0x20]  }
0x14a: {  	[tilespmem:s9+$0xFFFFFF90] =	vst v4;
	v4 =	vld [tilespmem:s25+$0x20];
	v2 =	vadd.bf16 v5, v2  }
0x14b: {  	v5 =	vld [tilespmem:s22+$0xFFFFFFA0]  }
0x14c: {  	v7 =	vld [tilespmem:s25+$0xFFFFFFA0];
	v1 =	vadd.bf16 v1, v3;
	[tilespmem:s16+$0x50] =	vst v2  }
0x14d: {  	v2 =	vld [tilespmem:s17+$0x60]  }
0x14e: {  	[tilespmem:s16+$0xFFFFFFC0] =	vst v1;
	v8 =	vld [tilespmem:s26+$0x60]  }
0x14f: {  	v1 =	vadd.bf16 v4, v6;
	v3 =	vld [tilespmem:s17+$0xFFFFFFD0]  }
.Ltmp1:
0x150: {  	v4 =	vld [tilespmem:s26+$0xFFFFFFD0];
	(pc) =	sbr.rel @p0 .LBB2_5-.Ltmp1, $4  }
0x151: {  	v5 =	vadd.bf16 v7, v5;
	[tilespmem:s9+$0x20] =	vst v1;
	v1 =	vld [tilespmem:s1+$0xFFFFFFF0];
	s1 =	smov.u32 s26;
	s26 =	smov.u32 s25  }
0x152: {  	v6 =	vld [tilespmem:s22+$0x30]  }
0x153: {  	[tilespmem:s9+$0xFFFFFFA0] =	vst v5;
	v7 =	vld [tilespmem:s25+$0x30];
	v5 =	vadd.bf16 v8, v2  }
0x154: {  	s22 =	sadd.s32 $0x100, s22;
	v2 =	vld [tilespmem:s0+$0xFFFFFFB0]  }
0x155: {  	v8 =	vld [tilespmem:s26+$0xFFFFFFB0];
	_ =	sdelay $0x2  }
0x156: {  	v6 =	vadd.bf16 v7, v6;
	_ =	sdelay $0x1  }
0x157: {  	[tilespmem:s9+$0x30] =	vst v6;
	v2 =	vadd.bf16 v8, v2  }
0x158: {  	v6 =	vld [tilespmem:s0+$0x40]  }
0x159: {  	v48 =	vld [tilespmem:s26+$0x40];
	[tilespmem:s9+$0xFFFFFFB0] =	vst v2  }
0x15a: {  	v2 =	vld [tilespmem:s0+$0xFFFFFFC0]  }
0x15b: {  	v49 =	vld [tilespmem:s26+$0xFFFFFFC0];
	_ =	sdelay $0x2  }
0x15c: {  	v6 =	vadd.bf16 v48, v6;
	_ =	sdelay $0x1  }
0x15d: {  	[tilespmem:s9+$0x40] =	vst v6;
	v2 =	vadd.bf16 v49, v2  }
0x15e: {  	v6 =	vld [tilespmem:s0+$0x50]  }
0x15f: {  	v50 =	vld [tilespmem:s26+$0x50];
	[tilespmem:s9+$0xFFFFFFC0] =	vst v2  }
0x160: {  	v2 =	vld [tilespmem:s0+$0xFFFFFFD0]  }
0x161: {  	v51 =	vld [tilespmem:s26+$0xFFFFFFD0]  }
0x162: {  	v3 =	vadd.bf16 v4, v3;
	_ =	sdelay $0x1  }
0x163: {  	[tilespmem:s16+$0xFFFFFFD0] =	vst v3;
	v52 =	vadd.bf16 v50, v6  }
0x164: {  	v53 =	vld [tilespmem:s17+$0xFFFFFFE0]  }
0x165: {  	v54 =	vld [tilespmem:s1+$0xFFFFFFE0];
	[tilespmem:s9+$0x50] =	vst v52;
	v2 =	vadd.bf16 v51, v2  }
0x166: {  	v3 =	vld [tilespmem:s0+$0x60]  }
0x167: {  	v55 =	vld [tilespmem:s26+$0x60];
	[tilespmem:s9+$0xFFFFFFD0] =	vst v2  }
0x168: {  	v2 =	vld [tilespmem:s0+$0xFFFFFFE0]  }
0x169: {  	v56 =	vld [tilespmem:s26+$0xFFFFFFE0]  }
0x16a: {  	[tilespmem:s16+$0x60] =	vst v5;
	v4 =	vadd.bf16 v54, v53  }
0x16b: {  	v5 =	vld [tilespmem:s17+$0x70]  }
0x16c: {  	v57 =	vld [tilespmem:s1+$0x70];
	[tilespmem:s16+$0xFFFFFFE0] =	vst v4;
	v3 =	vadd.bf16 v55, v3  }
0x16d: {  	v4 =	vld [tilespmem:s17+$0xFFFFFFF0]  }
0x16e: {  	v58 =	vld [tilespmem:s1+$0xFFFFFFF0];
	[tilespmem:s9+$0x60] =	vst v3;
	v2 =	vadd.bf16 v56, v2  }
0x16f: {  	v3 =	vld [tilespmem:s0+$0x70]  }
0x170: {  	v59 =	vld [tilespmem:s26+$0x70];
	[tilespmem:s9+$0xFFFFFFE0] =	vst v2  }
0x171: {  	v2 =	vld [tilespmem:s0+$0xFFFFFFF0]  }
0x172: {  	v9 =	vld [tilespmem:s26+$0xFFFFFFF0]  }
0x173: {  	v0 =	vadd.bf16 v1, v0  }
0x174: {  	v60 =	vadd.bf16 v57, v5  }
0x175: {  	p0 =	seq.s32 s10, $0x1F;
	[tilespmem:s12+$0xFFFFFFF0] =	vst v0;
	v61 =	vadd.bf16 v58, v4  }
.Ltmp2:
0x176: {  	[tilespmem:s16+$0x70] =	vst v60;
	v62 =	vadd.bf16 v59, v3;
	(pc) =	sbr.rel @p0 .LBB2_8-.Ltmp2, $4  }
0x177: {  	[tilespmem:s16+$0xFFFFFFF0] =	vst v61;
	s26 =	sadd.s32 s11, s14;
	v63 =	vadd.bf16 v9, v2  }
0x178: {  	s0 =	sshll.u32 s26, $0x4;
	[tilespmem:s9+$0x70] =	vst v62  }
0x179: {  	s31 =	simm.s32 $0xC800;
	s0 =	sadd.s32 s8, s0;
	[tilespmem:s9+$0xFFFFFFF0] =	vst v63  }
0x17a: {  	[hbm4b:s0+s2] =	stream.linear.scatter [tilespmem:s31], [sflag:$0x4], $0x2800, $0x38;
	[tilespmem:$0xF200] =	vst v63  }
0x17b: {  	s0 =	sadd.s32 s11, s15  }
0x17c: {  	s0 =	sshrl.u32 s0, $0x3  }
0x17d: {  	s1 =	sadd.s32 s6, s0  }
0x17e: {  	[tilespmem:s23], [sflag:$0x5] =	stream.linear.gather [hbm4b:s1+s2], $0x50, $0x38;
	[tilespmem:$0xF200] =	vst v63  }
0x17f: {  	_ =	swait.ge [sflag:s19], $0x50  }
0x180: {  	[sflag:s19] =	ssyncset.done $0x0  }
0x181: {  	s0 =	sadd.s32 s7, s0;
	[sflag:s19] =	ssyncadd.s32 $0xFFFFFFB0  }
0x182: {  	[tilespmem:s24], [sflag:$0x5] =	stream.linear.gather [hbm4b:s0+s2], $0x50, $0x38;
	[tilespmem:$0xF200] =	vst v63  }
0x183: {  	_ =	swait.ge [sflag:s19], $0x50  }
.Ltmp3:
0x184: {  	[sflag:s19] =	ssyncset.done $0x0;
	(pc) =	sbr.rel .LBB2_2-.Ltmp3, $4  }
0x185: {  	s26 =	simm.s32 $0x2800;
	[sflag:s19] =	ssyncadd.s32 $0xFFFFFFB0  }
0x186: {  	[tilespmem:s26], [sflag:$0x2] =	stream.indirect.gather [hbm4b:s3+s21], $0x80, s23, s21, $0xb8;
	[tilespmem:$0xF200] =	vst v63  }
0x187: {  	s31 =	simm.s32 $0x7800;
	s10 =	sadd.s32 $0x1, s10  }
0x188: {  	[tilespmem:s31], [sflag:$0x2] =	stream.indirect.gather [hbm4b:s4+s21], $0x80, s24, s21, $0xb8;
	[tilespmem:$0xF200] =	vst v63  }
.LBB2_8:
0x189: {  	_ =	swait.ge [sflag:s28], $0x2800  }
0x18a: {  	[sflag:s28] =	ssyncset.done $0x0  }
0x18b: {  	[sflag:s28] =	ssyncadd.s32 $0xFFFFD800  }
0x18c: {  	_ =	swait.ge [sflag:s28], $0x2800  }
0x18d: {  	[sflag:s28] =	ssyncset.done $0x0  }
0x18e: {  	s26 =	simm.s32 $0x3;
	[sflag:s28] =	ssyncadd.s32 $0xFFFFD800  }
0x18f: {  	_ =	swait.ge [sflag:s26], $0x2800  }
0x190: {  	[sflag:s26] =	ssyncset.done $0x0  }
0x191: {  	s25 =	simm.s32 $0x80;
	[sflag:s26] =	ssyncadd.s32 $0xFFFFD800  }
0x192: {  	s17 =	simm.s32 $0x5080;
	v0 =	vld [tilespmem:s25+$0x0]  }
0x193: {  	v1 =	vld [tilespmem:s17+$0x0];
	_ =	sdelay $0x4  }
0x194: {  	v0 =	vadd.bf16 v1, v0  }
0x195: {  	s10 =	simm.s32 $0xA080  }
0x196: {  	[tilespmem:s10+$0x0] =	vst v0  }
0x197: {  	v0 =	vld [tilespmem:s25+$0x10]  }
0x198: {  	v1 =	vld [tilespmem:s17+$0x10]  }
0x199: {  	v2 =	vld [tilespmem:s17+$0xFFFFFF80]  }
0x19a: {  	v3 =	vld [tilespmem:s25+$0xFFFFFF80];
	_ =	sdelay $0x2  }
0x19b: {  	v0 =	vadd.bf16 v1, v0;
	_ =	sdelay $0x1  }
0x19c: {  	[tilespmem:s10+$0x10] =	vst v0;
	v0 =	vadd.bf16 v2, v3  }
0x19d: {  	v1 =	vld [tilespmem:s25+$0x20]  }
0x19e: {  	v2 =	vld [tilespmem:s17+$0x20];
	[tilespmem:s10+$0xFFFFFF80] =	vst v0  }
0x19f: {  	v0 =	vld [tilespmem:s25+$0xFFFFFF90]  }
0x1a0: {  	v3 =	vld [tilespmem:s17+$0xFFFFFF90];
	_ =	sdelay $0x2  }
0x1a1: {  	v1 =	vadd.bf16 v2, v1;
	_ =	sdelay $0x1  }
0x1a2: {  	[tilespmem:s10+$0x20] =	vst v1;
	v0 =	vadd.bf16 v3, v0  }
0x1a3: {  	v1 =	vld [tilespmem:s25+$0x30]  }
0x1a4: {  	v2 =	vld [tilespmem:s17+$0x30];
	[tilespmem:s10+$0xFFFFFF90] =	vst v0  }
0x1a5: {  	v0 =	vld [tilespmem:s25+$0xFFFFFFA0]  }
0x1a6: {  	s12 =	simm.s32 $0x180;
	v3 =	vld [tilespmem:s17+$0xFFFFFFA0]  }
0x1a7: {  	s1 =	simm.s32 $0x5180;
	v4 =	vld [tilespmem:s12+$0x0]  }
0x1a8: {  	v5 =	vld [tilespmem:s1+$0x0]  }
0x1a9: {  	v6 =	vld [tilespmem:s12+$0xFFFFFF80];
	v1 =	vadd.bf16 v2, v1  }
0x1aa: {  	v2 =	vld [tilespmem:s1+$0xFFFFFF80]  }
0x1ab: {  	[tilespmem:s10+$0x30] =	vst v1;
	v0 =	vadd.bf16 v3, v0  }
0x1ac: {  	v1 =	vld [tilespmem:s25+$0x40]  }
0x1ad: {  	v3 =	vld [tilespmem:s17+$0x40];
	[tilespmem:s10+$0xFFFFFFA0] =	vst v0;
	v0 =	vadd.bf16 v5, v4  }
0x1ae: {  	s11 =	simm.s32 $0xA180;
	v4 =	vld [tilespmem:s25+$0xFFFFFFB0]  }
0x1af: {  	v5 =	vld [tilespmem:s17+$0xFFFFFFB0];
	v2 =	vadd.bf16 v2, v6;
	[tilespmem:s11+$0x0] =	vst v0  }
0x1b0: {  	v0 =	vld [tilespmem:s12+$0x10]  }
0x1b1: {  	[tilespmem:s11+$0xFFFFFF80] =	vst v2;
	v2 =	vld [tilespmem:s1+$0x10]  }
0x1b2: {  	v1 =	vadd.bf16 v3, v1;
	v3 =	vld [tilespmem:s12+$0xFFFFFF90]  }
0x1b3: {  	v6 =	vld [tilespmem:s1+$0xFFFFFF90]  }
0x1b4: {  	[tilespmem:s10+$0x40] =	vst v1;
	v1 =	vadd.bf16 v5, v4  }
0x1b5: {  	v4 =	vld [tilespmem:s25+$0x50]  }
0x1b6: {  	v5 =	vld [tilespmem:s17+$0x50];
	[tilespmem:s10+$0xFFFFFFB0] =	vst v1;
	v0 =	vadd.bf16 v2, v0  }
0x1b7: {  	v1 =	vld [tilespmem:s25+$0xFFFFFFC0]  }
0x1b8: {  	v2 =	vld [tilespmem:s17+$0xFFFFFFC0];
	v3 =	vadd.bf16 v6, v3;
	[tilespmem:s11+$0x10] =	vst v0  }
0x1b9: {  	v0 =	vld [tilespmem:s12+$0x20]  }
0x1ba: {  	[tilespmem:s11+$0xFFFFFF90] =	vst v3;
	v3 =	vld [tilespmem:s1+$0x20]  }
0x1bb: {  	v4 =	vadd.bf16 v5, v4;
	v5 =	vld [tilespmem:s12+$0xFFFFFFA0]  }
0x1bc: {  	v6 =	vld [tilespmem:s1+$0xFFFFFFA0]  }
0x1bd: {  	s16 =	simm.s32 $0x5280  }
0x1be: {  	v8 =	vld [tilespmem:s16+$0x0];
	[tilespmem:s10+$0x50] =	vst v4  }
0x1bf: {  	v1 =	vadd.bf16 v2, v1;
	v2 =	vld [tilespmem:s25+$0x60];
	v0 =	vadd.bf16 v3, v0  }
0x1c0: {  	s0 =	simm.s32 $0x280;
	v4 =	vld [tilespmem:s17+$0x60]  }
0x1c1: {  	v9 =	vld [tilespmem:s0+$0xFFFFFF80];
	v5 =	vadd.bf16 v6, v5;
	[tilespmem:s11+$0x20] =	vst v0  }
0x1c2: {  	[tilespmem:s10+$0xFFFFFFC0] =	vst v1;
	v0 =	vld [tilespmem:s12+$0x30]  }
0x1c3: {  	[tilespmem:s11+$0xFFFFFFA0] =	vst v5;
	v5 =	vld [tilespmem:s1+$0x30]  }
0x1c4: {  	v1 =	vld [tilespmem:s25+$0xFFFFFFD0]  }
0x1c5: {  	v3 =	vld [tilespmem:s17+$0xFFFFFFD0];
	v2 =	vadd.bf16 v4, v2  }
0x1c6: {  	v6 =	vld [tilespmem:s0+$0x0]  }
0x1c7: {  	v4 =	vld [tilespmem:s12+$0xFFFFFFB0];
	[tilespmem:s10+$0x60] =	vst v2  }
0x1c8: {  	v2 =	vld [tilespmem:s25+$0x70];
	v0 =	vadd.bf16 v5, v0  }
0x1c9: {  	v7 =	vld [tilespmem:s17+$0x70]  }
0x1ca: {  	v5 =	vld [tilespmem:s16+$0xFFFFFF80];
	[tilespmem:s11+$0x30] =	vst v0  }
0x1cb: {  	v0 =	vadd.bf16 v3, v1;
	v1 =	vld [tilespmem:s12+$0x40]  }
0x1cc: {  	v3 =	vld [tilespmem:s1+$0x40]  }
0x1cd: {  	[tilespmem:s10+$0xFFFFFFD0] =	vst v0;
	v0 =	vadd.bf16 v8, v6;
	v6 =	vld [tilespmem:s1+$0xFFFFFFB0]  }
0x1ce: {  	s9 =	simm.s32 $0xA280;
	v8 =	vld [tilespmem:s25+$0xFFFFFFE0]  }
0x1cf: {  	v5 =	vadd.bf16 v5, v9;
	[tilespmem:s9+$0x0] =	vst v0;
	v0 =	vld [tilespmem:s17+$0xFFFFFFE0]  }
0x1d0: {  	v61 =	vld [tilespmem:s0+$0x10]  }
0x1d1: {  	[tilespmem:s9+$0xFFFFFF80] =	vst v5;
	v5 =	vld [tilespmem:s16+$0x10];
	v1 =	vadd.bf16 v3, v1  }
0x1d2: {  	v3 =	vld [tilespmem:s0+$0xFFFFFF90]  }
0x1d3: {  	v4 =	vadd.bf16 v6, v4;
	v6 =	vld [tilespmem:s16+$0xFFFFFF90];
	[tilespmem:s11+$0x40] =	vst v1  }
0x1d4: {  	v1 =	vld [tilespmem:s12+$0x50]  }
0x1d5: {  	[tilespmem:s11+$0xFFFFFFB0] =	vst v4;
	v0 =	vadd.bf16 v0, v8;
	v4 =	vld [tilespmem:s1+$0x50]  }
0x1d6: {  	v5 =	vadd.bf16 v5, v61;
	v8 =	vld [tilespmem:s12+$0xFFFFFFC0]  }
0x1d7: {  	v62 =	vld [tilespmem:s1+$0xFFFFFFC0];
	[tilespmem:s10+$0xFFFFFFE0] =	vst v0  }
0x1d8: {  	v3 =	vadd.bf16 v6, v3;
	[tilespmem:s9+$0x10] =	vst v5;
	v0 =	vld [tilespmem:s25+$0xFFFFFFF0]  }
0x1d9: {  	v5 =	vld [tilespmem:s0+$0x20]  }
0x1da: {  	[tilespmem:s9+$0xFFFFFF90] =	vst v3;
	v3 =	vld [tilespmem:s16+$0x20];
	v1 =	vadd.bf16 v4, v1  }
0x1db: {  	v6 =	vld [tilespmem:s0+$0xFFFFFFA0]  }
0x1dc: {  	v10 =	vld [tilespmem:s16+$0xFFFFFFA0];
	v4 =	vadd.bf16 v62, v8;
	[tilespmem:s11+$0x50] =	vst v1  }
0x1dd: {  	v8 =	vld [tilespmem:s12+$0x60]  }
0x1de: {  	[tilespmem:s11+$0xFFFFFFC0] =	vst v4;
	v63 =	vld [tilespmem:s1+$0x60]  }
0x1df: {  	v4 =	vld [tilespmem:s1+$0xFFFFFFD0];
	v1 =	vadd.bf16 v3, v5  }
0x1e0: {  	v3 =	vld [tilespmem:s12+$0xFFFFFFD0]  }
0x1e1: {  	v5 =	vadd.bf16 v10, v6;
	[tilespmem:s9+$0x20] =	vst v1;
	v1 =	vld [tilespmem:s17+$0xFFFFFFF0]  }
0x1e2: {  	v2 =	vadd.bf16 v7, v2;
	v6 =	vld [tilespmem:s0+$0x30]  }
0x1e3: {  	[tilespmem:s9+$0xFFFFFFA0] =	vst v5;
	v7 =	vld [tilespmem:s16+$0x30];
	v5 =	vadd.bf16 v63, v8  }
0x1e4: {  	s22 =	simm.s32 $0x380;
	[tilespmem:s10+$0x70] =	vst v2;
	s25 =	simm.s32 $0x4;
	s17 =	simm.s32 $0x5280;
	v2 =	vld [tilespmem:s0+$0xFFFFFFB0]  }
.LBB2_9:
0x1e5: {  	v8 =	vld [tilespmem:s22+$0x0];
	v3 =	vadd.bf16 v4, v3;
	[tilespmem:s11+$0x60] =	vst v5  }
0x1e6: {  	v4 =	vld [tilespmem:s12+$0x70];
	v0 =	vadd.bf16 v1, v0  }
0x1e7: {  	s16 =	sadd.s32 $0x100, s16;
	[tilespmem:s11+$0xFFFFFFD0] =	vst v3;
	v1 =	vld [tilespmem:s1+$0x70]  }
0x1e8: {  	v3 =	vld [tilespmem:s16+$0x0];
	v5 =	vadd.bf16 v7, v6;
	[tilespmem:s10+$0xFFFFFFF0] =	vst v0;
	s10 =	smov.u32 s11;
	s11 =	smov.u32 s9  }
0x1e9: {  	v0 =	vld [tilespmem:s16+$0xFFFFFF80]  }
0x1ea: {  	v6 =	vld [tilespmem:s22+$0xFFFFFF80];
	[tilespmem:s9+$0x30] =	vst v5  }
0x1eb: {  	v5 =	vld [tilespmem:s0+$0x40]  }
0x1ec: {  	v7 =	vld [tilespmem:s17+$0x40];
	v1 =	vadd.bf16 v1, v4  }
0x1ed: {  	v3 =	vadd.bf16 v3, v8;
	v4 =	vld [tilespmem:s17+$0xFFFFFFB0]  }
0x1ee: {  	s9 =	sadd.s32 $0x100, s9;
	v8 =	vld [tilespmem:s12+$0xFFFFFFE0];
	[tilespmem:s10+$0x70] =	vst v1  }
0x1ef: {  	s25 =	sadd.s32 $0x2, s25;
	v0 =	vadd.bf16 v0, v6;
	[tilespmem:s9+$0x0] =	vst v3;
	v1 =	vld [tilespmem:s1+$0xFFFFFFE0]  }
0x1f0: {  	p0 =	slt.u32 s25, $0x4E;
	v3 =	vld [tilespmem:s22+$0x10]  }
0x1f1: {  	[tilespmem:s9+$0xFFFFFF80] =	vst v0;
	v0 =	vld [tilespmem:s16+$0x10];
	v5 =	vadd.bf16 v7, v5  }
0x1f2: {  	v6 =	vld [tilespmem:s22+$0xFFFFFF90];
	v2 =	vadd.bf16 v4, v2  }
0x1f3: {  	v4 =	vld [tilespmem:s16+$0xFFFFFF90];
	[tilespmem:s11+$0x40] =	vst v5  }
0x1f4: {  	[tilespmem:s11+$0xFFFFFFB0] =	vst v2;
	v2 =	vld [tilespmem:s0+$0x50];
	v1 =	vadd.bf16 v1, v8  }
0x1f5: {  	v5 =	vld [tilespmem:s17+$0x50]  }
0x1f6: {  	v0 =	vadd.bf16 v0, v3;
	v3 =	vld [tilespmem:s0+$0xFFFFFFC0];
	[tilespmem:s10+$0xFFFFFFE0] =	vst v1  }
0x1f7: {  	v1 =	vld [tilespmem:s17+$0xFFFFFFC0]  }
0x1f8: {  	v4 =	vadd.bf16 v4, v6;
	[tilespmem:s9+$0x10] =	vst v0;
	v0 =	vld [tilespmem:s12+$0xFFFFFFF0];
	s12 =	smov.u32 s0;
	s0 =	smov.u32 s22  }
0x1f9: {  	v6 =	vld [tilespmem:s22+$0x20]  }
0x1fa: {  	[tilespmem:s9+$0xFFFFFF90] =	vst v4;
	v4 =	vld [tilespmem:s16+$0x20];
	v2 =	vadd.bf16 v5, v2  }
0x1fb: {  	v5 =	vld [tilespmem:s22+$0xFFFFFFA0]  }
0x1fc: {  	v7 =	vld [tilespmem:s16+$0xFFFFFFA0];
	v1 =	vadd.bf16 v1, v3;
	[tilespmem:s11+$0x50] =	vst v2  }
0x1fd: {  	v2 =	vld [tilespmem:s12+$0x60]  }
0x1fe: {  	[tilespmem:s11+$0xFFFFFFC0] =	vst v1;
	v8 =	vld [tilespmem:s17+$0x60]  }
0x1ff: {  	v1 =	vadd.bf16 v4, v6;
	v3 =	vld [tilespmem:s12+$0xFFFFFFD0]  }
.Ltmp4:
0x200: {  	v4 =	vld [tilespmem:s17+$0xFFFFFFD0];
	(pc) =	sbr.rel @p0 .LBB2_9-.Ltmp4, $4  }
0x201: {  	v5 =	vadd.bf16 v7, v5;
	[tilespmem:s9+$0x20] =	vst v1;
	v1 =	vld [tilespmem:s1+$0xFFFFFFF0];
	s1 =	smov.u32 s17;
	s17 =	smov.u32 s16  }
0x202: {  	v6 =	vld [tilespmem:s22+$0x30]  }
0x203: {  	[tilespmem:s9+$0xFFFFFFA0] =	vst v5;
	v7 =	vld [tilespmem:s16+$0x30];
	v5 =	vadd.bf16 v8, v2  }
0x204: {  	s22 =	sadd.s32 $0x100, s22;
	v2 =	vld [tilespmem:s0+$0xFFFFFFB0]  }
0x205: {  	v8 =	vld [tilespmem:s17+$0xFFFFFFB0];
	_ =	sdelay $0x2  }
0x206: {  	v6 =	vadd.bf16 v7, v6;
	_ =	sdelay $0x1  }
0x207: {  	[tilespmem:s9+$0x30] =	vst v6;
	v2 =	vadd.bf16 v8, v2  }
0x208: {  	v6 =	vld [tilespmem:s0+$0x40]  }
0x209: {  	v48 =	vld [tilespmem:s17+$0x40];
	[tilespmem:s9+$0xFFFFFFB0] =	vst v2  }
0x20a: {  	v2 =	vld [tilespmem:s0+$0xFFFFFFC0]  }
0x20b: {  	v49 =	vld [tilespmem:s17+$0xFFFFFFC0];
	_ =	sdelay $0x2  }
0x20c: {  	v6 =	vadd.bf16 v48, v6;
	_ =	sdelay $0x1  }
0x20d: {  	[tilespmem:s9+$0x40] =	vst v6;
	v2 =	vadd.bf16 v49, v2  }
0x20e: {  	v6 =	vld [tilespmem:s0+$0x50]  }
0x20f: {  	v50 =	vld [tilespmem:s17+$0x50];
	[tilespmem:s9+$0xFFFFFFC0] =	vst v2  }
0x210: {  	v2 =	vld [tilespmem:s0+$0xFFFFFFD0]  }
0x211: {  	v51 =	vld [tilespmem:s17+$0xFFFFFFD0]  }
0x212: {  	v3 =	vadd.bf16 v4, v3;
	_ =	sdelay $0x1  }
0x213: {  	[tilespmem:s11+$0xFFFFFFD0] =	vst v3;
	v52 =	vadd.bf16 v50, v6  }
0x214: {  	v53 =	vld [tilespmem:s12+$0xFFFFFFE0]  }
0x215: {  	v54 =	vld [tilespmem:s1+$0xFFFFFFE0];
	[tilespmem:s9+$0x50] =	vst v52;
	v2 =	vadd.bf16 v51, v2  }
0x216: {  	v3 =	vld [tilespmem:s0+$0x60]  }
0x217: {  	v55 =	vld [tilespmem:s17+$0x60];
	[tilespmem:s9+$0xFFFFFFD0] =	vst v2  }
0x218: {  	v2 =	vld [tilespmem:s0+$0xFFFFFFE0]  }
0x219: {  	v56 =	vld [tilespmem:s17+$0xFFFFFFE0]  }
0x21a: {  	[tilespmem:s11+$0x60] =	vst v5;
	v4 =	vadd.bf16 v54, v53  }
0x21b: {  	v5 =	vld [tilespmem:s12+$0x70]  }
0x21c: {  	v57 =	vld [tilespmem:s1+$0x70];
	[tilespmem:s11+$0xFFFFFFE0] =	vst v4;
	v3 =	vadd.bf16 v55, v3  }
0x21d: {  	v4 =	vld [tilespmem:s12+$0xFFFFFFF0]  }
0x21e: {  	v58 =	vld [tilespmem:s1+$0xFFFFFFF0];
	[tilespmem:s9+$0x60] =	vst v3;
	v2 =	vadd.bf16 v56, v2  }
0x21f: {  	v3 =	vld [tilespmem:s0+$0x70]  }
0x220: {  	v59 =	vld [tilespmem:s17+$0x70];
	[tilespmem:s9+$0xFFFFFFE0] =	vst v2  }
0x221: {  	v2 =	vld [tilespmem:s0+$0xFFFFFFF0]  }
0x222: {  	v9 =	vld [tilespmem:s17+$0xFFFFFFF0]  }
0x223: {  	v0 =	vadd.bf16 v1, v0  }
0x224: {  	v60 =	vadd.bf16 v57, v5  }
0x225: {  	[tilespmem:s10+$0xFFFFFFF0] =	vst v0;
	v61 =	vadd.bf16 v58, v4  }
0x226: {  	[tilespmem:s11+$0x70] =	vst v60;
	v62 =	vadd.bf16 v59, v3  }
0x227: {  	[tilespmem:s11+$0xFFFFFFF0] =	vst v61;
	v63 =	vadd.bf16 v9, v2  }
0x228: {  	[tilespmem:s9+$0x70] =	vst v62  }
0x229: {  	[tilespmem:s9+$0xFFFFFFF0] =	vst v63  }
0x22a: {  	s22 =	rddreg [dreg:$0x6]  }
0x22b: {  	[hbm4b:s22+s2] =	stream.linear.scatter [tilespmem:s29], [sflag:$0x3], $0x2800, $0x38;
	[tilespmem:$0xF200] =	vst v63  }
0x22c: {  	_ =	swait.ge [sflag:s26], $0x2800  }
0x22d: {  	[sflag:s26] =	ssyncset.done $0x0  }
0x22e: {  	s25 =	simm.s32 $0x4;
	[sflag:s26] =	ssyncadd.s32 $0xFFFFD800  }
0x22f: {  	_ =	swait.ge [sflag:s25], $0x2800  }
0x230: {  	s26 =	rddreg [dreg:$0x8]  }
0x231: {  	s31 =	rddreg [dreg:$0x7];
	s9 =	sadd.s32 $0x1, s26  }
0x232: {  	p0 =	sne.s32 s9, s31  }
.Ltmp5:
0x233: {  	_ = 	snop;
	(pc) =	sbr.rel @p0 .LBB2_1-.Ltmp5, $3  }
0x234: {  	_ =	sdelay $0x1  }
0x235: {  	[sflag:s25] =	ssyncset.done $0x0  }
0x236: {  	[sflag:s25] =	ssyncadd.s32 $0xFFFFD800  }
0x237: {  	_ =	sfence.sel $0x180000  }
0x238: {  	[bflag:$0x0] =	sbarrier.arrive $0xFFFF  }
0x239: {  	_ =	strace $0x9000004A  }
0x23a: {  	s0 =	stileid.u32;
	[bflag:$0x2] =	sbarrier.arrive $0xFFFF  }
0x23b: {  	p0 =	sne.s32 s0, $0x0;
	s0 =	rddreg [dreg:$0x1]  }
0x23c: {  	s0 =	sadd.s32 @!p0 $0x100000, s0  }
0x23d: {  	[sflag:s0] =	ssyncadd.tile.s32 @!p0 $0x1;
	_ =	shalt  }
.Lfunc_end2:
_tile_overlayer_lowered:
.L_overlay_start_2:
0x23e: {  	(tag) =	ssettag $0x2  }
0x23f: {  	s0 =	rddreg [dreg:$0x0];
	s2 =	stileid.u32  }
0x240: {  	s1 =	rddreg [dreg:$0x1];
	p0 =	sne.s32 s2, $0x0  }
0x241: {  	s3 =	rddreg [dreg:$0x2];
	[bflag:$0x3] =	sbarrier.arrive $0xFFFF;
	s2 =	simm.s32 @!p0 $0x1C05  }
0x242: {  	[timem:s3], [sflag:s2] =	dma.local @!p0 [hbm:s0], s1  }
0x243: {  	s0 =	simm.s32 @!p0 $0x5  }
0x244: {  	_ =	swait.ge @!p0 [sflag:s0], s1  }
0x245: {  	s1 =	ssub.s32 @!p0 $0x0, s1;
	[sflag:s0] =	ssyncset.done @!p0 $0x0  }
0x246: {  	[sflag:s0] =	ssyncadd.s32 @!p0 s1  }
0x247: {  	[bflag:$0x3] =	sbarrier.arrive $0xFFFF  }
0x248: {  	_ =	shalt  }

// kernel: kernel.20.cloned.1.call-start
scs
__scs_entry_jumppad:
0x0: {  	(pc) =	sbr.rel $0x88, $3  }
0x1: {  	(tag) =	ssettag $0x0;
	lr =	simm.s32 $0x1  }
0x2: {  	[smem:$0x3F8D] =	sst lr;
	_ =	strace $0xD0000000  }
0x3: {  	_ = 	snop  }
0x4: {  	_ = 	snop  }
0x5: {  	_ = 	snop  }
0x6: {  	_ = 	snop  }
0x7: {  	_ = 	snop  }
__scs_overlays_trampoline_lowered:
0x8: {  	[smem:$0x3F9C] =	sst s0  }
0x9: {  	[smem:$0x3F9D] =	sst s1  }
0xa: {  	[smem:$0x3F9E] =	sst s2  }
0xb: {  	[smem:$0x3F9F] =	sst s3  }
0xc: {  	[smem:$0x3FA0] =	sst s4  }
0xd: {  	[smem:$0x3FA1] =	sst s5  }
0xe: {  	[smem:$0x3FA2] =	sst s6  }
0xf: {  	[smem:$0x3FA3] =	sst s7  }
0x10: {  	[smem:$0x3FA4] =	sst s8  }
0x11: {  	[smem:$0x3FA5] =	sst s9;
	s0 =	simm.s32 @!p0 $0x0  }
0x12: {  	s1 =	sld [smem:$0x3F8B];
	s0 =	simm.s32 @p0 $0x1  }
0x13: {  	[smem:$0x3FA6] =	sst s0;
	s0 =	simm.s32 @!p1 $0x0  }
0x14: {  	s2 =	sld [smem:$0x3F8A];
	s0 =	simm.s32 @p1 $0x1  }
0x15: {  	[smem:$0x3FA7] =	sst s0;
	s0 =	simm.s32 @!p2 $0x0  }
0x16: {  	s3 =	sld [smem:$0x3FDB];
	s0 =	simm.s32 @p2 $0x1  }
0x17: {  	s4 =	simm.s32 $0x1BF5;
	[smem:$0x3FA9] =	sst s0  }
0x18: {  	s0 =	sld [smem:$0x3F8C];
	_ =	swait.ge [sflag:s4], $0x0  }
0x19: {  	s7 =	sld [smem:$0x3F8D]  }
0x1a: {  	s8 =	sadd.s32 $0xFFFFE003, lr  }
0x1b: {  	s9 =	sadd.s32 $0xFFFFFEF7, lr;
	s5 =	simm.s32 $0xFFFFFFFF;
	p2 =	slt.u32 s8, $0xFFFFF086  }
0x1c: {  	p1 =	slt.u32 s9, $0xF7A;
	s5 =	simm.s32 @!p2 $0x0  }
0x1d: {  	s5 =	simm.s32 @p1 $0x1;
	p0 =	seq.s32 s7, s2  }
0x1e: {  	s7 =	smul.u32 @!p0 $0xF7A, s2;
	p2 =	seq.s32 @!p0 s5, $0x0  }
0x1f: {  	s9 =	smul.u32 $0xF7A, s1;
	s8 =	simm.s32 @!p0 $0x1BF5;
	p2 =	por !p2, p0  }
0x20: {  	[sflag:s8] =	ssyncset.s32 @!p0 $0xFFFFF086;
	s6 =	sadd.s32 @!p0 s3, s7;
	s7 =	simm.s32 @!p0 $0x108  }
0x21: {  	s3 =	sadd.s32 s3, s9;
	s6 =	sadd.s32 @!p0 $0x88, s6;
	s7 =	simm.s32 @p2 $0x1082  }
0x22: {  	[simem:s7], [sflag:s8] =	dma.local @!p0 [hbm:s6], $0xF7A  }
0x23: {  	s9 =	sor.u32 $0xD0000000, s2;
	s6 =	simm.s32 $0x108;
	_ =	swait.ge @!p0 [sflag:s8], $0x0  }
0x24: {  	s3 =	sadd.s32 $0x88, s3;
	s6 =	simm.s32 @!p1 $0x1082;
	[sflag:s4] =	ssyncset.s32 $0xFFFFF086  }
0x25: {  	[simem:s6], [sflag:s4] =	dma.local [hbm:s3], $0xF7A  }
0x26: {  	[smem:$0x3F8D] =	sst s1;
	(tag) =	ssettag s2;
	_ =	strace s9  }
0x27: {  	s1 =	sld [smem:$0x3F9D]  }
0x28: {  	s2 =	sld [smem:$0x3F9E]  }
0x29: {  	s4 =	sld [smem:$0x3FA0]  }
0x2a: {  	p0 =	seq.s32 s5, $0x0;
	s5 =	sld [smem:$0x3FA1]  }
0x2b: {  	s6 =	sld [smem:$0x3FA2]  }
0x2c: {  	s7 =	sld [smem:$0x3FA3]  }
0x2d: {  	s3 =	simm.s32 $0x108;
	s8 =	sld [smem:$0x3FA4]  }
0x2e: {  	s3 =	simm.s32 @!p0 $0x1082;
	s9 =	sld [smem:$0x3FA5]  }
0x2f: {  	lr =	sadd.s32 s0, s3;
	s0 =	sld [smem:$0x3F9C]  }
0x30: {  	s3 =	sld [smem:$0x3F9F]  }
0x31: {  	[smem:$0x3FA8] =	sst s10  }
0x32: {  	s10 =	sld [smem:$0x3FA6];
	_ =	sdelay $0x3  }
0x33: {  	p0 =	seq.s32 s10, $0x1;
	s10 =	sld [smem:$0x3FA8];
	_ =	sdelay $0x3  }
0x34: {  	[smem:$0x3FA8] =	sst s10  }
0x35: {  	s10 =	sld [smem:$0x3FA7];
	_ =	sdelay $0x3  }
0x36: {  	p1 =	seq.s32 s10, $0x1;
	s10 =	sld [smem:$0x3FA8];
	_ =	sdelay $0x3  }
0x37: {  	[smem:$0x3FA8] =	sst s10  }
0x38: {  	s10 =	sld [smem:$0x3FA9]  }
0x39: {  	_ = 	snop;
	(pc) =	sbr.ind lr, $3  }
0x3a: {  	_ = 	snop  }
0x3b: {  	_ = 	snop  }
0x3c: {  	p2 =	seq.s32 s10, $0x1;
	s10 =	sld [smem:$0x3FA8]  }
0x3d: {  	_ =	shalt  }
0x3e: {  	_ =	shalt  }
0x3f: {  	_ =	shalt  }
0x40: {  	_ =	shalt  }
0x41: {  	_ =	shalt  }
0x42: {  	_ =	shalt  }
0x43: {  	_ =	shalt  }
0x44: {  	_ =	shalt  }
0x45: {  	_ =	shalt  }
0x46: {  	_ =	shalt  }
0x47: {  	_ =	shalt  }
0x48: {  	_ =	shalt  }
0x49: {  	_ =	shalt  }
0x4a: {  	_ =	shalt  }
0x4b: {  	_ =	shalt  }
0x4c: {  	_ =	shalt  }
0x4d: {  	_ =	shalt  }
0x4e: {  	_ =	shalt  }
0x4f: {  	_ =	shalt  }
0x50: {  	_ =	shalt  }
0x51: {  	_ =	shalt  }
0x52: {  	_ =	shalt  }
0x53: {  	_ =	shalt  }
0x54: {  	_ =	shalt  }
0x55: {  	_ =	shalt  }
0x56: {  	_ =	shalt  }
0x57: {  	_ =	shalt  }
0x58: {  	_ =	shalt  }
0x59: {  	_ =	shalt  }
0x5a: {  	_ =	shalt  }
0x5b: {  	_ =	shalt  }
0x5c: {  	_ =	shalt  }
0x5d: {  	_ =	shalt  }
0x5e: {  	_ =	shalt  }
0x5f: {  	_ =	shalt  }
0x60: {  	_ =	shalt  }
0x61: {  	_ =	shalt  }
0x62: {  	_ =	shalt  }
0x63: {  	_ =	shalt  }
0x64: {  	_ =	shalt  }
0x65: {  	_ =	shalt  }
0x66: {  	_ =	shalt  }
0x67: {  	_ =	shalt  }
0x68: {  	_ =	shalt  }
0x69: {  	_ =	shalt  }
0x6a: {  	_ =	shalt  }
0x6b: {  	_ =	shalt  }
0x6c: {  	_ =	shalt  }
0x6d: {  	_ =	shalt  }
0x6e: {  	_ =	shalt  }
0x6f: {  	_ =	shalt  }
0x70: {  	_ =	shalt  }
0x71: {  	_ =	shalt  }
0x72: {  	_ =	shalt  }
0x73: {  	_ =	shalt  }
0x74: {  	_ =	shalt  }
0x75: {  	_ =	shalt  }
0x76: {  	_ =	shalt  }
0x77: {  	_ =	shalt  }
0x78: {  	_ =	shalt  }
0x79: {  	_ =	shalt  }
0x7a: {  	_ =	shalt  }
0x7b: {  	_ =	shalt  }
0x7c: {  	_ =	shalt  }
0x7d: {  	_ =	shalt  }
0x7e: {  	_ =	shalt  }
0x7f: {  	_ =	shalt  }
0x80: {  	_ =	shalt  }
0x81: {  	_ =	shalt  }
0x82: {  	_ =	shalt  }
0x83: {  	_ =	shalt  }
0x84: {  	_ =	shalt  }
0x85: {  	_ =	shalt  }
0x86: {  	_ =	shalt  }
0x87: {  	_ =	shalt  }
.Lfunc_end0:
.L_simem_size_0:
called_computation.3_lowered:
.L_overlay_start_0:
0x88: {  	s2 =	sld [smem:$0x3FD9]  }
0x89: {  	s3 =	sld [smem:$0x3FFE];
	_ =	sdelay $0x1  }
0x8a: {  	s1 =	srdreg.scid  }
0x8b: {  	s0 =	sand.u32 $0x1, s1  }
0x8c: {  	s17 =	sshll.u32 s0, $0xA;
	s2 =	sadd.s32 s3, s2  }
0x8d: {  	s2 =	sadd.s32 s2, s17  }
0x8e: {  	[smem:$0x3FB4] =	sst s2  }
0x8f: {  	_ = 	snop  }
0x90: {  	(tm) =	ssettm $0x1  }
0x91: {  	s18 =	sld [smem:$0x3FFB];
	_ =	sdelay $0x3  }
0x92: {  	_ =	strace s18  }
0x93: {  	s2 =	sld [smem:$0x3FFC];
	_ =	sdelay $0x3  }
0x94: {  	_ =	strace s2  }
0x95: {  	s2 =	sld [smem:$0x3FFD];
	_ =	sdelay $0x3  }
0x96: {  	_ =	strace s2  }
0x97: {  	_ =	strace $0x8FFFFFFF  }
0x98: {  	s19 =	sld [smem:$0x3FDB];
	_ =	sdelay $0x1  }
0x99: {  	s20 =	simm.s32 $_scs_section_size  }
0x9a: {  	s4 =	simm.s32 $_size__tile_overlayer_lowered;
	s5 =	simm.s32 $_tile_overlayer_lowered  }
0x9b: {  	s6 =	simm.s32 $0x1BFF;
	s21 =	sshll.u32 s5, $0x1;
	s3 =	sadd.s32 s20, s19  }
0x9c: {  	s22 =	simm.s32 $0x0;
	s4 =	sshll.u32 s4, $0x1;
	s5 =	sadd.s32 s21, s3  }
0x9d: {  	[timem:s22], [sflag:s6] =	dma.local [hbm:s5], s4  }
0x9e: {  	_ =	swait.ge [sflag:s6], s4  }
0x9f: {  	s4 =	ssub.s32 $0x0, s4;
	[sflag:s6] =	ssyncset.done $0x0  }
0xa0: {  	[sflag:s6] =	ssyncadd.s32 s4;
	_ =	sdelay $0x1  }
0xa1: {  	s23 =	simm.s32 $0x1B8B  }
0xa2: {  	_ =	swait.ge [sflag:s23], $0x1  }
0xa3: {  	[sflag:s23] =	ssyncset.done $0x0  }
0xa4: {  	[sflag:s23] =	ssyncadd.s32 $0xFFFFFFFF  }
0xa5: {  	s4 =	sld [smem:$0x0]  }
0xa6: {  	s5 =	sand.u32 $0xFFFFFFFE, s1  }
0xa7: {  	p0 =	sne.s32 s1, s5  }
0xa8: {  	s5 =	sshll.u32 @p0 s5, $0xE  }
0xa9: {  	s5 =	sadd.s32 @p0 $0x11B8D, s5;
	s6 =	sshll.u32 @p0 s4, $0x11  }
0xaa: {  	s5 =	sor.u32 @p0 s6, s5  }
0xab: {  	[sflag:s5] =	ssyncadd.remote.s32 @p0 $0x1;
	_ =	sdelay $0x1  }
0xac: {  	s5 =	simm.s32 @p0 $0x1B8D  }
0xad: {  	_ =	swait.eq @p0 [sflag:s5], $0x1  }
0xae: {  	[sflag:s5] =	ssyncadd.s32 @p0 $0xFFFFFFFF  }
0xaf: {  	s6 =	sshll.u32 @!p0 s1, $0xE  }
0xb0: {  	s6 =	sor.u32 @!p0 $0x4000, s6;
	s5 =	simm.s32 @!p0 $0x1B8D  }
0xb1: {  	s4 =	sshll.u32 @!p0 s4, $0x11;
	s6 =	sadd.s32 @!p0 $0x11B8D, s6;
	_ =	swait.eq @!p0 [sflag:s5], $0x1  }
0xb2: {  	s4 =	sor.u32 @!p0 s4, s6;
	[sflag:s5] =	ssyncadd.s32 @!p0 $0xFFFFFFFF  }
0xb3: {  	s25 =	simm.s32 $0x1B8E;
	s24 =	sld [smem:$0x3FFE];
	[sflag:s4] =	ssyncadd.remote.s32 @!p0 $0x1  }
0xb4: {  	s26 =	simm.s32 $execute0_lowered;
	[smem:$0x3FD2] =	sst s25  }
0xb5: {  	s5 =	sshll.u32 s26, $0x1;
	_ =	strace $0x80000052;
	[dreg:$0x1] =	wrdreg $0xFFFFFFFF  }
0xb6: {  	s28 =	simm.s32 $_size_execute0_lowered;
	s3 =	sadd.s32 s3, s5;
	[dreg:$0x0] =	wrdreg $0x0  }
0xb7: {  	s5 =	sshll.u32 s28, $0x1;
	[dreg:$0x2] =	wrdreg s3  }
0xb8: {  	[dreg:$0x3] =	wrdreg s5  }
0xb9: {  	[dreg:$0x4] =	wrdreg $0xC0  }
0xba: {  	_ =	task [dreg:s22], $0x5FFFF  }
0xbb: {  	[dreg:$0x1] =	wrdreg $0xFFFFFFFF  }
0xbc: {  	[dreg:$0x0] =	wrdreg $0x60  }
0xbd: {  	[dreg:$0x2] =	wrdreg s24  }
0xbe: {  	[dreg:$0x3] =	wrdreg $0x0  }
0xbf: {  	[dreg:$0x4] =	wrdreg $0x9  }
0xc0: {  	_ =	task.clear_ibuf [dreg:s22], $0x5FFFF;
	_ =	strace $0x90000052  }
0xc1: {  	s29 =	simm.s32 $0x9;
	_ =	strace $0x80000054  }
0xc2: {  	_ =	swait.ge [sflag:s29], $0x1  }
0xc3: {  	[sflag:s29] =	ssyncadd.s32 $0xFFFFFFFF  }
0xc4: {  	_ =	strace $0x90000054  }
0xc5: {  	_ =	sfence  }
0xc6: {  	s30 =	sld [smem:$0x0];
	_ =	sdelay $0x2  }
0xc7: {  	s31 =	sshll.u32 s1, $0xD;
	s1 =	sshrl.u32 s1, $0x2  }
0xc8: {  	s4 =	sand.u32 $0x4000, s31;
	s1 =	sadd.s32 s1, s30  }
0xc9: {  	s0 =	sor.u32 s4, s0;
	s1 =	sshll.u32 s1, $0x11  }
0xca: {  	s0 =	sor.u32 s1, s0  }
0xcb: {  	s0 =	sadd.s32 $0x8F2B, s0  }
0xcc: {  	[sflag:s0] =	ssyncadd.remote.s32 $0x1  }
0xcd: {  	_ =	sfence.sel $0xFFFF  }
0xce: {  	[dreg:$0x0] =	wrdreg $0xFFFFFFFF;
	(pc) =	sbr.abs _section_cstart, $3  }
0xcf: {  	[dreg:$0x1] =	wrdreg $0xFFFFFFFF  }
0xd0: {  	_ =	task.clear_ibuf [dreg:s22], $0x2FFFF;
	_ =	strace $0x9FFFFFFF  }
0xd1: {  	(tm) =	ssettm $0x7FFFFFFF  }
tec
execute0_lowered:
.L_overlay_start_1:
0x0: {  	(tag) =	ssettag $0x1  }
0x1: {  	s5 =	rddreg [dreg:$0x0];
	s1 =	stileid.u32  }
0x2: {  	s2 =	rddreg [dreg:$0x1];
	s6 =	smul.u32 $0x14000, s1  }
0x3: {  	s4 =	srdreg.scid;
	s10 =	smul.u32 $0x50000, s1  }
0x4: {  	s3 =	simm.s32 $0x0;
	s19 =	simm.s32 $0x14000;
	s12 =	smul.u32 $0x2580, s1  }
0x5: {  	s7 =	sand.u32 $0x1, s4;
	[smem:$0x7FF] =	sst s3;
	s25 =	smul.u32 $0x12C000, s1  }
0x6: {  	s4 =	sadd.s32 $0xF4CA00, s5;
	s14 =	sadd.s32 $0xEA00, s5;
	s31 =	smul.u32 $0x4B0, s1  }
0x7: {  	s24 =	sshll.u32 s1, $0x6;
	s8 =	smul.u32 $0x140000, s7;
	_ =	strace $0x80000053  }
0x8: {  	s20 =	ssub.s32 $0x2, s7;
	s23 =	smul.u32 $0x12C0000, s7;
	s9 =	sshrl.u32 s6, $0x3  }
0x9: {  	s21 =	sshrl.u32 s20, $0x1;
	s22 =	sshrl.u32 s10, $0x2;
	s26 =	sshrl.u32 s12, $0x3  }
0xa: {  	s28 =	sor.u32 $0x50, s12;
	s9 =	sadd.s32 s9, s5;
	s6 =	sadd.s32 s6, s8  }
0xb: {  	s13 =	ssub.s32 s20, s21;
	s16 =	sadd.s32 s22, s2;
	s7 =	sadd.s32 s14, s26  }
0xc: {  	s15 =	sadd.s32 s25, s23;
	s12 =	sshrl.u32 s28, $0x3;
	s17 =	sshll.u32 s28, $0x7  }
0xd: {  	s20 =	simm.s32 $0x19080;
	s21 =	simm.s32 $0x16800;
	s22 =	simm.s32 $0x1  }
0xe: {  	s25 =	simm.s32 $0x0;
	s6 =	sshrl.u32 s6, $0x3;
	s29 =	sshrl.u32 s15, $0x3  }
0xf: {  	s10 =	sadd.s32 s23, s17;
	s30 =	sadd.s32 $0x7800, s15;
	s15 =	sadd.s32 $0x5000, s15  }
0x10: {  	s16 =	sshrl.u32 s16, $0x3;
	s17 =	simm.s32 $0x3;
	s23 =	simm.s32 $0x50  }
0x11: {  	s11 =	sadd.s32 s6, s5;
	s5 =	sadd.s32 $0x72400, s9;
	s6 =	sor.u32 $0x1C03, s24  }
0x12: {  	s8 =	sadd.s32 s4, s29;
	s9 =	sadd.s32 s14, s12;
	s10 =	sshrl.u32 s10, $0x3  }
0x13: {  	s18 =	sshrl.u32 s30, $0x3;
	s12 =	smax.u32 s13, $0x1;
	s14 =	sadd.s32 s31, s14  }
0x14: {  	s24 =	simm.s32 $0x2;
	s10 =	sadd.s32 s4, s10;
	s11 =	sadd.s32 $0xEA400, s11  }
0x15: {  	s13 =	sadd.s32 s18, s4;
	s14 =	sadd.s32 $0x1E, s14;
	s18 =	simm.s32 $0x19000  }
.LBB2_1:
0x16: {  	[spmem:s16], [sflag:s6] =	dma.local [hbm:s5], $0x2800  }
0x17: {  	_ =	swait.ge [sflag:s17], $0x2800  }
0x18: {  	[sflag:s17] =	ssyncset.done $0x0  }
0x19: {  	[sflag:s17] =	ssyncadd.s32 $0xFFFFD800  }
0x1a: {  	[bflag:$0x0] =	sbarrier.arrive $0xFFFF  }
0x1b: {  	[tilespmem:s18], [sflag:$0x1] =	stream.linear.gather [hbm4b:s7+s3], $0x50, $0x38;
	[tilespmem:$0x19100] =	vst v63  }
0x1c: {  	_ = 	snop  }
0x1d: {  	[tilespmem:s19], [sflag:$0x1] =	stream.linear.gather [hbm4b:s8+s3], $0x2800, $0x38;
	[tilespmem:$0x19100] =	vst v63  }
0x1e: {  	_ = 	snop  }
0x1f: {  	[tilespmem:s20], [sflag:$0x2] =	stream.linear.gather [hbm4b:s9+s3], $0x50, $0x38;
	[tilespmem:$0x19100] =	vst v63  }
0x20: {  	_ = 	snop  }
0x21: {  	[tilespmem:s21], [sflag:$0x2] =	stream.linear.gather [hbm4b:s10+s3], $0x2800, $0x38;
	[tilespmem:$0x19100] =	vst v63  }
0x22: {  	_ =	swait.ge [sflag:s22], $0x50  }
0x23: {  	[sflag:s22] =	ssyncset.done $0x0  }
0x24: {  	[sflag:s22] =	ssyncadd.s32 $0xFFFFFFB0  }
0x25: {  	_ =	swait.ge [sflag:s22], $0x2800  }
0x26: {  	[sflag:s22] =	ssyncset.done $0x0  }
0x27: {  	[sflag:s22] =	ssyncadd.s32 $0xFFFFD800  }
0x28: {  	[spmem:s2] =	stream.indirect.scatter.add.f32 [tilespmem:s19], [sflag:$0x3], $0x80, s18, s23, $0xb8;
	[tilespmem:$0x19100] =	vst v63  }
0x29: {  	_ =	swait.ge [sflag:s17], $0x2800  }
0x2a: {  	[sflag:s17] =	ssyncset.done $0x0  }
0x2b: {  	s26 =	sadd.s32 $0xFFFFFFF6, s14;
	s28 =	sshrl.u32 s15, $0x3;
	[sflag:s17] =	ssyncadd.s32 $0xFFFFD800  }
0x2c: {  	[tilespmem:s18], [sflag:$0x1] =	stream.linear.gather [hbm4b:s26+s3], $0x50, $0x38;
	[tilespmem:$0x19100] =	vst v63  }
0x2d: {  	s31 =	sadd.s32 s4, s28  }
0x2e: {  	[tilespmem:s19], [sflag:$0x1] =	stream.linear.gather [hbm4b:s31+s3], $0x2800, $0x38;
	[tilespmem:$0x19100] =	vst v63  }
0x2f: {  	_ =	swait.ge [sflag:s24], $0x50  }
0x30: {  	[sflag:s24] =	ssyncset.done $0x0  }
0x31: {  	[sflag:s24] =	ssyncadd.s32 $0xFFFFFFB0  }
0x32: {  	_ =	swait.ge [sflag:s24], $0x2800  }
0x33: {  	[sflag:s24] =	ssyncset.done $0x0  }
0x34: {  	[sflag:s24] =	ssyncadd.s32 $0xFFFFD800  }
0x35: {  	[spmem:s2] =	stream.indirect.scatter.add.f32 [tilespmem:s21], [sflag:$0x3], $0x80, s20, s23, $0xb8;
	[tilespmem:$0x19100] =	vst v63  }
0x36: {  	_ =	swait.ge [sflag:s17], $0x2800  }
0x37: {  	s30 =	sadd.s32 $0x0, s13;
	s29 =	sadd.s32 $0x5000, s15;
	[sflag:s17] =	ssyncset.done $0x0  }
0x38: {  	s28 =	sadd.s32 $0x14, s14;
	s26 =	simm.s32 $0xA00;
	[sflag:s17] =	ssyncadd.s32 $0xFFFFD800  }
0x39: {  	[tilespmem:s20], [sflag:$0x2] =	stream.linear.gather [hbm4b:s14+s3], $0x50, $0x38;
	[tilespmem:$0x19100] =	vst v63  }
.LBB2_2:
0x3a: {  	[tilespmem:s21], [sflag:$0x2] =	stream.linear.gather [hbm4b:s30+s3], $0x2800, $0x38;
	[tilespmem:$0x19100] =	vst v63  }
0x3b: {  	s30 =	smov.u32 s26  }
0x3c: {  	p0 =	sne.s32 s26, $0x24400;
	s26 =	sadd.s32 $0xA00, s26;
	_ =	swait.ge [sflag:s22], $0x50  }
0x3d: {  	[sflag:s22] =	ssyncset.done $0x0  }
0x3e: {  	[sflag:s22] =	ssyncadd.s32 $0xFFFFFFB0  }
0x3f: {  	_ =	swait.ge [sflag:s22], $0x2800  }
0x40: {  	[sflag:s22] =	ssyncset.done $0x0  }
0x41: {  	[sflag:s22] =	ssyncadd.s32 $0xFFFFD800  }
0x42: {  	[spmem:s2] =	stream.indirect.scatter.add.f32 [tilespmem:s19], [sflag:$0x3], $0x80, s18, s23, $0xb8;
	[tilespmem:$0x19100] =	vst v63  }
0x43: {  	_ =	swait.ge [sflag:s17], $0x2800  }
0x44: {  	[sflag:s17] =	ssyncset.done $0x0  }
0x45: {  	s31 =	sadd.s32 $0xFFFFFFF6, s28;
	s0 =	sshrl.u32 s29, $0x3;
	[sflag:s17] =	ssyncadd.s32 $0xFFFFD800  }
0x46: {  	[tilespmem:s18], [sflag:$0x1] =	stream.linear.gather [hbm4b:s31+s3], $0x50, $0x38;
	[tilespmem:$0x19100] =	vst v63  }
0x47: {  	s0 =	sadd.s32 s4, s0  }
0x48: {  	[tilespmem:s19], [sflag:$0x1] =	stream.linear.gather [hbm4b:s0+s3], $0x2800, $0x38;
	[tilespmem:$0x19100] =	vst v63  }
0x49: {  	_ =	swait.ge [sflag:s24], $0x50  }
0x4a: {  	[sflag:s24] =	ssyncset.done $0x0  }
0x4b: {  	[sflag:s24] =	ssyncadd.s32 $0xFFFFFFB0  }
0x4c: {  	_ =	swait.ge [sflag:s24], $0x2800  }
0x4d: {  	[sflag:s24] =	ssyncset.done $0x0  }
0x4e: {  	[sflag:s24] =	ssyncadd.s32 $0xFFFFD800  }
0x4f: {  	[spmem:s2] =	stream.indirect.scatter.add.f32 [tilespmem:s21], [sflag:$0x3], $0x80, s20, s23, $0xb8;
	[tilespmem:$0x19100] =	vst v63  }
.Ltmp0:
0x50: {  	_ =	swait.ge [sflag:s17], $0x2800;
	(pc) =	sbr.rel @p0 .LBB2_2-.Ltmp0, $4  }
0x51: {  	[sflag:s17] =	ssyncset.done $0x0  }
0x52: {  	[sflag:s17] =	ssyncadd.s32 $0xFFFFD800  }
0x53: {  	[tilespmem:s20], [sflag:$0x2] =	stream.linear.gather [hbm4b:s28+s3], $0x50, $0x38;
	[tilespmem:$0x19100] =	vst v63  }
0x54: {  	s29 =	sadd.s32 $0x5000, s29;
	s30 =	sadd.s32 s30, s13;
	s28 =	sadd.s32 $0x14, s28  }
0x55: {  	[tilespmem:s21], [sflag:$0x2] =	stream.linear.gather [hbm4b:s30+s3], $0x2800, $0x38;
	[tilespmem:$0x19100] =	vst v63  }
0x56: {  	_ =	swait.ge [sflag:s22], $0x50  }
0x57: {  	[sflag:s22] =	ssyncset.done $0x0  }
0x58: {  	[sflag:s22] =	ssyncadd.s32 $0xFFFFFFB0  }
0x59: {  	_ =	swait.ge [sflag:s22], $0x2800  }
0x5a: {  	[sflag:s22] =	ssyncset.done $0x0  }
0x5b: {  	[sflag:s22] =	ssyncadd.s32 $0xFFFFD800  }
0x5c: {  	[spmem:s2] =	stream.indirect.scatter.add.f32 [tilespmem:s19], [sflag:$0x3], $0x80, s18, s23, $0xb8;
	[tilespmem:$0x19100] =	vst v63  }
0x5d: {  	_ =	swait.ge [sflag:s17], $0x2800  }
0x5e: {  	[sflag:s17] =	ssyncset.done $0x0  }
0x5f: {  	[sflag:s17] =	ssyncadd.s32 $0xFFFFD800  }
0x60: {  	_ =	swait.ge [sflag:s24], $0x50  }
0x61: {  	[sflag:s24] =	ssyncset.done $0x0  }
0x62: {  	[sflag:s24] =	ssyncadd.s32 $0xFFFFFFB0  }
0x63: {  	_ =	swait.ge [sflag:s24], $0x2800  }
0x64: {  	[sflag:s24] =	ssyncset.done $0x0  }
0x65: {  	[sflag:s24] =	ssyncadd.s32 $0xFFFFD800  }
0x66: {  	[spmem:s2] =	stream.indirect.scatter.add.f32 [tilespmem:s21], [sflag:$0x3], $0x80, s20, s23, $0xb8;
	[tilespmem:$0x19100] =	vst v63  }
0x67: {  	_ =	swait.ge [sflag:s17], $0x2800  }
0x68: {  	s25 =	sadd.s32 $0x1, s25;
	[sflag:s17] =	ssyncset.done $0x0  }
0x69: {  	p0 =	sne.s32 s25, s12;
	[sflag:s17] =	ssyncadd.s32 $0xFFFFD800  }
.Ltmp1:
0x6a: {  	[bflag:$0x0] =	sbarrier.arrive $0xFFFF;
	(pc) =	sbr.rel @p0 .LBB2_1-.Ltmp1, $4  }
0x6b: {  	[hbm:s11], [sflag:s6] =	dma.local [spmem:s16], $0x2800  }
0x6c: {  	_ =	swait.ge [sflag:s17], $0x2800  }
0x6d: {  	[sflag:s17] =	ssyncset.done $0x0  }
0x6e: {  	[sflag:s17] =	ssyncadd.s32 $0xFFFFD800  }
0x6f: {  	_ =	sfence.sel $0x180000  }
0x70: {  	[bflag:$0x0] =	sbarrier.arrive $0xFFFF  }
0x71: {  	_ =	strace $0x90000053  }
0x72: {  	[bflag:$0x2] =	sbarrier.arrive $0xFFFF  }
0x73: {  	p0 =	sne.s32 s1, $0x0;
	s0 =	rddreg [dreg:$0x2]  }
0x74: {  	s0 =	sadd.s32 @!p0 $0x100000, s0  }
0x75: {  	[sflag:s0] =	ssyncadd.tile.s32 @!p0 $0x1;
	_ =	shalt  }
.Lfunc_end2:
_tile_overlayer_lowered:
.L_overlay_start_2:
0x76: {  	(tag) =	ssettag $0x2  }
0x77: {  	s0 =	rddreg [dreg:$0x0];
	s2 =	stileid.u32  }
0x78: {  	s1 =	rddreg [dreg:$0x1];
	p0 =	sne.s32 s2, $0x0  }
0x79: {  	s3 =	rddreg [dreg:$0x2];
	[bflag:$0x3] =	sbarrier.arrive $0xFFFF;
	s2 =	simm.s32 @!p0 $0x1C03  }
0x7a: {  	[timem:s3], [sflag:s2] =	dma.local @!p0 [hbm:s0], s1  }
0x7b: {  	s0 =	simm.s32 @!p0 $0x3  }
0x7c: {  	_ =	swait.ge @!p0 [sflag:s0], s1  }
0x7d: {  	s1 =	ssub.s32 @!p0 $0x0, s1;
	[sflag:s0] =	ssyncset.done @!p0 $0x0  }
0x7e: {  	[sflag:s0] =	ssyncadd.s32 @!p0 s1  }
0x7f: {  	[bflag:$0x3] =	sbarrier.arrive $0xFFFF  }
0x80: {  	_ =	shalt  }

// kernel: kernel.23.cloned.1.call-start
scs
__scs_entry_jumppad:
0x0: {  	(pc) =	sbr.rel $0x88, $3  }
0x1: {  	(tag) =	ssettag $0x0;
	lr =	simm.s32 $0x1  }
0x2: {  	[smem:$0x3F8D] =	sst lr;
	_ =	strace $0xD0000000  }
0x3: {  	_ = 	snop  }
0x4: {  	_ = 	snop  }
0x5: {  	_ = 	snop  }
0x6: {  	_ = 	snop  }
0x7: {  	_ = 	snop  }
__scs_overlays_trampoline_lowered:
0x8: {  	[smem:$0x3F9C] =	sst s0  }
0x9: {  	[smem:$0x3F9D] =	sst s1  }
0xa: {  	[smem:$0x3F9E] =	sst s2  }
0xb: {  	[smem:$0x3F9F] =	sst s3  }
0xc: {  	[smem:$0x3FA0] =	sst s4  }
0xd: {  	[smem:$0x3FA1] =	sst s5  }
0xe: {  	[smem:$0x3FA2] =	sst s6  }
0xf: {  	[smem:$0x3FA3] =	sst s7  }
0x10: {  	[smem:$0x3FA4] =	sst s8  }
0x11: {  	[smem:$0x3FA5] =	sst s9;
	s0 =	simm.s32 @!p0 $0x0  }
0x12: {  	s1 =	sld [smem:$0x3F8B];
	s0 =	simm.s32 @p0 $0x1  }
0x13: {  	[smem:$0x3FA6] =	sst s0;
	s0 =	simm.s32 @!p1 $0x0  }
0x14: {  	s2 =	sld [smem:$0x3F8A];
	s0 =	simm.s32 @p1 $0x1  }
0x15: {  	[smem:$0x3FA7] =	sst s0;
	s0 =	simm.s32 @!p2 $0x0  }
0x16: {  	s3 =	sld [smem:$0x3FDB];
	s0 =	simm.s32 @p2 $0x1  }
0x17: {  	s4 =	simm.s32 $0x1BF5;
	[smem:$0x3FA9] =	sst s0  }
0x18: {  	s0 =	sld [smem:$0x3F8C];
	_ =	swait.ge [sflag:s4], $0x0  }
0x19: {  	s7 =	sld [smem:$0x3F8D]  }
0x1a: {  	s8 =	sadd.s32 $0xFFFFE003, lr  }
0x1b: {  	s9 =	sadd.s32 $0xFFFFFEF7, lr;
	s5 =	simm.s32 $0xFFFFFFFF;
	p2 =	slt.u32 s8, $0xFFFFF086  }
0x1c: {  	p1 =	slt.u32 s9, $0xF7A;
	s5 =	simm.s32 @!p2 $0x0  }
0x1d: {  	s5 =	simm.s32 @p1 $0x1;
	p0 =	seq.s32 s7, s2  }
0x1e: {  	s7 =	smul.u32 @!p0 $0xF7A, s2;
	p2 =	seq.s32 @!p0 s5, $0x0  }
0x1f: {  	s9 =	smul.u32 $0xF7A, s1;
	s8 =	simm.s32 @!p0 $0x1BF5;
	p2 =	por !p2, p0  }
0x20: {  	[sflag:s8] =	ssyncset.s32 @!p0 $0xFFFFF086;
	s6 =	sadd.s32 @!p0 s3, s7;
	s7 =	simm.s32 @!p0 $0x108  }
0x21: {  	s3 =	sadd.s32 s3, s9;
	s6 =	sadd.s32 @!p0 $0x88, s6;
	s7 =	simm.s32 @p2 $0x1082  }
0x22: {  	[simem:s7], [sflag:s8] =	dma.local @!p0 [hbm:s6], $0xF7A  }
0x23: {  	s9 =	sor.u32 $0xD0000000, s2;
	s6 =	simm.s32 $0x108;
	_ =	swait.ge @!p0 [sflag:s8], $0x0  }
0x24: {  	s3 =	sadd.s32 $0x88, s3;
	s6 =	simm.s32 @!p1 $0x1082;
	[sflag:s4] =	ssyncset.s32 $0xFFFFF086  }
0x25: {  	[simem:s6], [sflag:s4] =	dma.local [hbm:s3], $0xF7A  }
0x26: {  	[smem:$0x3F8D] =	sst s1;
	(tag) =	ssettag s2;
	_ =	strace s9  }
0x27: {  	s1 =	sld [smem:$0x3F9D]  }
0x28: {  	s2 =	sld [smem:$0x3F9E]  }
0x29: {  	s4 =	sld [smem:$0x3FA0]  }
0x2a: {  	p0 =	seq.s32 s5, $0x0;
	s5 =	sld [smem:$0x3FA1]  }
0x2b: {  	s6 =	sld [smem:$0x3FA2]  }
0x2c: {  	s7 =	sld [smem:$0x3FA3]  }
0x2d: {  	s3 =	simm.s32 $0x108;
	s8 =	sld [smem:$0x3FA4]  }
0x2e: {  	s3 =	simm.s32 @!p0 $0x1082;
	s9 =	sld [smem:$0x3FA5]  }
0x2f: {  	lr =	sadd.s32 s0, s3;
	s0 =	sld [smem:$0x3F9C]  }
0x30: {  	s3 =	sld [smem:$0x3F9F]  }
0x31: {  	[smem:$0x3FA8] =	sst s10  }
0x32: {  	s10 =	sld [smem:$0x3FA6];
	_ =	sdelay $0x3  }
0x33: {  	p0 =	seq.s32 s10, $0x1;
	s10 =	sld [smem:$0x3FA8];
	_ =	sdelay $0x3  }
0x34: {  	[smem:$0x3FA8] =	sst s10  }
0x35: {  	s10 =	sld [smem:$0x3FA7];
	_ =	sdelay $0x3  }
0x36: {  	p1 =	seq.s32 s10, $0x1;
	s10 =	sld [smem:$0x3FA8];
	_ =	sdelay $0x3  }
0x37: {  	[smem:$0x3FA8] =	sst s10  }
0x38: {  	s10 =	sld [smem:$0x3FA9]  }
0x39: {  	_ = 	snop;
	(pc) =	sbr.ind lr, $3  }
0x3a: {  	_ = 	snop  }
0x3b: {  	_ = 	snop  }
0x3c: {  	p2 =	seq.s32 s10, $0x1;
	s10 =	sld [smem:$0x3FA8]  }
0x3d: {  	_ =	shalt  }
0x3e: {  	_ =	shalt  }
0x3f: {  	_ =	shalt  }
0x40: {  	_ =	shalt  }
0x41: {  	_ =	shalt  }
0x42: {  	_ =	shalt  }
0x43: {  	_ =	shalt  }
0x44: {  	_ =	shalt  }
0x45: {  	_ =	shalt  }
0x46: {  	_ =	shalt  }
0x47: {  	_ =	shalt  }
0x48: {  	_ =	shalt  }
0x49: {  	_ =	shalt  }
0x4a: {  	_ =	shalt  }
0x4b: {  	_ =	shalt  }
0x4c: {  	_ =	shalt  }
0x4d: {  	_ =	shalt  }
0x4e: {  	_ =	shalt  }
0x4f: {  	_ =	shalt  }
0x50: {  	_ =	shalt  }
0x51: {  	_ =	shalt  }
0x52: {  	_ =	shalt  }
0x53: {  	_ =	shalt  }
0x54: {  	_ =	shalt  }
0x55: {  	_ =	shalt  }
0x56: {  	_ =	shalt  }
0x57: {  	_ =	shalt  }
0x58: {  	_ =	shalt  }
0x59: {  	_ =	shalt  }
0x5a: {  	_ =	shalt  }
0x5b: {  	_ =	shalt  }
0x5c: {  	_ =	shalt  }
0x5d: {  	_ =	shalt  }
0x5e: {  	_ =	shalt  }
0x5f: {  	_ =	shalt  }
0x60: {  	_ =	shalt  }
0x61: {  	_ =	shalt  }
0x62: {  	_ =	shalt  }
0x63: {  	_ =	shalt  }
0x64: {  	_ =	shalt  }
0x65: {  	_ =	shalt  }
0x66: {  	_ =	shalt  }
0x67: {  	_ =	shalt  }
0x68: {  	_ =	shalt  }
0x69: {  	_ =	shalt  }
0x6a: {  	_ =	shalt  }
0x6b: {  	_ =	shalt  }
0x6c: {  	_ =	shalt  }
0x6d: {  	_ =	shalt  }
0x6e: {  	_ =	shalt  }
0x6f: {  	_ =	shalt  }
0x70: {  	_ =	shalt  }
0x71: {  	_ =	shalt  }
0x72: {  	_ =	shalt  }
0x73: {  	_ =	shalt  }
0x74: {  	_ =	shalt  }
0x75: {  	_ =	shalt  }
0x76: {  	_ =	shalt  }
0x77: {  	_ =	shalt  }
0x78: {  	_ =	shalt  }
0x79: {  	_ =	shalt  }
0x7a: {  	_ =	shalt  }
0x7b: {  	_ =	shalt  }
0x7c: {  	_ =	shalt  }
0x7d: {  	_ =	shalt  }
0x7e: {  	_ =	shalt  }
0x7f: {  	_ =	shalt  }
0x80: {  	_ =	shalt  }
0x81: {  	_ =	shalt  }
0x82: {  	_ =	shalt  }
0x83: {  	_ =	shalt  }
0x84: {  	_ =	shalt  }
0x85: {  	_ =	shalt  }
0x86: {  	_ =	shalt  }
0x87: {  	_ =	shalt  }
.Lfunc_end0:
.L_simem_size_0:
called_computation.4_lowered:
.L_overlay_start_0:
0x88: {  	s2 =	sld [smem:$0x3FD9]  }
0x89: {  	s3 =	sld [smem:$0x3FFE];
	_ =	sdelay $0x1  }
0x8a: {  	s1 =	srdreg.scid  }
0x8b: {  	s0 =	sand.u32 $0x1, s1  }
0x8c: {  	s17 =	sshll.u32 s0, $0xA;
	s2 =	sadd.s32 s3, s2  }
0x8d: {  	s2 =	sadd.s32 s2, s17  }
0x8e: {  	[smem:$0x3FB4] =	sst s2  }
0x8f: {  	_ = 	snop  }
0x90: {  	(tm) =	ssettm $0x1  }
0x91: {  	s18 =	sld [smem:$0x3FFB];
	_ =	sdelay $0x3  }
0x92: {  	_ =	strace s18  }
0x93: {  	s2 =	sld [smem:$0x3FFC];
	_ =	sdelay $0x3  }
0x94: {  	_ =	strace s2  }
0x95: {  	s2 =	sld [smem:$0x3FFD];
	_ =	sdelay $0x3  }
0x96: {  	_ =	strace s2  }
0x97: {  	_ =	strace $0x8FFFFFFF  }
0x98: {  	s19 =	sld [smem:$0x3FDB];
	_ =	sdelay $0x1  }
0x99: {  	s20 =	simm.s32 $_scs_section_size  }
0x9a: {  	s4 =	simm.s32 $_size__tile_overlayer_lowered;
	s5 =	simm.s32 $_tile_overlayer_lowered  }
0x9b: {  	s6 =	simm.s32 $0x1BFF;
	s21 =	sshll.u32 s5, $0x1;
	s3 =	sadd.s32 s20, s19  }
0x9c: {  	s22 =	simm.s32 $0x0;
	s4 =	sshll.u32 s4, $0x1;
	s5 =	sadd.s32 s21, s3  }
0x9d: {  	[timem:s22], [sflag:s6] =	dma.local [hbm:s5], s4  }
0x9e: {  	_ =	swait.ge [sflag:s6], s4  }
0x9f: {  	s4 =	ssub.s32 $0x0, s4;
	[sflag:s6] =	ssyncset.done $0x0  }
0xa0: {  	[sflag:s6] =	ssyncadd.s32 s4;
	_ =	sdelay $0x1  }
0xa1: {  	s23 =	simm.s32 $0x1B8B  }
0xa2: {  	_ =	swait.ge [sflag:s23], $0x1  }
0xa3: {  	[sflag:s23] =	ssyncset.done $0x0  }
0xa4: {  	[sflag:s23] =	ssyncadd.s32 $0xFFFFFFFF  }
0xa5: {  	s4 =	sld [smem:$0x0]  }
0xa6: {  	s5 =	sand.u32 $0xFFFFFFFE, s1  }
0xa7: {  	p0 =	sne.s32 s1, s5  }
0xa8: {  	s5 =	sshll.u32 @p0 s5, $0xE  }
0xa9: {  	s5 =	sadd.s32 @p0 $0x11B8D, s5;
	s6 =	sshll.u32 @p0 s4, $0x11  }
0xaa: {  	s5 =	sor.u32 @p0 s6, s5  }
0xab: {  	[sflag:s5] =	ssyncadd.remote.s32 @p0 $0x1;
	_ =	sdelay $0x1  }
0xac: {  	s5 =	simm.s32 @p0 $0x1B8D  }
0xad: {  	_ =	swait.eq @p0 [sflag:s5], $0x1  }
0xae: {  	[sflag:s5] =	ssyncadd.s32 @p0 $0xFFFFFFFF  }
0xaf: {  	s6 =	sshll.u32 @!p0 s1, $0xE  }
0xb0: {  	s6 =	sor.u32 @!p0 $0x4000, s6;
	s5 =	simm.s32 @!p0 $0x1B8D  }
0xb1: {  	s4 =	sshll.u32 @!p0 s4, $0x11;
	s6 =	sadd.s32 @!p0 $0x11B8D, s6;
	_ =	swait.eq @!p0 [sflag:s5], $0x1  }
0xb2: {  	s4 =	sor.u32 @!p0 s4, s6;
	[sflag:s5] =	ssyncadd.s32 @!p0 $0xFFFFFFFF  }
0xb3: {  	s25 =	simm.s32 $0x1B8E;
	s24 =	sld [smem:$0x3FFE];
	[sflag:s4] =	ssyncadd.remote.s32 @!p0 $0x1  }
0xb4: {  	s26 =	simm.s32 $execute0_lowered;
	[smem:$0x3FD2] =	sst s25  }
0xb5: {  	s5 =	sshll.u32 s26, $0x1;
	_ =	strace $0x8000004F;
	[dreg:$0x1] =	wrdreg $0xFFFFFFFF  }
0xb6: {  	s28 =	simm.s32 $_size_execute0_lowered;
	s3 =	sadd.s32 s3, s5;
	[dreg:$0x0] =	wrdreg $0x0  }
0xb7: {  	s5 =	sshll.u32 s28, $0x1;
	[dreg:$0x2] =	wrdreg s3  }
0xb8: {  	[dreg:$0x3] =	wrdreg s5  }
0xb9: {  	[dreg:$0x4] =	wrdreg $0xC0  }
0xba: {  	_ =	task [dreg:s22], $0x5FFFF  }
0xbb: {  	[dreg:$0x1] =	wrdreg $0xFFFFFFFF  }
0xbc: {  	[dreg:$0x0] =	wrdreg $0x60  }
0xbd: {  	[dreg:$0x2] =	wrdreg s24  }
0xbe: {  	[dreg:$0x3] =	wrdreg $0x0  }
0xbf: {  	[dreg:$0x4] =	wrdreg $0xA  }
0xc0: {  	_ =	task.clear_ibuf [dreg:s22], $0x5FFFF;
	_ =	strace $0x9000004F  }
0xc1: {  	s29 =	simm.s32 $0xA;
	_ =	strace $0x80000051  }
0xc2: {  	_ =	swait.ge [sflag:s29], $0x1  }
0xc3: {  	[sflag:s29] =	ssyncadd.s32 $0xFFFFFFFF  }
0xc4: {  	_ =	strace $0x90000051  }
0xc5: {  	_ =	sfence  }
0xc6: {  	s30 =	sld [smem:$0x0];
	_ =	sdelay $0x2  }
0xc7: {  	s31 =	sshll.u32 s1, $0xD;
	s1 =	sshrl.u32 s1, $0x2  }
0xc8: {  	s4 =	sand.u32 $0x4000, s31;
	s1 =	sadd.s32 s1, s30  }
0xc9: {  	s0 =	sor.u32 s4, s0;
	s1 =	sshll.u32 s1, $0x11  }
0xca: {  	s0 =	sor.u32 s1, s0  }
0xcb: {  	s0 =	sadd.s32 $0x8F2B, s0  }
0xcc: {  	[sflag:s0] =	ssyncadd.remote.s32 $0x1  }
0xcd: {  	_ =	sfence.sel $0xFFFF  }
0xce: {  	[dreg:$0x0] =	wrdreg $0xFFFFFFFF;
	(pc) =	sbr.abs _section_cstart, $3  }
0xcf: {  	[dreg:$0x1] =	wrdreg $0xFFFFFFFF  }
0xd0: {  	_ =	task.clear_ibuf [dreg:s22], $0x2FFFF;
	_ =	strace $0x9FFFFFFF  }
0xd1: {  	(tm) =	ssettm $0x7FFFFFFF  }
tec
execute0_lowered:
.L_overlay_start_1:
0x0: {  	(tag) =	ssettag $0x1  }
0x1: {  	s5 =	rddreg [dreg:$0x0]  }
0x2: {  	s2 =	rddreg [dreg:$0x1]  }
0x3: {  	s3 =	simm.s32 $0x0;
	s1 =	stileid.u32;
	s4 =	srdreg.scid  }
0x4: {  	s19 =	simm.s32 $0x14000;
	s20 =	simm.s32 $0x19080;
	s6 =	smul.u32 $0x14000, s1  }
0x5: {  	s21 =	simm.s32 $0x16800;
	s22 =	simm.s32 $0x1;
	s10 =	smul.u32 $0x50000, s1  }
0x6: {  	s23 =	simm.s32 $0x50;
	s24 =	simm.s32 $0x2;
	s26 =	smul.u32 $0x28A0, s1  }
0x7: {  	s25 =	simm.s32 $0x0;
	[smem:$0x7FF] =	sst s3;
	s13 =	smul.u32 $0x145000, s1  }
0x8: {  	s7 =	sand.u32 $0x1, s4;
	s4 =	sadd.s32 $0xA38A00, s5;
	s18 =	smul.u32 $0x514, s1  }
0x9: {  	s14 =	sadd.s32 $0xEA00, s5;
	s29 =	sshll.u32 s1, $0x6;
	s8 =	smul.u32 $0x140000, s7  }
0xa: {  	_ =	strace $0x80000050;
	s11 =	ssub.s32 $0x2, s7;
	s7 =	smul.u32 $0x1450000, s7  }
0xb: {  	s9 =	sshrl.u32 s6, $0x3;
	s12 =	sshrl.u32 s11, $0x1;
	s10 =	sshrl.u32 s10, $0x2  }
0xc: {  	s28 =	sshrl.u32 s26, $0x3;
	s9 =	sadd.s32 s9, s5;
	s6 =	sadd.s32 s6, s8  }
0xd: {  	s12 =	ssub.s32 s11, s12;
	s16 =	sadd.s32 s10, s2;
	s17 =	sadd.s32 s13, s7  }
0xe: {  	s30 =	sadd.s32 s14, s28;
	s14 =	sadd.s32 s18, s14;
	s18 =	simm.s32 $0x19000  }
0xf: {  	s6 =	sshrl.u32 s6, $0x3;
	s31 =	sshrl.u32 s17, $0x3;
	s7 =	sadd.s32 $0x4B00, s30  }
0x10: {  	s13 =	sadd.s32 $0x7800, s17;
	s12 =	smax.u32 s12, $0x1;
	s14 =	sadd.s32 $0x4B1E, s14  }
0x11: {  	s16 =	sshrl.u32 s16, $0x3;
	s15 =	sadd.s32 s6, s5;
	s5 =	sadd.s32 $0x72400, s9  }
0x12: {  	s6 =	sor.u32 $0x1C03, s29;
	s8 =	sadd.s32 s4, s31;
	s9 =	sadd.s32 $0x4B0A, s30  }
0x13: {  	s13 =	sshrl.u32 s13, $0x3;
	s10 =	sadd.s32 $0x500, s8;
	s11 =	sadd.s32 $0x9A400, s15  }
0x14: {  	s13 =	sadd.s32 s13, s4;
	s15 =	sadd.s32 $0x5000, s17;
	s17 =	simm.s32 $0x3  }
.LBB2_1:
0x15: {  	[spmem:s16], [sflag:s6] =	dma.local [hbm:s5], $0x2800  }
0x16: {  	_ =	swait.ge [sflag:s17], $0x2800  }
0x17: {  	[sflag:s17] =	ssyncset.done $0x0  }
0x18: {  	[sflag:s17] =	ssyncadd.s32 $0xFFFFD800  }
0x19: {  	[bflag:$0x0] =	sbarrier.arrive $0xFFFF  }
0x1a: {  	[tilespmem:s18], [sflag:$0x1] =	stream.linear.gather [hbm4b:s7+s3], $0x50, $0x38;
	[tilespmem:$0x19100] =	vst v63  }
0x1b: {  	_ = 	snop  }
0x1c: {  	[tilespmem:s19], [sflag:$0x1] =	stream.linear.gather [hbm4b:s8+s3], $0x2800, $0x38;
	[tilespmem:$0x19100] =	vst v63  }
0x1d: {  	_ = 	snop  }
0x1e: {  	[tilespmem:s20], [sflag:$0x2] =	stream.linear.gather [hbm4b:s9+s3], $0x50, $0x38;
	[tilespmem:$0x19100] =	vst v63  }
0x1f: {  	_ = 	snop  }
0x20: {  	[tilespmem:s21], [sflag:$0x2] =	stream.linear.gather [hbm4b:s10+s3], $0x2800, $0x38;
	[tilespmem:$0x19100] =	vst v63  }
0x21: {  	_ =	swait.ge [sflag:s22], $0x50  }
0x22: {  	[sflag:s22] =	ssyncset.done $0x0  }
0x23: {  	[sflag:s22] =	ssyncadd.s32 $0xFFFFFFB0  }
0x24: {  	_ =	swait.ge [sflag:s22], $0x2800  }
0x25: {  	[sflag:s22] =	ssyncset.done $0x0  }
0x26: {  	[sflag:s22] =	ssyncadd.s32 $0xFFFFD800  }
0x27: {  	[spmem:s2] =	stream.indirect.scatter.add.f32 [tilespmem:s19], [sflag:$0x3], $0x80, s18, s23, $0xb8;
	[tilespmem:$0x19100] =	vst v63  }
0x28: {  	_ =	swait.ge [sflag:s17], $0x2800  }
0x29: {  	[sflag:s17] =	ssyncset.done $0x0  }
0x2a: {  	s26 =	sadd.s32 $0xFFFFFFF6, s14;
	s28 =	sshrl.u32 s15, $0x3;
	[sflag:s17] =	ssyncadd.s32 $0xFFFFD800  }
0x2b: {  	[tilespmem:s18], [sflag:$0x1] =	stream.linear.gather [hbm4b:s26+s3], $0x50, $0x38;
	[tilespmem:$0x19100] =	vst v63  }
0x2c: {  	s31 =	sadd.s32 s4, s28  }
0x2d: {  	[tilespmem:s19], [sflag:$0x1] =	stream.linear.gather [hbm4b:s31+s3], $0x2800, $0x38;
	[tilespmem:$0x19100] =	vst v63  }
0x2e: {  	_ =	swait.ge [sflag:s24], $0x50  }
0x2f: {  	[sflag:s24] =	ssyncset.done $0x0  }
0x30: {  	[sflag:s24] =	ssyncadd.s32 $0xFFFFFFB0  }
0x31: {  	_ =	swait.ge [sflag:s24], $0x2800  }
0x32: {  	[sflag:s24] =	ssyncset.done $0x0  }
0x33: {  	[sflag:s24] =	ssyncadd.s32 $0xFFFFD800  }
0x34: {  	[spmem:s2] =	stream.indirect.scatter.add.f32 [tilespmem:s21], [sflag:$0x3], $0x80, s20, s23, $0xb8;
	[tilespmem:$0x19100] =	vst v63  }
0x35: {  	_ =	swait.ge [sflag:s17], $0x2800  }
0x36: {  	s30 =	sadd.s32 $0x0, s13;
	s29 =	sadd.s32 $0x5000, s15;
	[sflag:s17] =	ssyncset.done $0x0  }
0x37: {  	s28 =	sadd.s32 $0x14, s14;
	s26 =	simm.s32 $0xA00;
	[sflag:s17] =	ssyncadd.s32 $0xFFFFD800  }
0x38: {  	[tilespmem:s20], [sflag:$0x2] =	stream.linear.gather [hbm4b:s14+s3], $0x50, $0x38;
	[tilespmem:$0x19100] =	vst v63  }
.LBB2_2:
0x39: {  	[tilespmem:s21], [sflag:$0x2] =	stream.linear.gather [hbm4b:s30+s3], $0x2800, $0x38;
	[tilespmem:$0x19100] =	vst v63  }
0x3a: {  	s30 =	smov.u32 s26  }
0x3b: {  	p0 =	sne.s32 s26, $0x27600;
	s26 =	sadd.s32 $0xA00, s26;
	_ =	swait.ge [sflag:s22], $0x50  }
0x3c: {  	[sflag:s22] =	ssyncset.done $0x0  }
0x3d: {  	[sflag:s22] =	ssyncadd.s32 $0xFFFFFFB0  }
0x3e: {  	_ =	swait.ge [sflag:s22], $0x2800  }
0x3f: {  	[sflag:s22] =	ssyncset.done $0x0  }
0x40: {  	[sflag:s22] =	ssyncadd.s32 $0xFFFFD800  }
0x41: {  	[spmem:s2] =	stream.indirect.scatter.add.f32 [tilespmem:s19], [sflag:$0x3], $0x80, s18, s23, $0xb8;
	[tilespmem:$0x19100] =	vst v63  }
0x42: {  	_ =	swait.ge [sflag:s17], $0x2800  }
0x43: {  	[sflag:s17] =	ssyncset.done $0x0  }
0x44: {  	s31 =	sadd.s32 $0xFFFFFFF6, s28;
	s0 =	sshrl.u32 s29, $0x3;
	[sflag:s17] =	ssyncadd.s32 $0xFFFFD800  }
0x45: {  	[tilespmem:s18], [sflag:$0x1] =	stream.linear.gather [hbm4b:s31+s3], $0x50, $0x38;
	[tilespmem:$0x19100] =	vst v63  }
0x46: {  	s0 =	sadd.s32 s4, s0  }
0x47: {  	[tilespmem:s19], [sflag:$0x1] =	stream.linear.gather [hbm4b:s0+s3], $0x2800, $0x38;
	[tilespmem:$0x19100] =	vst v63  }
0x48: {  	_ =	swait.ge [sflag:s24], $0x50  }
0x49: {  	[sflag:s24] =	ssyncset.done $0x0  }
0x4a: {  	[sflag:s24] =	ssyncadd.s32 $0xFFFFFFB0  }
0x4b: {  	_ =	swait.ge [sflag:s24], $0x2800  }
0x4c: {  	[sflag:s24] =	ssyncset.done $0x0  }
0x4d: {  	[sflag:s24] =	ssyncadd.s32 $0xFFFFD800  }
0x4e: {  	[spmem:s2] =	stream.indirect.scatter.add.f32 [tilespmem:s21], [sflag:$0x3], $0x80, s20, s23, $0xb8;
	[tilespmem:$0x19100] =	vst v63  }
.Ltmp0:
0x4f: {  	_ =	swait.ge [sflag:s17], $0x2800;
	(pc) =	sbr.rel @p0 .LBB2_2-.Ltmp0, $4  }
0x50: {  	[sflag:s17] =	ssyncset.done $0x0  }
0x51: {  	[sflag:s17] =	ssyncadd.s32 $0xFFFFD800  }
0x52: {  	[tilespmem:s20], [sflag:$0x2] =	stream.linear.gather [hbm4b:s28+s3], $0x50, $0x38;
	[tilespmem:$0x19100] =	vst v63  }
0x53: {  	s29 =	sadd.s32 $0x5000, s29;
	s30 =	sadd.s32 s30, s13;
	s28 =	sadd.s32 $0x14, s28  }
0x54: {  	[tilespmem:s21], [sflag:$0x2] =	stream.linear.gather [hbm4b:s30+s3], $0x2800, $0x38;
	[tilespmem:$0x19100] =	vst v63  }
0x55: {  	_ =	swait.ge [sflag:s22], $0x50  }
0x56: {  	[sflag:s22] =	ssyncset.done $0x0  }
0x57: {  	[sflag:s22] =	ssyncadd.s32 $0xFFFFFFB0  }
0x58: {  	_ =	swait.ge [sflag:s22], $0x2800  }
0x59: {  	[sflag:s22] =	ssyncset.done $0x0  }
0x5a: {  	[sflag:s22] =	ssyncadd.s32 $0xFFFFD800  }
0x5b: {  	[spmem:s2] =	stream.indirect.scatter.add.f32 [tilespmem:s19], [sflag:$0x3], $0x80, s18, s23, $0xb8;
	[tilespmem:$0x19100] =	vst v63  }
0x5c: {  	_ =	swait.ge [sflag:s17], $0x2800  }
0x5d: {  	[sflag:s17] =	ssyncset.done $0x0  }
0x5e: {  	[sflag:s17] =	ssyncadd.s32 $0xFFFFD800  }
0x5f: {  	_ =	swait.ge [sflag:s24], $0x50  }
0x60: {  	[sflag:s24] =	ssyncset.done $0x0  }
0x61: {  	[sflag:s24] =	ssyncadd.s32 $0xFFFFFFB0  }
0x62: {  	_ =	swait.ge [sflag:s24], $0x2800  }
0x63: {  	[sflag:s24] =	ssyncset.done $0x0  }
0x64: {  	[sflag:s24] =	ssyncadd.s32 $0xFFFFD800  }
0x65: {  	[spmem:s2] =	stream.indirect.scatter.add.f32 [tilespmem:s21], [sflag:$0x3], $0x80, s20, s23, $0xb8;
	[tilespmem:$0x19100] =	vst v63  }
0x66: {  	_ =	swait.ge [sflag:s17], $0x2800  }
0x67: {  	s25 =	sadd.s32 $0x1, s25;
	[sflag:s17] =	ssyncset.done $0x0  }
0x68: {  	p0 =	sne.s32 s25, s12;
	[sflag:s17] =	ssyncadd.s32 $0xFFFFD800  }
.Ltmp1:
0x69: {  	[bflag:$0x0] =	sbarrier.arrive $0xFFFF;
	(pc) =	sbr.rel @p0 .LBB2_1-.Ltmp1, $4  }
0x6a: {  	[hbm:s11], [sflag:s6] =	dma.local [spmem:s16], $0x2800  }
0x6b: {  	_ =	swait.ge [sflag:s17], $0x2800  }
0x6c: {  	[sflag:s17] =	ssyncset.done $0x0  }
0x6d: {  	[sflag:s17] =	ssyncadd.s32 $0xFFFFD800  }
0x6e: {  	_ =	sfence.sel $0x180000  }
0x6f: {  	[bflag:$0x0] =	sbarrier.arrive $0xFFFF  }
0x70: {  	_ =	strace $0x90000050  }
0x71: {  	[bflag:$0x2] =	sbarrier.arrive $0xFFFF  }
0x72: {  	p0 =	sne.s32 s1, $0x0;
	s0 =	rddreg [dreg:$0x2]  }
0x73: {  	s0 =	sadd.s32 @!p0 $0x100000, s0  }
0x74: {  	[sflag:s0] =	ssyncadd.tile.s32 @!p0 $0x1;
	_ =	shalt  }
.Lfunc_end2:
_tile_overlayer_lowered:
.L_overlay_start_2:
0x75: {  	(tag) =	ssettag $0x2  }
0x76: {  	s0 =	rddreg [dreg:$0x0];
	s2 =	stileid.u32  }
0x77: {  	s1 =	rddreg [dreg:$0x1];
	p0 =	sne.s32 s2, $0x0  }
0x78: {  	s3 =	rddreg [dreg:$0x2];
	[bflag:$0x3] =	sbarrier.arrive $0xFFFF;
	s2 =	simm.s32 @!p0 $0x1C03  }
0x79: {  	[timem:s3], [sflag:s2] =	dma.local @!p0 [hbm:s0], s1  }
0x7a: {  	s0 =	simm.s32 @!p0 $0x3  }
0x7b: {  	_ =	swait.ge @!p0 [sflag:s0], s1  }
0x7c: {  	s1 =	ssub.s32 @!p0 $0x0, s1;
	[sflag:s0] =	ssyncset.done @!p0 $0x0  }
0x7d: {  	[sflag:s0] =	ssyncadd.s32 @!p0 s1  }
0x7e: {  	[bflag:$0x3] =	sbarrier.arrive $0xFFFF  }
0x7f: {  	_ =	shalt  }

</sc_bundles>
